<compile_context>
chip_gen: v7x
topology: tpu7x:2x2x1
jax: 0.10.2.dev20260603
libtpu: 0.0.44.dev20260713+nightly
codegen_flags: <defaults>
</compile_context>

<pallas_src>
import functools

import jax
import jax.numpy as jnp
from jax import lax
from jax.experimental import pallas as pl
from jax.experimental.pallas import tpu as pltpu
from jax.experimental.pallas import tpu_sc as plsc

T, D, F, E, K = 2048, 1024, 4096, 8, 2

BLK_R = 128
PAD_U = BLK_R
R_PAD = T * K + E * PAD_U

NC, NS = 2, 16
NW = NC * NS
TPW = T // NW
CCH = 32
LANES = 16


def _router_body(x_ref, wr_ref, e1_ref, e2_ref, g1_ref, g2_ref):
    logits = jnp.dot(x_ref[...], wr_ref[...],
                     preferred_element_type=jnp.float32)
    cols = lax.broadcasted_iota(jnp.int32, logits.shape, 1)
    l1 = jnp.max(logits, axis=1, keepdims=True)
    i1 = jnp.min(jnp.where(logits == l1, cols, E), axis=1, keepdims=True)
    masked = jnp.where(cols == i1, -jnp.inf, logits)
    l2 = jnp.max(masked, axis=1, keepdims=True)
    i2 = jnp.min(jnp.where(masked == l2, cols, E), axis=1, keepdims=True)
    g1 = jax.nn.sigmoid(l1 - l2)
    e1_ref[...] = i1
    e2_ref[...] = i2
    g1_ref[...] = g1
    g2_ref[...] = 1.0 - g1


def _router(x, Wr):
    return pl.pallas_call(
        _router_body,
        out_shape=(
            jax.ShapeDtypeStruct((T, 1), jnp.int32),
            jax.ShapeDtypeStruct((T, 1), jnp.int32),
            jax.ShapeDtypeStruct((T, 1), jnp.float32),
            jax.ShapeDtypeStruct((T, 1), jnp.float32),
        ),
    )(x, Wr)


def _route_metadata(e1, e2, g1, g2):
    flat_e = jnp.concatenate([e1, e2], axis=1).reshape(-1)
    flat_g = jnp.concatenate([g1, g2], axis=1).reshape(-1)
    onehot = (flat_e[:, None] == jnp.arange(E, dtype=jnp.int32)[None, :])
    onehot = onehot.astype(jnp.int32)
    counts = jnp.sum(onehot, axis=0)
    padded = ((counts + PAD_U - 1) // PAD_U) * PAD_U
    start = jnp.concatenate([jnp.zeros((1,), jnp.int32),
                             jnp.cumsum(padded)[:-1].astype(jnp.int32)])
    rank = jnp.cumsum(onehot, axis=0) - onehot
    rank_a = jnp.sum(rank * onehot, axis=1)
    pos = start[flat_e] + rank_a
    row_gate = jnp.zeros((R_PAD,), jnp.float32).at[pos].set(flat_g)
    enblk = (padded // PAD_U).astype(jnp.int32)
    pos_kt = pos.reshape(T, K).T.reshape(-1)
    return pos_kt, row_gate, start, enblk


def _sc_dispatch_body(x_hbm, pos_hbm, xs_hbm, i0_v, i1_v, rows_v, s0, s1):
    wid = lax.axis_index("c") * NS + lax.axis_index("s")
    base = wid * TPW
    pltpu.sync_copy(pos_hbm.at[pl.ds(base, TPW)], i0_v)
    pltpu.sync_copy(pos_hbm.at[pl.ds(T + base, TPW)], i1_v)
    pltpu.sync_copy(x_hbm.at[pl.ds(base, TPW)], rows_v)
    cp0 = pltpu.async_copy(rows_v, xs_hbm.at[i0_v], s0)
    cp1 = pltpu.async_copy(rows_v, xs_hbm.at[i1_v], s1)
    cp0.wait()
    cp1.wait()


def _sc_dispatch(x, pos_kt):
    mesh = plsc.VectorSubcoreMesh(core_axis_name="c", subcore_axis_name="s")
    fn = functools.partial(
        pl.kernel,
        mesh=mesh,
        out_type=jax.ShapeDtypeStruct((R_PAD, D), jnp.float32),
        scratch_types=[
            pltpu.VMEM((TPW,), jnp.int32),
            pltpu.VMEM((TPW,), jnp.int32),
            pltpu.VMEM((TPW, D), jnp.float32),
            pltpu.SemaphoreType.DMA,
            pltpu.SemaphoreType.DMA,
        ],
    )(_sc_dispatch_body)
    return fn(x, pos_kt)


BLK_F = 512
NF = F // BLK_F


def _gemm_body(estart_ref, enblk_ref, xs_ref, w1_ref, w2_ref, g_ref, out_ref):
    e = pl.program_id(0)
    f = pl.program_id(1)
    s = estart_ref[e]
    n = enblk_ref[e]
    w1 = w1_ref[...]
    w2 = w2_ref[...]

    def run(rr):
        hs = [lax.dot_general(xs_ref[r, :], w1, (((1,), (1,)), ((), ())),
                              preferred_element_type=jnp.float32)
              for r in rr]
        ps = [lax.dot_general(h * jax.nn.sigmoid(h),
                              w2, (((1,), (1,)), ((), ())),
                              preferred_element_type=jnp.float32)
              for h in hs]

        @pl.when(f == 0)
        def _():
            for r, p in zip(rr, ps):
                out_ref[r, :] = p

        @pl.when((f > 0) & (f < NF - 1))
        def _():
            for r, p in zip(rr, ps):
                out_ref[r, :] = out_ref[r, :] + p

        @pl.when(f == NF - 1)
        def _():
            for r, p in zip(rr, ps):
                out_ref[r, :] = (out_ref[r, :] + p) * g_ref[r, :]

    def quad(i, _):
        base = pl.multiple_of(s + i * 4 * PAD_U, PAD_U)
        run([pl.ds(pl.multiple_of(base + j * BLK_R, BLK_R), BLK_R)
             for j in range(4)])
        return 0

    lax.fori_loop(0, n // 4, quad, 0)
    rem = n % 4
    rbase = pl.multiple_of(s + (n - rem) * PAD_U, PAD_U)

    @pl.when(rem >= 2)
    def _():
        run([pl.ds(rbase, BLK_R),
             pl.ds(pl.multiple_of(rbase + BLK_R, BLK_R), BLK_R)])

    @pl.when(rem % 2 == 1)
    def _():
        run([pl.ds(pl.multiple_of(s + (n - 1) * PAD_U, PAD_U), BLK_R)])


def _grouped_gemm(estart, enblk, xs, W1, W2, row_gate):
    grid_spec = pltpu.PrefetchScalarGridSpec(
        num_scalar_prefetch=2,
        grid=(E, NF),
        in_specs=[
            pl.BlockSpec((R_PAD, D), lambda e, f, es, en: (0, 0)),
            pl.BlockSpec((BLK_F, D), lambda e, f, es, en: (e * NF + f, 0)),
            pl.BlockSpec((D, BLK_F), lambda e, f, es, en: (e, f)),
            pl.BlockSpec((R_PAD, 1), lambda e, f, es, en: (0, 0)),
        ],
        out_specs=pl.BlockSpec((R_PAD, D), lambda e, f, es, en: (0, 0)),
    )
    return pl.pallas_call(
        _gemm_body,
        grid_spec=grid_spec,
        out_shape=jax.ShapeDtypeStruct((R_PAD, D), jnp.float32),
        compiler_params=pltpu.CompilerParams(
            dimension_semantics=("arbitrary", "arbitrary"),
            vmem_limit_bytes=63 * 1024 * 1024),
    )(estart, enblk, xs, W1.reshape(E * F, D), W2.reshape(E * D, F),
      row_gate[:, None])


def _sc_combine_body(ys_hbm, pos_hbm, out_hbm, i0_v, i1_v, r0_v, r1_v, sem):
    wid = lax.axis_index("c") * NS + lax.axis_index("s")
    base = wid * TPW
    for c in range(TPW // CCH):
        off = base + c * CCH
        pltpu.sync_copy(pos_hbm.at[pl.ds(off, CCH)], i0_v)
        pltpu.sync_copy(pos_hbm.at[pl.ds(T + off, CCH)], i1_v)
        cp0 = pltpu.async_copy(ys_hbm.at[i0_v], r0_v, sem)
        cp1 = pltpu.async_copy(ys_hbm.at[i1_v], r1_v, sem)
        cp0.wait()
        cp1.wait()

        def body(i, _):
            for j in range(D // LANES):
                sl = pl.ds(j * LANES, LANES)
                r0_v[i, sl] = r0_v[i, sl] + r1_v[i, sl]
            return 0

        lax.fori_loop(0, CCH, body, 0)
        pltpu.sync_copy(r0_v, out_hbm.at[pl.ds(off, CCH)])


def _sc_combine(ys, pos_kt):
    mesh = plsc.VectorSubcoreMesh(core_axis_name="c", subcore_axis_name="s")
    fn = functools.partial(
        pl.kernel,
        mesh=mesh,
        out_type=jax.ShapeDtypeStruct((T, D), jnp.float32),
        scratch_types=[
            pltpu.VMEM((CCH,), jnp.int32),
            pltpu.VMEM((CCH,), jnp.int32),
            pltpu.VMEM((CCH, D), jnp.float32),
            pltpu.VMEM((CCH, D), jnp.float32),
            pltpu.SemaphoreType.DMA,
        ],
    )(_sc_combine_body)
    return fn(ys, pos_kt)


def kernel(x, Wr, W1, W2):
    e1, e2, g1, g2 = _router(x, Wr)
    pos_kt, row_gate, estart, enblk = _route_metadata(e1, e2, g1, g2)
    xs = _sc_dispatch(x, pos_kt)
    ys = _grouped_gemm(estart, enblk, xs, W1, W2, row_gate)
    return _sc_combine(ys, pos_kt)

# --- scband reference (transcript-rebuilt; emitter-appended) ---
"""Pipeline reference for scband-sparse-mo-eblock-17368847745257 (READ-ONLY COPY).

The authoritative reference and input builder live on the scoring server;
editing this copy changes nothing except your own understanding.
"""

import jax, jax.numpy as jnp
import numpy as np

T, D, F, E, K = 2048, 1024, 4096, 8, 2


def setup_inputs(seed: int = 0) -> dict:
    key = jax.random.key(seed)
    k1, k2, k3, k4 = jax.random.split(key, 4)
    x = jax.random.normal(k1, (T, D), dtype=jnp.float32)
    Wr = jax.random.normal(k2, (D, E), dtype=jnp.float32) * 0.02
    W1 = jax.random.normal(k3, (E, F, D), dtype=jnp.float32) * 0.02
    W2 = jax.random.normal(k4, (E, D, F), dtype=jnp.float32) * 0.02
    return {"x": x, "Wr": Wr, "W1": W1, "W2": W2}


def reference(x, Wr, W1, W2):
    # Router: softmax over expert logits, pick top-k, renormalize gates
    logits = x @ Wr                                   # [T, E]
    probs = jax.nn.softmax(logits, axis=-1)
    gates, idx = jax.lax.top_k(probs, K)              # [T, K]
    gates = gates / jnp.sum(gates, axis=-1, keepdims=True)

    out = jnp.zeros((T, D), dtype=jnp.float32)
    # Grouped expert FFN: SiLU MLP for all tokens, zero-gated combine per expert
    for e in range(E):
        g = jnp.sum(jnp.where(idx == e, gates, 0.0), axis=-1)[:, None]  # [T, 1]
        he = jax.nn.silu(x @ W1[e].T) @ W2[e].T       # [T, D]
        out = out + g * he                            # scatter-add combine
    return out

if __name__ == "__main__":
    import jax
    _d = setup_inputs()
    print(jax.jit(kernel)(*tuple(_d.values())))

</pallas_src>

<mosaic_0001>
#map = affine_map<(d0, d1) -> (0, 0)>
#map1 = affine_map<(d0, d1) -> (0)>
module attributes {stable_mosaic.version = 14 : i64} {
  func.func @_sc_combine_body(%arg0: i32, %arg1: i32, %arg2: memref<5120x1024xf32, #tpu.memory_space<hbm>>, %arg3: memref<4096xi32, #tpu.memory_space<hbm>>, %arg4: memref<2048x1024xf32, #tpu.memory_space<hbm>>, %arg5: memref<32xi32, #tpu.memory_space<vmem>>, %arg6: memref<32xi32, #tpu.memory_space<vmem>>, %arg7: memref<32x1024xf32, #tpu.memory_space<vmem>>, %arg8: memref<32x1024xf32, #tpu.memory_space<vmem>>, %arg9: memref<!tpu.dma_semaphore, #tpu.memory_space<semaphore_mem>>) attributes {dimension_semantics = [#tpu.dimension_semantics<core_parallel>, #tpu.dimension_semantics<subcore_parallel>], iteration_bounds = array<i64: 2, 16>, scalar_prefetch = 0 : i64, scratch_operands = 5 : i64, tpu.core_type = #tpu.core_type<sc_vector_subcore>, window_params = [{transform_indices = #map}, {transform_indices = #map1}, {transform_indices = #map}]} {
    %mul3A = arith.constant 16 : i32
    %mul3A_0 = arith.muli %arg0, %mul3A : i32
    %add3A = arith.addi %mul3A_0, %arg1 : i32
    %mul3A_1 = arith.constant 64 : i32
    %mul3A_2 = arith.muli %add3A, %mul3A_1 : i32
    %add3A_3 = arith.constant 0 : i32
    %add3A_4 = arith.addi %mul3A_2, %add3A_3 : i32
    "tpu.region"() ({
      %run_scoped3A = tpu.sem_alloc : memref<!tpu.dma_semaphore, #tpu.memory_space<semaphore_mem>>
      %dma_start3A_46 = tpu.memref_slice %arg3[%add3A_4] : memref<4096xi32, #tpu.memory_space<hbm>> -> memref<32xi32, #tpu.memory_space<hbm>>
      %dma_start3A_47 = tpu.memref_slice %arg3[%add3A_4] : memref<4096xi32, #tpu.memory_space<hbm>> -> memref<32xi32, #tpu.memory_space<hbm>>
      tpu.enqueue_dma source(%dma_start3A_47 : memref<32xi32, #tpu.memory_space<hbm>>) target(%arg5 : memref<32xi32, #tpu.memory_space<vmem>>) target_semaphore(%run_scoped3A : memref<!tpu.dma_semaphore, #tpu.memory_space<semaphore_mem>>)
      %dma_wait3A_48 = tpu.memref_slice %arg3[%add3A_4] : memref<4096xi32, #tpu.memory_space<hbm>> -> memref<32xi32, #tpu.memory_space<hbm>>
      %dma_wait3A_49 = tpu.memref_slice %arg3[%add3A_4] : memref<4096xi32, #tpu.memory_space<hbm>> -> memref<32xi32, #tpu.memory_space<hbm>>
      tpu.wait_dma2 semaphore(%run_scoped3A : memref<!tpu.dma_semaphore, #tpu.memory_space<semaphore_mem>>) src(%dma_wait3A_49 : memref<32xi32, #tpu.memory_space<hbm>>) dst(%arg5 : memref<32xi32, #tpu.memory_space<vmem>>)
      tpu.yield
    }) : () -> ()
    %add3A_5 = arith.constant 2048 : i32
    %add3A_6 = arith.addi %add3A_5, %add3A_4 : i32
    "tpu.region"() ({
      %run_scoped3A = tpu.sem_alloc : memref<!tpu.dma_semaphore, #tpu.memory_space<semaphore_mem>>
      %dma_start3A_46 = tpu.memref_slice %arg3[%add3A_6] : memref<4096xi32, #tpu.memory_space<hbm>> -> memref<32xi32, #tpu.memory_space<hbm>>
      %dma_start3A_47 = tpu.memref_slice %arg3[%add3A_6] : memref<4096xi32, #tpu.memory_space<hbm>> -> memref<32xi32, #tpu.memory_space<hbm>>
      tpu.enqueue_dma source(%dma_start3A_47 : memref<32xi32, #tpu.memory_space<hbm>>) target(%arg6 : memref<32xi32, #tpu.memory_space<vmem>>) target_semaphore(%run_scoped3A : memref<!tpu.dma_semaphore, #tpu.memory_space<semaphore_mem>>)
      %dma_wait3A_48 = tpu.memref_slice %arg3[%add3A_6] : memref<4096xi32, #tpu.memory_space<hbm>> -> memref<32xi32, #tpu.memory_space<hbm>>
      %dma_wait3A_49 = tpu.memref_slice %arg3[%add3A_6] : memref<4096xi32, #tpu.memory_space<hbm>> -> memref<32xi32, #tpu.memory_space<hbm>>
      tpu.wait_dma2 semaphore(%run_scoped3A : memref<!tpu.dma_semaphore, #tpu.memory_space<semaphore_mem>>) src(%dma_wait3A_49 : memref<32xi32, #tpu.memory_space<hbm>>) dst(%arg6 : memref<32xi32, #tpu.memory_space<vmem>>)
      tpu.yield
    }) : () -> ()
    %dma_start3A = arith.constant 0 : i32
    %dma_start3A_7 = arith.constant 0 : i32
    %dma_start3A_8 = tpu.memref_slice %arg2[%dma_start3A, %dma_start3A_7] : memref<5120x1024xf32, #tpu.memory_space<hbm>> -> memref<5120x1024xf32, #tpu.memory_space<hbm>>
    tpu.enqueue_indirect_dma source(%dma_start3A_8 : memref<5120x1024xf32, #tpu.memory_space<hbm>>) target(%arg7 : memref<32x1024xf32, #tpu.memory_space<vmem>>) offsets(%arg5 : memref<32xi32, #tpu.memory_space<vmem>>) semaphore(%arg9 : memref<!tpu.dma_semaphore, #tpu.memory_space<semaphore_mem>>)
    %dma_start3A_9 = arith.constant 0 : i32
    %dma_start3A_10 = arith.constant 0 : i32
    %dma_start3A_11 = tpu.memref_slice %arg2[%dma_start3A_9, %dma_start3A_10] : memref<5120x1024xf32, #tpu.memory_space<hbm>> -> memref<5120x1024xf32, #tpu.memory_space<hbm>>
    tpu.enqueue_indirect_dma source(%dma_start3A_11 : memref<5120x1024xf32, #tpu.memory_space<hbm>>) target(%arg8 : memref<32x1024xf32, #tpu.memory_space<vmem>>) offsets(%arg6 : memref<32xi32, #tpu.memory_space<vmem>>) semaphore(%arg9 : memref<!tpu.dma_semaphore, #tpu.memory_space<semaphore_mem>>)
    %dma_wait3A = arith.constant 0 : i32
    %dma_wait3A_12 = arith.constant 0 : i32
    %dma_wait3A_13 = tpu.memref_slice %arg2[%dma_wait3A, %dma_wait3A_12] : memref<5120x1024xf32, #tpu.memory_space<hbm>> -> memref<5120x1024xf32, #tpu.memory_space<hbm>>
    tpu.wait_indirect_dma semaphore(%arg9 : memref<!tpu.dma_semaphore, #tpu.memory_space<semaphore_mem>>) src(%dma_wait3A_13 : memref<5120x1024xf32, #tpu.memory_space<hbm>>) dst(%arg7 : memref<32x1024xf32, #tpu.memory_space<vmem>>)
    %dma_wait3A_14 = arith.constant 0 : i32
    %dma_wait3A_15 = arith.constant 0 : i32
    %dma_wait3A_16 = tpu.memref_slice %arg2[%dma_wait3A_14, %dma_wait3A_15] : memref<5120x1024xf32, #tpu.memory_space<hbm>> -> memref<5120x1024xf32, #tpu.memory_space<hbm>>
    tpu.wait_indirect_dma semaphore(%arg9 : memref<!tpu.dma_semaphore, #tpu.memory_space<semaphore_mem>>) src(%dma_wait3A_16 : memref<5120x1024xf32, #tpu.memory_space<hbm>>) dst(%arg8 : memref<32x1024xf32, #tpu.memory_space<vmem>>)
    %scan3A = arith.constant 0 : i32
    %scan3A_17 = arith.constant 0 : i32
    %scan3A_18 = arith.constant 32 : i32
    %scan3A_19 = arith.addi %scan3A_17, %scan3A_18 : i32
    %scan3A_20 = arith.constant 1 : i32
    %scan3A_21 = scf.for %scan3A_46 = %scan3A_17 to %scan3A_19 step %scan3A_20 iter_args(%scan3A_47 = %scan3A) -> (i32)  : i32 {
      %get3A = arith.index_cast %scan3A_46 : i32 to index
      %get3A_48 = arith.constant 0 : index
      %get3A_49 = tpu.vector_load %arg7[%get3A, %get3A_48] {strides = array<i32>} : memref<32x1024xf32, #tpu.memory_space<vmem>>, vector<1x16xf32>,
      %get3A_50 = vector.shape_cast %get3A_49 : vector<1x16xf32> to vector<16xf32>
      %get3A_51 = arith.index_cast %scan3A_46 : i32 to index
      %get3A_52 = arith.constant 0 : index
      %get3A_53 = tpu.vector_load %arg8[%get3A_51, %get3A_52] {strides = array<i32>} : memref<32x1024xf32, #tpu.memory_space<vmem>>, vector<1x16xf32>,
      %get3A_54 = vector.shape_cast %get3A_53 : vector<1x16xf32> to vector<16xf32>
      %add3A_55 = arith.addf %get3A_50, %get3A_54 : vector<16xf32>
      %swap3A = arith.index_cast %scan3A_46 : i32 to index
      %swap3A_56 = arith.constant 0 : index
      %swap3A_57 = tpu.vector_load %arg7[%swap3A, %swap3A_56] {strides = array<i32>} : memref<32x1024xf32, #tpu.memory_space<vmem>>, vector<1x16xf32>,
      %swap3A_58 = vector.shape_cast %swap3A_57 : vector<1x16xf32> to vector<16xf32>
      %swap3A_59 = vector.shape_cast %add3A_55 : vector<16xf32> to vector<1x16xf32>
      tpu.vector_store %arg7[%swap3A, %swap3A_56], %swap3A_59 {strides = array<i32>} : memref<32x1024xf32, #tpu.memory_space<vmem>>, vector<1x16xf32>,
      %get3A_60 = arith.index_cast %scan3A_46 : i32 to index
      %get3A_61 = arith.constant 16 : index
      %get3A_62 = tpu.vector_load %arg7[%get3A_60, %get3A_61] {strides = array<i32>} : memref<32x1024xf32, #tpu.memory_space<vmem>>, vector<1x16xf32>,
      %get3A_63 = vector.shape_cast %get3A_62 : vector<1x16xf32> to vector<16xf32>
      %get3A_64 = arith.index_cast %scan3A_46 : i32 to index
      %get3A_65 = arith.constant 16 : index
      %get3A_66 = tpu.vector_load %arg8[%get3A_64, %get3A_65] {strides = array<i32>} : memref<32x1024xf32, #tpu.memory_space<vmem>>, vector<1x16xf32>,
      %get3A_67 = vector.shape_cast %get3A_66 : vector<1x16xf32> to vector<16xf32>
      %add3A_68 = arith.addf %get3A_63, %get3A_67 : vector<16xf32>
      %swap3A_69 = arith.index_cast %scan3A_46 : i32 to index
      %swap3A_70 = arith.constant 16 : index
      %swap3A_71 = tpu.vector_load %arg7[%swap3A_69, %swap3A_70] {strides = array<i32>} : memref<32x1024xf32, #tpu.memory_space<vmem>>, vector<1x16xf32>,
      %swap3A_72 = vector.shape_cast %swap3A_71 : vector<1x16xf32> to vector<16xf32>
      %swap3A_73 = vector.shape_cast %add3A_68 : vector<16xf32> to vector<1x16xf32>
      tpu.vector_store %arg7[%swap3A_69, %swap3A_70], %swap3A_73 {strides = array<i32>} : memref<32x1024xf32, #tpu.memory_space<vmem>>, vector<1x16xf32>,
      %get3A_74 = arith.index_cast %scan3A_46 : i32 to index
      %get3A_75 = arith.constant 32 : index
      %get3A_76 = tpu.vector_load %arg7[%get3A_74, %get3A_75] {strides = array<i32>} : memref<32x1024xf32, #tpu.memory_space<vmem>>, vector<1x16xf32>,
      %get3A_77 = vector.shape_cast %get3A_76 : vector<1x16xf32> to vector<16xf32>
      %get3A_78 = arith.index_cast %scan3A_46 : i32 to index
      %get3A_79 = arith.constant 32 : index
      %get3A_80 = tpu.vector_load %arg8[%get3A_78, %get3A_79] {strides = array<i32>} : memref<32x1024xf32, #tpu.memory_space<vmem>>, vector<1x16xf32>,
      %get3A_81 = vector.shape_cast %get3A_80 : vector<1x16xf32> to vector<16xf32>
      %add3A_82 = arith.addf %get3A_77, %get3A_81 : vector<16xf32>
      %swap3A_83 = arith.index_cast %scan3A_46 : i32 to index
      %swap3A_84 = arith.constant 32 : index
      %swap3A_85 = tpu.vector_load %arg7[%swap3A_83, %swap3A_84] {strides = array<i32>} : memref<32x1024xf32, #tpu.memory_space<vmem>>, vector<1x16xf32>,
      %swap3A_86 = vector.shape_cast %swap3A_85 : vector<1x16xf32> to vector<16xf32>
      %swap3A_87 = vector.shape_cast %add3A_82 : vector<16xf32> to vector<1x16xf32>
      tpu.vector_store %arg7[%swap3A_83, %swap3A_84], %swap3A_87 {strides = array<i32>} : memref<32x1024xf32, #tpu.memory_space<vmem>>, vector<1x16xf32>,
      %get3A_88 = arith.index_cast %scan3A_46 : i32 to index
      %get3A_89 = arith.constant 48 : index
      %get3A_90 = tpu.vector_load %arg7[%get3A_88, %get3A_89] {strides = array<i32>} : memref<32x1024xf32, #tpu.memory_space<vmem>>, vector<1x16xf32>,
      %get3A_91 = vector.shape_cast %get3A_90 : vector<1x16xf32> to vector<16xf32>
      %get3A_92 = arith.index_cast %scan3A_46 : i32 to index
      %get3A_93 = arith.constant 48 : index
      %get3A_94 = tpu.vector_load %arg8[%get3A_92, %get3A_93] {strides = array<i32>} : memref<32x1024xf32, #tpu.memory_space<vmem>>, vector<1x16xf32>,
      %get3A_95 = vector.shape_cast %get3A_94 : vector<1x16xf32> to vector<16xf32>
      %add3A_96 = arith.addf %get3A_91, %get3A_95 : vector<16xf32>
      %swap3A_97 = arith.index_cast %scan3A_46 : i32 to index
      %swap3A_98 = arith.constant 48 : index
      %swap3A_99 = tpu.vector_load %arg7[%swap3A_97, %swap3A_98] {strides = array<i32>} : memref<32x1024xf32, #tpu.memory_space<vmem>>, vector<1x16xf32>,
      %swap3A_100 = vector.shape_cast %swap3A_99 : vector<1x16xf32> to vector<16xf32>
      %swap3A_101 = vector.shape_cast %add3A_96 : vector<16xf32> to vector<1x16xf32>
      tpu.vector_store %arg7[%swap3A_97, %swap3A_98], %swap3A_101 {strides = array<i32>} : memref<32x1024xf32, #tpu.memory_space<vmem>>, vector<1x16xf32>,
      %get3A_102 = arith.index_cast %scan3A_46 : i32 to index
      %get3A_103 = arith.constant 64 : index
      %get3A_104 = tpu.vector_load %arg7[%get3A_102, %get3A_103] {strides = array<i32>} : memref<32x1024xf32, #tpu.memory_space<vmem>>, vector<1x16xf32>,
      %get3A_105 = vector.shape_cast %get3A_104 : vector<1x16xf32> to vector<16xf32>
      %get3A_106 = arith.index_cast %scan3A_46 : i32 to index
      %get3A_107 = arith.constant 64 : index
      %get3A_108 = tpu.vector_load %arg8[%get3A_106, %get3A_107] {strides = array<i32>} : memref<32x1024xf32, #tpu.memory_space<vmem>>, vector<1x16xf32>,
      %get3A_109 = vector.shape_cast %get3A_108 : vector<1x16xf32> to vector<16xf32>
      %add3A_110 = arith.addf %get3A_105, %get3A_109 : vector<16xf32>
      %swap3A_111 = arith.index_cast %scan3A_46 : i32 to index
      %swap3A_112 = arith.constant 64 : index
      %swap3A_113 = tpu.vector_load %arg7[%swap3A_111, %swap3A_112] {strides = array<i32>} : memref<32x1024xf32, #tpu.memory_space<vmem>>, vector<1x16xf32>,
      %swap3A_114 = vector.shape_cast %swap3A_113 : vector<1x16xf32> to vector<16xf32>
      %swap3A_115 = vector.shape_cast %add3A_110 : vector<16xf32> to vector<1x16xf32>
      tpu.vector_store %arg7[%swap3A_111, %swap3A_112], %swap3A_115 {strides = array<i32>} : memref<32x1024xf32, #tpu.memory_space<vmem>>, vector<1x16xf32>,
      %get3A_116 = arith.index_cast %scan3A_46 : i32 to index
      %get3A_117 = arith.constant 80 : index
      %get3A_118 = tpu.vector_load %arg7[%get3A_116, %get3A_117] {strides = array<i32>} : memref<32x1024xf32, #tpu.memory_space<vmem>>, vector<1x16xf32>,
      %get3A_119 = vector.shape_cast %get3A_118 : vector<1x16xf32> to vector<16xf32>
      %get3A_120 = arith.index_cast %scan3A_46 : i32 to index
      %get3A_121 = arith.constant 80 : index
      %get3A_122 = tpu.vector_load %arg8[%get3A_120, %get3A_121] {strides = array<i32>} : memref<32x1024xf32, #tpu.memory_space<vmem>>, vector<1x16xf32>,
      %get3A_123 = vector.shape_cast %get3A_122 : vector<1x16xf32> to vector<16xf32>
      %add3A_124 = arith.addf %get3A_119, %get3A_123 : vector<16xf32>
      %swap3A_125 = arith.index_cast %scan3A_46 : i32 to index
      %swap3A_126 = arith.constant 80 : index
      %swap3A_127 = tpu.vector_load %arg7[%swap3A_125, %swap3A_126] {strides = array<i32>} : memref<32x1024xf32, #tpu.memory_space<vmem>>, vector<1x16xf32>,
      %swap3A_128 = vector.shape_cast %swap3A_127 : vector<1x16xf32> to vector<16xf32>
      %swap3A_129 = vector.shape_cast %add3A_124 : vector<16xf32> to vector<1x16xf32>
      tpu.vector_store %arg7[%swap3A_125, %swap3A_126], %swap3A_129 {strides = array<i32>} : memref<32x1024xf32, #tpu.memory_space<vmem>>, vector<1x16xf32>,
      %get3A_130 = arith.index_cast %scan3A_46 : i32 to index
      %get3A_131 = arith.constant 96 : index
      %get3A_132 = tpu.vector_load %arg7[%get3A_130, %get3A_131] {strides = array<i32>} : memref<32x1024xf32, #tpu.memory_space<vmem>>, vector<1x16xf32>,
      %get3A_133 = vector.shape_cast %get3A_132 : vector<1x16xf32> to vector<16xf32>
      %get3A_134 = arith.index_cast %scan3A_46 : i32 to index
      %get3A_135 = arith.constant 96 : index
      %get3A_136 = tpu.vector_load %arg8[%get3A_134, %get3A_135] {strides = array<i32>} : memref<32x1024xf32, #tpu.memory_space<vmem>>, vector<1x16xf32>,
      %get3A_137 = vector.shape_cast %get3A_136 : vector<1x16xf32> to vector<16xf32>
      %add3A_138 = arith.addf %get3A_133, %get3A_137 : vector<16xf32>
      %swap3A_139 = arith.index_cast %scan3A_46 : i32 to index
      %swap3A_140 = arith.constant 96 : index
      %swap3A_141 = tpu.vector_load %arg7[%swap3A_139, %swap3A_140] {strides = array<i32>} : memref<32x1024xf32, #tpu.memory_space<vmem>>, vector<1x16xf32>,
      %swap3A_142 = vector.shape_cast %swap3A_141 : vector<1x16xf32> to vector<16xf32>
      %swap3A_143 = vector.shape_cast %add3A_138 : vector<16xf32> to vector<1x16xf32>
      tpu.vector_store %arg7[%swap3A_139, %swap3A_140], %swap3A_143 {strides = array<i32>} : memref<32x1024xf32, #tpu.memory_space<vmem>>, vector<1x16xf32>,
      %get3A_144 = arith.index_cast %scan3A_46 : i32 to index
      %get3A_145 = arith.constant 112 : index
      %get3A_146 = tpu.vector_load %arg7[%get3A_144, %get3A_145] {strides = array<i32>} : memref<32x1024xf32, #tpu.memory_space<vmem>>, vector<1x16xf32>,
      %get3A_147 = vector.shape_cast %get3A_146 : vector<1x16xf32> to vector<16xf32>
      %get3A_148 = arith.index_cast %scan3A_46 : i32 to index
      %get3A_149 = arith.constant 112 : index
      %get3A_150 = tpu.vector_load %arg8[%get3A_148, %get3A_149] {strides = array<i32>} : memref<32x1024xf32, #tpu.memory_space<vmem>>, vector<1x16xf32>,
      %get3A_151 = vector.shape_cast %get3A_150 : vector<1x16xf32> to vector<16xf32>
      %add3A_152 = arith.addf %get3A_147, %get3A_151 : vector<16xf32>
      %swap3A_153 = arith.index_cast %scan3A_46 : i32 to index
      %swap3A_154 = arith.constant 112 : index
      %swap3A_155 = tpu.vector_load %arg7[%swap3A_153, %swap3A_154] {strides = array<i32>} : memref<32x1024xf32, #tpu.memory_space<vmem>>, vector<1x16xf32>,
      %swap3A_156 = vector.shape_cast %swap3A_155 : vector<1x16xf32> to vector<16xf32>
      %swap3A_157 = vector.shape_cast %add3A_152 : vector<16xf32> to vector<1x16xf32>
      tpu.vector_store %arg7[%swap3A_153, %swap3A_154], %swap3A_157 {strides = array<i32>} : memref<32x1024xf32, #tpu.memory_space<vmem>>, vector<1x16xf32>,
      %get3A_158 = arith.index_cast %scan3A_46 : i32 to index
      %get3A_159 = arith.constant 128 : index
      %get3A_160 = tpu.vector_load %arg7[%get3A_158, %get3A_159] {strides = array<i32>} : memref<32x1024xf32, #tpu.memory_space<vmem>>, vector<1x16xf32>,
      %get3A_161 = vector.shape_cast %get3A_160 : vector<1x16xf32> to vector<16xf32>
      %get3A_162 = arith.index_cast %scan3A_46 : i32 to index
      %get3A_163 = arith.constant 128 : index
      %get3A_164 = tpu.vector_load %arg8[%get3A_162, %get3A_163] {strides = array<i32>} : memref<32x1024xf32, #tpu.memory_space<vmem>>, vector<1x16xf32>,
      %get3A_165 = vector.shape_cast %get3A_164 : vector<1x16xf32> to vector<16xf32>
      %add3A_166 = arith.addf %get3A_161, %get3A_165 : vector<16xf32>
      %swap3A_167 = arith.index_cast %scan3A_46 : i32 to index
      %swap3A_168 = arith.constant 128 : index
      %swap3A_169 = tpu.vector_load %arg7[%swap3A_167, %swap3A_168] {strides = array<i32>} : memref<32x1024xf32, #tpu.memory_space<vmem>>, vector<1x16xf32>,
      %swap3A_170 = vector.shape_cast %swap3A_169 : vector<1x16xf32> to vector<16xf32>
      %swap3A_171 = vector.shape_cast %add3A_166 : vector<16xf32> to vector<1x16xf32>
      tpu.vector_store %arg7[%swap3A_167, %swap3A_168], %swap3A_171 {strides = array<i32>} : memref<32x1024xf32, #tpu.memory_space<vmem>>, vector<1x16xf32>,
      %get3A_172 = arith.index_cast %scan3A_46 : i32 to index
      %get3A_173 = arith.constant 144 : index
      %get3A_174 = tpu.vector_load %arg7[%get3A_172, %get3A_173] {strides = array<i32>} : memref<32x1024xf32, #tpu.memory_space<vmem>>, vector<1x16xf32>,
      %get3A_175 = vector.shape_cast %get3A_174 : vector<1x16xf32> to vector<16xf32>
      %get3A_176 = arith.index_cast %scan3A_46 : i32 to index
      %get3A_177 = arith.constant 144 : index
      %get3A_178 = tpu.vector_load %arg8[%get3A_176, %get3A_177] {strides = array<i32>} : memref<32x1024xf32, #tpu.memory_space<vmem>>, vector<1x16xf32>,
      %get3A_179 = vector.shape_cast %get3A_178 : vector<1x16xf32> to vector<16xf32>
      %add3A_180 = arith.addf %get3A_175, %get3A_179 : vector<16xf32>
      %swap3A_181 = arith.index_cast %scan3A_46 : i32 to index
      %swap3A_182 = arith.constant 144 : index
      %swap3A_183 = tpu.vector_load %arg7[%swap3A_181, %swap3A_182] {strides = array<i32>} : memref<32x1024xf32, #tpu.memory_space<vmem>>, vector<1x16xf32>,
      %swap3A_184 = vector.shape_cast %swap3A_183 : vector<1x16xf32> to vector<16xf32>
      %swap3A_185 = vector.shape_cast %add3A_180 : vector<16xf32> to vector<1x16xf32>
      tpu.vector_store %arg7[%swap3A_181, %swap3A_182], %swap3A_185 {strides = array<i32>} : memref<32x1024xf32, #tpu.memory_space<vmem>>, vector<1x16xf32>,
      %get3A_186 = arith.index_cast %scan3A_46 : i32 to index
      %get3A_187 = arith.constant 160 : index
      %get3A_188 = tpu.vector_load %arg7[%get3A_186, %get3A_187] {strides = array<i32>} : memref<32x1024xf32, #tpu.memory_space<vmem>>, vector<1x16xf32>,
      %get3A_189 = vector.shape_cast %get3A_188 : vector<1x16xf32> to vector<16xf32>
      %get3A_190 = arith.index_cast %scan3A_46 : i32 to index
      %get3A_191 = arith.constant 160 : index
      %get3A_192 = tpu.vector_load %arg8[%get3A_190, %get3A_191] {strides = array<i32>} : memref<32x1024xf32, #tpu.memory_space<vmem>>, vector<1x16xf32>,
      %get3A_193 = vector.shape_cast %get3A_192 : vector<1x16xf32> to vector<16xf32>
      %add3A_194 = arith.addf %get3A_189, %get3A_193 : vector<16xf32>
      %swap3A_195 = arith.index_cast %scan3A_46 : i32 to index
      %swap3A_196 = arith.constant 160 : index
      %swap3A_197 = tpu.vector_load %arg7[%swap3A_195, %swap3A_196] {strides = array<i32>} : memref<32x1024xf32, #tpu.memory_space<vmem>>, vector<1x16xf32>,
      %swap3A_198 = vector.shape_cast %swap3A_197 : vector<1x16xf32> to vector<16xf32>
      %swap3A_199 = vector.shape_cast %add3A_194 : vector<16xf32> to vector<1x16xf32>
      tpu.vector_store %arg7[%swap3A_195, %swap3A_196], %swap3A_199 {strides = array<i32>} : memref<32x1024xf32, #tpu.memory_space<vmem>>, vector<1x16xf32>,
      %get3A_200 = arith.index_cast %scan3A_46 : i32 to index
      %get3A_201 = arith.constant 176 : index
      %get3A_202 = tpu.vector_load %arg7[%get3A_200, %get3A_201] {strides = array<i32>} : memref<32x1024xf32, #tpu.memory_space<vmem>>, vector<1x16xf32>,
      %get3A_203 = vector.shape_cast %get3A_202 : vector<1x16xf32> to vector<16xf32>
      %get3A_204 = arith.index_cast %scan3A_46 : i32 to index
      %get3A_205 = arith.constant 176 : index
      %get3A_206 = tpu.vector_load %arg8[%get3A_204, %get3A_205] {strides = array<i32>} : memref<32x1024xf32, #tpu.memory_space<vmem>>, vector<1x16xf32>,
      %get3A_207 = vector.shape_cast %get3A_206 : vector<1x16xf32> to vector<16xf32>
      %add3A_208 = arith.addf %get3A_203, %get3A_207 : vector<16xf32>
      %swap3A_209 = arith.index_cast %scan3A_46 : i32 to index
      %swap3A_210 = arith.constant 176 : index
      %swap3A_211 = tpu.vector_load %arg7[%swap3A_209, %swap3A_210] {strides = array<i32>} : memref<32x1024xf32, #tpu.memory_space<vmem>>, vector<1x16xf32>,
      %swap3A_212 = vector.shape_cast %swap3A_211 : vector<1x16xf32> to vector<16xf32>
      %swap3A_213 = vector.shape_cast %add3A_208 : vector<16xf32> to vector<1x16xf32>
      tpu.vector_store %arg7[%swap3A_209, %swap3A_210], %swap3A_213 {strides = array<i32>} : memref<32x1024xf32, #tpu.memory_space<vmem>>, vector<1x16xf32>,
      %get3A_214 = arith.index_cast %scan3A_46 : i32 to index
      %get3A_215 = arith.constant 192 : index
      %get3A_216 = tpu.vector_load %arg7[%get3A_214, %get3A_215] {strides = array<i32>} : memref<32x1024xf32, #tpu.memory_space<vmem>>, vector<1x16xf32>,
      %get3A_217 = vector.shape_cast %get3A_216 : vector<1x16xf32> to vector<16xf32>
      %get3A_218 = arith.index_cast %scan3A_46 : i32 to index
      %get3A_219 = arith.constant 192 : index
      %get3A_220 = tpu.vector_load %arg8[%get3A_218, %get3A_219] {strides = array<i32>} : memref<32x1024xf32, #tpu.memory_space<vmem>>, vector<1x16xf32>,
      %get3A_221 = vector.shape_cast %get3A_220 : vector<1x16xf32> to vector<16xf32>
      %add3A_222 = arith.addf %get3A_217, %get3A_221 : vector<16xf32>
      %swap3A_223 = arith.index_cast %scan3A_46 : i32 to index
      %swap3A_224 = arith.constant 192 : index
      %swap3A_225 = tpu.vector_load %arg7[%swap3A_223, %swap3A_224] {strides = array<i32>} : memref<32x1024xf32, #tpu.memory_space<vmem>>, vector<1x16xf32>,
      %swap3A_226 = vector.shape_cast %swap3A_225 : vector<1x16xf32> to vector<16xf32>
      %swap3A_227 = vector.shape_cast %add3A_222 : vector<16xf32> to vector<1x16xf32>
      tpu.vector_store %arg7[%swap3A_223, %swap3A_224], %swap3A_227 {strides = array<i32>} : memref<32x1024xf32, #tpu.memory_space<vmem>>, vector<1x16xf32>,
      %get3A_228 = arith.index_cast %scan3A_46 : i32 to index
      %get3A_229 = arith.constant 208 : index
      %get3A_230 = tpu.vector_load %arg7[%get3A_228, %get3A_229] {strides = array<i32>} : memref<32x1024xf32, #tpu.memory_space<vmem>>, vector<1x16xf32>,
      %get3A_231 = vector.shape_cast %get3A_230 : vector<1x16xf32> to vector<16xf32>
      %get3A_232 = arith.index_cast %scan3A_46 : i32 to index
      %get3A_233 = arith.constant 208 : index
      %get3A_234 = tpu.vector_load %arg8[%get3A_232, %get3A_233] {strides = array<i32>} : memref<32x1024xf32, #tpu.memory_space<vmem>>, vector<1x16xf32>,
      %get3A_235 = vector.shape_cast %get3A_234 : vector<1x16xf32> to vector<16xf32>
      %add3A_236 = arith.addf %get3A_231, %get3A_235 : vector<16xf32>
      %swap3A_237 = arith.index_cast %scan3A_46 : i32 to index
      %swap3A_238 = arith.constant 208 : index
      %swap3A_239 = tpu.vector_load %arg7[%swap3A_237, %swap3A_238] {strides = array<i32>} : memref<32x1024xf32, #tpu.memory_space<vmem>>, vector<1x16xf32>,
      %swap3A_240 = vector.shape_cast %swap3A_239 : vector<1x16xf32> to vector<16xf32>
      %swap3A_241 = vector.shape_cast %add3A_236 : vector<16xf32> to vector<1x16xf32>
      tpu.vector_store %arg7[%swap3A_237, %swap3A_238], %swap3A_241 {strides = array<i32>} : memref<32x1024xf32, #tpu.memory_space<vmem>>, vector<1x16xf32>,
      %get3A_242 = arith.index_cast %scan3A_46 : i32 to index
      %get3A_243 = arith.constant 224 : index
      %get3A_244 = tpu.vector_load %arg7[%get3A_242, %get3A_243] {strides = array<i32>} : memref<32x1024xf32, #tpu.memory_space<vmem>>, vector<1x16xf32>,
      %get3A_245 = vector.shape_cast %get3A_244 : vector<1x16xf32> to vector<16xf32>
      %get3A_246 = arith.index_cast %scan3A_46 : i32 to index
      %get3A_247 = arith.constant 224 : index
      %get3A_248 = tpu.vector_load %arg8[%get3A_246, %get3A_247] {strides = array<i32>} : memref<32x1024xf32, #tpu.memory_space<vmem>>, vector<1x16xf32>,
      %get3A_249 = vector.shape_cast %get3A_248 : vector<1x16xf32> to vector<16xf32>
      %add3A_250 = arith.addf %get3A_245, %get3A_249 : vector<16xf32>
      %swap3A_251 = arith.index_cast %scan3A_46 : i32 to index
      %swap3A_252 = arith.constant 224 : index
      %swap3A_253 = tpu.vector_load %arg7[%swap3A_251, %swap3A_252] {strides = array<i32>} : memref<32x1024xf32, #tpu.memory_space<vmem>>, vector<1x16xf32>,
      %swap3A_254 = vector.shape_cast %swap3A_253 : vector<1x16xf32> to vector<16xf32>
      %swap3A_255 = vector.shape_cast %add3A_250 : vector<16xf32> to vector<1x16xf32>
      tpu.vector_store %arg7[%swap3A_251, %swap3A_252], %swap3A_255 {strides = array<i32>} : memref<32x1024xf32, #tpu.memory_space<vmem>>, vector<1x16xf32>,
      %get3A_256 = arith.index_cast %scan3A_46 : i32 to index
      %get3A_257 = arith.constant 240 : index
      %get3A_258 = tpu.vector_load %arg7[%get3A_256, %get3A_257] {strides = array<i32>} : memref<32x1024xf32, #tpu.memory_space<vmem>>, vector<1x16xf32>,
      %get3A_259 = vector.shape_cast %get3A_258 : vector<1x16xf32> to vector<16xf32>
      %get3A_260 = arith.index_cast %scan3A_46 : i32 to index
      %get3A_261 = arith.constant 240 : index
      %get3A_262 = tpu.vector_load %arg8[%get3A_260, %get3A_261] {strides = array<i32>} : memref<32x1024xf32, #tpu.memory_space<vmem>>, vector<1x16xf32>,
      %get3A_263 = vector.shape_cast %get3A_262 : vector<1x16xf32> to vector<16xf32>
      %add3A_264 = arith.addf %get3A_259, %get3A_263 : vector<16xf32>
      %swap3A_265 = arith.index_cast %scan3A_46 : i32 to index
      %swap3A_266 = arith.constant 240 : index
      %swap3A_267 = tpu.vector_load %arg7[%swap3A_265, %swap3A_266] {strides = array<i32>} : memref<32x1024xf32, #tpu.memory_space<vmem>>, vector<1x16xf32>,
      %swap3A_268 = vector.shape_cast %swap3A_267 : vector<1x16xf32> to vector<16xf32>
      %swap3A_269 = vector.shape_cast %add3A_264 : vector<16xf32> to vector<1x16xf32>
      tpu.vector_store %arg7[%swap3A_265, %swap3A_266], %swap3A_269 {strides = array<i32>} : memref<32x1024xf32, #tpu.memory_space<vmem>>, vector<1x16xf32>,
      %get3A_270 = arith.index_cast %scan3A_46 : i32 to index
      %get3A_271 = arith.constant 256 : index
      %get3A_272 = tpu.vector_load %arg7[%get3A_270, %get3A_271] {strides = array<i32>} : memref<32x1024xf32, #tpu.memory_space<vmem>>, vector<1x16xf32>,
      %get3A_273 = vector.shape_cast %get3A_272 : vector<1x16xf32> to vector<16xf32>
      %get3A_274 = arith.index_cast %scan3A_46 : i32 to index
      %get3A_275 = arith.constant 256 : index
      %get3A_276 = tpu.vector_load %arg8[%get3A_274, %get3A_275] {strides = array<i32>} : memref<32x1024xf32, #tpu.memory_space<vmem>>, vector<1x16xf32>,
      %get3A_277 = vector.shape_cast %get3A_276 : vector<1x16xf32> to vector<16xf32>
      %add3A_278 = arith.addf %get3A_273, %get3A_277 : vector<16xf32>
      %swap3A_279 = arith.index_cast %scan3A_46 : i32 to index
      %swap3A_280 = arith.constant 256 : index
      %swap3A_281 = tpu.vector_load %arg7[%swap3A_279, %swap3A_280] {strides = array<i32>} : memref<32x1024xf32, #tpu.memory_space<vmem>>, vector<1x16xf32>,
      %swap3A_282 = vector.shape_cast %swap3A_281 : vector<1x16xf32> to vector<16xf32>
      %swap3A_283 = vector.shape_cast %add3A_278 : vector<16xf32> to vector<1x16xf32>
      tpu.vector_store %arg7[%swap3A_279, %swap3A_280], %swap3A_283 {strides = array<i32>} : memref<32x1024xf32, #tpu.memory_space<vmem>>, vector<1x16xf32>,
      %get3A_284 = arith.index_cast %scan3A_46 : i32 to index
      %get3A_285 = arith.constant 272 : index
      %get3A_286 = tpu.vector_load %arg7[%get3A_284, %get3A_285] {strides = array<i32>} : memref<32x1024xf32, #tpu.memory_space<vmem>>, vector<1x16xf32>,
      %get3A_287 = vector.shape_cast %get3A_286 : vector<1x16xf32> to vector<16xf32>
      %get3A_288 = arith.index_cast %scan3A_46 : i32 to index
      %get3A_289 = arith.constant 272 : index
      %get3A_290 = tpu.vector_load %arg8[%get3A_288, %get3A_289] {strides = array<i32>} : memref<32x1024xf32, #tpu.memory_space<vmem>>, vector<1x16xf32>,
      %get3A_291 = vector.shape_cast %get3A_290 : vector<1x16xf32> to vector<16xf32>
      %add3A_292 = arith.addf %get3A_287, %get3A_291 : vector<16xf32>
      %swap3A_293 = arith.index_cast %scan3A_46 : i32 to index
      %swap3A_294 = arith.constant 272 : index
      %swap3A_295 = tpu.vector_load %arg7[%swap3A_293, %swap3A_294] {strides = array<i32>} : memref<32x1024xf32, #tpu.memory_space<vmem>>, vector<1x16xf32>,
      %swap3A_296 = vector.shape_cast %swap3A_295 : vector<1x16xf32> to vector<16xf32>
      %swap3A_297 = vector.shape_cast %add3A_292 : vector<16xf32> to vector<1x16xf32>
      tpu.vector_store %arg7[%swap3A_293, %swap3A_294], %swap3A_297 {strides = array<i32>} : memref<32x1024xf32, #tpu.memory_space<vmem>>, vector<1x16xf32>,
      %get3A_298 = arith.index_cast %scan3A_46 : i32 to index
      %get3A_299 = arith.constant 288 : index
      %get3A_300 = tpu.vector_load %arg7[%get3A_298, %get3A_299] {strides = array<i32>} : memref<32x1024xf32, #tpu.memory_space<vmem>>, vector<1x16xf32>,
      %get3A_301 = vector.shape_cast %get3A_300 : vector<1x16xf32> to vector<16xf32>
      %get3A_302 = arith.index_cast %scan3A_46 : i32 to index
      %get3A_303 = arith.constant 288 : index
      %get3A_304 = tpu.vector_load %arg8[%get3A_302, %get3A_303] {strides = array<i32>} : memref<32x1024xf32, #tpu.memory_space<vmem>>, vector<1x16xf32>,
      %get3A_305 = vector.shape_cast %get3A_304 : vector<1x16xf32> to vector<16xf32>
      %add3A_306 = arith.addf %get3A_301, %get3A_305 : vector<16xf32>
      %swap3A_307 = arith.index_cast %scan3A_46 : i32 to index
      %swap3A_308 = arith.constant 288 : index
      %swap3A_309 = tpu.vector_load %arg7[%swap3A_307, %swap3A_308] {strides = array<i32>} : memref<32x1024xf32, #tpu.memory_space<vmem>>, vector<1x16xf32>,
      %swap3A_310 = vector.shape_cast %swap3A_309 : vector<1x16xf32> to vector<16xf32>
      %swap3A_311 = vector.shape_cast %add3A_306 : vector<16xf32> to vector<1x16xf32>
      tpu.vector_store %arg7[%swap3A_307, %swap3A_308], %swap3A_311 {strides = array<i32>} : memref<32x1024xf32, #tpu.memory_space<vmem>>, vector<1x16xf32>,
      %get3A_312 = arith.index_cast %scan3A_46 : i32 to index
      %get3A_313 = arith.constant 304 : index
      %get3A_314 = tpu.vector_load %arg7[%get3A_312, %get3A_313] {strides = array<i32>} : memref<32x1024xf32, #tpu.memory_space<vmem>>, vector<1x16xf32>,
      %get3A_315 = vector.shape_cast %get3A_314 : vector<1x16xf32> to vector<16xf32>
      %get3A_316 = arith.index_cast %scan3A_46 : i32 to index
      %get3A_317 = arith.constant 304 : index
      %get3A_318 = tpu.vector_load %arg8[%get3A_316, %get3A_317] {strides = array<i32>} : memref<32x1024xf32, #tpu.memory_space<vmem>>, vector<1x16xf32>,
      %get3A_319 = vector.shape_cast %get3A_318 : vector<1x16xf32> to vector<16xf32>
      %add3A_320 = arith.addf %get3A_315, %get3A_319 : vector<16xf32>
      %swap3A_321 = arith.index_cast %scan3A_46 : i32 to index
      %swap3A_322 = arith.constant 304 : index
      %swap3A_323 = tpu.vector_load %arg7[%swap3A_321, %swap3A_322] {strides = array<i32>} : memref<32x1024xf32, #tpu.memory_space<vmem>>, vector<1x16xf32>,
      %swap3A_324 = vector.shape_cast %swap3A_323 : vector<1x16xf32> to vector<16xf32>
      %swap3A_325 = vector.shape_cast %add3A_320 : vector<16xf32> to vector<1x16xf32>
      tpu.vector_store %arg7[%swap3A_321, %swap3A_322], %swap3A_325 {strides = array<i32>} : memref<32x1024xf32, #tpu.memory_space<vmem>>, vector<1x16xf32>,
      %get3A_326 = arith.index_cast %scan3A_46 : i32 to index
      %get3A_327 = arith.constant 320 : index
      %get3A_328 = tpu.vector_load %arg7[%get3A_326, %get3A_327] {strides = array<i32>} : memref<32x1024xf32, #tpu.memory_space<vmem>>, vector<1x16xf32>,
      %get3A_329 = vector.shape_cast %get3A_328 : vector<1x16xf32> to vector<16xf32>
      %get3A_330 = arith.index_cast %scan3A_46 : i32 to index
      %get3A_331 = arith.constant 320 : index
      %get3A_332 = tpu.vector_load %arg8[%get3A_330, %get3A_331] {strides = array<i32>} : memref<32x1024xf32, #tpu.memory_space<vmem>>, vector<1x16xf32>,
      %get3A_333 = vector.shape_cast %get3A_332 : vector<1x16xf32> to vector<16xf32>
      %add3A_334 = arith.addf %get3A_329, %get3A_333 : vector<16xf32>
      %swap3A_335 = arith.index_cast %scan3A_46 : i32 to index
      %swap3A_336 = arith.constant 320 : index
      %swap3A_337 = tpu.vector_load %arg7[%swap3A_335, %swap3A_336] {strides = array<i32>} : memref<32x1024xf32, #tpu.memory_space<vmem>>, vector<1x16xf32>,
      %swap3A_338 = vector.shape_cast %swap3A_337 : vector<1x16xf32> to vector<16xf32>
      %swap3A_339 = vector.shape_cast %add3A_334 : vector<16xf32> to vector<1x16xf32>
      tpu.vector_store %arg7[%swap3A_335, %swap3A_336], %swap3A_339 {strides = array<i32>} : memref<32x1024xf32, #tpu.memory_space<vmem>>, vector<1x16xf32>,
      %get3A_340 = arith.index_cast %scan3A_46 : i32 to index
      %get3A_341 = arith.constant 336 : index
      %get3A_342 = tpu.vector_load %arg7[%get3A_340, %get3A_341] {strides = array<i32>} : memref<32x1024xf32, #tpu.memory_space<vmem>>, vector<1x16xf32>,
      %get3A_343 = vector.shape_cast %get3A_342 : vector<1x16xf32> to vector<16xf32>
      %get3A_344 = arith.index_cast %scan3A_46 : i32 to index
      %get3A_345 = arith.constant 336 : index
      %get3A_346 = tpu.vector_load %arg8[%get3A_344, %get3A_345] {strides = array<i32>} : memref<32x1024xf32, #tpu.memory_space<vmem>>, vector<1x16xf32>,
      %get3A_347 = vector.shape_cast %get3A_346 : vector<1x16xf32> to vector<16xf32>
      %add3A_348 = arith.addf %get3A_343, %get3A_347 : vector<16xf32>
      %swap3A_349 = arith.index_cast %scan3A_46 : i32 to index
      %swap3A_350 = arith.constant 336 : index
      %swap3A_351 = tpu.vector_load %arg7[%swap3A_349, %swap3A_350] {strides = array<i32>} : memref<32x1024xf32, #tpu.memory_space<vmem>>, vector<1x16xf32>,
      %swap3A_352 = vector.shape_cast %swap3A_351 : vector<1x16xf32> to vector<16xf32>
      %swap3A_353 = vector.shape_cast %add3A_348 : vector<16xf32> to vector<1x16xf32>
      tpu.vector_store %arg7[%swap3A_349, %swap3A_350], %swap3A_353 {strides = array<i32>} : memref<32x1024xf32, #tpu.memory_space<vmem>>, vector<1x16xf32>,
      %get3A_354 = arith.index_cast %scan3A_46 : i32 to index
      %get3A_355 = arith.constant 352 : index
      %get3A_356 = tpu.vector_load %arg7[%get3A_354, %get3A_355] {strides = array<i32>} : memref<32x1024xf32, #tpu.memory_space<vmem>>, vector<1x16xf32>,
      %get3A_357 = vector.shape_cast %get3A_356 : vector<1x16xf32> to vector<16xf32>
      %get3A_358 = arith.index_cast %scan3A_46 : i32 to index
      %get3A_359 = arith.constant 352 : index
      %get3A_360 = tpu.vector_load %arg8[%get3A_358, %get3A_359] {strides = array<i32>} : memref<32x1024xf32, #tpu.memory_space<vmem>>, vector<1x16xf32>,
      %get3A_361 = vector.shape_cast %get3A_360 : vector<1x16xf32> to vector<16xf32>
      %add3A_362 = arith.addf %get3A_357, %get3A_361 : vector<16xf32>
      %swap3A_363 = arith.index_cast %scan3A_46 : i32 to index
      %swap3A_364 = arith.constant 352 : index
      %swap3A_365 = tpu.vector_load %arg7[%swap3A_363, %swap3A_364] {strides = array<i32>} : memref<32x1024xf32, #tpu.memory_space<vmem>>, vector<1x16xf32>,
      %swap3A_366 = vector.shape_cast %swap3A_365 : vector<1x16xf32> to vector<16xf32>
      %swap3A_367 = vector.shape_cast %add3A_362 : vector<16xf32> to vector<1x16xf32>
      tpu.vector_store %arg7[%swap3A_363, %swap3A_364], %swap3A_367 {strides = array<i32>} : memref<32x1024xf32, #tpu.memory_space<vmem>>, vector<1x16xf32>,
      %get3A_368 = arith.index_cast %scan3A_46 : i32 to index
      %get3A_369 = arith.constant 368 : index
      %get3A_370 = tpu.vector_load %arg7[%get3A_368, %get3A_369] {strides = array<i32>} : memref<32x1024xf32, #tpu.memory_space<vmem>>, vector<1x16xf32>,
      %get3A_371 = vector.shape_cast %get3A_370 : vector<1x16xf32> to vector<16xf32>
      %get3A_372 = arith.index_cast %scan3A_46 : i32 to index
      %get3A_373 = arith.constant 368 : index
      %get3A_374 = tpu.vector_load %arg8[%get3A_372, %get3A_373] {strides = array<i32>} : memref<32x1024xf32, #tpu.memory_space<vmem>>, vector<1x16xf32>,
      %get3A_375 = vector.shape_cast %get3A_374 : vector<1x16xf32> to vector<16xf32>
      %add3A_376 = arith.addf %get3A_371, %get3A_375 : vector<16xf32>
      %swap3A_377 = arith.index_cast %scan3A_46 : i32 to index
      %swap3A_378 = arith.constant 368 : index
      %swap3A_379 = tpu.vector_load %arg7[%swap3A_377, %swap3A_378] {strides = array<i32>} : memref<32x1024xf32, #tpu.memory_space<vmem>>, vector<1x16xf32>,
      %swap3A_380 = vector.shape_cast %swap3A_379 : vector<1x16xf32> to vector<16xf32>
      %swap3A_381 = vector.shape_cast %add3A_376 : vector<16xf32> to vector<1x16xf32>
      tpu.vector_store %arg7[%swap3A_377, %swap3A_378], %swap3A_381 {strides = array<i32>} : memref<32x1024xf32, #tpu.memory_space<vmem>>, vector<1x16xf32>,
      %get3A_382 = arith.index_cast %scan3A_46 : i32 to index
      %get3A_383 = arith.constant 384 : index
      %get3A_384 = tpu.vector_load %arg7[%get3A_382, %get3A_383] {strides = array<i32>} : memref<32x1024xf32, #tpu.memory_space<vmem>>, vector<1x16xf32>,
      %get3A_385 = vector.shape_cast %get3A_384 : vector<1x16xf32> to vector<16xf32>
      %get3A_386 = arith.index_cast %scan3A_46 : i32 to index
      %get3A_387 = arith.constant 384 : index
      %get3A_388 = tpu.vector_load %arg8[%get3A_386, %get3A_387] {strides = array<i32>} : memref<32x1024xf32, #tpu.memory_space<vmem>>, vector<1x16xf32>,
      %get3A_389 = vector.shape_cast %get3A_388 : vector<1x16xf32> to vector<16xf32>
      %add3A_390 = arith.addf %get3A_385, %get3A_389 : vector<16xf32>
      %swap3A_391 = arith.index_cast %scan3A_46 : i32 to index
      %swap3A_392 = arith.constant 384 : index
      %swap3A_393 = tpu.vector_load %arg7[%swap3A_391, %swap3A_392] {strides = array<i32>} : memref<32x1024xf32, #tpu.memory_space<vmem>>, vector<1x16xf32>,
      %swap3A_394 = vector.shape_cast %swap3A_393 : vector<1x16xf32> to vector<16xf32>
      %swap3A_395 = vector.shape_cast %add3A_390 : vector<16xf32> to vector<1x16xf32>
      tpu.vector_store %arg7[%swap3A_391, %swap3A_392], %swap3A_395 {strides = array<i32>} : memref<32x1024xf32, #tpu.memory_space<vmem>>, vector<1x16xf32>,
      %get3A_396 = arith.index_cast %scan3A_46 : i32 to index
      %get3A_397 = arith.constant 400 : index
      %get3A_398 = tpu.vector_load %arg7[%get3A_396, %get3A_397] {strides = array<i32>} : memref<32x1024xf32, #tpu.memory_space<vmem>>, vector<1x16xf32>,
      %get3A_399 = vector.shape_cast %get3A_398 : vector<1x16xf32> to vector<16xf32>
      %get3A_400 = arith.index_cast %scan3A_46 : i32 to index
      %get3A_401 = arith.constant 400 : index
      %get3A_402 = tpu.vector_load %arg8[%get3A_400, %get3A_401] {strides = array<i32>} : memref<32x1024xf32, #tpu.memory_space<vmem>>, vector<1x16xf32>,
      %get3A_403 = vector.shape_cast %get3A_402 : vector<1x16xf32> to vector<16xf32>
      %add3A_404 = arith.addf %get3A_399, %get3A_403 : vector<16xf32>
      %swap3A_405 = arith.index_cast %scan3A_46 : i32 to index
      %swap3A_406 = arith.constant 400 : index
      %swap3A_407 = tpu.vector_load %arg7[%swap3A_405, %swap3A_406] {strides = array<i32>} : memref<32x1024xf32, #tpu.memory_space<vmem>>, vector<1x16xf32>,
      %swap3A_408 = vector.shape_cast %swap3A_407 : vector<1x16xf32> to vector<16xf32>
      %swap3A_409 = vector.shape_cast %add3A_404 : vector<16xf32> to vector<1x16xf32>
      tpu.vector_store %arg7[%swap3A_405, %swap3A_406], %swap3A_409 {strides = array<i32>} : memref<32x1024xf32, #tpu.memory_space<vmem>>, vector<1x16xf32>,
      %get3A_410 = arith.index_cast %scan3A_46 : i32 to index
      %get3A_411 = arith.constant 416 : index
      %get3A_412 = tpu.vector_load %arg7[%get3A_410, %get3A_411] {strides = array<i32>} : memref<32x1024xf32, #tpu.memory_space<vmem>>, vector<1x16xf32>,
      %get3A_413 = vector.shape_cast %get3A_412 : vector<1x16xf32> to vector<16xf32>
      %get3A_414 = arith.index_cast %scan3A_46 : i32 to index
      %get3A_415 = arith.constant 416 : index
      %get3A_416 = tpu.vector_load %arg8[%get3A_414, %get3A_415] {strides = array<i32>} : memref<32x1024xf32, #tpu.memory_space<vmem>>, vector<1x16xf32>,
      %get3A_417 = vector.shape_cast %get3A_416 : vector<1x16xf32> to vector<16xf32>
      %add3A_418 = arith.addf %get3A_413, %get3A_417 : vector<16xf32>
      %swap3A_419 = arith.index_cast %scan3A_46 : i32 to index
      %swap3A_420 = arith.constant 416 : index
      %swap3A_421 = tpu.vector_load %arg7[%swap3A_419, %swap3A_420] {strides = array<i32>} : memref<32x1024xf32, #tpu.memory_space<vmem>>, vector<1x16xf32>,
      %swap3A_422 = vector.shape_cast %swap3A_421 : vector<1x16xf32> to vector<16xf32>
      %swap3A_423 = vector.shape_cast %add3A_418 : vector<16xf32> to vector<1x16xf32>
      tpu.vector_store %arg7[%swap3A_419, %swap3A_420], %swap3A_423 {strides = array<i32>} : memref<32x1024xf32, #tpu.memory_space<vmem>>, vector<1x16xf32>,
      %get3A_424 = arith.index_cast %scan3A_46 : i32 to index
      %get3A_425 = arith.constant 432 : index
      %get3A_426 = tpu.vector_load %arg7[%get3A_424, %get3A_425] {strides = array<i32>} : memref<32x1024xf32, #tpu.memory_space<vmem>>, vector<1x16xf32>,
      %get3A_427 = vector.shape_cast %get3A_426 : vector<1x16xf32> to vector<16xf32>
      %get3A_428 = arith.index_cast %scan3A_46 : i32 to index
      %get3A_429 = arith.constant 432 : index
      %get3A_430 = tpu.vector_load %arg8[%get3A_428, %get3A_429] {strides = array<i32>} : memref<32x1024xf32, #tpu.memory_space<vmem>>, vector<1x16xf32>,
      %get3A_431 = vector.shape_cast %get3A_430 : vector<1x16xf32> to vector<16xf32>
      %add3A_432 = arith.addf %get3A_427, %get3A_431 : vector<16xf32>
      %swap3A_433 = arith.index_cast %scan3A_46 : i32 to index
      %swap3A_434 = arith.constant 432 : index
      %swap3A_435 = tpu.vector_load %arg7[%swap3A_433, %swap3A_434] {strides = array<i32>} : memref<32x1024xf32, #tpu.memory_space<vmem>>, vector<1x16xf32>,
      %swap3A_436 = vector.shape_cast %swap3A_435 : vector<1x16xf32> to vector<16xf32>
      %swap3A_437 = vector.shape_cast %add3A_432 : vector<16xf32> to vector<1x16xf32>
      tpu.vector_store %arg7[%swap3A_433, %swap3A_434], %swap3A_437 {strides = array<i32>} : memref<32x1024xf32, #tpu.memory_space<vmem>>, vector<1x16xf32>,
      %get3A_438 = arith.index_cast %scan3A_46 : i32 to index
      %get3A_439 = arith.constant 448 : index
      %get3A_440 = tpu.vector_load %arg7[%get3A_438, %get3A_439] {strides = array<i32>} : memref<32x1024xf32, #tpu.memory_space<vmem>>, vector<1x16xf32>,
      %get3A_441 = vector.shape_cast %get3A_440 : vector<1x16xf32> to vector<16xf32>
      %get3A_442 = arith.index_cast %scan3A_46 : i32 to index
      %get3A_443 = arith.constant 448 : index
      %get3A_444 = tpu.vector_load %arg8[%get3A_442, %get3A_443] {strides = array<i32>} : memref<32x1024xf32, #tpu.memory_space<vmem>>, vector<1x16xf32>,
      %get3A_445 = vector.shape_cast %get3A_444 : vector<1x16xf32> to vector<16xf32>
      %add3A_446 = arith.addf %get3A_441, %get3A_445 : vector<16xf32>
      %swap3A_447 = arith.index_cast %scan3A_46 : i32 to index
      %swap3A_448 = arith.constant 448 : index
      %swap3A_449 = tpu.vector_load %arg7[%swap3A_447, %swap3A_448] {strides = array<i32>} : memref<32x1024xf32, #tpu.memory_space<vmem>>, vector<1x16xf32>,
      %swap3A_450 = vector.shape_cast %swap3A_449 : vector<1x16xf32> to vector<16xf32>
      %swap3A_451 = vector.shape_cast %add3A_446 : vector<16xf32> to vector<1x16xf32>
      tpu.vector_store %arg7[%swap3A_447, %swap3A_448], %swap3A_451 {strides = array<i32>} : memref<32x1024xf32, #tpu.memory_space<vmem>>, vector<1x16xf32>,
      %get3A_452 = arith.index_cast %scan3A_46 : i32 to index
      %get3A_453 = arith.constant 464 : index
      %get3A_454 = tpu.vector_load %arg7[%get3A_452, %get3A_453] {strides = array<i32>} : memref<32x1024xf32, #tpu.memory_space<vmem>>, vector<1x16xf32>,
      %get3A_455 = vector.shape_cast %get3A_454 : vector<1x16xf32> to vector<16xf32>
      %get3A_456 = arith.index_cast %scan3A_46 : i32 to index
      %get3A_457 = arith.constant 464 : index
      %get3A_458 = tpu.vector_load %arg8[%get3A_456, %get3A_457] {strides = array<i32>} : memref<32x1024xf32, #tpu.memory_space<vmem>>, vector<1x16xf32>,
      %get3A_459 = vector.shape_cast %get3A_458 : vector<1x16xf32> to vector<16xf32>
      %add3A_460 = arith.addf %get3A_455, %get3A_459 : vector<16xf32>
      %swap3A_461 = arith.index_cast %scan3A_46 : i32 to index
      %swap3A_462 = arith.constant 464 : index
      %swap3A_463 = tpu.vector_load %arg7[%swap3A_461, %swap3A_462] {strides = array<i32>} : memref<32x1024xf32, #tpu.memory_space<vmem>>, vector<1x16xf32>,
      %swap3A_464 = vector.shape_cast %swap3A_463 : vector<1x16xf32> to vector<16xf32>
      %swap3A_465 = vector.shape_cast %add3A_460 : vector<16xf32> to vector<1x16xf32>
      tpu.vector_store %arg7[%swap3A_461, %swap3A_462], %swap3A_465 {strides = array<i32>} : memref<32x1024xf32, #tpu.memory_space<vmem>>, vector<1x16xf32>,
      %get3A_466 = arith.index_cast %scan3A_46 : i32 to index
      %get3A_467 = arith.constant 480 : index
      %get3A_468 = tpu.vector_load %arg7[%get3A_466, %get3A_467] {strides = array<i32>} : memref<32x1024xf32, #tpu.memory_space<vmem>>, vector<1x16xf32>,
      %get3A_469 = vector.shape_cast %get3A_468 : vector<1x16xf32> to vector<16xf32>
      %get3A_470 = arith.index_cast %scan3A_46 : i32 to index
      %get3A_471 = arith.constant 480 : index
      %get3A_472 = tpu.vector_load %arg8[%get3A_470, %get3A_471] {strides = array<i32>} : memref<32x1024xf32, #tpu.memory_space<vmem>>, vector<1x16xf32>,
      %get3A_473 = vector.shape_cast %get3A_472 : vector<1x16xf32> to vector<16xf32>
      %add3A_474 = arith.addf %get3A_469, %get3A_473 : vector<16xf32>
      %swap3A_475 = arith.index_cast %scan3A_46 : i32 to index
      %swap3A_476 = arith.constant 480 : index
      %swap3A_477 = tpu.vector_load %arg7[%swap3A_475, %swap3A_476] {strides = array<i32>} : memref<32x1024xf32, #tpu.memory_space<vmem>>, vector<1x16xf32>,
      %swap3A_478 = vector.shape_cast %swap3A_477 : vector<1x16xf32> to vector<16xf32>
      %swap3A_479 = vector.shape_cast %add3A_474 : vector<16xf32> to vector<1x16xf32>
      tpu.vector_store %arg7[%swap3A_475, %swap3A_476], %swap3A_479 {strides = array<i32>} : memref<32x1024xf32, #tpu.memory_space<vmem>>, vector<1x16xf32>,
      %get3A_480 = arith.index_cast %scan3A_46 : i32 to index
      %get3A_481 = arith.constant 496 : index
      %get3A_482 = tpu.vector_load %arg7[%get3A_480, %get3A_481] {strides = array<i32>} : memref<32x1024xf32, #tpu.memory_space<vmem>>, vector<1x16xf32>,
      %get3A_483 = vector.shape_cast %get3A_482 : vector<1x16xf32> to vector<16xf32>
      %get3A_484 = arith.index_cast %scan3A_46 : i32 to index
      %get3A_485 = arith.constant 496 : index
      %get3A_486 = tpu.vector_load %arg8[%get3A_484, %get3A_485] {strides = array<i32>} : memref<32x1024xf32, #tpu.memory_space<vmem>>, vector<1x16xf32>,
      %get3A_487 = vector.shape_cast %get3A_486 : vector<1x16xf32> to vector<16xf32>
      %add3A_488 = arith.addf %get3A_483, %get3A_487 : vector<16xf32>
      %swap3A_489 = arith.index_cast %scan3A_46 : i32 to index
      %swap3A_490 = arith.constant 496 : index
      %swap3A_491 = tpu.vector_load %arg7[%swap3A_489, %swap3A_490] {strides = array<i32>} : memref<32x1024xf32, #tpu.memory_space<vmem>>, vector<1x16xf32>,
      %swap3A_492 = vector.shape_cast %swap3A_491 : vector<1x16xf32> to vector<16xf32>
      %swap3A_493 = vector.shape_cast %add3A_488 : vector<16xf32> to vector<1x16xf32>
      tpu.vector_store %arg7[%swap3A_489, %swap3A_490], %swap3A_493 {strides = array<i32>} : memref<32x1024xf32, #tpu.memory_space<vmem>>, vector<1x16xf32>,
      %get3A_494 = arith.index_cast %scan3A_46 : i32 to index
      %get3A_495 = arith.constant 512 : index
      %get3A_496 = tpu.vector_load %arg7[%get3A_494, %get3A_495] {strides = array<i32>} : memref<32x1024xf32, #tpu.memory_space<vmem>>, vector<1x16xf32>,
      %get3A_497 = vector.shape_cast %get3A_496 : vector<1x16xf32> to vector<16xf32>
      %get3A_498 = arith.index_cast %scan3A_46 : i32 to index
      %get3A_499 = arith.constant 512 : index
      %get3A_500 = tpu.vector_load %arg8[%get3A_498, %get3A_499] {strides = array<i32>} : memref<32x1024xf32, #tpu.memory_space<vmem>>, vector<1x16xf32>,
      %get3A_501 = vector.shape_cast %get3A_500 : vector<1x16xf32> to vector<16xf32>
      %add3A_502 = arith.addf %get3A_497, %get3A_501 : vector<16xf32>
      %swap3A_503 = arith.index_cast %scan3A_46 : i32 to index
      %swap3A_504 = arith.constant 512 : index
      %swap3A_505 = tpu.vector_load %arg7[%swap3A_503, %swap3A_504] {strides = array<i32>} : memref<32x1024xf32, #tpu.memory_space<vmem>>, vector<1x16xf32>,
      %swap3A_506 = vector.shape_cast %swap3A_505 : vector<1x16xf32> to vector<16xf32>
      %swap3A_507 = vector.shape_cast %add3A_502 : vector<16xf32> to vector<1x16xf32>
      tpu.vector_store %arg7[%swap3A_503, %swap3A_504], %swap3A_507 {strides = array<i32>} : memref<32x1024xf32, #tpu.memory_space<vmem>>, vector<1x16xf32>,
      %get3A_508 = arith.index_cast %scan3A_46 : i32 to index
      %get3A_509 = arith.constant 528 : index
      %get3A_510 = tpu.vector_load %arg7[%get3A_508, %get3A_509] {strides = array<i32>} : memref<32x1024xf32, #tpu.memory_space<vmem>>, vector<1x16xf32>,
      %get3A_511 = vector.shape_cast %get3A_510 : vector<1x16xf32> to vector<16xf32>
      %get3A_512 = arith.index_cast %scan3A_46 : i32 to index
      %get3A_513 = arith.constant 528 : index
      %get3A_514 = tpu.vector_load %arg8[%get3A_512, %get3A_513] {strides = array<i32>} : memref<32x1024xf32, #tpu.memory_space<vmem>>, vector<1x16xf32>,
      %get3A_515 = vector.shape_cast %get3A_514 : vector<1x16xf32> to vector<16xf32>
      %add3A_516 = arith.addf %get3A_511, %get3A_515 : vector<16xf32>
      %swap3A_517 = arith.index_cast %scan3A_46 : i32 to index
      %swap3A_518 = arith.constant 528 : index
      %swap3A_519 = tpu.vector_load %arg7[%swap3A_517, %swap3A_518] {strides = array<i32>} : memref<32x1024xf32, #tpu.memory_space<vmem>>, vector<1x16xf32>,
      %swap3A_520 = vector.shape_cast %swap3A_519 : vector<1x16xf32> to vector<16xf32>
      %swap3A_521 = vector.shape_cast %add3A_516 : vector<16xf32> to vector<1x16xf32>
      tpu.vector_store %arg7[%swap3A_517, %swap3A_518], %swap3A_521 {strides = array<i32>} : memref<32x1024xf32, #tpu.memory_space<vmem>>, vector<1x16xf32>,
      %get3A_522 = arith.index_cast %scan3A_46 : i32 to index
      %get3A_523 = arith.constant 544 : index
      %get3A_524 = tpu.vector_load %arg7[%get3A_522, %get3A_523] {strides = array<i32>} : memref<32x1024xf32, #tpu.memory_space<vmem>>, vector<1x16xf32>,
      %get3A_525 = vector.shape_cast %get3A_524 : vector<1x16xf32> to vector<16xf32>
      %get3A_526 = arith.index_cast %scan3A_46 : i32 to index
      %get3A_527 = arith.constant 544 : index
      %get3A_528 = tpu.vector_load %arg8[%get3A_526, %get3A_527] {strides = array<i32>} : memref<32x1024xf32, #tpu.memory_space<vmem>>, vector<1x16xf32>,
      %get3A_529 = vector.shape_cast %get3A_528 : vector<1x16xf32> to vector<16xf32>
      %add3A_530 = arith.addf %get3A_525, %get3A_529 : vector<16xf32>
      %swap3A_531 = arith.index_cast %scan3A_46 : i32 to index
      %swap3A_532 = arith.constant 544 : index
      %swap3A_533 = tpu.vector_load %arg7[%swap3A_531, %swap3A_532] {strides = array<i32>} : memref<32x1024xf32, #tpu.memory_space<vmem>>, vector<1x16xf32>,
      %swap3A_534 = vector.shape_cast %swap3A_533 : vector<1x16xf32> to vector<16xf32>
      %swap3A_535 = vector.shape_cast %add3A_530 : vector<16xf32> to vector<1x16xf32>
      tpu.vector_store %arg7[%swap3A_531, %swap3A_532], %swap3A_535 {strides = array<i32>} : memref<32x1024xf32, #tpu.memory_space<vmem>>, vector<1x16xf32>,
      %get3A_536 = arith.index_cast %scan3A_46 : i32 to index
      %get3A_537 = arith.constant 560 : index
      %get3A_538 = tpu.vector_load %arg7[%get3A_536, %get3A_537] {strides = array<i32>} : memref<32x1024xf32, #tpu.memory_space<vmem>>, vector<1x16xf32>,
      %get3A_539 = vector.shape_cast %get3A_538 : vector<1x16xf32> to vector<16xf32>
      %get3A_540 = arith.index_cast %scan3A_46 : i32 to index
      %get3A_541 = arith.constant 560 : index
      %get3A_542 = tpu.vector_load %arg8[%get3A_540, %get3A_541] {strides = array<i32>} : memref<32x1024xf32, #tpu.memory_space<vmem>>, vector<1x16xf32>,
      %get3A_543 = vector.shape_cast %get3A_542 : vector<1x16xf32> to vector<16xf32>
      %add3A_544 = arith.addf %get3A_539, %get3A_543 : vector<16xf32>
      %swap3A_545 = arith.index_cast %scan3A_46 : i32 to index
      %swap3A_546 = arith.constant 560 : index
      %swap3A_547 = tpu.vector_load %arg7[%swap3A_545, %swap3A_546] {strides = array<i32>} : memref<32x1024xf32, #tpu.memory_space<vmem>>, vector<1x16xf32>,
      %swap3A_548 = vector.shape_cast %swap3A_547 : vector<1x16xf32> to vector<16xf32>
      %swap3A_549 = vector.shape_cast %add3A_544 : vector<16xf32> to vector<1x16xf32>
      tpu.vector_store %arg7[%swap3A_545, %swap3A_546], %swap3A_549 {strides = array<i32>} : memref<32x1024xf32, #tpu.memory_space<vmem>>, vector<1x16xf32>,
      %get3A_550 = arith.index_cast %scan3A_46 : i32 to index
      %get3A_551 = arith.constant 576 : index
      %get3A_552 = tpu.vector_load %arg7[%get3A_550, %get3A_551] {strides = array<i32>} : memref<32x1024xf32, #tpu.memory_space<vmem>>, vector<1x16xf32>,
      %get3A_553 = vector.shape_cast %get3A_552 : vector<1x16xf32> to vector<16xf32>
      %get3A_554 = arith.index_cast %scan3A_46 : i32 to index
      %get3A_555 = arith.constant 576 : index
      %get3A_556 = tpu.vector_load %arg8[%get3A_554, %get3A_555] {strides = array<i32>} : memref<32x1024xf32, #tpu.memory_space<vmem>>, vector<1x16xf32>,
      %get3A_557 = vector.shape_cast %get3A_556 : vector<1x16xf32> to vector<16xf32>
      %add3A_558 = arith.addf %get3A_553, %get3A_557 : vector<16xf32>
      %swap3A_559 = arith.index_cast %scan3A_46 : i32 to index
      %swap3A_560 = arith.constant 576 : index
      %swap3A_561 = tpu.vector_load %arg7[%swap3A_559, %swap3A_560] {strides = array<i32>} : memref<32x1024xf32, #tpu.memory_space<vmem>>, vector<1x16xf32>,
      %swap3A_562 = vector.shape_cast %swap3A_561 : vector<1x16xf32> to vector<16xf32>
      %swap3A_563 = vector.shape_cast %add3A_558 : vector<16xf32> to vector<1x16xf32>
      tpu.vector_store %arg7[%swap3A_559, %swap3A_560], %swap3A_563 {strides = array<i32>} : memref<32x1024xf32, #tpu.memory_space<vmem>>, vector<1x16xf32>,
      %get3A_564 = arith.index_cast %scan3A_46 : i32 to index
      %get3A_565 = arith.constant 592 : index
      %get3A_566 = tpu.vector_load %arg7[%get3A_564, %get3A_565] {strides = array<i32>} : memref<32x1024xf32, #tpu.memory_space<vmem>>, vector<1x16xf32>,
      %get3A_567 = vector.shape_cast %get3A_566 : vector<1x16xf32> to vector<16xf32>
      %get3A_568 = arith.index_cast %scan3A_46 : i32 to index
      %get3A_569 = arith.constant 592 : index
      %get3A_570 = tpu.vector_load %arg8[%get3A_568, %get3A_569] {strides = array<i32>} : memref<32x1024xf32, #tpu.memory_space<vmem>>, vector<1x16xf32>,
      %get3A_571 = vector.shape_cast %get3A_570 : vector<1x16xf32> to vector<16xf32>
      %add3A_572 = arith.addf %get3A_567, %get3A_571 : vector<16xf32>
      %swap3A_573 = arith.index_cast %scan3A_46 : i32 to index
      %swap3A_574 = arith.constant 592 : index
      %swap3A_575 = tpu.vector_load %arg7[%swap3A_573, %swap3A_574] {strides = array<i32>} : memref<32x1024xf32, #tpu.memory_space<vmem>>, vector<1x16xf32>,
      %swap3A_576 = vector.shape_cast %swap3A_575 : vector<1x16xf32> to vector<16xf32>
      %swap3A_577 = vector.shape_cast %add3A_572 : vector<16xf32> to vector<1x16xf32>
      tpu.vector_store %arg7[%swap3A_573, %swap3A_574], %swap3A_577 {strides = array<i32>} : memref<32x1024xf32, #tpu.memory_space<vmem>>, vector<1x16xf32>,
      %get3A_578 = arith.index_cast %scan3A_46 : i32 to index
      %get3A_579 = arith.constant 608 : index
      %get3A_580 = tpu.vector_load %arg7[%get3A_578, %get3A_579] {strides = array<i32>} : memref<32x1024xf32, #tpu.memory_space<vmem>>, vector<1x16xf32>,
      %get3A_581 = vector.shape_cast %get3A_580 : vector<1x16xf32> to vector<16xf32>
      %get3A_582 = arith.index_cast %scan3A_46 : i32 to index
      %get3A_583 = arith.constant 608 : index
      %get3A_584 = tpu.vector_load %arg8[%get3A_582, %get3A_583] {strides = array<i32>} : memref<32x1024xf32, #tpu.memory_space<vmem>>, vector<1x16xf32>,
      %get3A_585 = vector.shape_cast %get3A_584 : vector<1x16xf32> to vector<16xf32>
      %add3A_586 = arith.addf %get3A_581, %get3A_585 : vector<16xf32>
      %swap3A_587 = arith.index_cast %scan3A_46 : i32 to index
      %swap3A_588 = arith.constant 608 : index
      %swap3A_589 = tpu.vector_load %arg7[%swap3A_587, %swap3A_588] {strides = array<i32>} : memref<32x1024xf32, #tpu.memory_space<vmem>>, vector<1x16xf32>,
      %swap3A_590 = vector.shape_cast %swap3A_589 : vector<1x16xf32> to vector<16xf32>
      %swap3A_591 = vector.shape_cast %add3A_586 : vector<16xf32> to vector<1x16xf32>
      tpu.vector_store %arg7[%swap3A_587, %swap3A_588], %swap3A_591 {strides = array<i32>} : memref<32x1024xf32, #tpu.memory_space<vmem>>, vector<1x16xf32>,
      %get3A_592 = arith.index_cast %scan3A_46 : i32 to index
      %get3A_593 = arith.constant 624 : index
      %get3A_594 = tpu.vector_load %arg7[%get3A_592, %get3A_593] {strides = array<i32>} : memref<32x1024xf32, #tpu.memory_space<vmem>>, vector<1x16xf32>,
      %get3A_595 = vector.shape_cast %get3A_594 : vector<1x16xf32> to vector<16xf32>
      %get3A_596 = arith.index_cast %scan3A_46 : i32 to index
      %get3A_597 = arith.constant 624 : index
      %get3A_598 = tpu.vector_load %arg8[%get3A_596, %get3A_597] {strides = array<i32>} : memref<32x1024xf32, #tpu.memory_space<vmem>>, vector<1x16xf32>,
      %get3A_599 = vector.shape_cast %get3A_598 : vector<1x16xf32> to vector<16xf32>
      %add3A_600 = arith.addf %get3A_595, %get3A_599 : vector<16xf32>
      %swap3A_601 = arith.index_cast %scan3A_46 : i32 to index
      %swap3A_602 = arith.constant 624 : index
      %swap3A_603 = tpu.vector_load %arg7[%swap3A_601, %swap3A_602] {strides = array<i32>} : memref<32x1024xf32, #tpu.memory_space<vmem>>, vector<1x16xf32>,
      %swap3A_604 = vector.shape_cast %swap3A_603 : vector<1x16xf32> to vector<16xf32>
      %swap3A_605 = vector.shape_cast %add3A_600 : vector<16xf32> to vector<1x16xf32>
      tpu.vector_store %arg7[%swap3A_601, %swap3A_602], %swap3A_605 {strides = array<i32>} : memref<32x1024xf32, #tpu.memory_space<vmem>>, vector<1x16xf32>,
      %get3A_606 = arith.index_cast %scan3A_46 : i32 to index
      %get3A_607 = arith.constant 640 : index
      %get3A_608 = tpu.vector_load %arg7[%get3A_606, %get3A_607] {strides = array<i32>} : memref<32x1024xf32, #tpu.memory_space<vmem>>, vector<1x16xf32>,
      %get3A_609 = vector.shape_cast %get3A_608 : vector<1x16xf32> to vector<16xf32>
      %get3A_610 = arith.index_cast %scan3A_46 : i32 to index
      %get3A_611 = arith.constant 640 : index
      %get3A_612 = tpu.vector_load %arg8[%get3A_610, %get3A_611] {strides = array<i32>} : memref<32x1024xf32, #tpu.memory_space<vmem>>, vector<1x16xf32>,
      %get3A_613 = vector.shape_cast %get3A_612 : vector<1x16xf32> to vector<16xf32>
      %add3A_614 = arith.addf %get3A_609, %get3A_613 : vector<16xf32>
      %swap3A_615 = arith.index_cast %scan3A_46 : i32 to index
      %swap3A_616 = arith.constant 640 : index
      %swap3A_617 = tpu.vector_load %arg7[%swap3A_615, %swap3A_616] {strides = array<i32>} : memref<32x1024xf32, #tpu.memory_space<vmem>>, vector<1x16xf32>,
      %swap3A_618 = vector.shape_cast %swap3A_617 : vector<1x16xf32> to vector<16xf32>
      %swap3A_619 = vector.shape_cast %add3A_614 : vector<16xf32> to vector<1x16xf32>
      tpu.vector_store %arg7[%swap3A_615, %swap3A_616], %swap3A_619 {strides = array<i32>} : memref<32x1024xf32, #tpu.memory_space<vmem>>, vector<1x16xf32>,
      %get3A_620 = arith.index_cast %scan3A_46 : i32 to index
      %get3A_621 = arith.constant 656 : index
      %get3A_622 = tpu.vector_load %arg7[%get3A_620, %get3A_621] {strides = array<i32>} : memref<32x1024xf32, #tpu.memory_space<vmem>>, vector<1x16xf32>,
      %get3A_623 = vector.shape_cast %get3A_622 : vector<1x16xf32> to vector<16xf32>
      %get3A_624 = arith.index_cast %scan3A_46 : i32 to index
      %get3A_625 = arith.constant 656 : index
      %get3A_626 = tpu.vector_load %arg8[%get3A_624, %get3A_625] {strides = array<i32>} : memref<32x1024xf32, #tpu.memory_space<vmem>>, vector<1x16xf32>,
      %get3A_627 = vector.shape_cast %get3A_626 : vector<1x16xf32> to vector<16xf32>
      %add3A_628 = arith.addf %get3A_623, %get3A_627 : vector<16xf32>
      %swap3A_629 = arith.index_cast %scan3A_46 : i32 to index
      %swap3A_630 = arith.constant 656 : index
      %swap3A_631 = tpu.vector_load %arg7[%swap3A_629, %swap3A_630] {strides = array<i32>} : memref<32x1024xf32, #tpu.memory_space<vmem>>, vector<1x16xf32>,
      %swap3A_632 = vector.shape_cast %swap3A_631 : vector<1x16xf32> to vector<16xf32>
      %swap3A_633 = vector.shape_cast %add3A_628 : vector<16xf32> to vector<1x16xf32>
      tpu.vector_store %arg7[%swap3A_629, %swap3A_630], %swap3A_633 {strides = array<i32>} : memref<32x1024xf32, #tpu.memory_space<vmem>>, vector<1x16xf32>,
      %get3A_634 = arith.index_cast %scan3A_46 : i32 to index
      %get3A_635 = arith.constant 672 : index
      %get3A_636 = tpu.vector_load %arg7[%get3A_634, %get3A_635] {strides = array<i32>} : memref<32x1024xf32, #tpu.memory_space<vmem>>, vector<1x16xf32>,
      %get3A_637 = vector.shape_cast %get3A_636 : vector<1x16xf32> to vector<16xf32>
      %get3A_638 = arith.index_cast %scan3A_46 : i32 to index
      %get3A_639 = arith.constant 672 : index
      %get3A_640 = tpu.vector_load %arg8[%get3A_638, %get3A_639] {strides = array<i32>} : memref<32x1024xf32, #tpu.memory_space<vmem>>, vector<1x16xf32>,
      %get3A_641 = vector.shape_cast %get3A_640 : vector<1x16xf32> to vector<16xf32>
      %add3A_642 = arith.addf %get3A_637, %get3A_641 : vector<16xf32>
      %swap3A_643 = arith.index_cast %scan3A_46 : i32 to index
      %swap3A_644 = arith.constant 672 : index
      %swap3A_645 = tpu.vector_load %arg7[%swap3A_643, %swap3A_644] {strides = array<i32>} : memref<32x1024xf32, #tpu.memory_space<vmem>>, vector<1x16xf32>,
      %swap3A_646 = vector.shape_cast %swap3A_645 : vector<1x16xf32> to vector<16xf32>
      %swap3A_647 = vector.shape_cast %add3A_642 : vector<16xf32> to vector<1x16xf32>
      tpu.vector_store %arg7[%swap3A_643, %swap3A_644], %swap3A_647 {strides = array<i32>} : memref<32x1024xf32, #tpu.memory_space<vmem>>, vector<1x16xf32>,
      %get3A_648 = arith.index_cast %scan3A_46 : i32 to index
      %get3A_649 = arith.constant 688 : index
      %get3A_650 = tpu.vector_load %arg7[%get3A_648, %get3A_649] {strides = array<i32>} : memref<32x1024xf32, #tpu.memory_space<vmem>>, vector<1x16xf32>,
      %get3A_651 = vector.shape_cast %get3A_650 : vector<1x16xf32> to vector<16xf32>
      %get3A_652 = arith.index_cast %scan3A_46 : i32 to index
      %get3A_653 = arith.constant 688 : index
      %get3A_654 = tpu.vector_load %arg8[%get3A_652, %get3A_653] {strides = array<i32>} : memref<32x1024xf32, #tpu.memory_space<vmem>>, vector<1x16xf32>,
      %get3A_655 = vector.shape_cast %get3A_654 : vector<1x16xf32> to vector<16xf32>
      %add3A_656 = arith.addf %get3A_651, %get3A_655 : vector<16xf32>
      %swap3A_657 = arith.index_cast %scan3A_46 : i32 to index
      %swap3A_658 = arith.constant 688 : index
      %swap3A_659 = tpu.vector_load %arg7[%swap3A_657, %swap3A_658] {strides = array<i32>} : memref<32x1024xf32, #tpu.memory_space<vmem>>, vector<1x16xf32>,
      %swap3A_660 = vector.shape_cast %swap3A_659 : vector<1x16xf32> to vector<16xf32>
      %swap3A_661 = vector.shape_cast %add3A_656 : vector<16xf32> to vector<1x16xf32>
      tpu.vector_store %arg7[%swap3A_657, %swap3A_658], %swap3A_661 {strides = array<i32>} : memref<32x1024xf32, #tpu.memory_space<vmem>>, vector<1x16xf32>,
      %get3A_662 = arith.index_cast %scan3A_46 : i32 to index
      %get3A_663 = arith.constant 704 : index
      %get3A_664 = tpu.vector_load %arg7[%get3A_662, %get3A_663] {strides = array<i32>} : memref<32x1024xf32, #tpu.memory_space<vmem>>, vector<1x16xf32>,
      %get3A_665 = vector.shape_cast %get3A_664 : vector<1x16xf32> to vector<16xf32>
      %get3A_666 = arith.index_cast %scan3A_46 : i32 to index
      %get3A_667 = arith.constant 704 : index
      %get3A_668 = tpu.vector_load %arg8[%get3A_666, %get3A_667] {strides = array<i32>} : memref<32x1024xf32, #tpu.memory_space<vmem>>, vector<1x16xf32>,
      %get3A_669 = vector.shape_cast %get3A_668 : vector<1x16xf32> to vector<16xf32>
      %add3A_670 = arith.addf %get3A_665, %get3A_669 : vector<16xf32>
      %swap3A_671 = arith.index_cast %scan3A_46 : i32 to index
      %swap3A_672 = arith.constant 704 : index
      %swap3A_673 = tpu.vector_load %arg7[%swap3A_671, %swap3A_672] {strides = array<i32>} : memref<32x1024xf32, #tpu.memory_space<vmem>>, vector<1x16xf32>,
      %swap3A_674 = vector.shape_cast %swap3A_673 : vector<1x16xf32> to vector<16xf32>
      %swap3A_675 = vector.shape_cast %add3A_670 : vector<16xf32> to vector<1x16xf32>
      tpu.vector_store %arg7[%swap3A_671, %swap3A_672], %swap3A_675 {strides = array<i32>} : memref<32x1024xf32, #tpu.memory_space<vmem>>, vector<1x16xf32>,
      %get3A_676 = arith.index_cast %scan3A_46 : i32 to index
      %get3A_677 = arith.constant 720 : index
      %get3A_678 = tpu.vector_load %arg7[%get3A_676, %get3A_677] {strides = array<i32>} : memref<32x1024xf32, #tpu.memory_space<vmem>>, vector<1x16xf32>,
      %get3A_679 = vector.shape_cast %get3A_678 : vector<1x16xf32> to vector<16xf32>
      %get3A_680 = arith.index_cast %scan3A_46 : i32 to index
      %get3A_681 = arith.constant 720 : index
      %get3A_682 = tpu.vector_load %arg8[%get3A_680, %get3A_681] {strides = array<i32>} : memref<32x1024xf32, #tpu.memory_space<vmem>>, vector<1x16xf32>,
      %get3A_683 = vector.shape_cast %get3A_682 : vector<1x16xf32> to vector<16xf32>
      %add3A_684 = arith.addf %get3A_679, %get3A_683 : vector<16xf32>
      %swap3A_685 = arith.index_cast %scan3A_46 : i32 to index
      %swap3A_686 = arith.constant 720 : index
      %swap3A_687 = tpu.vector_load %arg7[%swap3A_685, %swap3A_686] {strides = array<i32>} : memref<32x1024xf32, #tpu.memory_space<vmem>>, vector<1x16xf32>,
      %swap3A_688 = vector.shape_cast %swap3A_687 : vector<1x16xf32> to vector<16xf32>
      %swap3A_689 = vector.shape_cast %add3A_684 : vector<16xf32> to vector<1x16xf32>
      tpu.vector_store %arg7[%swap3A_685, %swap3A_686], %swap3A_689 {strides = array<i32>} : memref<32x1024xf32, #tpu.memory_space<vmem>>, vector<1x16xf32>,
      %get3A_690 = arith.index_cast %scan3A_46 : i32 to index
      %get3A_691 = arith.constant 736 : index
      %get3A_692 = tpu.vector_load %arg7[%get3A_690, %get3A_691] {strides = array<i32>} : memref<32x1024xf32, #tpu.memory_space<vmem>>, vector<1x16xf32>,
      %get3A_693 = vector.shape_cast %get3A_692 : vector<1x16xf32> to vector<16xf32>
      %get3A_694 = arith.index_cast %scan3A_46 : i32 to index
      %get3A_695 = arith.constant 736 : index
      %get3A_696 = tpu.vector_load %arg8[%get3A_694, %get3A_695] {strides = array<i32>} : memref<32x1024xf32, #tpu.memory_space<vmem>>, vector<1x16xf32>,
      %get3A_697 = vector.shape_cast %get3A_696 : vector<1x16xf32> to vector<16xf32>
      %add3A_698 = arith.addf %get3A_693, %get3A_697 : vector<16xf32>
      %swap3A_699 = arith.index_cast %scan3A_46 : i32 to index
      %swap3A_700 = arith.constant 736 : index
      %swap3A_701 = tpu.vector_load %arg7[%swap3A_699, %swap3A_700] {strides = array<i32>} : memref<32x1024xf32, #tpu.memory_space<vmem>>, vector<1x16xf32>,
      %swap3A_702 = vector.shape_cast %swap3A_701 : vector<1x16xf32> to vector<16xf32>
      %swap3A_703 = vector.shape_cast %add3A_698 : vector<16xf32> to vector<1x16xf32>
      tpu.vector_store %arg7[%swap3A_699, %swap3A_700], %swap3A_703 {strides = array<i32>} : memref<32x1024xf32, #tpu.memory_space<vmem>>, vector<1x16xf32>,
      %get3A_704 = arith.index_cast %scan3A_46 : i32 to index
      %get3A_705 = arith.constant 752 : index
      %get3A_706 = tpu.vector_load %arg7[%get3A_704, %get3A_705] {strides = array<i32>} : memref<32x1024xf32, #tpu.memory_space<vmem>>, vector<1x16xf32>,
      %get3A_707 = vector.shape_cast %get3A_706 : vector<1x16xf32> to vector<16xf32>
      %get3A_708 = arith.index_cast %scan3A_46 : i32 to index
      %get3A_709 = arith.constant 752 : index
      %get3A_710 = tpu.vector_load %arg8[%get3A_708, %get3A_709] {strides = array<i32>} : memref<32x1024xf32, #tpu.memory_space<vmem>>, vector<1x16xf32>,
      %get3A_711 = vector.shape_cast %get3A_710 : vector<1x16xf32> to vector<16xf32>
      %add3A_712 = arith.addf %get3A_707, %get3A_711 : vector<16xf32>
      %swap3A_713 = arith.index_cast %scan3A_46 : i32 to index
      %swap3A_714 = arith.constant 752 : index
      %swap3A_715 = tpu.vector_load %arg7[%swap3A_713, %swap3A_714] {strides = array<i32>} : memref<32x1024xf32, #tpu.memory_space<vmem>>, vector<1x16xf32>,
      %swap3A_716 = vector.shape_cast %swap3A_715 : vector<1x16xf32> to vector<16xf32>
      %swap3A_717 = vector.shape_cast %add3A_712 : vector<16xf32> to vector<1x16xf32>
      tpu.vector_store %arg7[%swap3A_713, %swap3A_714], %swap3A_717 {strides = array<i32>} : memref<32x1024xf32, #tpu.memory_space<vmem>>, vector<1x16xf32>,
      %get3A_718 = arith.index_cast %scan3A_46 : i32 to index
      %get3A_719 = arith.constant 768 : index
      %get3A_720 = tpu.vector_load %arg7[%get3A_718, %get3A_719] {strides = array<i32>} : memref<32x1024xf32, #tpu.memory_space<vmem>>, vector<1x16xf32>,
      %get3A_721 = vector.shape_cast %get3A_720 : vector<1x16xf32> to vector<16xf32>
      %get3A_722 = arith.index_cast %scan3A_46 : i32 to index
      %get3A_723 = arith.constant 768 : index
      %get3A_724 = tpu.vector_load %arg8[%get3A_722, %get3A_723] {strides = array<i32>} : memref<32x1024xf32, #tpu.memory_space<vmem>>, vector<1x16xf32>,
      %get3A_725 = vector.shape_cast %get3A_724 : vector<1x16xf32> to vector<16xf32>
      %add3A_726 = arith.addf %get3A_721, %get3A_725 : vector<16xf32>
      %swap3A_727 = arith.index_cast %scan3A_46 : i32 to index
      %swap3A_728 = arith.constant 768 : index
      %swap3A_729 = tpu.vector_load %arg7[%swap3A_727, %swap3A_728] {strides = array<i32>} : memref<32x1024xf32, #tpu.memory_space<vmem>>, vector<1x16xf32>,
      %swap3A_730 = vector.shape_cast %swap3A_729 : vector<1x16xf32> to vector<16xf32>
      %swap3A_731 = vector.shape_cast %add3A_726 : vector<16xf32> to vector<1x16xf32>
      tpu.vector_store %arg7[%swap3A_727, %swap3A_728], %swap3A_731 {strides = array<i32>} : memref<32x1024xf32, #tpu.memory_space<vmem>>, vector<1x16xf32>,
      %get3A_732 = arith.index_cast %scan3A_46 : i32 to index
      %get3A_733 = arith.constant 784 : index
      %get3A_734 = tpu.vector_load %arg7[%get3A_732, %get3A_733] {strides = array<i32>} : memref<32x1024xf32, #tpu.memory_space<vmem>>, vector<1x16xf32>,
      %get3A_735 = vector.shape_cast %get3A_734 : vector<1x16xf32> to vector<16xf32>
      %get3A_736 = arith.index_cast %scan3A_46 : i32 to index
      %get3A_737 = arith.constant 784 : index
      %get3A_738 = tpu.vector_load %arg8[%get3A_736, %get3A_737] {strides = array<i32>} : memref<32x1024xf32, #tpu.memory_space<vmem>>, vector<1x16xf32>,
      %get3A_739 = vector.shape_cast %get3A_738 : vector<1x16xf32> to vector<16xf32>
      %add3A_740 = arith.addf %get3A_735, %get3A_739 : vector<16xf32>
      %swap3A_741 = arith.index_cast %scan3A_46 : i32 to index
      %swap3A_742 = arith.constant 784 : index
      %swap3A_743 = tpu.vector_load %arg7[%swap3A_741, %swap3A_742] {strides = array<i32>} : memref<32x1024xf32, #tpu.memory_space<vmem>>, vector<1x16xf32>,
      %swap3A_744 = vector.shape_cast %swap3A_743 : vector<1x16xf32> to vector<16xf32>
      %swap3A_745 = vector.shape_cast %add3A_740 : vector<16xf32> to vector<1x16xf32>
      tpu.vector_store %arg7[%swap3A_741, %swap3A_742], %swap3A_745 {strides = array<i32>} : memref<32x1024xf32, #tpu.memory_space<vmem>>, vector<1x16xf32>,
      %get3A_746 = arith.index_cast %scan3A_46 : i32 to index
      %get3A_747 = arith.constant 800 : index
      %get3A_748 = tpu.vector_load %arg7[%get3A_746, %get3A_747] {strides = array<i32>} : memref<32x1024xf32, #tpu.memory_space<vmem>>, vector<1x16xf32>,
      %get3A_749 = vector.shape_cast %get3A_748 : vector<1x16xf32> to vector<16xf32>
      %get3A_750 = arith.index_cast %scan3A_46 : i32 to index
      %get3A_751 = arith.constant 800 : index
      %get3A_752 = tpu.vector_load %arg8[%get3A_750, %get3A_751] {strides = array<i32>} : memref<32x1024xf32, #tpu.memory_space<vmem>>, vector<1x16xf32>,
      %get3A_753 = vector.shape_cast %get3A_752 : vector<1x16xf32> to vector<16xf32>
      %add3A_754 = arith.addf %get3A_749, %get3A_753 : vector<16xf32>
      %swap3A_755 = arith.index_cast %scan3A_46 : i32 to index
      %swap3A_756 = arith.constant 800 : index
      %swap3A_757 = tpu.vector_load %arg7[%swap3A_755, %swap3A_756] {strides = array<i32>} : memref<32x1024xf32, #tpu.memory_space<vmem>>, vector<1x16xf32>,
      %swap3A_758 = vector.shape_cast %swap3A_757 : vector<1x16xf32> to vector<16xf32>
      %swap3A_759 = vector.shape_cast %add3A_754 : vector<16xf32> to vector<1x16xf32>
      tpu.vector_store %arg7[%swap3A_755, %swap3A_756], %swap3A_759 {strides = array<i32>} : memref<32x1024xf32, #tpu.memory_space<vmem>>, vector<1x16xf32>,
      %get3A_760 = arith.index_cast %scan3A_46 : i32 to index
      %get3A_761 = arith.constant 816 : index
      %get3A_762 = tpu.vector_load %arg7[%get3A_760, %get3A_761] {strides = array<i32>} : memref<32x1024xf32, #tpu.memory_space<vmem>>, vector<1x16xf32>,
      %get3A_763 = vector.shape_cast %get3A_762 : vector<1x16xf32> to vector<16xf32>
      %get3A_764 = arith.index_cast %scan3A_46 : i32 to index
      %get3A_765 = arith.constant 816 : index
      %get3A_766 = tpu.vector_load %arg8[%get3A_764, %get3A_765] {strides = array<i32>} : memref<32x1024xf32, #tpu.memory_space<vmem>>, vector<1x16xf32>,
      %get3A_767 = vector.shape_cast %get3A_766 : vector<1x16xf32> to vector<16xf32>
      %add3A_768 = arith.addf %get3A_763, %get3A_767 : vector<16xf32>
      %swap3A_769 = arith.index_cast %scan3A_46 : i32 to index
      %swap3A_770 = arith.constant 816 : index
      %swap3A_771 = tpu.vector_load %arg7[%swap3A_769, %swap3A_770] {strides = array<i32>} : memref<32x1024xf32, #tpu.memory_space<vmem>>, vector<1x16xf32>,
      %swap3A_772 = vector.shape_cast %swap3A_771 : vector<1x16xf32> to vector<16xf32>
      %swap3A_773 = vector.shape_cast %add3A_768 : vector<16xf32> to vector<1x16xf32>
      tpu.vector_store %arg7[%swap3A_769, %swap3A_770], %swap3A_773 {strides = array<i32>} : memref<32x1024xf32, #tpu.memory_space<vmem>>, vector<1x16xf32>,
      %get3A_774 = arith.index_cast %scan3A_46 : i32 to index
      %get3A_775 = arith.constant 832 : index
      %get3A_776 = tpu.vector_load %arg7[%get3A_774, %get3A_775] {strides = array<i32>} : memref<32x1024xf32, #tpu.memory_space<vmem>>, vector<1x16xf32>,
      %get3A_777 = vector.shape_cast %get3A_776 : vector<1x16xf32> to vector<16xf32>
      %get3A_778 = arith.index_cast %scan3A_46 : i32 to index
      %get3A_779 = arith.constant 832 : index
      %get3A_780 = tpu.vector_load %arg8[%get3A_778, %get3A_779] {strides = array<i32>} : memref<32x1024xf32, #tpu.memory_space<vmem>>, vector<1x16xf32>,
      %get3A_781 = vector.shape_cast %get3A_780 : vector<1x16xf32> to vector<16xf32>
      %add3A_782 = arith.addf %get3A_777, %get3A_781 : vector<16xf32>
      %swap3A_783 = arith.index_cast %scan3A_46 : i32 to index
      %swap3A_784 = arith.constant 832 : index
      %swap3A_785 = tpu.vector_load %arg7[%swap3A_783, %swap3A_784] {strides = array<i32>} : memref<32x1024xf32, #tpu.memory_space<vmem>>, vector<1x16xf32>,
      %swap3A_786 = vector.shape_cast %swap3A_785 : vector<1x16xf32> to vector<16xf32>
      %swap3A_787 = vector.shape_cast %add3A_782 : vector<16xf32> to vector<1x16xf32>
      tpu.vector_store %arg7[%swap3A_783, %swap3A_784], %swap3A_787 {strides = array<i32>} : memref<32x1024xf32, #tpu.memory_space<vmem>>, vector<1x16xf32>,
      %get3A_788 = arith.index_cast %scan3A_46 : i32 to index
      %get3A_789 = arith.constant 848 : index
      %get3A_790 = tpu.vector_load %arg7[%get3A_788, %get3A_789] {strides = array<i32>} : memref<32x1024xf32, #tpu.memory_space<vmem>>, vector<1x16xf32>,
      %get3A_791 = vector.shape_cast %get3A_790 : vector<1x16xf32> to vector<16xf32>
      %get3A_792 = arith.index_cast %scan3A_46 : i32 to index
      %get3A_793 = arith.constant 848 : index
      %get3A_794 = tpu.vector_load %arg8[%get3A_792, %get3A_793] {strides = array<i32>} : memref<32x1024xf32, #tpu.memory_space<vmem>>, vector<1x16xf32>,
      %get3A_795 = vector.shape_cast %get3A_794 : vector<1x16xf32> to vector<16xf32>
      %add3A_796 = arith.addf %get3A_791, %get3A_795 : vector<16xf32>
      %swap3A_797 = arith.index_cast %scan3A_46 : i32 to index
      %swap3A_798 = arith.constant 848 : index
      %swap3A_799 = tpu.vector_load %arg7[%swap3A_797, %swap3A_798] {strides = array<i32>} : memref<32x1024xf32, #tpu.memory_space<vmem>>, vector<1x16xf32>,
      %swap3A_800 = vector.shape_cast %swap3A_799 : vector<1x16xf32> to vector<16xf32>
      %swap3A_801 = vector.shape_cast %add3A_796 : vector<16xf32> to vector<1x16xf32>
      tpu.vector_store %arg7[%swap3A_797, %swap3A_798], %swap3A_801 {strides = array<i32>} : memref<32x1024xf32, #tpu.memory_space<vmem>>, vector<1x16xf32>,
      %get3A_802 = arith.index_cast %scan3A_46 : i32 to index
      %get3A_803 = arith.constant 864 : index
      %get3A_804 = tpu.vector_load %arg7[%get3A_802, %get3A_803] {strides = array<i32>} : memref<32x1024xf32, #tpu.memory_space<vmem>>, vector<1x16xf32>,
      %get3A_805 = vector.shape_cast %get3A_804 : vector<1x16xf32> to vector<16xf32>
      %get3A_806 = arith.index_cast %scan3A_46 : i32 to index
      %get3A_807 = arith.constant 864 : index
      %get3A_808 = tpu.vector_load %arg8[%get3A_806, %get3A_807] {strides = array<i32>} : memref<32x1024xf32, #tpu.memory_space<vmem>>, vector<1x16xf32>,
      %get3A_809 = vector.shape_cast %get3A_808 : vector<1x16xf32> to vector<16xf32>
      %add3A_810 = arith.addf %get3A_805, %get3A_809 : vector<16xf32>
      %swap3A_811 = arith.index_cast %scan3A_46 : i32 to index
      %swap3A_812 = arith.constant 864 : index
      %swap3A_813 = tpu.vector_load %arg7[%swap3A_811, %swap3A_812] {strides = array<i32>} : memref<32x1024xf32, #tpu.memory_space<vmem>>, vector<1x16xf32>,
      %swap3A_814 = vector.shape_cast %swap3A_813 : vector<1x16xf32> to vector<16xf32>
      %swap3A_815 = vector.shape_cast %add3A_810 : vector<16xf32> to vector<1x16xf32>
      tpu.vector_store %arg7[%swap3A_811, %swap3A_812], %swap3A_815 {strides = array<i32>} : memref<32x1024xf32, #tpu.memory_space<vmem>>, vector<1x16xf32>,
      %get3A_816 = arith.index_cast %scan3A_46 : i32 to index
      %get3A_817 = arith.constant 880 : index
      %get3A_818 = tpu.vector_load %arg7[%get3A_816, %get3A_817] {strides = array<i32>} : memref<32x1024xf32, #tpu.memory_space<vmem>>, vector<1x16xf32>,
      %get3A_819 = vector.shape_cast %get3A_818 : vector<1x16xf32> to vector<16xf32>
      %get3A_820 = arith.index_cast %scan3A_46 : i32 to index
      %get3A_821 = arith.constant 880 : index
      %get3A_822 = tpu.vector_load %arg8[%get3A_820, %get3A_821] {strides = array<i32>} : memref<32x1024xf32, #tpu.memory_space<vmem>>, vector<1x16xf32>,
      %get3A_823 = vector.shape_cast %get3A_822 : vector<1x16xf32> to vector<16xf32>
      %add3A_824 = arith.addf %get3A_819, %get3A_823 : vector<16xf32>
      %swap3A_825 = arith.index_cast %scan3A_46 : i32 to index
      %swap3A_826 = arith.constant 880 : index
      %swap3A_827 = tpu.vector_load %arg7[%swap3A_825, %swap3A_826] {strides = array<i32>} : memref<32x1024xf32, #tpu.memory_space<vmem>>, vector<1x16xf32>,
      %swap3A_828 = vector.shape_cast %swap3A_827 : vector<1x16xf32> to vector<16xf32>
      %swap3A_829 = vector.shape_cast %add3A_824 : vector<16xf32> to vector<1x16xf32>
      tpu.vector_store %arg7[%swap3A_825, %swap3A_826], %swap3A_829 {strides = array<i32>} : memref<32x1024xf32, #tpu.memory_space<vmem>>, vector<1x16xf32>,
      %get3A_830 = arith.index_cast %scan3A_46 : i32 to index
      %get3A_831 = arith.constant 896 : index
      %get3A_832 = tpu.vector_load %arg7[%get3A_830, %get3A_831] {strides = array<i32>} : memref<32x1024xf32, #tpu.memory_space<vmem>>, vector<1x16xf32>,
      %get3A_833 = vector.shape_cast %get3A_832 : vector<1x16xf32> to vector<16xf32>
      %get3A_834 = arith.index_cast %scan3A_46 : i32 to index
      %get3A_835 = arith.constant 896 : index
      %get3A_836 = tpu.vector_load %arg8[%get3A_834, %get3A_835] {strides = array<i32>} : memref<32x1024xf32, #tpu.memory_space<vmem>>, vector<1x16xf32>,
      %get3A_837 = vector.shape_cast %get3A_836 : vector<1x16xf32> to vector<16xf32>
      %add3A_838 = arith.addf %get3A_833, %get3A_837 : vector<16xf32>
      %swap3A_839 = arith.index_cast %scan3A_46 : i32 to index
      %swap3A_840 = arith.constant 896 : index
      %swap3A_841 = tpu.vector_load %arg7[%swap3A_839, %swap3A_840] {strides = array<i32>} : memref<32x1024xf32, #tpu.memory_space<vmem>>, vector<1x16xf32>,
      %swap3A_842 = vector.shape_cast %swap3A_841 : vector<1x16xf32> to vector<16xf32>
      %swap3A_843 = vector.shape_cast %add3A_838 : vector<16xf32> to vector<1x16xf32>
      tpu.vector_store %arg7[%swap3A_839, %swap3A_840], %swap3A_843 {strides = array<i32>} : memref<32x1024xf32, #tpu.memory_space<vmem>>, vector<1x16xf32>,
      %get3A_844 = arith.index_cast %scan3A_46 : i32 to index
      %get3A_845 = arith.constant 912 : index
      %get3A_846 = tpu.vector_load %arg7[%get3A_844, %get3A_845] {strides = array<i32>} : memref<32x1024xf32, #tpu.memory_space<vmem>>, vector<1x16xf32>,
      %get3A_847 = vector.shape_cast %get3A_846 : vector<1x16xf32> to vector<16xf32>
      %get3A_848 = arith.index_cast %scan3A_46 : i32 to index
      %get3A_849 = arith.constant 912 : index
      %get3A_850 = tpu.vector_load %arg8[%get3A_848, %get3A_849] {strides = array<i32>} : memref<32x1024xf32, #tpu.memory_space<vmem>>, vector<1x16xf32>,
      %get3A_851 = vector.shape_cast %get3A_850 : vector<1x16xf32> to vector<16xf32>
      %add3A_852 = arith.addf %get3A_847, %get3A_851 : vector<16xf32>
      %swap3A_853 = arith.index_cast %scan3A_46 : i32 to index
      %swap3A_854 = arith.constant 912 : index
      %swap3A_855 = tpu.vector_load %arg7[%swap3A_853, %swap3A_854] {strides = array<i32>} : memref<32x1024xf32, #tpu.memory_space<vmem>>, vector<1x16xf32>,
      %swap3A_856 = vector.shape_cast %swap3A_855 : vector<1x16xf32> to vector<16xf32>
      %swap3A_857 = vector.shape_cast %add3A_852 : vector<16xf32> to vector<1x16xf32>
      tpu.vector_store %arg7[%swap3A_853, %swap3A_854], %swap3A_857 {strides = array<i32>} : memref<32x1024xf32, #tpu.memory_space<vmem>>, vector<1x16xf32>,
      %get3A_858 = arith.index_cast %scan3A_46 : i32 to index
      %get3A_859 = arith.constant 928 : index
      %get3A_860 = tpu.vector_load %arg7[%get3A_858, %get3A_859] {strides = array<i32>} : memref<32x1024xf32, #tpu.memory_space<vmem>>, vector<1x16xf32>,
      %get3A_861 = vector.shape_cast %get3A_860 : vector<1x16xf32> to vector<16xf32>
      %get3A_862 = arith.index_cast %scan3A_46 : i32 to index
      %get3A_863 = arith.constant 928 : index
      %get3A_864 = tpu.vector_load %arg8[%get3A_862, %get3A_863] {strides = array<i32>} : memref<32x1024xf32, #tpu.memory_space<vmem>>, vector<1x16xf32>,
      %get3A_865 = vector.shape_cast %get3A_864 : vector<1x16xf32> to vector<16xf32>
      %add3A_866 = arith.addf %get3A_861, %get3A_865 : vector<16xf32>
      %swap3A_867 = arith.index_cast %scan3A_46 : i32 to index
      %swap3A_868 = arith.constant 928 : index
      %swap3A_869 = tpu.vector_load %arg7[%swap3A_867, %swap3A_868] {strides = array<i32>} : memref<32x1024xf32, #tpu.memory_space<vmem>>, vector<1x16xf32>,
      %swap3A_870 = vector.shape_cast %swap3A_869 : vector<1x16xf32> to vector<16xf32>
      %swap3A_871 = vector.shape_cast %add3A_866 : vector<16xf32> to vector<1x16xf32>
      tpu.vector_store %arg7[%swap3A_867, %swap3A_868], %swap3A_871 {strides = array<i32>} : memref<32x1024xf32, #tpu.memory_space<vmem>>, vector<1x16xf32>,
      %get3A_872 = arith.index_cast %scan3A_46 : i32 to index
      %get3A_873 = arith.constant 944 : index
      %get3A_874 = tpu.vector_load %arg7[%get3A_872, %get3A_873] {strides = array<i32>} : memref<32x1024xf32, #tpu.memory_space<vmem>>, vector<1x16xf32>,
      %get3A_875 = vector.shape_cast %get3A_874 : vector<1x16xf32> to vector<16xf32>
      %get3A_876 = arith.index_cast %scan3A_46 : i32 to index
      %get3A_877 = arith.constant 944 : index
      %get3A_878 = tpu.vector_load %arg8[%get3A_876, %get3A_877] {strides = array<i32>} : memref<32x1024xf32, #tpu.memory_space<vmem>>, vector<1x16xf32>,
      %get3A_879 = vector.shape_cast %get3A_878 : vector<1x16xf32> to vector<16xf32>
      %add3A_880 = arith.addf %get3A_875, %get3A_879 : vector<16xf32>
      %swap3A_881 = arith.index_cast %scan3A_46 : i32 to index
      %swap3A_882 = arith.constant 944 : index
      %swap3A_883 = tpu.vector_load %arg7[%swap3A_881, %swap3A_882] {strides = array<i32>} : memref<32x1024xf32, #tpu.memory_space<vmem>>, vector<1x16xf32>,
      %swap3A_884 = vector.shape_cast %swap3A_883 : vector<1x16xf32> to vector<16xf32>
      %swap3A_885 = vector.shape_cast %add3A_880 : vector<16xf32> to vector<1x16xf32>
      tpu.vector_store %arg7[%swap3A_881, %swap3A_882], %swap3A_885 {strides = array<i32>} : memref<32x1024xf32, #tpu.memory_space<vmem>>, vector<1x16xf32>,
      %get3A_886 = arith.index_cast %scan3A_46 : i32 to index
      %get3A_887 = arith.constant 960 : index
      %get3A_888 = tpu.vector_load %arg7[%get3A_886, %get3A_887] {strides = array<i32>} : memref<32x1024xf32, #tpu.memory_space<vmem>>, vector<1x16xf32>,
      %get3A_889 = vector.shape_cast %get3A_888 : vector<1x16xf32> to vector<16xf32>
      %get3A_890 = arith.index_cast %scan3A_46 : i32 to index
      %get3A_891 = arith.constant 960 : index
      %get3A_892 = tpu.vector_load %arg8[%get3A_890, %get3A_891] {strides = array<i32>} : memref<32x1024xf32, #tpu.memory_space<vmem>>, vector<1x16xf32>,
      %get3A_893 = vector.shape_cast %get3A_892 : vector<1x16xf32> to vector<16xf32>
      %add3A_894 = arith.addf %get3A_889, %get3A_893 : vector<16xf32>
      %swap3A_895 = arith.index_cast %scan3A_46 : i32 to index
      %swap3A_896 = arith.constant 960 : index
      %swap3A_897 = tpu.vector_load %arg7[%swap3A_895, %swap3A_896] {strides = array<i32>} : memref<32x1024xf32, #tpu.memory_space<vmem>>, vector<1x16xf32>,
      %swap3A_898 = vector.shape_cast %swap3A_897 : vector<1x16xf32> to vector<16xf32>
      %swap3A_899 = vector.shape_cast %add3A_894 : vector<16xf32> to vector<1x16xf32>
      tpu.vector_store %arg7[%swap3A_895, %swap3A_896], %swap3A_899 {strides = array<i32>} : memref<32x1024xf32, #tpu.memory_space<vmem>>, vector<1x16xf32>,
      %get3A_900 = arith.index_cast %scan3A_46 : i32 to index
      %get3A_901 = arith.constant 976 : index
      %get3A_902 = tpu.vector_load %arg7[%get3A_900, %get3A_901] {strides = array<i32>} : memref<32x1024xf32, #tpu.memory_space<vmem>>, vector<1x16xf32>,
      %get3A_903 = vector.shape_cast %get3A_902 : vector<1x16xf32> to vector<16xf32>
      %get3A_904 = arith.index_cast %scan3A_46 : i32 to index
      %get3A_905 = arith.constant 976 : index
      %get3A_906 = tpu.vector_load %arg8[%get3A_904, %get3A_905] {strides = array<i32>} : memref<32x1024xf32, #tpu.memory_space<vmem>>, vector<1x16xf32>,
      %get3A_907 = vector.shape_cast %get3A_906 : vector<1x16xf32> to vector<16xf32>
      %add3A_908 = arith.addf %get3A_903, %get3A_907 : vector<16xf32>
      %swap3A_909 = arith.index_cast %scan3A_46 : i32 to index
      %swap3A_910 = arith.constant 976 : index
      %swap3A_911 = tpu.vector_load %arg7[%swap3A_909, %swap3A_910] {strides = array<i32>} : memref<32x1024xf32, #tpu.memory_space<vmem>>, vector<1x16xf32>,
      %swap3A_912 = vector.shape_cast %swap3A_911 : vector<1x16xf32> to vector<16xf32>
      %swap3A_913 = vector.shape_cast %add3A_908 : vector<16xf32> to vector<1x16xf32>
      tpu.vector_store %arg7[%swap3A_909, %swap3A_910], %swap3A_913 {strides = array<i32>} : memref<32x1024xf32, #tpu.memory_space<vmem>>, vector<1x16xf32>,
      %get3A_914 = arith.index_cast %scan3A_46 : i32 to index
      %get3A_915 = arith.constant 992 : index
      %get3A_916 = tpu.vector_load %arg7[%get3A_914, %get3A_915] {strides = array<i32>} : memref<32x1024xf32, #tpu.memory_space<vmem>>, vector<1x16xf32>,
      %get3A_917 = vector.shape_cast %get3A_916 : vector<1x16xf32> to vector<16xf32>
      %get3A_918 = arith.index_cast %scan3A_46 : i32 to index
      %get3A_919 = arith.constant 992 : index
      %get3A_920 = tpu.vector_load %arg8[%get3A_918, %get3A_919] {strides = array<i32>} : memref<32x1024xf32, #tpu.memory_space<vmem>>, vector<1x16xf32>,
      %get3A_921 = vector.shape_cast %get3A_920 : vector<1x16xf32> to vector<16xf32>
      %add3A_922 = arith.addf %get3A_917, %get3A_921 : vector<16xf32>
      %swap3A_923 = arith.index_cast %scan3A_46 : i32 to index
      %swap3A_924 = arith.constant 992 : index
      %swap3A_925 = tpu.vector_load %arg7[%swap3A_923, %swap3A_924] {strides = array<i32>} : memref<32x1024xf32, #tpu.memory_space<vmem>>, vector<1x16xf32>,
      %swap3A_926 = vector.shape_cast %swap3A_925 : vector<1x16xf32> to vector<16xf32>
      %swap3A_927 = vector.shape_cast %add3A_922 : vector<16xf32> to vector<1x16xf32>
      tpu.vector_store %arg7[%swap3A_923, %swap3A_924], %swap3A_927 {strides = array<i32>} : memref<32x1024xf32, #tpu.memory_space<vmem>>, vector<1x16xf32>,
      %get3A_928 = arith.index_cast %scan3A_46 : i32 to index
      %get3A_929 = arith.constant 1008 : index
      %get3A_930 = tpu.vector_load %arg7[%get3A_928, %get3A_929] {strides = array<i32>} : memref<32x1024xf32, #tpu.memory_space<vmem>>, vector<1x16xf32>,
      %get3A_931 = vector.shape_cast %get3A_930 : vector<1x16xf32> to vector<16xf32>
      %get3A_932 = arith.index_cast %scan3A_46 : i32 to index
      %get3A_933 = arith.constant 1008 : index
      %get3A_934 = tpu.vector_load %arg8[%get3A_932, %get3A_933] {strides = array<i32>} : memref<32x1024xf32, #tpu.memory_space<vmem>>, vector<1x16xf32>,
      %get3A_935 = vector.shape_cast %get3A_934 : vector<1x16xf32> to vector<16xf32>
      %add3A_936 = arith.addf %get3A_931, %get3A_935 : vector<16xf32>
      %swap3A_937 = arith.index_cast %scan3A_46 : i32 to index
      %swap3A_938 = arith.constant 1008 : index
      %swap3A_939 = tpu.vector_load %arg7[%swap3A_937, %swap3A_938] {strides = array<i32>} : memref<32x1024xf32, #tpu.memory_space<vmem>>, vector<1x16xf32>,
      %swap3A_940 = vector.shape_cast %swap3A_939 : vector<1x16xf32> to vector<16xf32>
      %swap3A_941 = vector.shape_cast %add3A_936 : vector<16xf32> to vector<1x16xf32>
      tpu.vector_store %arg7[%swap3A_937, %swap3A_938], %swap3A_941 {strides = array<i32>} : memref<32x1024xf32, #tpu.memory_space<vmem>>, vector<1x16xf32>,
      %scan3A_942 = arith.constant 0 : i32
      scf.yield %scan3A_942 : i32
    }
    %scan3A_22 = arith.constant 32 : i32
    "tpu.region"() ({
      %run_scoped3A = tpu.sem_alloc : memref<!tpu.dma_semaphore, #tpu.memory_space<semaphore_mem>>
      %dma_start3A_46 = arith.constant 0 : i32
      %dma_start3A_47 = tpu.memref_slice %arg4[%add3A_4, %dma_start3A_46] : memref<2048x1024xf32, #tpu.memory_space<hbm>> -> memref<32x1024xf32, #tpu.memory_space<hbm>>
      %dma_start3A_48 = arith.constant 0 : i32
      %dma_start3A_49 = tpu.memref_slice %arg4[%add3A_4, %dma_start3A_48] : memref<2048x1024xf32, #tpu.memory_space<hbm>> -> memref<32x1024xf32, #tpu.memory_space<hbm>>
      tpu.enqueue_dma source(%arg7 : memref<32x1024xf32, #tpu.memory_space<vmem>>) target(%dma_start3A_49 : memref<32x1024xf32, #tpu.memory_space<hbm>>) target_semaphore(%run_scoped3A : memref<!tpu.dma_semaphore, #tpu.memory_space<semaphore_mem>>)
      %dma_wait3A_50 = arith.constant 0 : i32
      %dma_wait3A_51 = tpu.memref_slice %arg4[%add3A_4, %dma_wait3A_50] : memref<2048x1024xf32, #tpu.memory_space<hbm>> -> memref<32x1024xf32, #tpu.memory_space<hbm>>
      %dma_wait3A_52 = arith.constant 0 : i32
      %dma_wait3A_53 = tpu.memref_slice %arg4[%add3A_4, %dma_wait3A_52] : memref<2048x1024xf32, #tpu.memory_space<hbm>> -> memref<32x1024xf32, #tpu.memory_space<hbm>>
      tpu.wait_dma2 semaphore(%run_scoped3A : memref<!tpu.dma_semaphore, #tpu.memory_space<semaphore_mem>>) src(%arg7 : memref<32x1024xf32, #tpu.memory_space<vmem>>) dst(%dma_wait3A_53 : memref<32x1024xf32, #tpu.memory_space<hbm>>)
      tpu.yield
    }) : () -> ()
    %add3A_23 = arith.constant 32 : i32
    %add3A_24 = arith.addi %mul3A_2, %add3A_23 : i32
    "tpu.region"() ({
      %run_scoped3A = tpu.sem_alloc : memref<!tpu.dma_semaphore, #tpu.memory_space<semaphore_mem>>
      %dma_start3A_46 = tpu.memref_slice %arg3[%add3A_24] : memref<4096xi32, #tpu.memory_space<hbm>> -> memref<32xi32, #tpu.memory_space<hbm>>
      %dma_start3A_47 = tpu.memref_slice %arg3[%add3A_24] : memref<4096xi32, #tpu.memory_space<hbm>> -> memref<32xi32, #tpu.memory_space<hbm>>
      tpu.enqueue_dma source(%dma_start3A_47 : memref<32xi32, #tpu.memory_space<hbm>>) target(%arg5 : memref<32xi32, #tpu.memory_space<vmem>>) target_semaphore(%run_scoped3A : memref<!tpu.dma_semaphore, #tpu.memory_space<semaphore_mem>>)
      %dma_wait3A_48 = tpu.memref_slice %arg3[%add3A_24] : memref<4096xi32, #tpu.memory_space<hbm>> -> memref<32xi32, #tpu.memory_space<hbm>>
      %dma_wait3A_49 = tpu.memref_slice %arg3[%add3A_24] : memref<4096xi32, #tpu.memory_space<hbm>> -> memref<32xi32, #tpu.memory_space<hbm>>
      tpu.wait_dma2 semaphore(%run_scoped3A : memref<!tpu.dma_semaphore, #tpu.memory_space<semaphore_mem>>) src(%dma_wait3A_49 : memref<32xi32, #tpu.memory_space<hbm>>) dst(%arg5 : memref<32xi32, #tpu.memory_space<vmem>>)
      tpu.yield
    }) : () -> ()
    %add3A_25 = arith.constant 2048 : i32
    %add3A_26 = arith.addi %add3A_25, %add3A_24 : i32
    "tpu.region"() ({
      %run_scoped3A = tpu.sem_alloc : memref<!tpu.dma_semaphore, #tpu.memory_space<semaphore_mem>>
      %dma_start3A_46 = tpu.memref_slice %arg3[%add3A_26] : memref<4096xi32, #tpu.memory_space<hbm>> -> memref<32xi32, #tpu.memory_space<hbm>>
      %dma_start3A_47 = tpu.memref_slice %arg3[%add3A_26] : memref<4096xi32, #tpu.memory_space<hbm>> -> memref<32xi32, #tpu.memory_space<hbm>>
      tpu.enqueue_dma source(%dma_start3A_47 : memref<32xi32, #tpu.memory_space<hbm>>) target(%arg6 : memref<32xi32, #tpu.memory_space<vmem>>) target_semaphore(%run_scoped3A : memref<!tpu.dma_semaphore, #tpu.memory_space<semaphore_mem>>)
      %dma_wait3A_48 = tpu.memref_slice %arg3[%add3A_26] : memref<4096xi32, #tpu.memory_space<hbm>> -> memref<32xi32, #tpu.memory_space<hbm>>
      %dma_wait3A_49 = tpu.memref_slice %arg3[%add3A_26] : memref<4096xi32, #tpu.memory_space<hbm>> -> memref<32xi32, #tpu.memory_space<hbm>>
      tpu.wait_dma2 semaphore(%run_scoped3A : memref<!tpu.dma_semaphore, #tpu.memory_space<semaphore_mem>>) src(%dma_wait3A_49 : memref<32xi32, #tpu.memory_space<hbm>>) dst(%arg6 : memref<32xi32, #tpu.memory_space<vmem>>)
      tpu.yield
    }) : () -> ()
    %dma_start3A_27 = arith.constant 0 : i32
    %dma_start3A_28 = arith.constant 0 : i32
    %dma_start3A_29 = tpu.memref_slice %arg2[%dma_start3A_27, %dma_start3A_28] : memref<5120x1024xf32, #tpu.memory_space<hbm>> -> memref<5120x1024xf32, #tpu.memory_space<hbm>>
    tpu.enqueue_indirect_dma source(%dma_start3A_29 : memref<5120x1024xf32, #tpu.memory_space<hbm>>) target(%arg7 : memref<32x1024xf32, #tpu.memory_space<vmem>>) offsets(%arg5 : memref<32xi32, #tpu.memory_space<vmem>>) semaphore(%arg9 : memref<!tpu.dma_semaphore, #tpu.memory_space<semaphore_mem>>)
    %dma_start3A_30 = arith.constant 0 : i32
    %dma_start3A_31 = arith.constant 0 : i32
    %dma_start3A_32 = tpu.memref_slice %arg2[%dma_start3A_30, %dma_start3A_31] : memref<5120x1024xf32, #tpu.memory_space<hbm>> -> memref<5120x1024xf32, #tpu.memory_space<hbm>>
    tpu.enqueue_indirect_dma source(%dma_start3A_32 : memref<5120x1024xf32, #tpu.memory_space<hbm>>) target(%arg8 : memref<32x1024xf32, #tpu.memory_space<vmem>>) offsets(%arg6 : memref<32xi32, #tpu.memory_space<vmem>>) semaphore(%arg9 : memref<!tpu.dma_semaphore, #tpu.memory_space<semaphore_mem>>)
    %dma_wait3A_33 = arith.constant 0 : i32
    %dma_wait3A_34 = arith.constant 0 : i32
    %dma_wait3A_35 = tpu.memref_slice %arg2[%dma_wait3A_33, %dma_wait3A_34] : memref<5120x1024xf32, #tpu.memory_space<hbm>> -> memref<5120x1024xf32, #tpu.memory_space<hbm>>
    tpu.wait_indirect_dma semaphore(%arg9 : memref<!tpu.dma_semaphore, #tpu.memory_space<semaphore_mem>>) src(%dma_wait3A_35 : memref<5120x1024xf32, #tpu.memory_space<hbm>>) dst(%arg7 : memref<32x1024xf32, #tpu.memory_space<vmem>>)
    %dma_wait3A_36 = arith.constant 0 : i32
    %dma_wait3A_37 = arith.constant 0 : i32
    %dma_wait3A_38 = tpu.memref_slice %arg2[%dma_wait3A_36, %dma_wait3A_37] : memref<5120x1024xf32, #tpu.memory_space<hbm>> -> memref<5120x1024xf32, #tpu.memory_space<hbm>>
    tpu.wait_indirect_dma semaphore(%arg9 : memref<!tpu.dma_semaphore, #tpu.memory_space<semaphore_mem>>) src(%dma_wait3A_38 : memref<5120x1024xf32, #tpu.memory_space<hbm>>) dst(%arg8 : memref<32x1024xf32, #tpu.memory_space<vmem>>)
    %scan3A_39 = arith.constant 0 : i32
    %scan3A_40 = arith.constant 0 : i32
    %scan3A_41 = arith.constant 32 : i32
    %scan3A_42 = arith.addi %scan3A_40, %scan3A_41 : i32
    %scan3A_43 = arith.constant 1 : i32
    %scan3A_44 = scf.for %scan3A_46 = %scan3A_40 to %scan3A_42 step %scan3A_43 iter_args(%scan3A_47 = %scan3A_39) -> (i32)  : i32 {
      %get3A = arith.index_cast %scan3A_46 : i32 to index
      %get3A_48 = arith.constant 0 : index
      %get3A_49 = tpu.vector_load %arg7[%get3A, %get3A_48] {strides = array<i32>} : memref<32x1024xf32, #tpu.memory_space<vmem>>, vector<1x16xf32>,
      %get3A_50 = vector.shape_cast %get3A_49 : vector<1x16xf32> to vector<16xf32>
      %get3A_51 = arith.index_cast %scan3A_46 : i32 to index
      %get3A_52 = arith.constant 0 : index
      %get3A_53 = tpu.vector_load %arg8[%get3A_51, %get3A_52] {strides = array<i32>} : memref<32x1024xf32, #tpu.memory_space<vmem>>, vector<1x16xf32>,
      %get3A_54 = vector.shape_cast %get3A_53 : vector<1x16xf32> to vector<16xf32>
      %add3A_55 = arith.addf %get3A_50, %get3A_54 : vector<16xf32>
      %swap3A = arith.index_cast %scan3A_46 : i32 to index
      %swap3A_56 = arith.constant 0 : index
      %swap3A_57 = tpu.vector_load %arg7[%swap3A, %swap3A_56] {strides = array<i32>} : memref<32x1024xf32, #tpu.memory_space<vmem>>, vector<1x16xf32>,
      %swap3A_58 = vector.shape_cast %swap3A_57 : vector<1x16xf32> to vector<16xf32>
      %swap3A_59 = vector.shape_cast %add3A_55 : vector<16xf32> to vector<1x16xf32>
      tpu.vector_store %arg7[%swap3A, %swap3A_56], %swap3A_59 {strides = array<i32>} : memref<32x1024xf32, #tpu.memory_space<vmem>>, vector<1x16xf32>,
      %get3A_60 = arith.index_cast %scan3A_46 : i32 to index
      %get3A_61 = arith.constant 16 : index
      %get3A_62 = tpu.vector_load %arg7[%get3A_60, %get3A_61] {strides = array<i32>} : memref<32x1024xf32, #tpu.memory_space<vmem>>, vector<1x16xf32>,
      %get3A_63 = vector.shape_cast %get3A_62 : vector<1x16xf32> to vector<16xf32>
      %get3A_64 = arith.index_cast %scan3A_46 : i32 to index
      %get3A_65 = arith.constant 16 : index
      %get3A_66 = tpu.vector_load %arg8[%get3A_64, %get3A_65] {strides = array<i32>} : memref<32x1024xf32, #tpu.memory_space<vmem>>, vector<1x16xf32>,
      %get3A_67 = vector.shape_cast %get3A_66 : vector<1x16xf32> to vector<16xf32>
      %add3A_68 = arith.addf %get3A_63, %get3A_67 : vector<16xf32>
      %swap3A_69 = arith.index_cast %scan3A_46 : i32 to index
      %swap3A_70 = arith.constant 16 : index
      %swap3A_71 = tpu.vector_load %arg7[%swap3A_69, %swap3A_70] {strides = array<i32>} : memref<32x1024xf32, #tpu.memory_space<vmem>>, vector<1x16xf32>,
      %swap3A_72 = vector.shape_cast %swap3A_71 : vector<1x16xf32> to vector<16xf32>
      %swap3A_73 = vector.shape_cast %add3A_68 : vector<16xf32> to vector<1x16xf32>
      tpu.vector_store %arg7[%swap3A_69, %swap3A_70], %swap3A_73 {strides = array<i32>} : memref<32x1024xf32, #tpu.memory_space<vmem>>, vector<1x16xf32>,
      %get3A_74 = arith.index_cast %scan3A_46 : i32 to index
      %get3A_75 = arith.constant 32 : index
      %get3A_76 = tpu.vector_load %arg7[%get3A_74, %get3A_75] {strides = array<i32>} : memref<32x1024xf32, #tpu.memory_space<vmem>>, vector<1x16xf32>,
      %get3A_77 = vector.shape_cast %get3A_76 : vector<1x16xf32> to vector<16xf32>
      %get3A_78 = arith.index_cast %scan3A_46 : i32 to index
      %get3A_79 = arith.constant 32 : index
      %get3A_80 = tpu.vector_load %arg8[%get3A_78, %get3A_79] {strides = array<i32>} : memref<32x1024xf32, #tpu.memory_space<vmem>>, vector<1x16xf32>,
      %get3A_81 = vector.shape_cast %get3A_80 : vector<1x16xf32> to vector<16xf32>
      %add3A_82 = arith.addf %get3A_77, %get3A_81 : vector<16xf32>
      %swap3A_83 = arith.index_cast %scan3A_46 : i32 to index
      %swap3A_84 = arith.constant 32 : index
      %swap3A_85 = tpu.vector_load %arg7[%swap3A_83, %swap3A_84] {strides = array<i32>} : memref<32x1024xf32, #tpu.memory_space<vmem>>, vector<1x16xf32>,
      %swap3A_86 = vector.shape_cast %swap3A_85 : vector<1x16xf32> to vector<16xf32>
      %swap3A_87 = vector.shape_cast %add3A_82 : vector<16xf32> to vector<1x16xf32>
      tpu.vector_store %arg7[%swap3A_83, %swap3A_84], %swap3A_87 {strides = array<i32>} : memref<32x1024xf32, #tpu.memory_space<vmem>>, vector<1x16xf32>,
      %get3A_88 = arith.index_cast %scan3A_46 : i32 to index
      %get3A_89 = arith.constant 48 : index
      %get3A_90 = tpu.vector_load %arg7[%get3A_88, %get3A_89] {strides = array<i32>} : memref<32x1024xf32, #tpu.memory_space<vmem>>, vector<1x16xf32>,
      %get3A_91 = vector.shape_cast %get3A_90 : vector<1x16xf32> to vector<16xf32>
      %get3A_92 = arith.index_cast %scan3A_46 : i32 to index
      %get3A_93 = arith.constant 48 : index
      %get3A_94 = tpu.vector_load %arg8[%get3A_92, %get3A_93] {strides = array<i32>} : memref<32x1024xf32, #tpu.memory_space<vmem>>, vector<1x16xf32>,
      %get3A_95 = vector.shape_cast %get3A_94 : vector<1x16xf32> to vector<16xf32>
      %add3A_96 = arith.addf %get3A_91, %get3A_95 : vector<16xf32>
      %swap3A_97 = arith.index_cast %scan3A_46 : i32 to index
      %swap3A_98 = arith.constant 48 : index
      %swap3A_99 = tpu.vector_load %arg7[%swap3A_97, %swap3A_98] {strides = array<i32>} : memref<32x1024xf32, #tpu.memory_space<vmem>>, vector<1x16xf32>,
      %swap3A_100 = vector.shape_cast %swap3A_99 : vector<1x16xf32> to vector<16xf32>
      %swap3A_101 = vector.shape_cast %add3A_96 : vector<16xf32> to vector<1x16xf32>
      tpu.vector_store %arg7[%swap3A_97, %swap3A_98], %swap3A_101 {strides = array<i32>} : memref<32x1024xf32, #tpu.memory_space<vmem>>, vector<1x16xf32>,
      %get3A_102 = arith.index_cast %scan3A_46 : i32 to index
      %get3A_103 = arith.constant 64 : index
      %get3A_104 = tpu.vector_load %arg7[%get3A_102, %get3A_103] {strides = array<i32>} : memref<32x1024xf32, #tpu.memory_space<vmem>>, vector<1x16xf32>,
      %get3A_105 = vector.shape_cast %get3A_104 : vector<1x16xf32> to vector<16xf32>
      %get3A_106 = arith.index_cast %scan3A_46 : i32 to index
      %get3A_107 = arith.constant 64 : index
      %get3A_108 = tpu.vector_load %arg8[%get3A_106, %get3A_107] {strides = array<i32>} : memref<32x1024xf32, #tpu.memory_space<vmem>>, vector<1x16xf32>,
      %get3A_109 = vector.shape_cast %get3A_108 : vector<1x16xf32> to vector<16xf32>
      %add3A_110 = arith.addf %get3A_105, %get3A_109 : vector<16xf32>
      %swap3A_111 = arith.index_cast %scan3A_46 : i32 to index
      %swap3A_112 = arith.constant 64 : index
      %swap3A_113 = tpu.vector_load %arg7[%swap3A_111, %swap3A_112] {strides = array<i32>} : memref<32x1024xf32, #tpu.memory_space<vmem>>, vector<1x16xf32>,
      %swap3A_114 = vector.shape_cast %swap3A_113 : vector<1x16xf32> to vector<16xf32>
      %swap3A_115 = vector.shape_cast %add3A_110 : vector<16xf32> to vector<1x16xf32>
      tpu.vector_store %arg7[%swap3A_111, %swap3A_112], %swap3A_115 {strides = array<i32>} : memref<32x1024xf32, #tpu.memory_space<vmem>>, vector<1x16xf32>,
      %get3A_116 = arith.index_cast %scan3A_46 : i32 to index
      %get3A_117 = arith.constant 80 : index
      %get3A_118 = tpu.vector_load %arg7[%get3A_116, %get3A_117] {strides = array<i32>} : memref<32x1024xf32, #tpu.memory_space<vmem>>, vector<1x16xf32>,
      %get3A_119 = vector.shape_cast %get3A_118 : vector<1x16xf32> to vector<16xf32>
      %get3A_120 = arith.index_cast %scan3A_46 : i32 to index
      %get3A_121 = arith.constant 80 : index
      %get3A_122 = tpu.vector_load %arg8[%get3A_120, %get3A_121] {strides = array<i32>} : memref<32x1024xf32, #tpu.memory_space<vmem>>, vector<1x16xf32>,
      %get3A_123 = vector.shape_cast %get3A_122 : vector<1x16xf32> to vector<16xf32>
      %add3A_124 = arith.addf %get3A_119, %get3A_123 : vector<16xf32>
      %swap3A_125 = arith.index_cast %scan3A_46 : i32 to index
      %swap3A_126 = arith.constant 80 : index
      %swap3A_127 = tpu.vector_load %arg7[%swap3A_125, %swap3A_126] {strides = array<i32>} : memref<32x1024xf32, #tpu.memory_space<vmem>>, vector<1x16xf32>,
      %swap3A_128 = vector.shape_cast %swap3A_127 : vector<1x16xf32> to vector<16xf32>
      %swap3A_129 = vector.shape_cast %add3A_124 : vector<16xf32> to vector<1x16xf32>
      tpu.vector_store %arg7[%swap3A_125, %swap3A_126], %swap3A_129 {strides = array<i32>} : memref<32x1024xf32, #tpu.memory_space<vmem>>, vector<1x16xf32>,
      %get3A_130 = arith.index_cast %scan3A_46 : i32 to index
      %get3A_131 = arith.constant 96 : index
      %get3A_132 = tpu.vector_load %arg7[%get3A_130, %get3A_131] {strides = array<i32>} : memref<32x1024xf32, #tpu.memory_space<vmem>>, vector<1x16xf32>,
      %get3A_133 = vector.shape_cast %get3A_132 : vector<1x16xf32> to vector<16xf32>
      %get3A_134 = arith.index_cast %scan3A_46 : i32 to index
      %get3A_135 = arith.constant 96 : index
      %get3A_136 = tpu.vector_load %arg8[%get3A_134, %get3A_135] {strides = array<i32>} : memref<32x1024xf32, #tpu.memory_space<vmem>>, vector<1x16xf32>,
      %get3A_137 = vector.shape_cast %get3A_136 : vector<1x16xf32> to vector<16xf32>
      %add3A_138 = arith.addf %get3A_133, %get3A_137 : vector<16xf32>
      %swap3A_139 = arith.index_cast %scan3A_46 : i32 to index
      %swap3A_140 = arith.constant 96 : index
      %swap3A_141 = tpu.vector_load %arg7[%swap3A_139, %swap3A_140] {strides = array<i32>} : memref<32x1024xf32, #tpu.memory_space<vmem>>, vector<1x16xf32>,
      %swap3A_142 = vector.shape_cast %swap3A_141 : vector<1x16xf32> to vector<16xf32>
      %swap3A_143 = vector.shape_cast %add3A_138 : vector<16xf32> to vector<1x16xf32>
      tpu.vector_store %arg7[%swap3A_139, %swap3A_140], %swap3A_143 {strides = array<i32>} : memref<32x1024xf32, #tpu.memory_space<vmem>>, vector<1x16xf32>,
      %get3A_144 = arith.index_cast %scan3A_46 : i32 to index
      %get3A_145 = arith.constant 112 : index
      %get3A_146 = tpu.vector_load %arg7[%get3A_144, %get3A_145] {strides = array<i32>} : memref<32x1024xf32, #tpu.memory_space<vmem>>, vector<1x16xf32>,
      %get3A_147 = vector.shape_cast %get3A_146 : vector<1x16xf32> to vector<16xf32>
      %get3A_148 = arith.index_cast %scan3A_46 : i32 to index
      %get3A_149 = arith.constant 112 : index
      %get3A_150 = tpu.vector_load %arg8[%get3A_148, %get3A_149] {strides = array<i32>} : memref<32x1024xf32, #tpu.memory_space<vmem>>, vector<1x16xf32>,
      %get3A_151 = vector.shape_cast %get3A_150 : vector<1x16xf32> to vector<16xf32>
      %add3A_152 = arith.addf %get3A_147, %get3A_151 : vector<16xf32>
      %swap3A_153 = arith.index_cast %scan3A_46 : i32 to index
      %swap3A_154 = arith.constant 112 : index
      %swap3A_155 = tpu.vector_load %arg7[%swap3A_153, %swap3A_154] {strides = array<i32>} : memref<32x1024xf32, #tpu.memory_space<vmem>>, vector<1x16xf32>,
      %swap3A_156 = vector.shape_cast %swap3A_155 : vector<1x16xf32> to vector<16xf32>
      %swap3A_157 = vector.shape_cast %add3A_152 : vector<16xf32> to vector<1x16xf32>
      tpu.vector_store %arg7[%swap3A_153, %swap3A_154], %swap3A_157 {strides = array<i32>} : memref<32x1024xf32, #tpu.memory_space<vmem>>, vector<1x16xf32>,
      %get3A_158 = arith.index_cast %scan3A_46 : i32 to index
      %get3A_159 = arith.constant 128 : index
      %get3A_160 = tpu.vector_load %arg7[%get3A_158, %get3A_159] {strides = array<i32>} : memref<32x1024xf32, #tpu.memory_space<vmem>>, vector<1x16xf32>,
      %get3A_161 = vector.shape_cast %get3A_160 : vector<1x16xf32> to vector<16xf32>
      %get3A_162 = arith.index_cast %scan3A_46 : i32 to index
      %get3A_163 = arith.constant 128 : index
      %get3A_164 = tpu.vector_load %arg8[%get3A_162, %get3A_163] {strides = array<i32>} : memref<32x1024xf32, #tpu.memory_space<vmem>>, vector<1x16xf32>,
      %get3A_165 = vector.shape_cast %get3A_164 : vector<1x16xf32> to vector<16xf32>
      %add3A_166 = arith.addf %get3A_161, %get3A_165 : vector<16xf32>
      %swap3A_167 = arith.index_cast %scan3A_46 : i32 to index
      %swap3A_168 = arith.constant 128 : index
      %swap3A_169 = tpu.vector_load %arg7[%swap3A_167, %swap3A_168] {strides = array<i32>} : memref<32x1024xf32, #tpu.memory_space<vmem>>, vector<1x16xf32>,
      %swap3A_170 = vector.shape_cast %swap3A_169 : vector<1x16xf32> to vector<16xf32>
      %swap3A_171 = vector.shape_cast %add3A_166 : vector<16xf32> to vector<1x16xf32>
      tpu.vector_store %arg7[%swap3A_167, %swap3A_168], %swap3A_171 {strides = array<i32>} : memref<32x1024xf32, #tpu.memory_space<vmem>>, vector<1x16xf32>,
      %get3A_172 = arith.index_cast %scan3A_46 : i32 to index
      %get3A_173 = arith.constant 144 : index
      %get3A_174 = tpu.vector_load %arg7[%get3A_172, %get3A_173] {strides = array<i32>} : memref<32x1024xf32, #tpu.memory_space<vmem>>, vector<1x16xf32>,
      %get3A_175 = vector.shape_cast %get3A_174 : vector<1x16xf32> to vector<16xf32>
      %get3A_176 = arith.index_cast %scan3A_46 : i32 to index
      %get3A_177 = arith.constant 144 : index
      %get3A_178 = tpu.vector_load %arg8[%get3A_176, %get3A_177] {strides = array<i32>} : memref<32x1024xf32, #tpu.memory_space<vmem>>, vector<1x16xf32>,
      %get3A_179 = vector.shape_cast %get3A_178 : vector<1x16xf32> to vector<16xf32>
      %add3A_180 = arith.addf %get3A_175, %get3A_179 : vector<16xf32>
      %swap3A_181 = arith.index_cast %scan3A_46 : i32 to index
      %swap3A_182 = arith.constant 144 : index
      %swap3A_183 = tpu.vector_load %arg7[%swap3A_181, %swap3A_182] {strides = array<i32>} : memref<32x1024xf32, #tpu.memory_space<vmem>>, vector<1x16xf32>,
      %swap3A_184 = vector.shape_cast %swap3A_183 : vector<1x16xf32> to vector<16xf32>
      %swap3A_185 = vector.shape_cast %add3A_180 : vector<16xf32> to vector<1x16xf32>
      tpu.vector_store %arg7[%swap3A_181, %swap3A_182], %swap3A_185 {strides = array<i32>} : memref<32x1024xf32, #tpu.memory_space<vmem>>, vector<1x16xf32>,
      %get3A_186 = arith.index_cast %scan3A_46 : i32 to index
      %get3A_187 = arith.constant 160 : index
      %get3A_188 = tpu.vector_load %arg7[%get3A_186, %get3A_187] {strides = array<i32>} : memref<32x1024xf32, #tpu.memory_space<vmem>>, vector<1x16xf32>,
      %get3A_189 = vector.shape_cast %get3A_188 : vector<1x16xf32> to vector<16xf32>
      %get3A_190 = arith.index_cast %scan3A_46 : i32 to index
      %get3A_191 = arith.constant 160 : index
      %get3A_192 = tpu.vector_load %arg8[%get3A_190, %get3A_191] {strides = array<i32>} : memref<32x1024xf32, #tpu.memory_space<vmem>>, vector<1x16xf32>,
      %get3A_193 = vector.shape_cast %get3A_192 : vector<1x16xf32> to vector<16xf32>
      %add3A_194 = arith.addf %get3A_189, %get3A_193 : vector<16xf32>
      %swap3A_195 = arith.index_cast %scan3A_46 : i32 to index
      %swap3A_196 = arith.constant 160 : index
      %swap3A_197 = tpu.vector_load %arg7[%swap3A_195, %swap3A_196] {strides = array<i32>} : memref<32x1024xf32, #tpu.memory_space<vmem>>, vector<1x16xf32>,
      %swap3A_198 = vector.shape_cast %swap3A_197 : vector<1x16xf32> to vector<16xf32>
      %swap3A_199 = vector.shape_cast %add3A_194 : vector<16xf32> to vector<1x16xf32>
      tpu.vector_store %arg7[%swap3A_195, %swap3A_196], %swap3A_199 {strides = array<i32>} : memref<32x1024xf32, #tpu.memory_space<vmem>>, vector<1x16xf32>,
      %get3A_200 = arith.index_cast %scan3A_46 : i32 to index
      %get3A_201 = arith.constant 176 : index
      %get3A_202 = tpu.vector_load %arg7[%get3A_200, %get3A_201] {strides = array<i32>} : memref<32x1024xf32, #tpu.memory_space<vmem>>, vector<1x16xf32>,
      %get3A_203 = vector.shape_cast %get3A_202 : vector<1x16xf32> to vector<16xf32>
      %get3A_204 = arith.index_cast %scan3A_46 : i32 to index
      %get3A_205 = arith.constant 176 : index
      %get3A_206 = tpu.vector_load %arg8[%get3A_204, %get3A_205] {strides = array<i32>} : memref<32x1024xf32, #tpu.memory_space<vmem>>, vector<1x16xf32>,
      %get3A_207 = vector.shape_cast %get3A_206 : vector<1x16xf32> to vector<16xf32>
      %add3A_208 = arith.addf %get3A_203, %get3A_207 : vector<16xf32>
      %swap3A_209 = arith.index_cast %scan3A_46 : i32 to index
      %swap3A_210 = arith.constant 176 : index
      %swap3A_211 = tpu.vector_load %arg7[%swap3A_209, %swap3A_210] {strides = array<i32>} : memref<32x1024xf32, #tpu.memory_space<vmem>>, vector<1x16xf32>,
      %swap3A_212 = vector.shape_cast %swap3A_211 : vector<1x16xf32> to vector<16xf32>
      %swap3A_213 = vector.shape_cast %add3A_208 : vector<16xf32> to vector<1x16xf32>
      tpu.vector_store %arg7[%swap3A_209, %swap3A_210], %swap3A_213 {strides = array<i32>} : memref<32x1024xf32, #tpu.memory_space<vmem>>, vector<1x16xf32>,
      %get3A_214 = arith.index_cast %scan3A_46 : i32 to index
      %get3A_215 = arith.constant 192 : index
      %get3A_216 = tpu.vector_load %arg7[%get3A_214, %get3A_215] {strides = array<i32>} : memref<32x1024xf32, #tpu.memory_space<vmem>>, vector<1x16xf32>,
      %get3A_217 = vector.shape_cast %get3A_216 : vector<1x16xf32> to vector<16xf32>
      %get3A_218 = arith.index_cast %scan3A_46 : i32 to index
      %get3A_219 = arith.constant 192 : index
      %get3A_220 = tpu.vector_load %arg8[%get3A_218, %get3A_219] {strides = array<i32>} : memref<32x1024xf32, #tpu.memory_space<vmem>>, vector<1x16xf32>,
      %get3A_221 = vector.shape_cast %get3A_220 : vector<1x16xf32> to vector<16xf32>
      %add3A_222 = arith.addf %get3A_217, %get3A_221 : vector<16xf32>
      %swap3A_223 = arith.index_cast %scan3A_46 : i32 to index
      %swap3A_224 = arith.constant 192 : index
      %swap3A_225 = tpu.vector_load %arg7[%swap3A_223, %swap3A_224] {strides = array<i32>} : memref<32x1024xf32, #tpu.memory_space<vmem>>, vector<1x16xf32>,
      %swap3A_226 = vector.shape_cast %swap3A_225 : vector<1x16xf32> to vector<16xf32>
      %swap3A_227 = vector.shape_cast %add3A_222 : vector<16xf32> to vector<1x16xf32>
      tpu.vector_store %arg7[%swap3A_223, %swap3A_224], %swap3A_227 {strides = array<i32>} : memref<32x1024xf32, #tpu.memory_space<vmem>>, vector<1x16xf32>,
      %get3A_228 = arith.index_cast %scan3A_46 : i32 to index
      %get3A_229 = arith.constant 208 : index
      %get3A_230 = tpu.vector_load %arg7[%get3A_228, %get3A_229] {strides = array<i32>} : memref<32x1024xf32, #tpu.memory_space<vmem>>, vector<1x16xf32>,
      %get3A_231 = vector.shape_cast %get3A_230 : vector<1x16xf32> to vector<16xf32>
      %get3A_232 = arith.index_cast %scan3A_46 : i32 to index
      %get3A_233 = arith.constant 208 : index
      %get3A_234 = tpu.vector_load %arg8[%get3A_232, %get3A_233] {strides = array<i32>} : memref<32x1024xf32, #tpu.memory_space<vmem>>, vector<1x16xf32>,
      %get3A_235 = vector.shape_cast %get3A_234 : vector<1x16xf32> to vector<16xf32>
      %add3A_236 = arith.addf %get3A_231, %get3A_235 : vector<16xf32>
      %swap3A_237 = arith.index_cast %scan3A_46 : i32 to index
      %swap3A_238 = arith.constant 208 : index
      %swap3A_239 = tpu.vector_load %arg7[%swap3A_237, %swap3A_238] {strides = array<i32>} : memref<32x1024xf32, #tpu.memory_space<vmem>>, vector<1x16xf32>,
      %swap3A_240 = vector.shape_cast %swap3A_239 : vector<1x16xf32> to vector<16xf32>
      %swap3A_241 = vector.shape_cast %add3A_236 : vector<16xf32> to vector<1x16xf32>
      tpu.vector_store %arg7[%swap3A_237, %swap3A_238], %swap3A_241 {strides = array<i32>} : memref<32x1024xf32, #tpu.memory_space<vmem>>, vector<1x16xf32>,
      %get3A_242 = arith.index_cast %scan3A_46 : i32 to index
      %get3A_243 = arith.constant 224 : index
      %get3A_244 = tpu.vector_load %arg7[%get3A_242, %get3A_243] {strides = array<i32>} : memref<32x1024xf32, #tpu.memory_space<vmem>>, vector<1x16xf32>,
      %get3A_245 = vector.shape_cast %get3A_244 : vector<1x16xf32> to vector<16xf32>
      %get3A_246 = arith.index_cast %scan3A_46 : i32 to index
      %get3A_247 = arith.constant 224 : index
      %get3A_248 = tpu.vector_load %arg8[%get3A_246, %get3A_247] {strides = array<i32>} : memref<32x1024xf32, #tpu.memory_space<vmem>>, vector<1x16xf32>,
      %get3A_249 = vector.shape_cast %get3A_248 : vector<1x16xf32> to vector<16xf32>
      %add3A_250 = arith.addf %get3A_245, %get3A_249 : vector<16xf32>
      %swap3A_251 = arith.index_cast %scan3A_46 : i32 to index
      %swap3A_252 = arith.constant 224 : index
      %swap3A_253 = tpu.vector_load %arg7[%swap3A_251, %swap3A_252] {strides = array<i32>} : memref<32x1024xf32, #tpu.memory_space<vmem>>, vector<1x16xf32>,
      %swap3A_254 = vector.shape_cast %swap3A_253 : vector<1x16xf32> to vector<16xf32>
      %swap3A_255 = vector.shape_cast %add3A_250 : vector<16xf32> to vector<1x16xf32>
      tpu.vector_store %arg7[%swap3A_251, %swap3A_252], %swap3A_255 {strides = array<i32>} : memref<32x1024xf32, #tpu.memory_space<vmem>>, vector<1x16xf32>,
      %get3A_256 = arith.index_cast %scan3A_46 : i32 to index
      %get3A_257 = arith.constant 240 : index
      %get3A_258 = tpu.vector_load %arg7[%get3A_256, %get3A_257] {strides = array<i32>} : memref<32x1024xf32, #tpu.memory_space<vmem>>, vector<1x16xf32>,
      %get3A_259 = vector.shape_cast %get3A_258 : vector<1x16xf32> to vector<16xf32>
      %get3A_260 = arith.index_cast %scan3A_46 : i32 to index
      %get3A_261 = arith.constant 240 : index
      %get3A_262 = tpu.vector_load %arg8[%get3A_260, %get3A_261] {strides = array<i32>} : memref<32x1024xf32, #tpu.memory_space<vmem>>, vector<1x16xf32>,
      %get3A_263 = vector.shape_cast %get3A_262 : vector<1x16xf32> to vector<16xf32>
      %add3A_264 = arith.addf %get3A_259, %get3A_263 : vector<16xf32>
      %swap3A_265 = arith.index_cast %scan3A_46 : i32 to index
      %swap3A_266 = arith.constant 240 : index
      %swap3A_267 = tpu.vector_load %arg7[%swap3A_265, %swap3A_266] {strides = array<i32>} : memref<32x1024xf32, #tpu.memory_space<vmem>>, vector<1x16xf32>,
      %swap3A_268 = vector.shape_cast %swap3A_267 : vector<1x16xf32> to vector<16xf32>
      %swap3A_269 = vector.shape_cast %add3A_264 : vector<16xf32> to vector<1x16xf32>
      tpu.vector_store %arg7[%swap3A_265, %swap3A_266], %swap3A_269 {strides = array<i32>} : memref<32x1024xf32, #tpu.memory_space<vmem>>, vector<1x16xf32>,
      %get3A_270 = arith.index_cast %scan3A_46 : i32 to index
      %get3A_271 = arith.constant 256 : index
      %get3A_272 = tpu.vector_load %arg7[%get3A_270, %get3A_271] {strides = array<i32>} : memref<32x1024xf32, #tpu.memory_space<vmem>>, vector<1x16xf32>,
      %get3A_273 = vector.shape_cast %get3A_272 : vector<1x16xf32> to vector<16xf32>
      %get3A_274 = arith.index_cast %scan3A_46 : i32 to index
      %get3A_275 = arith.constant 256 : index
      %get3A_276 = tpu.vector_load %arg8[%get3A_274, %get3A_275] {strides = array<i32>} : memref<32x1024xf32, #tpu.memory_space<vmem>>, vector<1x16xf32>,
      %get3A_277 = vector.shape_cast %get3A_276 : vector<1x16xf32> to vector<16xf32>
      %add3A_278 = arith.addf %get3A_273, %get3A_277 : vector<16xf32>
      %swap3A_279 = arith.index_cast %scan3A_46 : i32 to index
      %swap3A_280 = arith.constant 256 : index
      %swap3A_281 = tpu.vector_load %arg7[%swap3A_279, %swap3A_280] {strides = array<i32>} : memref<32x1024xf32, #tpu.memory_space<vmem>>, vector<1x16xf32>,
      %swap3A_282 = vector.shape_cast %swap3A_281 : vector<1x16xf32> to vector<16xf32>
      %swap3A_283 = vector.shape_cast %add3A_278 : vector<16xf32> to vector<1x16xf32>
      tpu.vector_store %arg7[%swap3A_279, %swap3A_280], %swap3A_283 {strides = array<i32>} : memref<32x1024xf32, #tpu.memory_space<vmem>>, vector<1x16xf32>,
      %get3A_284 = arith.index_cast %scan3A_46 : i32 to index
      %get3A_285 = arith.constant 272 : index
      %get3A_286 = tpu.vector_load %arg7[%get3A_284, %get3A_285] {strides = array<i32>} : memref<32x1024xf32, #tpu.memory_space<vmem>>, vector<1x16xf32>,
      %get3A_287 = vector.shape_cast %get3A_286 : vector<1x16xf32> to vector<16xf32>
      %get3A_288 = arith.index_cast %scan3A_46 : i32 to index
      %get3A_289 = arith.constant 272 : index
      %get3A_290 = tpu.vector_load %arg8[%get3A_288, %get3A_289] {strides = array<i32>} : memref<32x1024xf32, #tpu.memory_space<vmem>>, vector<1x16xf32>,
      %get3A_291 = vector.shape_cast %get3A_290 : vector<1x16xf32> to vector<16xf32>
      %add3A_292 = arith.addf %get3A_287, %get3A_291 : vector<16xf32>
      %swap3A_293 = arith.index_cast %scan3A_46 : i32 to index
      %swap3A_294 = arith.constant 272 : index
      %swap3A_295 = tpu.vector_load %arg7[%swap3A_293, %swap3A_294] {strides = array<i32>} : memref<32x1024xf32, #tpu.memory_space<vmem>>, vector<1x16xf32>,
      %swap3A_296 = vector.shape_cast %swap3A_295 : vector<1x16xf32> to vector<16xf32>
      %swap3A_297 = vector.shape_cast %add3A_292 : vector<16xf32> to vector<1x16xf32>
      tpu.vector_store %arg7[%swap3A_293, %swap3A_294], %swap3A_297 {strides = array<i32>} : memref<32x1024xf32, #tpu.memory_space<vmem>>, vector<1x16xf32>,
      %get3A_298 = arith.index_cast %scan3A_46 : i32 to index
      %get3A_299 = arith.constant 288 : index
      %get3A_300 = tpu.vector_load %arg7[%get3A_298, %get3A_299] {strides = array<i32>} : memref<32x1024xf32, #tpu.memory_space<vmem>>, vector<1x16xf32>,
      %get3A_301 = vector.shape_cast %get3A_300 : vector<1x16xf32> to vector<16xf32>
      %get3A_302 = arith.index_cast %scan3A_46 : i32 to index
      %get3A_303 = arith.constant 288 : index
      %get3A_304 = tpu.vector_load %arg8[%get3A_302, %get3A_303] {strides = array<i32>} : memref<32x1024xf32, #tpu.memory_space<vmem>>, vector<1x16xf32>,
      %get3A_305 = vector.shape_cast %get3A_304 : vector<1x16xf32> to vector<16xf32>
      %add3A_306 = arith.addf %get3A_301, %get3A_305 : vector<16xf32>
      %swap3A_307 = arith.index_cast %scan3A_46 : i32 to index
      %swap3A_308 = arith.constant 288 : index
      %swap3A_309 = tpu.vector_load %arg7[%swap3A_307, %swap3A_308] {strides = array<i32>} : memref<32x1024xf32, #tpu.memory_space<vmem>>, vector<1x16xf32>,
      %swap3A_310 = vector.shape_cast %swap3A_309 : vector<1x16xf32> to vector<16xf32>
      %swap3A_311 = vector.shape_cast %add3A_306 : vector<16xf32> to vector<1x16xf32>
      tpu.vector_store %arg7[%swap3A_307, %swap3A_308], %swap3A_311 {strides = array<i32>} : memref<32x1024xf32, #tpu.memory_space<vmem>>, vector<1x16xf32>,
      %get3A_312 = arith.index_cast %scan3A_46 : i32 to index
      %get3A_313 = arith.constant 304 : index
      %get3A_314 = tpu.vector_load %arg7[%get3A_312, %get3A_313] {strides = array<i32>} : memref<32x1024xf32, #tpu.memory_space<vmem>>, vector<1x16xf32>,
      %get3A_315 = vector.shape_cast %get3A_314 : vector<1x16xf32> to vector<16xf32>
      %get3A_316 = arith.index_cast %scan3A_46 : i32 to index
      %get3A_317 = arith.constant 304 : index
      %get3A_318 = tpu.vector_load %arg8[%get3A_316, %get3A_317] {strides = array<i32>} : memref<32x1024xf32, #tpu.memory_space<vmem>>, vector<1x16xf32>,
      %get3A_319 = vector.shape_cast %get3A_318 : vector<1x16xf32> to vector<16xf32>
      %add3A_320 = arith.addf %get3A_315, %get3A_319 : vector<16xf32>
      %swap3A_321 = arith.index_cast %scan3A_46 : i32 to index
      %swap3A_322 = arith.constant 304 : index
      %swap3A_323 = tpu.vector_load %arg7[%swap3A_321, %swap3A_322] {strides = array<i32>} : memref<32x1024xf32, #tpu.memory_space<vmem>>, vector<1x16xf32>,
      %swap3A_324 = vector.shape_cast %swap3A_323 : vector<1x16xf32> to vector<16xf32>
      %swap3A_325 = vector.shape_cast %add3A_320 : vector<16xf32> to vector<1x16xf32>
      tpu.vector_store %arg7[%swap3A_321, %swap3A_322], %swap3A_325 {strides = array<i32>} : memref<32x1024xf32, #tpu.memory_space<vmem>>, vector<1x16xf32>,
      %get3A_326 = arith.index_cast %scan3A_46 : i32 to index
      %get3A_327 = arith.constant 320 : index
      %get3A_328 = tpu.vector_load %arg7[%get3A_326, %get3A_327] {strides = array<i32>} : memref<32x1024xf32, #tpu.memory_space<vmem>>, vector<1x16xf32>,
      %get3A_329 = vector.shape_cast %get3A_328 : vector<1x16xf32> to vector<16xf32>
      %get3A_330 = arith.index_cast %scan3A_46 : i32 to index
      %get3A_331 = arith.constant 320 : index
      %get3A_332 = tpu.vector_load %arg8[%get3A_330, %get3A_331] {strides = array<i32>} : memref<32x1024xf32, #tpu.memory_space<vmem>>, vector<1x16xf32>,
      %get3A_333 = vector.shape_cast %get3A_332 : vector<1x16xf32> to vector<16xf32>
      %add3A_334 = arith.addf %get3A_329, %get3A_333 : vector<16xf32>
      %swap3A_335 = arith.index_cast %scan3A_46 : i32 to index
      %swap3A_336 = arith.constant 320 : index
      %swap3A_337 = tpu.vector_load %arg7[%swap3A_335, %swap3A_336] {strides = array<i32>} : memref<32x1024xf32, #tpu.memory_space<vmem>>, vector<1x16xf32>,
      %swap3A_338 = vector.shape_cast %swap3A_337 : vector<1x16xf32> to vector<16xf32>
      %swap3A_339 = vector.shape_cast %add3A_334 : vector<16xf32> to vector<1x16xf32>
      tpu.vector_store %arg7[%swap3A_335, %swap3A_336], %swap3A_339 {strides = array<i32>} : memref<32x1024xf32, #tpu.memory_space<vmem>>, vector<1x16xf32>,
      %get3A_340 = arith.index_cast %scan3A_46 : i32 to index
      %get3A_341 = arith.constant 336 : index
      %get3A_342 = tpu.vector_load %arg7[%get3A_340, %get3A_341] {strides = array<i32>} : memref<32x1024xf32, #tpu.memory_space<vmem>>, vector<1x16xf32>,
      %get3A_343 = vector.shape_cast %get3A_342 : vector<1x16xf32> to vector<16xf32>
      %get3A_344 = arith.index_cast %scan3A_46 : i32 to index
      %get3A_345 = arith.constant 336 : index
      %get3A_346 = tpu.vector_load %arg8[%get3A_344, %get3A_345] {strides = array<i32>} : memref<32x1024xf32, #tpu.memory_space<vmem>>, vector<1x16xf32>,
      %get3A_347 = vector.shape_cast %get3A_346 : vector<1x16xf32> to vector<16xf32>
      %add3A_348 = arith.addf %get3A_343, %get3A_347 : vector<16xf32>
      %swap3A_349 = arith.index_cast %scan3A_46 : i32 to index
      %swap3A_350 = arith.constant 336 : index
      %swap3A_351 = tpu.vector_load %arg7[%swap3A_349, %swap3A_350] {strides = array<i32>} : memref<32x1024xf32, #tpu.memory_space<vmem>>, vector<1x16xf32>,
      %swap3A_352 = vector.shape_cast %swap3A_351 : vector<1x16xf32> to vector<16xf32>
      %swap3A_353 = vector.shape_cast %add3A_348 : vector<16xf32> to vector<1x16xf32>
      tpu.vector_store %arg7[%swap3A_349, %swap3A_350], %swap3A_353 {strides = array<i32>} : memref<32x1024xf32, #tpu.memory_space<vmem>>, vector<1x16xf32>,
      %get3A_354 = arith.index_cast %scan3A_46 : i32 to index
      %get3A_355 = arith.constant 352 : index
      %get3A_356 = tpu.vector_load %arg7[%get3A_354, %get3A_355] {strides = array<i32>} : memref<32x1024xf32, #tpu.memory_space<vmem>>, vector<1x16xf32>,
      %get3A_357 = vector.shape_cast %get3A_356 : vector<1x16xf32> to vector<16xf32>
      %get3A_358 = arith.index_cast %scan3A_46 : i32 to index
      %get3A_359 = arith.constant 352 : index
      %get3A_360 = tpu.vector_load %arg8[%get3A_358, %get3A_359] {strides = array<i32>} : memref<32x1024xf32, #tpu.memory_space<vmem>>, vector<1x16xf32>,
      %get3A_361 = vector.shape_cast %get3A_360 : vector<1x16xf32> to vector<16xf32>
      %add3A_362 = arith.addf %get3A_357, %get3A_361 : vector<16xf32>
      %swap3A_363 = arith.index_cast %scan3A_46 : i32 to index
      %swap3A_364 = arith.constant 352 : index
      %swap3A_365 = tpu.vector_load %arg7[%swap3A_363, %swap3A_364] {strides = array<i32>} : memref<32x1024xf32, #tpu.memory_space<vmem>>, vector<1x16xf32>,
      %swap3A_366 = vector.shape_cast %swap3A_365 : vector<1x16xf32> to vector<16xf32>
      %swap3A_367 = vector.shape_cast %add3A_362 : vector<16xf32> to vector<1x16xf32>
      tpu.vector_store %arg7[%swap3A_363, %swap3A_364], %swap3A_367 {strides = array<i32>} : memref<32x1024xf32, #tpu.memory_space<vmem>>, vector<1x16xf32>,
      %get3A_368 = arith.index_cast %scan3A_46 : i32 to index
      %get3A_369 = arith.constant 368 : index
      %get3A_370 = tpu.vector_load %arg7[%get3A_368, %get3A_369] {strides = array<i32>} : memref<32x1024xf32, #tpu.memory_space<vmem>>, vector<1x16xf32>,
      %get3A_371 = vector.shape_cast %get3A_370 : vector<1x16xf32> to vector<16xf32>
      %get3A_372 = arith.index_cast %scan3A_46 : i32 to index
      %get3A_373 = arith.constant 368 : index
      %get3A_374 = tpu.vector_load %arg8[%get3A_372, %get3A_373] {strides = array<i32>} : memref<32x1024xf32, #tpu.memory_space<vmem>>, vector<1x16xf32>,
      %get3A_375 = vector.shape_cast %get3A_374 : vector<1x16xf32> to vector<16xf32>
      %add3A_376 = arith.addf %get3A_371, %get3A_375 : vector<16xf32>
      %swap3A_377 = arith.index_cast %scan3A_46 : i32 to index
      %swap3A_378 = arith.constant 368 : index
      %swap3A_379 = tpu.vector_load %arg7[%swap3A_377, %swap3A_378] {strides = array<i32>} : memref<32x1024xf32, #tpu.memory_space<vmem>>, vector<1x16xf32>,
      %swap3A_380 = vector.shape_cast %swap3A_379 : vector<1x16xf32> to vector<16xf32>
      %swap3A_381 = vector.shape_cast %add3A_376 : vector<16xf32> to vector<1x16xf32>
      tpu.vector_store %arg7[%swap3A_377, %swap3A_378], %swap3A_381 {strides = array<i32>} : memref<32x1024xf32, #tpu.memory_space<vmem>>, vector<1x16xf32>,
      %get3A_382 = arith.index_cast %scan3A_46 : i32 to index
      %get3A_383 = arith.constant 384 : index
      %get3A_384 = tpu.vector_load %arg7[%get3A_382, %get3A_383] {strides = array<i32>} : memref<32x1024xf32, #tpu.memory_space<vmem>>, vector<1x16xf32>,
      %get3A_385 = vector.shape_cast %get3A_384 : vector<1x16xf32> to vector<16xf32>
      %get3A_386 = arith.index_cast %scan3A_46 : i32 to index
      %get3A_387 = arith.constant 384 : index
      %get3A_388 = tpu.vector_load %arg8[%get3A_386, %get3A_387] {strides = array<i32>} : memref<32x1024xf32, #tpu.memory_space<vmem>>, vector<1x16xf32>,
      %get3A_389 = vector.shape_cast %get3A_388 : vector<1x16xf32> to vector<16xf32>
      %add3A_390 = arith.addf %get3A_385, %get3A_389 : vector<16xf32>
      %swap3A_391 = arith.index_cast %scan3A_46 : i32 to index
      %swap3A_392 = arith.constant 384 : index
      %swap3A_393 = tpu.vector_load %arg7[%swap3A_391, %swap3A_392] {strides = array<i32>} : memref<32x1024xf32, #tpu.memory_space<vmem>>, vector<1x16xf32>,
      %swap3A_394 = vector.shape_cast %swap3A_393 : vector<1x16xf32> to vector<16xf32>
      %swap3A_395 = vector.shape_cast %add3A_390 : vector<16xf32> to vector<1x16xf32>
      tpu.vector_store %arg7[%swap3A_391, %swap3A_392], %swap3A_395 {strides = array<i32>} : memref<32x1024xf32, #tpu.memory_space<vmem>>, vector<1x16xf32>,
      %get3A_396 = arith.index_cast %scan3A_46 : i32 to index
      %get3A_397 = arith.constant 400 : index
      %get3A_398 = tpu.vector_load %arg7[%get3A_396, %get3A_397] {strides = array<i32>} : memref<32x1024xf32, #tpu.memory_space<vmem>>, vector<1x16xf32>,
      %get3A_399 = vector.shape_cast %get3A_398 : vector<1x16xf32> to vector<16xf32>
      %get3A_400 = arith.index_cast %scan3A_46 : i32 to index
      %get3A_401 = arith.constant 400 : index
      %get3A_402 = tpu.vector_load %arg8[%get3A_400, %get3A_401] {strides = array<i32>} : memref<32x1024xf32, #tpu.memory_space<vmem>>, vector<1x16xf32>,
      %get3A_403 = vector.shape_cast %get3A_402 : vector<1x16xf32> to vector<16xf32>
      %add3A_404 = arith.addf %get3A_399, %get3A_403 : vector<16xf32>
      %swap3A_405 = arith.index_cast %scan3A_46 : i32 to index
      %swap3A_406 = arith.constant 400 : index
      %swap3A_407 = tpu.vector_load %arg7[%swap3A_405, %swap3A_406] {strides = array<i32>} : memref<32x1024xf32, #tpu.memory_space<vmem>>, vector<1x16xf32>,
      %swap3A_408 = vector.shape_cast %swap3A_407 : vector<1x16xf32> to vector<16xf32>
      %swap3A_409 = vector.shape_cast %add3A_404 : vector<16xf32> to vector<1x16xf32>
      tpu.vector_store %arg7[%swap3A_405, %swap3A_406], %swap3A_409 {strides = array<i32>} : memref<32x1024xf32, #tpu.memory_space<vmem>>, vector<1x16xf32>,
      %get3A_410 = arith.index_cast %scan3A_46 : i32 to index
      %get3A_411 = arith.constant 416 : index
      %get3A_412 = tpu.vector_load %arg7[%get3A_410, %get3A_411] {strides = array<i32>} : memref<32x1024xf32, #tpu.memory_space<vmem>>, vector<1x16xf32>,
      %get3A_413 = vector.shape_cast %get3A_412 : vector<1x16xf32> to vector<16xf32>
      %get3A_414 = arith.index_cast %scan3A_46 : i32 to index
      %get3A_415 = arith.constant 416 : index
      %get3A_416 = tpu.vector_load %arg8[%get3A_414, %get3A_415] {strides = array<i32>} : memref<32x1024xf32, #tpu.memory_space<vmem>>, vector<1x16xf32>,
      %get3A_417 = vector.shape_cast %get3A_416 : vector<1x16xf32> to vector<16xf32>
      %add3A_418 = arith.addf %get3A_413, %get3A_417 : vector<16xf32>
      %swap3A_419 = arith.index_cast %scan3A_46 : i32 to index
      %swap3A_420 = arith.constant 416 : index
      %swap3A_421 = tpu.vector_load %arg7[%swap3A_419, %swap3A_420] {strides = array<i32>} : memref<32x1024xf32, #tpu.memory_space<vmem>>, vector<1x16xf32>,
      %swap3A_422 = vector.shape_cast %swap3A_421 : vector<1x16xf32> to vector<16xf32>
      %swap3A_423 = vector.shape_cast %add3A_418 : vector<16xf32> to vector<1x16xf32>
      tpu.vector_store %arg7[%swap3A_419, %swap3A_420], %swap3A_423 {strides = array<i32>} : memref<32x1024xf32, #tpu.memory_space<vmem>>, vector<1x16xf32>,
      %get3A_424 = arith.index_cast %scan3A_46 : i32 to index
      %get3A_425 = arith.constant 432 : index
      %get3A_426 = tpu.vector_load %arg7[%get3A_424, %get3A_425] {strides = array<i32>} : memref<32x1024xf32, #tpu.memory_space<vmem>>, vector<1x16xf32>,
      %get3A_427 = vector.shape_cast %get3A_426 : vector<1x16xf32> to vector<16xf32>
      %get3A_428 = arith.index_cast %scan3A_46 : i32 to index
      %get3A_429 = arith.constant 432 : index
      %get3A_430 = tpu.vector_load %arg8[%get3A_428, %get3A_429] {strides = array<i32>} : memref<32x1024xf32, #tpu.memory_space<vmem>>, vector<1x16xf32>,
      %get3A_431 = vector.shape_cast %get3A_430 : vector<1x16xf32> to vector<16xf32>
      %add3A_432 = arith.addf %get3A_427, %get3A_431 : vector<16xf32>
      %swap3A_433 = arith.index_cast %scan3A_46 : i32 to index
      %swap3A_434 = arith.constant 432 : index
      %swap3A_435 = tpu.vector_load %arg7[%swap3A_433, %swap3A_434] {strides = array<i32>} : memref<32x1024xf32, #tpu.memory_space<vmem>>, vector<1x16xf32>,
      %swap3A_436 = vector.shape_cast %swap3A_435 : vector<1x16xf32> to vector<16xf32>
      %swap3A_437 = vector.shape_cast %add3A_432 : vector<16xf32> to vector<1x16xf32>
      tpu.vector_store %arg7[%swap3A_433, %swap3A_434], %swap3A_437 {strides = array<i32>} : memref<32x1024xf32, #tpu.memory_space<vmem>>, vector<1x16xf32>,
      %get3A_438 = arith.index_cast %scan3A_46 : i32 to index
      %get3A_439 = arith.constant 448 : index
      %get3A_440 = tpu.vector_load %arg7[%get3A_438, %get3A_439] {strides = array<i32>} : memref<32x1024xf32, #tpu.memory_space<vmem>>, vector<1x16xf32>,
      %get3A_441 = vector.shape_cast %get3A_440 : vector<1x16xf32> to vector<16xf32>
      %get3A_442 = arith.index_cast %scan3A_46 : i32 to index
      %get3A_443 = arith.constant 448 : index
      %get3A_444 = tpu.vector_load %arg8[%get3A_442, %get3A_443] {strides = array<i32>} : memref<32x1024xf32, #tpu.memory_space<vmem>>, vector<1x16xf32>,
      %get3A_445 = vector.shape_cast %get3A_444 : vector<1x16xf32> to vector<16xf32>
      %add3A_446 = arith.addf %get3A_441, %get3A_445 : vector<16xf32>
      %swap3A_447 = arith.index_cast %scan3A_46 : i32 to index
      %swap3A_448 = arith.constant 448 : index
      %swap3A_449 = tpu.vector_load %arg7[%swap3A_447, %swap3A_448] {strides = array<i32>} : memref<32x1024xf32, #tpu.memory_space<vmem>>, vector<1x16xf32>,
      %swap3A_450 = vector.shape_cast %swap3A_449 : vector<1x16xf32> to vector<16xf32>
      %swap3A_451 = vector.shape_cast %add3A_446 : vector<16xf32> to vector<1x16xf32>
      tpu.vector_store %arg7[%swap3A_447, %swap3A_448], %swap3A_451 {strides = array<i32>} : memref<32x1024xf32, #tpu.memory_space<vmem>>, vector<1x16xf32>,
      %get3A_452 = arith.index_cast %scan3A_46 : i32 to index
      %get3A_453 = arith.constant 464 : index
      %get3A_454 = tpu.vector_load %arg7[%get3A_452, %get3A_453] {strides = array<i32>} : memref<32x1024xf32, #tpu.memory_space<vmem>>, vector<1x16xf32>,
      %get3A_455 = vector.shape_cast %get3A_454 : vector<1x16xf32> to vector<16xf32>
      %get3A_456 = arith.index_cast %scan3A_46 : i32 to index
      %get3A_457 = arith.constant 464 : index
      %get3A_458 = tpu.vector_load %arg8[%get3A_456, %get3A_457] {strides = array<i32>} : memref<32x1024xf32, #tpu.memory_space<vmem>>, vector<1x16xf32>,
      %get3A_459 = vector.shape_cast %get3A_458 : vector<1x16xf32> to vector<16xf32>
      %add3A_460 = arith.addf %get3A_455, %get3A_459 : vector<16xf32>
      %swap3A_461 = arith.index_cast %scan3A_46 : i32 to index
      %swap3A_462 = arith.constant 464 : index
      %swap3A_463 = tpu.vector_load %arg7[%swap3A_461, %swap3A_462] {strides = array<i32>} : memref<32x1024xf32, #tpu.memory_space<vmem>>, vector<1x16xf32>,
      %swap3A_464 = vector.shape_cast %swap3A_463 : vector<1x16xf32> to vector<16xf32>
      %swap3A_465 = vector.shape_cast %add3A_460 : vector<16xf32> to vector<1x16xf32>
      tpu.vector_store %arg7[%swap3A_461, %swap3A_462], %swap3A_465 {strides = array<i32>} : memref<32x1024xf32, #tpu.memory_space<vmem>>, vector<1x16xf32>,
      %get3A_466 = arith.index_cast %scan3A_46 : i32 to index
      %get3A_467 = arith.constant 480 : index
      %get3A_468 = tpu.vector_load %arg7[%get3A_466, %get3A_467] {strides = array<i32>} : memref<32x1024xf32, #tpu.memory_space<vmem>>, vector<1x16xf32>,
      %get3A_469 = vector.shape_cast %get3A_468 : vector<1x16xf32> to vector<16xf32>
      %get3A_470 = arith.index_cast %scan3A_46 : i32 to index
      %get3A_471 = arith.constant 480 : index
      %get3A_472 = tpu.vector_load %arg8[%get3A_470, %get3A_471] {strides = array<i32>} : memref<32x1024xf32, #tpu.memory_space<vmem>>, vector<1x16xf32>,
      %get3A_473 = vector.shape_cast %get3A_472 : vector<1x16xf32> to vector<16xf32>
      %add3A_474 = arith.addf %get3A_469, %get3A_473 : vector<16xf32>
      %swap3A_475 = arith.index_cast %scan3A_46 : i32 to index
      %swap3A_476 = arith.constant 480 : index
      %swap3A_477 = tpu.vector_load %arg7[%swap3A_475, %swap3A_476] {strides = array<i32>} : memref<32x1024xf32, #tpu.memory_space<vmem>>, vector<1x16xf32>,
      %swap3A_478 = vector.shape_cast %swap3A_477 : vector<1x16xf32> to vector<16xf32>
      %swap3A_479 = vector.shape_cast %add3A_474 : vector<16xf32> to vector<1x16xf32>
      tpu.vector_store %arg7[%swap3A_475, %swap3A_476], %swap3A_479 {strides = array<i32>} : memref<32x1024xf32, #tpu.memory_space<vmem>>, vector<1x16xf32>,
      %get3A_480 = arith.index_cast %scan3A_46 : i32 to index
      %get3A_481 = arith.constant 496 : index
      %get3A_482 = tpu.vector_load %arg7[%get3A_480, %get3A_481] {strides = array<i32>} : memref<32x1024xf32, #tpu.memory_space<vmem>>, vector<1x16xf32>,
      %get3A_483 = vector.shape_cast %get3A_482 : vector<1x16xf32> to vector<16xf32>
      %get3A_484 = arith.index_cast %scan3A_46 : i32 to index
      %get3A_485 = arith.constant 496 : index
      %get3A_486 = tpu.vector_load %arg8[%get3A_484, %get3A_485] {strides = array<i32>} : memref<32x1024xf32, #tpu.memory_space<vmem>>, vector<1x16xf32>,
      %get3A_487 = vector.shape_cast %get3A_486 : vector<1x16xf32> to vector<16xf32>
      %add3A_488 = arith.addf %get3A_483, %get3A_487 : vector<16xf32>
      %swap3A_489 = arith.index_cast %scan3A_46 : i32 to index
      %swap3A_490 = arith.constant 496 : index
      %swap3A_491 = tpu.vector_load %arg7[%swap3A_489, %swap3A_490] {strides = array<i32>} : memref<32x1024xf32, #tpu.memory_space<vmem>>, vector<1x16xf32>,
      %swap3A_492 = vector.shape_cast %swap3A_491 : vector<1x16xf32> to vector<16xf32>
      %swap3A_493 = vector.shape_cast %add3A_488 : vector<16xf32> to vector<1x16xf32>
      tpu.vector_store %arg7[%swap3A_489, %swap3A_490], %swap3A_493 {strides = array<i32>} : memref<32x1024xf32, #tpu.memory_space<vmem>>, vector<1x16xf32>,
      %get3A_494 = arith.index_cast %scan3A_46 : i32 to index
      %get3A_495 = arith.constant 512 : index
      %get3A_496 = tpu.vector_load %arg7[%get3A_494, %get3A_495] {strides = array<i32>} : memref<32x1024xf32, #tpu.memory_space<vmem>>, vector<1x16xf32>,
      %get3A_497 = vector.shape_cast %get3A_496 : vector<1x16xf32> to vector<16xf32>
      %get3A_498 = arith.index_cast %scan3A_46 : i32 to index
      %get3A_499 = arith.constant 512 : index
      %get3A_500 = tpu.vector_load %arg8[%get3A_498, %get3A_499] {strides = array<i32>} : memref<32x1024xf32, #tpu.memory_space<vmem>>, vector<1x16xf32>,
      %get3A_501 = vector.shape_cast %get3A_500 : vector<1x16xf32> to vector<16xf32>
      %add3A_502 = arith.addf %get3A_497, %get3A_501 : vector<16xf32>
      %swap3A_503 = arith.index_cast %scan3A_46 : i32 to index
      %swap3A_504 = arith.constant 512 : index
      %swap3A_505 = tpu.vector_load %arg7[%swap3A_503, %swap3A_504] {strides = array<i32>} : memref<32x1024xf32, #tpu.memory_space<vmem>>, vector<1x16xf32>,
      %swap3A_506 = vector.shape_cast %swap3A_505 : vector<1x16xf32> to vector<16xf32>
      %swap3A_507 = vector.shape_cast %add3A_502 : vector<16xf32> to vector<1x16xf32>
      tpu.vector_store %arg7[%swap3A_503, %swap3A_504], %swap3A_507 {strides = array<i32>} : memref<32x1024xf32, #tpu.memory_space<vmem>>, vector<1x16xf32>,
      %get3A_508 = arith.index_cast %scan3A_46 : i32 to index
      %get3A_509 = arith.constant 528 : index
      %get3A_510 = tpu.vector_load %arg7[%get3A_508, %get3A_509] {strides = array<i32>} : memref<32x1024xf32, #tpu.memory_space<vmem>>, vector<1x16xf32>,
      %get3A_511 = vector.shape_cast %get3A_510 : vector<1x16xf32> to vector<16xf32>
      %get3A_512 = arith.index_cast %scan3A_46 : i32 to index
      %get3A_513 = arith.constant 528 : index
      %get3A_514 = tpu.vector_load %arg8[%get3A_512, %get3A_513] {strides = array<i32>} : memref<32x1024xf32, #tpu.memory_space<vmem>>, vector<1x16xf32>,
      %get3A_515 = vector.shape_cast %get3A_514 : vector<1x16xf32> to vector<16xf32>
      %add3A_516 = arith.addf %get3A_511, %get3A_515 : vector<16xf32>
      %swap3A_517 = arith.index_cast %scan3A_46 : i32 to index
      %swap3A_518 = arith.constant 528 : index
      %swap3A_519 = tpu.vector_load %arg7[%swap3A_517, %swap3A_518] {strides = array<i32>} : memref<32x1024xf32, #tpu.memory_space<vmem>>, vector<1x16xf32>,
      %swap3A_520 = vector.shape_cast %swap3A_519 : vector<1x16xf32> to vector<16xf32>
      %swap3A_521 = vector.shape_cast %add3A_516 : vector<16xf32> to vector<1x16xf32>
      tpu.vector_store %arg7[%swap3A_517, %swap3A_518], %swap3A_521 {strides = array<i32>} : memref<32x1024xf32, #tpu.memory_space<vmem>>, vector<1x16xf32>,
      %get3A_522 = arith.index_cast %scan3A_46 : i32 to index
      %get3A_523 = arith.constant 544 : index
      %get3A_524 = tpu.vector_load %arg7[%get3A_522, %get3A_523] {strides = array<i32>} : memref<32x1024xf32, #tpu.memory_space<vmem>>, vector<1x16xf32>,
      %get3A_525 = vector.shape_cast %get3A_524 : vector<1x16xf32> to vector<16xf32>
      %get3A_526 = arith.index_cast %scan3A_46 : i32 to index
      %get3A_527 = arith.constant 544 : index
      %get3A_528 = tpu.vector_load %arg8[%get3A_526, %get3A_527] {strides = array<i32>} : memref<32x1024xf32, #tpu.memory_space<vmem>>, vector<1x16xf32>,
      %get3A_529 = vector.shape_cast %get3A_528 : vector<1x16xf32> to vector<16xf32>
      %add3A_530 = arith.addf %get3A_525, %get3A_529 : vector<16xf32>
      %swap3A_531 = arith.index_cast %scan3A_46 : i32 to index
      %swap3A_532 = arith.constant 544 : index
      %swap3A_533 = tpu.vector_load %arg7[%swap3A_531, %swap3A_532] {strides = array<i32>} : memref<32x1024xf32, #tpu.memory_space<vmem>>, vector<1x16xf32>,
      %swap3A_534 = vector.shape_cast %swap3A_533 : vector<1x16xf32> to vector<16xf32>
      %swap3A_535 = vector.shape_cast %add3A_530 : vector<16xf32> to vector<1x16xf32>
      tpu.vector_store %arg7[%swap3A_531, %swap3A_532], %swap3A_535 {strides = array<i32>} : memref<32x1024xf32, #tpu.memory_space<vmem>>, vector<1x16xf32>,
      %get3A_536 = arith.index_cast %scan3A_46 : i32 to index
      %get3A_537 = arith.constant 560 : index
      %get3A_538 = tpu.vector_load %arg7[%get3A_536, %get3A_537] {strides = array<i32>} : memref<32x1024xf32, #tpu.memory_space<vmem>>, vector<1x16xf32>,
      %get3A_539 = vector.shape_cast %get3A_538 : vector<1x16xf32> to vector<16xf32>
      %get3A_540 = arith.index_cast %scan3A_46 : i32 to index
      %get3A_541 = arith.constant 560 : index
      %get3A_542 = tpu.vector_load %arg8[%get3A_540, %get3A_541] {strides = array<i32>} : memref<32x1024xf32, #tpu.memory_space<vmem>>, vector<1x16xf32>,
      %get3A_543 = vector.shape_cast %get3A_542 : vector<1x16xf32> to vector<16xf32>
      %add3A_544 = arith.addf %get3A_539, %get3A_543 : vector<16xf32>
      %swap3A_545 = arith.index_cast %scan3A_46 : i32 to index
      %swap3A_546 = arith.constant 560 : index
      %swap3A_547 = tpu.vector_load %arg7[%swap3A_545, %swap3A_546] {strides = array<i32>} : memref<32x1024xf32, #tpu.memory_space<vmem>>, vector<1x16xf32>,
      %swap3A_548 = vector.shape_cast %swap3A_547 : vector<1x16xf32> to vector<16xf32>
      %swap3A_549 = vector.shape_cast %add3A_544 : vector<16xf32> to vector<1x16xf32>
      tpu.vector_store %arg7[%swap3A_545, %swap3A_546], %swap3A_549 {strides = array<i32>} : memref<32x1024xf32, #tpu.memory_space<vmem>>, vector<1x16xf32>,
      %get3A_550 = arith.index_cast %scan3A_46 : i32 to index
      %get3A_551 = arith.constant 576 : index
      %get3A_552 = tpu.vector_load %arg7[%get3A_550, %get3A_551] {strides = array<i32>} : memref<32x1024xf32, #tpu.memory_space<vmem>>, vector<1x16xf32>,
      %get3A_553 = vector.shape_cast %get3A_552 : vector<1x16xf32> to vector<16xf32>
      %get3A_554 = arith.index_cast %scan3A_46 : i32 to index
      %get3A_555 = arith.constant 576 : index
      %get3A_556 = tpu.vector_load %arg8[%get3A_554, %get3A_555] {strides = array<i32>} : memref<32x1024xf32, #tpu.memory_space<vmem>>, vector<1x16xf32>,
      %get3A_557 = vector.shape_cast %get3A_556 : vector<1x16xf32> to vector<16xf32>
      %add3A_558 = arith.addf %get3A_553, %get3A_557 : vector<16xf32>
      %swap3A_559 = arith.index_cast %scan3A_46 : i32 to index
      %swap3A_560 = arith.constant 576 : index
      %swap3A_561 = tpu.vector_load %arg7[%swap3A_559, %swap3A_560] {strides = array<i32>} : memref<32x1024xf32, #tpu.memory_space<vmem>>, vector<1x16xf32>,
      %swap3A_562 = vector.shape_cast %swap3A_561 : vector<1x16xf32> to vector<16xf32>
      %swap3A_563 = vector.shape_cast %add3A_558 : vector<16xf32> to vector<1x16xf32>
      tpu.vector_store %arg7[%swap3A_559, %swap3A_560], %swap3A_563 {strides = array<i32>} : memref<32x1024xf32, #tpu.memory_space<vmem>>, vector<1x16xf32>,
      %get3A_564 = arith.index_cast %scan3A_46 : i32 to index
      %get3A_565 = arith.constant 592 : index
      %get3A_566 = tpu.vector_load %arg7[%get3A_564, %get3A_565] {strides = array<i32>} : memref<32x1024xf32, #tpu.memory_space<vmem>>, vector<1x16xf32>,
      %get3A_567 = vector.shape_cast %get3A_566 : vector<1x16xf32> to vector<16xf32>
      %get3A_568 = arith.index_cast %scan3A_46 : i32 to index
      %get3A_569 = arith.constant 592 : index
      %get3A_570 = tpu.vector_load %arg8[%get3A_568, %get3A_569] {strides = array<i32>} : memref<32x1024xf32, #tpu.memory_space<vmem>>, vector<1x16xf32>,
      %get3A_571 = vector.shape_cast %get3A_570 : vector<1x16xf32> to vector<16xf32>
      %add3A_572 = arith.addf %get3A_567, %get3A_571 : vector<16xf32>
      %swap3A_573 = arith.index_cast %scan3A_46 : i32 to index
      %swap3A_574 = arith.constant 592 : index
      %swap3A_575 = tpu.vector_load %arg7[%swap3A_573, %swap3A_574] {strides = array<i32>} : memref<32x1024xf32, #tpu.memory_space<vmem>>, vector<1x16xf32>,
      %swap3A_576 = vector.shape_cast %swap3A_575 : vector<1x16xf32> to vector<16xf32>
      %swap3A_577 = vector.shape_cast %add3A_572 : vector<16xf32> to vector<1x16xf32>
      tpu.vector_store %arg7[%swap3A_573, %swap3A_574], %swap3A_577 {strides = array<i32>} : memref<32x1024xf32, #tpu.memory_space<vmem>>, vector<1x16xf32>,
      %get3A_578 = arith.index_cast %scan3A_46 : i32 to index
      %get3A_579 = arith.constant 608 : index
      %get3A_580 = tpu.vector_load %arg7[%get3A_578, %get3A_579] {strides = array<i32>} : memref<32x1024xf32, #tpu.memory_space<vmem>>, vector<1x16xf32>,
      %get3A_581 = vector.shape_cast %get3A_580 : vector<1x16xf32> to vector<16xf32>
      %get3A_582 = arith.index_cast %scan3A_46 : i32 to index
      %get3A_583 = arith.constant 608 : index
      %get3A_584 = tpu.vector_load %arg8[%get3A_582, %get3A_583] {strides = array<i32>} : memref<32x1024xf32, #tpu.memory_space<vmem>>, vector<1x16xf32>,
      %get3A_585 = vector.shape_cast %get3A_584 : vector<1x16xf32> to vector<16xf32>
      %add3A_586 = arith.addf %get3A_581, %get3A_585 : vector<16xf32>
      %swap3A_587 = arith.index_cast %scan3A_46 : i32 to index
      %swap3A_588 = arith.constant 608 : index
      %swap3A_589 = tpu.vector_load %arg7[%swap3A_587, %swap3A_588] {strides = array<i32>} : memref<32x1024xf32, #tpu.memory_space<vmem>>, vector<1x16xf32>,
      %swap3A_590 = vector.shape_cast %swap3A_589 : vector<1x16xf32> to vector<16xf32>
      %swap3A_591 = vector.shape_cast %add3A_586 : vector<16xf32> to vector<1x16xf32>
      tpu.vector_store %arg7[%swap3A_587, %swap3A_588], %swap3A_591 {strides = array<i32>} : memref<32x1024xf32, #tpu.memory_space<vmem>>, vector<1x16xf32>,
      %get3A_592 = arith.index_cast %scan3A_46 : i32 to index
      %get3A_593 = arith.constant 624 : index
      %get3A_594 = tpu.vector_load %arg7[%get3A_592, %get3A_593] {strides = array<i32>} : memref<32x1024xf32, #tpu.memory_space<vmem>>, vector<1x16xf32>,
      %get3A_595 = vector.shape_cast %get3A_594 : vector<1x16xf32> to vector<16xf32>
      %get3A_596 = arith.index_cast %scan3A_46 : i32 to index
      %get3A_597 = arith.constant 624 : index
      %get3A_598 = tpu.vector_load %arg8[%get3A_596, %get3A_597] {strides = array<i32>} : memref<32x1024xf32, #tpu.memory_space<vmem>>, vector<1x16xf32>,
      %get3A_599 = vector.shape_cast %get3A_598 : vector<1x16xf32> to vector<16xf32>
      %add3A_600 = arith.addf %get3A_595, %get3A_599 : vector<16xf32>
      %swap3A_601 = arith.index_cast %scan3A_46 : i32 to index
      %swap3A_602 = arith.constant 624 : index
      %swap3A_603 = tpu.vector_load %arg7[%swap3A_601, %swap3A_602] {strides = array<i32>} : memref<32x1024xf32, #tpu.memory_space<vmem>>, vector<1x16xf32>,
      %swap3A_604 = vector.shape_cast %swap3A_603 : vector<1x16xf32> to vector<16xf32>
      %swap3A_605 = vector.shape_cast %add3A_600 : vector<16xf32> to vector<1x16xf32>
      tpu.vector_store %arg7[%swap3A_601, %swap3A_602], %swap3A_605 {strides = array<i32>} : memref<32x1024xf32, #tpu.memory_space<vmem>>, vector<1x16xf32>,
      %get3A_606 = arith.index_cast %scan3A_46 : i32 to index
      %get3A_607 = arith.constant 640 : index
      %get3A_608 = tpu.vector_load %arg7[%get3A_606, %get3A_607] {strides = array<i32>} : memref<32x1024xf32, #tpu.memory_space<vmem>>, vector<1x16xf32>,
      %get3A_609 = vector.shape_cast %get3A_608 : vector<1x16xf32> to vector<16xf32>
      %get3A_610 = arith.index_cast %scan3A_46 : i32 to index
      %get3A_611 = arith.constant 640 : index
      %get3A_612 = tpu.vector_load %arg8[%get3A_610, %get3A_611] {strides = array<i32>} : memref<32x1024xf32, #tpu.memory_space<vmem>>, vector<1x16xf32>,
      %get3A_613 = vector.shape_cast %get3A_612 : vector<1x16xf32> to vector<16xf32>
      %add3A_614 = arith.addf %get3A_609, %get3A_613 : vector<16xf32>
      %swap3A_615 = arith.index_cast %scan3A_46 : i32 to index
      %swap3A_616 = arith.constant 640 : index
      %swap3A_617 = tpu.vector_load %arg7[%swap3A_615, %swap3A_616] {strides = array<i32>} : memref<32x1024xf32, #tpu.memory_space<vmem>>, vector<1x16xf32>,
      %swap3A_618 = vector.shape_cast %swap3A_617 : vector<1x16xf32> to vector<16xf32>
      %swap3A_619 = vector.shape_cast %add3A_614 : vector<16xf32> to vector<1x16xf32>
      tpu.vector_store %arg7[%swap3A_615, %swap3A_616], %swap3A_619 {strides = array<i32>} : memref<32x1024xf32, #tpu.memory_space<vmem>>, vector<1x16xf32>,
      %get3A_620 = arith.index_cast %scan3A_46 : i32 to index
      %get3A_621 = arith.constant 656 : index
      %get3A_622 = tpu.vector_load %arg7[%get3A_620, %get3A_621] {strides = array<i32>} : memref<32x1024xf32, #tpu.memory_space<vmem>>, vector<1x16xf32>,
      %get3A_623 = vector.shape_cast %get3A_622 : vector<1x16xf32> to vector<16xf32>
      %get3A_624 = arith.index_cast %scan3A_46 : i32 to index
      %get3A_625 = arith.constant 656 : index
      %get3A_626 = tpu.vector_load %arg8[%get3A_624, %get3A_625] {strides = array<i32>} : memref<32x1024xf32, #tpu.memory_space<vmem>>, vector<1x16xf32>,
      %get3A_627 = vector.shape_cast %get3A_626 : vector<1x16xf32> to vector<16xf32>
      %add3A_628 = arith.addf %get3A_623, %get3A_627 : vector<16xf32>
      %swap3A_629 = arith.index_cast %scan3A_46 : i32 to index
      %swap3A_630 = arith.constant 656 : index
      %swap3A_631 = tpu.vector_load %arg7[%swap3A_629, %swap3A_630] {strides = array<i32>} : memref<32x1024xf32, #tpu.memory_space<vmem>>, vector<1x16xf32>,
      %swap3A_632 = vector.shape_cast %swap3A_631 : vector<1x16xf32> to vector<16xf32>
      %swap3A_633 = vector.shape_cast %add3A_628 : vector<16xf32> to vector<1x16xf32>
      tpu.vector_store %arg7[%swap3A_629, %swap3A_630], %swap3A_633 {strides = array<i32>} : memref<32x1024xf32, #tpu.memory_space<vmem>>, vector<1x16xf32>,
      %get3A_634 = arith.index_cast %scan3A_46 : i32 to index
      %get3A_635 = arith.constant 672 : index
      %get3A_636 = tpu.vector_load %arg7[%get3A_634, %get3A_635] {strides = array<i32>} : memref<32x1024xf32, #tpu.memory_space<vmem>>, vector<1x16xf32>,
      %get3A_637 = vector.shape_cast %get3A_636 : vector<1x16xf32> to vector<16xf32>
      %get3A_638 = arith.index_cast %scan3A_46 : i32 to index
      %get3A_639 = arith.constant 672 : index
      %get3A_640 = tpu.vector_load %arg8[%get3A_638, %get3A_639] {strides = array<i32>} : memref<32x1024xf32, #tpu.memory_space<vmem>>, vector<1x16xf32>,
      %get3A_641 = vector.shape_cast %get3A_640 : vector<1x16xf32> to vector<16xf32>
      %add3A_642 = arith.addf %get3A_637, %get3A_641 : vector<16xf32>
      %swap3A_643 = arith.index_cast %scan3A_46 : i32 to index
      %swap3A_644 = arith.constant 672 : index
      %swap3A_645 = tpu.vector_load %arg7[%swap3A_643, %swap3A_644] {strides = array<i32>} : memref<32x1024xf32, #tpu.memory_space<vmem>>, vector<1x16xf32>,
      %swap3A_646 = vector.shape_cast %swap3A_645 : vector<1x16xf32> to vector<16xf32>
      %swap3A_647 = vector.shape_cast %add3A_642 : vector<16xf32> to vector<1x16xf32>
      tpu.vector_store %arg7[%swap3A_643, %swap3A_644], %swap3A_647 {strides = array<i32>} : memref<32x1024xf32, #tpu.memory_space<vmem>>, vector<1x16xf32>,
      %get3A_648 = arith.index_cast %scan3A_46 : i32 to index
      %get3A_649 = arith.constant 688 : index
      %get3A_650 = tpu.vector_load %arg7[%get3A_648, %get3A_649] {strides = array<i32>} : memref<32x1024xf32, #tpu.memory_space<vmem>>, vector<1x16xf32>,
      %get3A_651 = vector.shape_cast %get3A_650 : vector<1x16xf32> to vector<16xf32>
      %get3A_652 = arith.index_cast %scan3A_46 : i32 to index
      %get3A_653 = arith.constant 688 : index
      %get3A_654 = tpu.vector_load %arg8[%get3A_652, %get3A_653] {strides = array<i32>} : memref<32x1024xf32, #tpu.memory_space<vmem>>, vector<1x16xf32>,
      %get3A_655 = vector.shape_cast %get3A_654 : vector<1x16xf32> to vector<16xf32>
      %add3A_656 = arith.addf %get3A_651, %get3A_655 : vector<16xf32>
      %swap3A_657 = arith.index_cast %scan3A_46 : i32 to index
      %swap3A_658 = arith.constant 688 : index
      %swap3A_659 = tpu.vector_load %arg7[%swap3A_657, %swap3A_658] {strides = array<i32>} : memref<32x1024xf32, #tpu.memory_space<vmem>>, vector<1x16xf32>,
      %swap3A_660 = vector.shape_cast %swap3A_659 : vector<1x16xf32> to vector<16xf32>
      %swap3A_661 = vector.shape_cast %add3A_656 : vector<16xf32> to vector<1x16xf32>
      tpu.vector_store %arg7[%swap3A_657, %swap3A_658], %swap3A_661 {strides = array<i32>} : memref<32x1024xf32, #tpu.memory_space<vmem>>, vector<1x16xf32>,
      %get3A_662 = arith.index_cast %scan3A_46 : i32 to index
      %get3A_663 = arith.constant 704 : index
      %get3A_664 = tpu.vector_load %arg7[%get3A_662, %get3A_663] {strides = array<i32>} : memref<32x1024xf32, #tpu.memory_space<vmem>>, vector<1x16xf32>,
      %get3A_665 = vector.shape_cast %get3A_664 : vector<1x16xf32> to vector<16xf32>
      %get3A_666 = arith.index_cast %scan3A_46 : i32 to index
      %get3A_667 = arith.constant 704 : index
      %get3A_668 = tpu.vector_load %arg8[%get3A_666, %get3A_667] {strides = array<i32>} : memref<32x1024xf32, #tpu.memory_space<vmem>>, vector<1x16xf32>,
      %get3A_669 = vector.shape_cast %get3A_668 : vector<1x16xf32> to vector<16xf32>
      %add3A_670 = arith.addf %get3A_665, %get3A_669 : vector<16xf32>
      %swap3A_671 = arith.index_cast %scan3A_46 : i32 to index
      %swap3A_672 = arith.constant 704 : index
      %swap3A_673 = tpu.vector_load %arg7[%swap3A_671, %swap3A_672] {strides = array<i32>} : memref<32x1024xf32, #tpu.memory_space<vmem>>, vector<1x16xf32>,
      %swap3A_674 = vector.shape_cast %swap3A_673 : vector<1x16xf32> to vector<16xf32>
      %swap3A_675 = vector.shape_cast %add3A_670 : vector<16xf32> to vector<1x16xf32>
      tpu.vector_store %arg7[%swap3A_671, %swap3A_672], %swap3A_675 {strides = array<i32>} : memref<32x1024xf32, #tpu.memory_space<vmem>>, vector<1x16xf32>,
      %get3A_676 = arith.index_cast %scan3A_46 : i32 to index
      %get3A_677 = arith.constant 720 : index
      %get3A_678 = tpu.vector_load %arg7[%get3A_676, %get3A_677] {strides = array<i32>} : memref<32x1024xf32, #tpu.memory_space<vmem>>, vector<1x16xf32>,
      %get3A_679 = vector.shape_cast %get3A_678 : vector<1x16xf32> to vector<16xf32>
      %get3A_680 = arith.index_cast %scan3A_46 : i32 to index
      %get3A_681 = arith.constant 720 : index
      %get3A_682 = tpu.vector_load %arg8[%get3A_680, %get3A_681] {strides = array<i32>} : memref<32x1024xf32, #tpu.memory_space<vmem>>, vector<1x16xf32>,
      %get3A_683 = vector.shape_cast %get3A_682 : vector<1x16xf32> to vector<16xf32>
      %add3A_684 = arith.addf %get3A_679, %get3A_683 : vector<16xf32>
      %swap3A_685 = arith.index_cast %scan3A_46 : i32 to index
      %swap3A_686 = arith.constant 720 : index
      %swap3A_687 = tpu.vector_load %arg7[%swap3A_685, %swap3A_686] {strides = array<i32>} : memref<32x1024xf32, #tpu.memory_space<vmem>>, vector<1x16xf32>,
      %swap3A_688 = vector.shape_cast %swap3A_687 : vector<1x16xf32> to vector<16xf32>
      %swap3A_689 = vector.shape_cast %add3A_684 : vector<16xf32> to vector<1x16xf32>
      tpu.vector_store %arg7[%swap3A_685, %swap3A_686], %swap3A_689 {strides = array<i32>} : memref<32x1024xf32, #tpu.memory_space<vmem>>, vector<1x16xf32>,
      %get3A_690 = arith.index_cast %scan3A_46 : i32 to index
      %get3A_691 = arith.constant 736 : index
      %get3A_692 = tpu.vector_load %arg7[%get3A_690, %get3A_691] {strides = array<i32>} : memref<32x1024xf32, #tpu.memory_space<vmem>>, vector<1x16xf32>,
      %get3A_693 = vector.shape_cast %get3A_692 : vector<1x16xf32> to vector<16xf32>
      %get3A_694 = arith.index_cast %scan3A_46 : i32 to index
      %get3A_695 = arith.constant 736 : index
      %get3A_696 = tpu.vector_load %arg8[%get3A_694, %get3A_695] {strides = array<i32>} : memref<32x1024xf32, #tpu.memory_space<vmem>>, vector<1x16xf32>,
      %get3A_697 = vector.shape_cast %get3A_696 : vector<1x16xf32> to vector<16xf32>
      %add3A_698 = arith.addf %get3A_693, %get3A_697 : vector<16xf32>
      %swap3A_699 = arith.index_cast %scan3A_46 : i32 to index
      %swap3A_700 = arith.constant 736 : index
      %swap3A_701 = tpu.vector_load %arg7[%swap3A_699, %swap3A_700] {strides = array<i32>} : memref<32x1024xf32, #tpu.memory_space<vmem>>, vector<1x16xf32>,
      %swap3A_702 = vector.shape_cast %swap3A_701 : vector<1x16xf32> to vector<16xf32>
      %swap3A_703 = vector.shape_cast %add3A_698 : vector<16xf32> to vector<1x16xf32>
      tpu.vector_store %arg7[%swap3A_699, %swap3A_700], %swap3A_703 {strides = array<i32>} : memref<32x1024xf32, #tpu.memory_space<vmem>>, vector<1x16xf32>,
      %get3A_704 = arith.index_cast %scan3A_46 : i32 to index
      %get3A_705 = arith.constant 752 : index
      %get3A_706 = tpu.vector_load %arg7[%get3A_704, %get3A_705] {strides = array<i32>} : memref<32x1024xf32, #tpu.memory_space<vmem>>, vector<1x16xf32>,
      %get3A_707 = vector.shape_cast %get3A_706 : vector<1x16xf32> to vector<16xf32>
      %get3A_708 = arith.index_cast %scan3A_46 : i32 to index
      %get3A_709 = arith.constant 752 : index
      %get3A_710 = tpu.vector_load %arg8[%get3A_708, %get3A_709] {strides = array<i32>} : memref<32x1024xf32, #tpu.memory_space<vmem>>, vector<1x16xf32>,
      %get3A_711 = vector.shape_cast %get3A_710 : vector<1x16xf32> to vector<16xf32>
      %add3A_712 = arith.addf %get3A_707, %get3A_711 : vector<16xf32>
      %swap3A_713 = arith.index_cast %scan3A_46 : i32 to index
      %swap3A_714 = arith.constant 752 : index
      %swap3A_715 = tpu.vector_load %arg7[%swap3A_713, %swap3A_714] {strides = array<i32>} : memref<32x1024xf32, #tpu.memory_space<vmem>>, vector<1x16xf32>,
      %swap3A_716 = vector.shape_cast %swap3A_715 : vector<1x16xf32> to vector<16xf32>
      %swap3A_717 = vector.shape_cast %add3A_712 : vector<16xf32> to vector<1x16xf32>
      tpu.vector_store %arg7[%swap3A_713, %swap3A_714], %swap3A_717 {strides = array<i32>} : memref<32x1024xf32, #tpu.memory_space<vmem>>, vector<1x16xf32>,
      %get3A_718 = arith.index_cast %scan3A_46 : i32 to index
      %get3A_719 = arith.constant 768 : index
      %get3A_720 = tpu.vector_load %arg7[%get3A_718, %get3A_719] {strides = array<i32>} : memref<32x1024xf32, #tpu.memory_space<vmem>>, vector<1x16xf32>,
      %get3A_721 = vector.shape_cast %get3A_720 : vector<1x16xf32> to vector<16xf32>
      %get3A_722 = arith.index_cast %scan3A_46 : i32 to index
      %get3A_723 = arith.constant 768 : index
      %get3A_724 = tpu.vector_load %arg8[%get3A_722, %get3A_723] {strides = array<i32>} : memref<32x1024xf32, #tpu.memory_space<vmem>>, vector<1x16xf32>,
      %get3A_725 = vector.shape_cast %get3A_724 : vector<1x16xf32> to vector<16xf32>
      %add3A_726 = arith.addf %get3A_721, %get3A_725 : vector<16xf32>
      %swap3A_727 = arith.index_cast %scan3A_46 : i32 to index
      %swap3A_728 = arith.constant 768 : index
      %swap3A_729 = tpu.vector_load %arg7[%swap3A_727, %swap3A_728] {strides = array<i32>} : memref<32x1024xf32, #tpu.memory_space<vmem>>, vector<1x16xf32>,
      %swap3A_730 = vector.shape_cast %swap3A_729 : vector<1x16xf32> to vector<16xf32>
      %swap3A_731 = vector.shape_cast %add3A_726 : vector<16xf32> to vector<1x16xf32>
      tpu.vector_store %arg7[%swap3A_727, %swap3A_728], %swap3A_731 {strides = array<i32>} : memref<32x1024xf32, #tpu.memory_space<vmem>>, vector<1x16xf32>,
      %get3A_732 = arith.index_cast %scan3A_46 : i32 to index
      %get3A_733 = arith.constant 784 : index
      %get3A_734 = tpu.vector_load %arg7[%get3A_732, %get3A_733] {strides = array<i32>} : memref<32x1024xf32, #tpu.memory_space<vmem>>, vector<1x16xf32>,
      %get3A_735 = vector.shape_cast %get3A_734 : vector<1x16xf32> to vector<16xf32>
      %get3A_736 = arith.index_cast %scan3A_46 : i32 to index
      %get3A_737 = arith.constant 784 : index
      %get3A_738 = tpu.vector_load %arg8[%get3A_736, %get3A_737] {strides = array<i32>} : memref<32x1024xf32, #tpu.memory_space<vmem>>, vector<1x16xf32>,
      %get3A_739 = vector.shape_cast %get3A_738 : vector<1x16xf32> to vector<16xf32>
      %add3A_740 = arith.addf %get3A_735, %get3A_739 : vector<16xf32>
      %swap3A_741 = arith.index_cast %scan3A_46 : i32 to index
      %swap3A_742 = arith.constant 784 : index
      %swap3A_743 = tpu.vector_load %arg7[%swap3A_741, %swap3A_742] {strides = array<i32>} : memref<32x1024xf32, #tpu.memory_space<vmem>>, vector<1x16xf32>,
      %swap3A_744 = vector.shape_cast %swap3A_743 : vector<1x16xf32> to vector<16xf32>
      %swap3A_745 = vector.shape_cast %add3A_740 : vector<16xf32> to vector<1x16xf32>
      tpu.vector_store %arg7[%swap3A_741, %swap3A_742], %swap3A_745 {strides = array<i32>} : memref<32x1024xf32, #tpu.memory_space<vmem>>, vector<1x16xf32>,
      %get3A_746 = arith.index_cast %scan3A_46 : i32 to index
      %get3A_747 = arith.constant 800 : index
      %get3A_748 = tpu.vector_load %arg7[%get3A_746, %get3A_747] {strides = array<i32>} : memref<32x1024xf32, #tpu.memory_space<vmem>>, vector<1x16xf32>,
      %get3A_749 = vector.shape_cast %get3A_748 : vector<1x16xf32> to vector<16xf32>
      %get3A_750 = arith.index_cast %scan3A_46 : i32 to index
      %get3A_751 = arith.constant 800 : index
      %get3A_752 = tpu.vector_load %arg8[%get3A_750, %get3A_751] {strides = array<i32>} : memref<32x1024xf32, #tpu.memory_space<vmem>>, vector<1x16xf32>,
      %get3A_753 = vector.shape_cast %get3A_752 : vector<1x16xf32> to vector<16xf32>
      %add3A_754 = arith.addf %get3A_749, %get3A_753 : vector<16xf32>
      %swap3A_755 = arith.index_cast %scan3A_46 : i32 to index
      %swap3A_756 = arith.constant 800 : index
      %swap3A_757 = tpu.vector_load %arg7[%swap3A_755, %swap3A_756] {strides = array<i32>} : memref<32x1024xf32, #tpu.memory_space<vmem>>, vector<1x16xf32>,
      %swap3A_758 = vector.shape_cast %swap3A_757 : vector<1x16xf32> to vector<16xf32>
      %swap3A_759 = vector.shape_cast %add3A_754 : vector<16xf32> to vector<1x16xf32>
      tpu.vector_store %arg7[%swap3A_755, %swap3A_756], %swap3A_759 {strides = array<i32>} : memref<32x1024xf32, #tpu.memory_space<vmem>>, vector<1x16xf32>,
      %get3A_760 = arith.index_cast %scan3A_46 : i32 to index
      %get3A_761 = arith.constant 816 : index
      %get3A_762 = tpu.vector_load %arg7[%get3A_760, %get3A_761] {strides = array<i32>} : memref<32x1024xf32, #tpu.memory_space<vmem>>, vector<1x16xf32>,
      %get3A_763 = vector.shape_cast %get3A_762 : vector<1x16xf32> to vector<16xf32>
      %get3A_764 = arith.index_cast %scan3A_46 : i32 to index
      %get3A_765 = arith.constant 816 : index
      %get3A_766 = tpu.vector_load %arg8[%get3A_764, %get3A_765] {strides = array<i32>} : memref<32x1024xf32, #tpu.memory_space<vmem>>, vector<1x16xf32>,
      %get3A_767 = vector.shape_cast %get3A_766 : vector<1x16xf32> to vector<16xf32>
      %add3A_768 = arith.addf %get3A_763, %get3A_767 : vector<16xf32>
      %swap3A_769 = arith.index_cast %scan3A_46 : i32 to index
      %swap3A_770 = arith.constant 816 : index
      %swap3A_771 = tpu.vector_load %arg7[%swap3A_769, %swap3A_770] {strides = array<i32>} : memref<32x1024xf32, #tpu.memory_space<vmem>>, vector<1x16xf32>,
      %swap3A_772 = vector.shape_cast %swap3A_771 : vector<1x16xf32> to vector<16xf32>
      %swap3A_773 = vector.shape_cast %add3A_768 : vector<16xf32> to vector<1x16xf32>
      tpu.vector_store %arg7[%swap3A_769, %swap3A_770], %swap3A_773 {strides = array<i32>} : memref<32x1024xf32, #tpu.memory_space<vmem>>, vector<1x16xf32>,
      %get3A_774 = arith.index_cast %scan3A_46 : i32 to index
      %get3A_775 = arith.constant 832 : index
      %get3A_776 = tpu.vector_load %arg7[%get3A_774, %get3A_775] {strides = array<i32>} : memref<32x1024xf32, #tpu.memory_space<vmem>>, vector<1x16xf32>,
      %get3A_777 = vector.shape_cast %get3A_776 : vector<1x16xf32> to vector<16xf32>
      %get3A_778 = arith.index_cast %scan3A_46 : i32 to index
      %get3A_779 = arith.constant 832 : index
      %get3A_780 = tpu.vector_load %arg8[%get3A_778, %get3A_779] {strides = array<i32>} : memref<32x1024xf32, #tpu.memory_space<vmem>>, vector<1x16xf32>,
      %get3A_781 = vector.shape_cast %get3A_780 : vector<1x16xf32> to vector<16xf32>
      %add3A_782 = arith.addf %get3A_777, %get3A_781 : vector<16xf32>
      %swap3A_783 = arith.index_cast %scan3A_46 : i32 to index
      %swap3A_784 = arith.constant 832 : index
      %swap3A_785 = tpu.vector_load %arg7[%swap3A_783, %swap3A_784] {strides = array<i32>} : memref<32x1024xf32, #tpu.memory_space<vmem>>, vector<1x16xf32>,
      %swap3A_786 = vector.shape_cast %swap3A_785 : vector<1x16xf32> to vector<16xf32>
      %swap3A_787 = vector.shape_cast %add3A_782 : vector<16xf32> to vector<1x16xf32>
      tpu.vector_store %arg7[%swap3A_783, %swap3A_784], %swap3A_787 {strides = array<i32>} : memref<32x1024xf32, #tpu.memory_space<vmem>>, vector<1x16xf32>,
      %get3A_788 = arith.index_cast %scan3A_46 : i32 to index
      %get3A_789 = arith.constant 848 : index
      %get3A_790 = tpu.vector_load %arg7[%get3A_788, %get3A_789] {strides = array<i32>} : memref<32x1024xf32, #tpu.memory_space<vmem>>, vector<1x16xf32>,
      %get3A_791 = vector.shape_cast %get3A_790 : vector<1x16xf32> to vector<16xf32>
      %get3A_792 = arith.index_cast %scan3A_46 : i32 to index
      %get3A_793 = arith.constant 848 : index
      %get3A_794 = tpu.vector_load %arg8[%get3A_792, %get3A_793] {strides = array<i32>} : memref<32x1024xf32, #tpu.memory_space<vmem>>, vector<1x16xf32>,
      %get3A_795 = vector.shape_cast %get3A_794 : vector<1x16xf32> to vector<16xf32>
      %add3A_796 = arith.addf %get3A_791, %get3A_795 : vector<16xf32>
      %swap3A_797 = arith.index_cast %scan3A_46 : i32 to index
      %swap3A_798 = arith.constant 848 : index
      %swap3A_799 = tpu.vector_load %arg7[%swap3A_797, %swap3A_798] {strides = array<i32>} : memref<32x1024xf32, #tpu.memory_space<vmem>>, vector<1x16xf32>,
      %swap3A_800 = vector.shape_cast %swap3A_799 : vector<1x16xf32> to vector<16xf32>
      %swap3A_801 = vector.shape_cast %add3A_796 : vector<16xf32> to vector<1x16xf32>
      tpu.vector_store %arg7[%swap3A_797, %swap3A_798], %swap3A_801 {strides = array<i32>} : memref<32x1024xf32, #tpu.memory_space<vmem>>, vector<1x16xf32>,
      %get3A_802 = arith.index_cast %scan3A_46 : i32 to index
      %get3A_803 = arith.constant 864 : index
      %get3A_804 = tpu.vector_load %arg7[%get3A_802, %get3A_803] {strides = array<i32>} : memref<32x1024xf32, #tpu.memory_space<vmem>>, vector<1x16xf32>,
      %get3A_805 = vector.shape_cast %get3A_804 : vector<1x16xf32> to vector<16xf32>
      %get3A_806 = arith.index_cast %scan3A_46 : i32 to index
      %get3A_807 = arith.constant 864 : index
      %get3A_808 = tpu.vector_load %arg8[%get3A_806, %get3A_807] {strides = array<i32>} : memref<32x1024xf32, #tpu.memory_space<vmem>>, vector<1x16xf32>,
      %get3A_809 = vector.shape_cast %get3A_808 : vector<1x16xf32> to vector<16xf32>
      %add3A_810 = arith.addf %get3A_805, %get3A_809 : vector<16xf32>
      %swap3A_811 = arith.index_cast %scan3A_46 : i32 to index
      %swap3A_812 = arith.constant 864 : index
      %swap3A_813 = tpu.vector_load %arg7[%swap3A_811, %swap3A_812] {strides = array<i32>} : memref<32x1024xf32, #tpu.memory_space<vmem>>, vector<1x16xf32>,
      %swap3A_814 = vector.shape_cast %swap3A_813 : vector<1x16xf32> to vector<16xf32>
      %swap3A_815 = vector.shape_cast %add3A_810 : vector<16xf32> to vector<1x16xf32>
      tpu.vector_store %arg7[%swap3A_811, %swap3A_812], %swap3A_815 {strides = array<i32>} : memref<32x1024xf32, #tpu.memory_space<vmem>>, vector<1x16xf32>,
      %get3A_816 = arith.index_cast %scan3A_46 : i32 to index
      %get3A_817 = arith.constant 880 : index
      %get3A_818 = tpu.vector_load %arg7[%get3A_816, %get3A_817] {strides = array<i32>} : memref<32x1024xf32, #tpu.memory_space<vmem>>, vector<1x16xf32>,
      %get3A_819 = vector.shape_cast %get3A_818 : vector<1x16xf32> to vector<16xf32>
      %get3A_820 = arith.index_cast %scan3A_46 : i32 to index
      %get3A_821 = arith.constant 880 : index
      %get3A_822 = tpu.vector_load %arg8[%get3A_820, %get3A_821] {strides = array<i32>} : memref<32x1024xf32, #tpu.memory_space<vmem>>, vector<1x16xf32>,
      %get3A_823 = vector.shape_cast %get3A_822 : vector<1x16xf32> to vector<16xf32>
      %add3A_824 = arith.addf %get3A_819, %get3A_823 : vector<16xf32>
      %swap3A_825 = arith.index_cast %scan3A_46 : i32 to index
      %swap3A_826 = arith.constant 880 : index
      %swap3A_827 = tpu.vector_load %arg7[%swap3A_825, %swap3A_826] {strides = array<i32>} : memref<32x1024xf32, #tpu.memory_space<vmem>>, vector<1x16xf32>,
      %swap3A_828 = vector.shape_cast %swap3A_827 : vector<1x16xf32> to vector<16xf32>
      %swap3A_829 = vector.shape_cast %add3A_824 : vector<16xf32> to vector<1x16xf32>
      tpu.vector_store %arg7[%swap3A_825, %swap3A_826], %swap3A_829 {strides = array<i32>} : memref<32x1024xf32, #tpu.memory_space<vmem>>, vector<1x16xf32>,
      %get3A_830 = arith.index_cast %scan3A_46 : i32 to index
      %get3A_831 = arith.constant 896 : index
      %get3A_832 = tpu.vector_load %arg7[%get3A_830, %get3A_831] {strides = array<i32>} : memref<32x1024xf32, #tpu.memory_space<vmem>>, vector<1x16xf32>,
      %get3A_833 = vector.shape_cast %get3A_832 : vector<1x16xf32> to vector<16xf32>
      %get3A_834 = arith.index_cast %scan3A_46 : i32 to index
      %get3A_835 = arith.constant 896 : index
      %get3A_836 = tpu.vector_load %arg8[%get3A_834, %get3A_835] {strides = array<i32>} : memref<32x1024xf32, #tpu.memory_space<vmem>>, vector<1x16xf32>,
      %get3A_837 = vector.shape_cast %get3A_836 : vector<1x16xf32> to vector<16xf32>
      %add3A_838 = arith.addf %get3A_833, %get3A_837 : vector<16xf32>
      %swap3A_839 = arith.index_cast %scan3A_46 : i32 to index
      %swap3A_840 = arith.constant 896 : index
      %swap3A_841 = tpu.vector_load %arg7[%swap3A_839, %swap3A_840] {strides = array<i32>} : memref<32x1024xf32, #tpu.memory_space<vmem>>, vector<1x16xf32>,
      %swap3A_842 = vector.shape_cast %swap3A_841 : vector<1x16xf32> to vector<16xf32>
      %swap3A_843 = vector.shape_cast %add3A_838 : vector<16xf32> to vector<1x16xf32>
      tpu.vector_store %arg7[%swap3A_839, %swap3A_840], %swap3A_843 {strides = array<i32>} : memref<32x1024xf32, #tpu.memory_space<vmem>>, vector<1x16xf32>,
      %get3A_844 = arith.index_cast %scan3A_46 : i32 to index
      %get3A_845 = arith.constant 912 : index
      %get3A_846 = tpu.vector_load %arg7[%get3A_844, %get3A_845] {strides = array<i32>} : memref<32x1024xf32, #tpu.memory_space<vmem>>, vector<1x16xf32>,
      %get3A_847 = vector.shape_cast %get3A_846 : vector<1x16xf32> to vector<16xf32>
      %get3A_848 = arith.index_cast %scan3A_46 : i32 to index
      %get3A_849 = arith.constant 912 : index
      %get3A_850 = tpu.vector_load %arg8[%get3A_848, %get3A_849] {strides = array<i32>} : memref<32x1024xf32, #tpu.memory_space<vmem>>, vector<1x16xf32>,
      %get3A_851 = vector.shape_cast %get3A_850 : vector<1x16xf32> to vector<16xf32>
      %add3A_852 = arith.addf %get3A_847, %get3A_851 : vector<16xf32>
      %swap3A_853 = arith.index_cast %scan3A_46 : i32 to index
      %swap3A_854 = arith.constant 912 : index
      %swap3A_855 = tpu.vector_load %arg7[%swap3A_853, %swap3A_854] {strides = array<i32>} : memref<32x1024xf32, #tpu.memory_space<vmem>>, vector<1x16xf32>,
      %swap3A_856 = vector.shape_cast %swap3A_855 : vector<1x16xf32> to vector<16xf32>
      %swap3A_857 = vector.shape_cast %add3A_852 : vector<16xf32> to vector<1x16xf32>
      tpu.vector_store %arg7[%swap3A_853, %swap3A_854], %swap3A_857 {strides = array<i32>} : memref<32x1024xf32, #tpu.memory_space<vmem>>, vector<1x16xf32>,
      %get3A_858 = arith.index_cast %scan3A_46 : i32 to index
      %get3A_859 = arith.constant 928 : index
      %get3A_860 = tpu.vector_load %arg7[%get3A_858, %get3A_859] {strides = array<i32>} : memref<32x1024xf32, #tpu.memory_space<vmem>>, vector<1x16xf32>,
      %get3A_861 = vector.shape_cast %get3A_860 : vector<1x16xf32> to vector<16xf32>
      %get3A_862 = arith.index_cast %scan3A_46 : i32 to index
      %get3A_863 = arith.constant 928 : index
      %get3A_864 = tpu.vector_load %arg8[%get3A_862, %get3A_863] {strides = array<i32>} : memref<32x1024xf32, #tpu.memory_space<vmem>>, vector<1x16xf32>,
      %get3A_865 = vector.shape_cast %get3A_864 : vector<1x16xf32> to vector<16xf32>
      %add3A_866 = arith.addf %get3A_861, %get3A_865 : vector<16xf32>
      %swap3A_867 = arith.index_cast %scan3A_46 : i32 to index
      %swap3A_868 = arith.constant 928 : index
      %swap3A_869 = tpu.vector_load %arg7[%swap3A_867, %swap3A_868] {strides = array<i32>} : memref<32x1024xf32, #tpu.memory_space<vmem>>, vector<1x16xf32>,
      %swap3A_870 = vector.shape_cast %swap3A_869 : vector<1x16xf32> to vector<16xf32>
      %swap3A_871 = vector.shape_cast %add3A_866 : vector<16xf32> to vector<1x16xf32>
      tpu.vector_store %arg7[%swap3A_867, %swap3A_868], %swap3A_871 {strides = array<i32>} : memref<32x1024xf32, #tpu.memory_space<vmem>>, vector<1x16xf32>,
      %get3A_872 = arith.index_cast %scan3A_46 : i32 to index
      %get3A_873 = arith.constant 944 : index
      %get3A_874 = tpu.vector_load %arg7[%get3A_872, %get3A_873] {strides = array<i32>} : memref<32x1024xf32, #tpu.memory_space<vmem>>, vector<1x16xf32>,
      %get3A_875 = vector.shape_cast %get3A_874 : vector<1x16xf32> to vector<16xf32>
      %get3A_876 = arith.index_cast %scan3A_46 : i32 to index
      %get3A_877 = arith.constant 944 : index
      %get3A_878 = tpu.vector_load %arg8[%get3A_876, %get3A_877] {strides = array<i32>} : memref<32x1024xf32, #tpu.memory_space<vmem>>, vector<1x16xf32>,
      %get3A_879 = vector.shape_cast %get3A_878 : vector<1x16xf32> to vector<16xf32>
      %add3A_880 = arith.addf %get3A_875, %get3A_879 : vector<16xf32>
      %swap3A_881 = arith.index_cast %scan3A_46 : i32 to index
      %swap3A_882 = arith.constant 944 : index
      %swap3A_883 = tpu.vector_load %arg7[%swap3A_881, %swap3A_882] {strides = array<i32>} : memref<32x1024xf32, #tpu.memory_space<vmem>>, vector<1x16xf32>,
      %swap3A_884 = vector.shape_cast %swap3A_883 : vector<1x16xf32> to vector<16xf32>
      %swap3A_885 = vector.shape_cast %add3A_880 : vector<16xf32> to vector<1x16xf32>
      tpu.vector_store %arg7[%swap3A_881, %swap3A_882], %swap3A_885 {strides = array<i32>} : memref<32x1024xf32, #tpu.memory_space<vmem>>, vector<1x16xf32>,
      %get3A_886 = arith.index_cast %scan3A_46 : i32 to index
      %get3A_887 = arith.constant 960 : index
      %get3A_888 = tpu.vector_load %arg7[%get3A_886, %get3A_887] {strides = array<i32>} : memref<32x1024xf32, #tpu.memory_space<vmem>>, vector<1x16xf32>,
      %get3A_889 = vector.shape_cast %get3A_888 : vector<1x16xf32> to vector<16xf32>
      %get3A_890 = arith.index_cast %scan3A_46 : i32 to index
      %get3A_891 = arith.constant 960 : index
      %get3A_892 = tpu.vector_load %arg8[%get3A_890, %get3A_891] {strides = array<i32>} : memref<32x1024xf32, #tpu.memory_space<vmem>>, vector<1x16xf32>,
      %get3A_893 = vector.shape_cast %get3A_892 : vector<1x16xf32> to vector<16xf32>
      %add3A_894 = arith.addf %get3A_889, %get3A_893 : vector<16xf32>
      %swap3A_895 = arith.index_cast %scan3A_46 : i32 to index
      %swap3A_896 = arith.constant 960 : index
      %swap3A_897 = tpu.vector_load %arg7[%swap3A_895, %swap3A_896] {strides = array<i32>} : memref<32x1024xf32, #tpu.memory_space<vmem>>, vector<1x16xf32>,
      %swap3A_898 = vector.shape_cast %swap3A_897 : vector<1x16xf32> to vector<16xf32>
      %swap3A_899 = vector.shape_cast %add3A_894 : vector<16xf32> to vector<1x16xf32>
      tpu.vector_store %arg7[%swap3A_895, %swap3A_896], %swap3A_899 {strides = array<i32>} : memref<32x1024xf32, #tpu.memory_space<vmem>>, vector<1x16xf32>,
      %get3A_900 = arith.index_cast %scan3A_46 : i32 to index
      %get3A_901 = arith.constant 976 : index
      %get3A_902 = tpu.vector_load %arg7[%get3A_900, %get3A_901] {strides = array<i32>} : memref<32x1024xf32, #tpu.memory_space<vmem>>, vector<1x16xf32>,
      %get3A_903 = vector.shape_cast %get3A_902 : vector<1x16xf32> to vector<16xf32>
      %get3A_904 = arith.index_cast %scan3A_46 : i32 to index
      %get3A_905 = arith.constant 976 : index
      %get3A_906 = tpu.vector_load %arg8[%get3A_904, %get3A_905] {strides = array<i32>} : memref<32x1024xf32, #tpu.memory_space<vmem>>, vector<1x16xf32>,
      %get3A_907 = vector.shape_cast %get3A_906 : vector<1x16xf32> to vector<16xf32>
      %add3A_908 = arith.addf %get3A_903, %get3A_907 : vector<16xf32>
      %swap3A_909 = arith.index_cast %scan3A_46 : i32 to index
      %swap3A_910 = arith.constant 976 : index
      %swap3A_911 = tpu.vector_load %arg7[%swap3A_909, %swap3A_910] {strides = array<i32>} : memref<32x1024xf32, #tpu.memory_space<vmem>>, vector<1x16xf32>,
      %swap3A_912 = vector.shape_cast %swap3A_911 : vector<1x16xf32> to vector<16xf32>
      %swap3A_913 = vector.shape_cast %add3A_908 : vector<16xf32> to vector<1x16xf32>
      tpu.vector_store %arg7[%swap3A_909, %swap3A_910], %swap3A_913 {strides = array<i32>} : memref<32x1024xf32, #tpu.memory_space<vmem>>, vector<1x16xf32>,
      %get3A_914 = arith.index_cast %scan3A_46 : i32 to index
      %get3A_915 = arith.constant 992 : index
      %get3A_916 = tpu.vector_load %arg7[%get3A_914, %get3A_915] {strides = array<i32>} : memref<32x1024xf32, #tpu.memory_space<vmem>>, vector<1x16xf32>,
      %get3A_917 = vector.shape_cast %get3A_916 : vector<1x16xf32> to vector<16xf32>
      %get3A_918 = arith.index_cast %scan3A_46 : i32 to index
      %get3A_919 = arith.constant 992 : index
      %get3A_920 = tpu.vector_load %arg8[%get3A_918, %get3A_919] {strides = array<i32>} : memref<32x1024xf32, #tpu.memory_space<vmem>>, vector<1x16xf32>,
      %get3A_921 = vector.shape_cast %get3A_920 : vector<1x16xf32> to vector<16xf32>
      %add3A_922 = arith.addf %get3A_917, %get3A_921 : vector<16xf32>
      %swap3A_923 = arith.index_cast %scan3A_46 : i32 to index
      %swap3A_924 = arith.constant 992 : index
      %swap3A_925 = tpu.vector_load %arg7[%swap3A_923, %swap3A_924] {strides = array<i32>} : memref<32x1024xf32, #tpu.memory_space<vmem>>, vector<1x16xf32>,
      %swap3A_926 = vector.shape_cast %swap3A_925 : vector<1x16xf32> to vector<16xf32>
      %swap3A_927 = vector.shape_cast %add3A_922 : vector<16xf32> to vector<1x16xf32>
      tpu.vector_store %arg7[%swap3A_923, %swap3A_924], %swap3A_927 {strides = array<i32>} : memref<32x1024xf32, #tpu.memory_space<vmem>>, vector<1x16xf32>,
      %get3A_928 = arith.index_cast %scan3A_46 : i32 to index
      %get3A_929 = arith.constant 1008 : index
      %get3A_930 = tpu.vector_load %arg7[%get3A_928, %get3A_929] {strides = array<i32>} : memref<32x1024xf32, #tpu.memory_space<vmem>>, vector<1x16xf32>,
      %get3A_931 = vector.shape_cast %get3A_930 : vector<1x16xf32> to vector<16xf32>
      %get3A_932 = arith.index_cast %scan3A_46 : i32 to index
      %get3A_933 = arith.constant 1008 : index
      %get3A_934 = tpu.vector_load %arg8[%get3A_932, %get3A_933] {strides = array<i32>} : memref<32x1024xf32, #tpu.memory_space<vmem>>, vector<1x16xf32>,
      %get3A_935 = vector.shape_cast %get3A_934 : vector<1x16xf32> to vector<16xf32>
      %add3A_936 = arith.addf %get3A_931, %get3A_935 : vector<16xf32>
      %swap3A_937 = arith.index_cast %scan3A_46 : i32 to index
      %swap3A_938 = arith.constant 1008 : index
      %swap3A_939 = tpu.vector_load %arg7[%swap3A_937, %swap3A_938] {strides = array<i32>} : memref<32x1024xf32, #tpu.memory_space<vmem>>, vector<1x16xf32>,
      %swap3A_940 = vector.shape_cast %swap3A_939 : vector<1x16xf32> to vector<16xf32>
      %swap3A_941 = vector.shape_cast %add3A_936 : vector<16xf32> to vector<1x16xf32>
      tpu.vector_store %arg7[%swap3A_937, %swap3A_938], %swap3A_941 {strides = array<i32>} : memref<32x1024xf32, #tpu.memory_space<vmem>>, vector<1x16xf32>,
      %scan3A_942 = arith.constant 0 : i32
      scf.yield %scan3A_942 : i32
    }
    %scan3A_45 = arith.constant 32 : i32
    "tpu.region"() ({
      %run_scoped3A = tpu.sem_alloc : memref<!tpu.dma_semaphore, #tpu.memory_space<semaphore_mem>>
      %dma_start3A_46 = arith.constant 0 : i32
      %dma_start3A_47 = tpu.memref_slice %arg4[%add3A_24, %dma_start3A_46] : memref<2048x1024xf32, #tpu.memory_space<hbm>> -> memref<32x1024xf32, #tpu.memory_space<hbm>>
      %dma_start3A_48 = arith.constant 0 : i32
      %dma_start3A_49 = tpu.memref_slice %arg4[%add3A_24, %dma_start3A_48] : memref<2048x1024xf32, #tpu.memory_space<hbm>> -> memref<32x1024xf32, #tpu.memory_space<hbm>>
      tpu.enqueue_dma source(%arg7 : memref<32x1024xf32, #tpu.memory_space<vmem>>) target(%dma_start3A_49 : memref<32x1024xf32, #tpu.memory_space<hbm>>) target_semaphore(%run_scoped3A : memref<!tpu.dma_semaphore, #tpu.memory_space<semaphore_mem>>)
      %dma_wait3A_50 = arith.constant 0 : i32
      %dma_wait3A_51 = tpu.memref_slice %arg4[%add3A_24, %dma_wait3A_50] : memref<2048x1024xf32, #tpu.memory_space<hbm>> -> memref<32x1024xf32, #tpu.memory_space<hbm>>
      %dma_wait3A_52 = arith.constant 0 : i32
      %dma_wait3A_53 = tpu.memref_slice %arg4[%add3A_24, %dma_wait3A_52] : memref<2048x1024xf32, #tpu.memory_space<hbm>> -> memref<32x1024xf32, #tpu.memory_space<hbm>>
      tpu.wait_dma2 semaphore(%run_scoped3A : memref<!tpu.dma_semaphore, #tpu.memory_space<semaphore_mem>>) src(%arg7 : memref<32x1024xf32, #tpu.memory_space<vmem>>) dst(%dma_wait3A_53 : memref<32x1024xf32, #tpu.memory_space<hbm>>)
      tpu.yield
    }) : () -> ()
    return
  }
}

#map = affine_map<(d0, d1) -> (0, 0)>
#map1 = affine_map<(d0, d1) -> (0)>
module attributes {stable_mosaic.version = 14 : i64} {
  func.func @_sc_dispatch_body(%arg0: i32, %arg1: i32, %arg2: memref<2048x1024xf32, #tpu.memory_space<hbm>>, %arg3: memref<4096xi32, #tpu.memory_space<hbm>>, %arg4: memref<5120x1024xf32, #tpu.memory_space<hbm>>, %arg5: memref<64xi32, #tpu.memory_space<vmem>>, %arg6: memref<64xi32, #tpu.memory_space<vmem>>, %arg7: memref<64x1024xf32, #tpu.memory_space<vmem>>, %arg8: memref<!tpu.dma_semaphore, #tpu.memory_space<semaphore_mem>>, %arg9: memref<!tpu.dma_semaphore, #tpu.memory_space<semaphore_mem>>) attributes {dimension_semantics = [#tpu.dimension_semantics<core_parallel>, #tpu.dimension_semantics<subcore_parallel>], iteration_bounds = array<i64: 2, 16>, scalar_prefetch = 0 : i64, scratch_operands = 5 : i64, tpu.core_type = #tpu.core_type<sc_vector_subcore>, window_params = [{transform_indices = #map}, {transform_indices = #map1}, {transform_indices = #map}]} {
    %mul3A = arith.constant 16 : i32
    %mul3A_0 = arith.muli %arg0, %mul3A : i32
    %add3A = arith.addi %mul3A_0, %arg1 : i32
    %mul3A_1 = arith.constant 64 : i32
    %mul3A_2 = arith.muli %add3A, %mul3A_1 : i32
    "tpu.region"() ({
      %run_scoped3A = tpu.sem_alloc : memref<!tpu.dma_semaphore, #tpu.memory_space<semaphore_mem>>
      %dma_start3A_15 = tpu.memref_slice %arg3[%mul3A_2] : memref<4096xi32, #tpu.memory_space<hbm>> -> memref<64xi32, #tpu.memory_space<hbm>>
      %dma_start3A_16 = tpu.memref_slice %arg3[%mul3A_2] : memref<4096xi32, #tpu.memory_space<hbm>> -> memref<64xi32, #tpu.memory_space<hbm>>
      tpu.enqueue_dma source(%dma_start3A_16 : memref<64xi32, #tpu.memory_space<hbm>>) target(%arg5 : memref<64xi32, #tpu.memory_space<vmem>>) target_semaphore(%run_scoped3A : memref<!tpu.dma_semaphore, #tpu.memory_space<semaphore_mem>>)
      %dma_wait3A_17 = tpu.memref_slice %arg3[%mul3A_2] : memref<4096xi32, #tpu.memory_space<hbm>> -> memref<64xi32, #tpu.memory_space<hbm>>
      %dma_wait3A_18 = tpu.memref_slice %arg3[%mul3A_2] : memref<4096xi32, #tpu.memory_space<hbm>> -> memref<64xi32, #tpu.memory_space<hbm>>
      tpu.wait_dma2 semaphore(%run_scoped3A : memref<!tpu.dma_semaphore, #tpu.memory_space<semaphore_mem>>) src(%dma_wait3A_18 : memref<64xi32, #tpu.memory_space<hbm>>) dst(%arg5 : memref<64xi32, #tpu.memory_space<vmem>>)
      tpu.yield
    }) : () -> ()
    %add3A_3 = arith.constant 2048 : i32
    %add3A_4 = arith.addi %add3A_3, %mul3A_2 : i32
    "tpu.region"() ({
      %run_scoped3A = tpu.sem_alloc : memref<!tpu.dma_semaphore, #tpu.memory_space<semaphore_mem>>
      %dma_start3A_15 = tpu.memref_slice %arg3[%add3A_4] : memref<4096xi32, #tpu.memory_space<hbm>> -> memref<64xi32, #tpu.memory_space<hbm>>
      %dma_start3A_16 = tpu.memref_slice %arg3[%add3A_4] : memref<4096xi32, #tpu.memory_space<hbm>> -> memref<64xi32, #tpu.memory_space<hbm>>
      tpu.enqueue_dma source(%dma_start3A_16 : memref<64xi32, #tpu.memory_space<hbm>>) target(%arg6 : memref<64xi32, #tpu.memory_space<vmem>>) target_semaphore(%run_scoped3A : memref<!tpu.dma_semaphore, #tpu.memory_space<semaphore_mem>>)
      %dma_wait3A_17 = tpu.memref_slice %arg3[%add3A_4] : memref<4096xi32, #tpu.memory_space<hbm>> -> memref<64xi32, #tpu.memory_space<hbm>>
      %dma_wait3A_18 = tpu.memref_slice %arg3[%add3A_4] : memref<4096xi32, #tpu.memory_space<hbm>> -> memref<64xi32, #tpu.memory_space<hbm>>
      tpu.wait_dma2 semaphore(%run_scoped3A : memref<!tpu.dma_semaphore, #tpu.memory_space<semaphore_mem>>) src(%dma_wait3A_18 : memref<64xi32, #tpu.memory_space<hbm>>) dst(%arg6 : memref<64xi32, #tpu.memory_space<vmem>>)
      tpu.yield
    }) : () -> ()
    "tpu.region"() ({
      %run_scoped3A = tpu.sem_alloc : memref<!tpu.dma_semaphore, #tpu.memory_space<semaphore_mem>>
      %dma_start3A_15 = arith.constant 0 : i32
      %dma_start3A_16 = tpu.memref_slice %arg2[%mul3A_2, %dma_start3A_15] : memref<2048x1024xf32, #tpu.memory_space<hbm>> -> memref<64x1024xf32, #tpu.memory_space<hbm>>
      %dma_start3A_17 = arith.constant 0 : i32
      %dma_start3A_18 = tpu.memref_slice %arg2[%mul3A_2, %dma_start3A_17] : memref<2048x1024xf32, #tpu.memory_space<hbm>> -> memref<64x1024xf32, #tpu.memory_space<hbm>>
      tpu.enqueue_dma source(%dma_start3A_18 : memref<64x1024xf32, #tpu.memory_space<hbm>>) target(%arg7 : memref<64x1024xf32, #tpu.memory_space<vmem>>) target_semaphore(%run_scoped3A : memref<!tpu.dma_semaphore, #tpu.memory_space<semaphore_mem>>)
      %dma_wait3A_19 = arith.constant 0 : i32
      %dma_wait3A_20 = tpu.memref_slice %arg2[%mul3A_2, %dma_wait3A_19] : memref<2048x1024xf32, #tpu.memory_space<hbm>> -> memref<64x1024xf32, #tpu.memory_space<hbm>>
      %dma_wait3A_21 = arith.constant 0 : i32
      %dma_wait3A_22 = tpu.memref_slice %arg2[%mul3A_2, %dma_wait3A_21] : memref<2048x1024xf32, #tpu.memory_space<hbm>> -> memref<64x1024xf32, #tpu.memory_space<hbm>>
      tpu.wait_dma2 semaphore(%run_scoped3A : memref<!tpu.dma_semaphore, #tpu.memory_space<semaphore_mem>>) src(%dma_wait3A_22 : memref<64x1024xf32, #tpu.memory_space<hbm>>) dst(%arg7 : memref<64x1024xf32, #tpu.memory_space<vmem>>)
      tpu.yield
    }) : () -> ()
    %dma_start3A = arith.constant 0 : i32
    %dma_start3A_5 = arith.constant 0 : i32
    %dma_start3A_6 = tpu.memref_slice %arg4[%dma_start3A, %dma_start3A_5] : memref<5120x1024xf32, #tpu.memory_space<hbm>> -> memref<5120x1024xf32, #tpu.memory_space<hbm>>
    tpu.enqueue_indirect_dma source(%arg7 : memref<64x1024xf32, #tpu.memory_space<vmem>>) target(%dma_start3A_6 : memref<5120x1024xf32, #tpu.memory_space<hbm>>) offsets(%arg5 : memref<64xi32, #tpu.memory_space<vmem>>) semaphore(%arg8 : memref<!tpu.dma_semaphore, #tpu.memory_space<semaphore_mem>>)
    %dma_start3A_7 = arith.constant 0 : i32
    %dma_start3A_8 = arith.constant 0 : i32
    %dma_start3A_9 = tpu.memref_slice %arg4[%dma_start3A_7, %dma_start3A_8] : memref<5120x1024xf32, #tpu.memory_space<hbm>> -> memref<5120x1024xf32, #tpu.memory_space<hbm>>
    tpu.enqueue_indirect_dma source(%arg7 : memref<64x1024xf32, #tpu.memory_space<vmem>>) target(%dma_start3A_9 : memref<5120x1024xf32, #tpu.memory_space<hbm>>) offsets(%arg6 : memref<64xi32, #tpu.memory_space<vmem>>) semaphore(%arg9 : memref<!tpu.dma_semaphore, #tpu.memory_space<semaphore_mem>>)
    %dma_wait3A = arith.constant 0 : i32
    %dma_wait3A_10 = arith.constant 0 : i32
    %dma_wait3A_11 = tpu.memref_slice %arg4[%dma_wait3A, %dma_wait3A_10] : memref<5120x1024xf32, #tpu.memory_space<hbm>> -> memref<5120x1024xf32, #tpu.memory_space<hbm>>
    tpu.wait_indirect_dma semaphore(%arg8 : memref<!tpu.dma_semaphore, #tpu.memory_space<semaphore_mem>>) src(%arg7 : memref<64x1024xf32, #tpu.memory_space<vmem>>) dst(%dma_wait3A_11 : memref<5120x1024xf32, #tpu.memory_space<hbm>>)
    %dma_wait3A_12 = arith.constant 0 : i32
    %dma_wait3A_13 = arith.constant 0 : i32
    %dma_wait3A_14 = tpu.memref_slice %arg4[%dma_wait3A_12, %dma_wait3A_13] : memref<5120x1024xf32, #tpu.memory_space<hbm>> -> memref<5120x1024xf32, #tpu.memory_space<hbm>>
    tpu.wait_indirect_dma semaphore(%arg9 : memref<!tpu.dma_semaphore, #tpu.memory_space<semaphore_mem>>) src(%arg7 : memref<64x1024xf32, #tpu.memory_space<vmem>>) dst(%dma_wait3A_14 : memref<5120x1024xf32, #tpu.memory_space<hbm>>)
    return
  }
}

module attributes {stable_mosaic.version = 14 : i64} {
  func.func @_router_body(%arg0: memref<2048x1024xf32, #tpu.memory_space<vmem>>, %arg1: memref<1024x8xf32, #tpu.memory_space<vmem>>, %arg2: memref<2048x1xi32, #tpu.memory_space<vmem>>, %arg3: memref<2048x1xi32, #tpu.memory_space<vmem>>, %arg4: memref<2048x1xf32, #tpu.memory_space<vmem>>, %arg5: memref<2048x1xf32, #tpu.memory_space<vmem>>) attributes {dimension_semantics = [], scalar_prefetch = 0 : i64, scratch_operands = 0 : i64, tpu.core_type = #tpu.core_type<tc>} {
    %get3A = arith.constant 0 : index
    %get3A_0 = arith.constant 0 : index
    %get3A_1 = vector.load %arg0[%get3A, %get3A_0] : memref<2048x1024xf32, #tpu.memory_space<vmem>>, vector<2048x1024xf32>
    %get3A_2 = arith.constant 0 : index
    %get3A_3 = arith.constant 0 : index
    %get3A_4 = vector.load %arg1[%get3A_2, %get3A_3] : memref<1024x8xf32, #tpu.memory_space<vmem>>, vector<1024x8xf32>
    %dot_general3A = arith.constant dense<0.000000e+00> : vector<2048x8xf32>
    %dot_general3A_5 = tpu.matmul %get3A_1, %get3A_4, %dot_general3A {dimension_numbers = #tpu.dot_dimension_numbers<[1], [0], [0], [1], [0, 0, 1, 1], [], []>, transpose_lhs_hint = false} : vector<2048x1024xf32>, vector<1024x8xf32>, vector<2048x8xf32> -> vector<2048x8xf32>
    %iota3A = tpu.iota {dimensions = array<i32: 1>} : vector<2048x8xi32>
    %reduce_max3A = arith.constant dense<0xFF800000> : vector<2048xf32>
    %reduce_max3A_6 = vector.multi_reduction <maximumf>, %dot_general3A_5, %reduce_max3A [1] : vector<2048x8xf32> to vector<2048xf32>
    %broadcast_in_dim3A = vector.shape_cast %reduce_max3A_6 : vector<2048xf32> to vector<2048x1xf32>
    %eq3A = vector.broadcast %broadcast_in_dim3A : vector<2048x1xf32> to vector<2048x8xf32>
    %eq3A_7 = arith.cmpf oeq, %dot_general3A_5, %eq3A : vector<2048x8xf32>
    %jit3A = arith.constant 8 : i32
    %broadcast_in_dim3A_8 = vector.broadcast %jit3A : i32 to vector<2048x8xi32>
    %select_n3A = arith.select %eq3A_7, %iota3A, %broadcast_in_dim3A_8 : vector<2048x8xi1>, vector<2048x8xi32>
    %reduce_min3A = arith.constant dense<2147483647> : vector<2048xi32>
    %reduce_min3A_9 = vector.multi_reduction <minsi>, %select_n3A, %reduce_min3A [1] : vector<2048x8xi32> to vector<2048xi32>
    %broadcast_in_dim3A_10 = vector.shape_cast %reduce_min3A_9 : vector<2048xi32> to vector<2048x1xi32>
    %eq3A_11 = vector.broadcast %broadcast_in_dim3A_10 : vector<2048x1xi32> to vector<2048x8xi32>
    %eq3A_12 = arith.cmpi eq, %iota3A, %eq3A_11 : vector<2048x8xi32>
    %jit3A_13 = arith.constant 0xFF800000 : f32
    %broadcast_in_dim3A_14 = vector.broadcast %jit3A_13 : f32 to vector<2048x8xf32>
    %select_n3A_15 = arith.select %eq3A_12, %broadcast_in_dim3A_14, %dot_general3A_5 : vector<2048x8xi1>, vector<2048x8xf32>
    %reduce_max3A_16 = arith.constant dense<0xFF800000> : vector<2048xf32>
    %reduce_max3A_17 = vector.multi_reduction <maximumf>, %select_n3A_15, %reduce_max3A_16 [1] : vector<2048x8xf32> to vector<2048xf32>
    %broadcast_in_dim3A_18 = vector.shape_cast %reduce_max3A_17 : vector<2048xf32> to vector<2048x1xf32>
    %eq3A_19 = vector.broadcast %broadcast_in_dim3A_18 : vector<2048x1xf32> to vector<2048x8xf32>
    %eq3A_20 = arith.cmpf oeq, %select_n3A_15, %eq3A_19 : vector<2048x8xf32>
    %jit3A_21 = arith.constant 8 : i32
    %broadcast_in_dim3A_22 = vector.broadcast %jit3A_21 : i32 to vector<2048x8xi32>
    %select_n3A_23 = arith.select %eq3A_20, %iota3A, %broadcast_in_dim3A_22 : vector<2048x8xi1>, vector<2048x8xi32>
    %reduce_min3A_24 = arith.constant dense<2147483647> : vector<2048xi32>
    %reduce_min3A_25 = vector.multi_reduction <minsi>, %select_n3A_23, %reduce_min3A_24 [1] : vector<2048x8xi32> to vector<2048xi32>
    %broadcast_in_dim3A_26 = vector.shape_cast %reduce_min3A_25 : vector<2048xi32> to vector<2048x1xi32>
    %sub3A = arith.subf %broadcast_in_dim3A, %broadcast_in_dim3A_18 : vector<2048x1xf32>
    %logistic3A = arith.negf %sub3A : vector<2048x1xf32>
    %logistic3A_27 = math.exp %logistic3A : vector<2048x1xf32>
    %logistic3A_28 = arith.constant 1.000000e+00 : f32
    %logistic3A_29 = vector.broadcast %logistic3A_28 : f32 to vector<2048x1xf32>
    %logistic3A_30 = arith.addf %logistic3A_29, %logistic3A_27 : vector<2048x1xf32>
    %logistic3A_31 = arith.divf %logistic3A_29, %logistic3A_30 : vector<2048x1xf32>
    %swap3A = arith.constant 0 : index
    %swap3A_32 = arith.constant 0 : index
    %swap3A_33 = vector.load %arg2[%swap3A, %swap3A_32] : memref<2048x1xi32, #tpu.memory_space<vmem>>, vector<2048x1xi32>
    tpu.vector_store %arg2[%swap3A, %swap3A_32], %broadcast_in_dim3A_10 {strides = array<i32>} : memref<2048x1xi32, #tpu.memory_space<vmem>>, vector<2048x1xi32>,
    %swap3A_34 = arith.constant 0 : index
    %swap3A_35 = arith.constant 0 : index
    %swap3A_36 = vector.load %arg3[%swap3A_34, %swap3A_35] : memref<2048x1xi32, #tpu.memory_space<vmem>>, vector<2048x1xi32>
    tpu.vector_store %arg3[%swap3A_34, %swap3A_35], %broadcast_in_dim3A_26 {strides = array<i32>} : memref<2048x1xi32, #tpu.memory_space<vmem>>, vector<2048x1xi32>,
    %swap3A_37 = arith.constant 0 : index
    %swap3A_38 = arith.constant 0 : index
    %swap3A_39 = vector.load %arg4[%swap3A_37, %swap3A_38] : memref<2048x1xf32, #tpu.memory_space<vmem>>, vector<2048x1xf32>
    tpu.vector_store %arg4[%swap3A_37, %swap3A_38], %logistic3A_31 {strides = array<i32>} : memref<2048x1xf32, #tpu.memory_space<vmem>>, vector<2048x1xf32>,
    %sub3A_40 = arith.constant 1.000000e+00 : f32
    %sub3A_41 = vector.broadcast %sub3A_40 : f32 to vector<2048x1xf32>
    %sub3A_42 = arith.subf %sub3A_41, %logistic3A_31 : vector<2048x1xf32>
    %swap3A_43 = arith.constant 0 : index
    %swap3A_44 = arith.constant 0 : index
    %swap3A_45 = vector.load %arg5[%swap3A_43, %swap3A_44] : memref<2048x1xf32, #tpu.memory_space<vmem>>, vector<2048x1xf32>
    tpu.vector_store %arg5[%swap3A_43, %swap3A_44], %sub3A_42 {strides = array<i32>} : memref<2048x1xf32, #tpu.memory_space<vmem>>, vector<2048x1xf32>,
    return
  }
}

module attributes {stable_mosaic.version = 14 : i64} {
  func.func @_gemm_body(%arg0: i32, %arg1: i32, %arg2: memref<8xi32, #tpu.memory_space<smem>>, %arg3: memref<8xi32, #tpu.memory_space<smem>>, %arg4: memref<5120x1024xf32, #tpu.memory_space<vmem>>, %arg5: memref<512x1024xf32, #tpu.memory_space<vmem>>, %arg6: memref<1024x512xf32, #tpu.memory_space<vmem>>, %arg7: memref<5120x1xf32, #tpu.memory_space<vmem>>, %arg8: memref<5120x1024xf32, #tpu.memory_space<vmem>>) attributes {dimension_semantics = [#tpu.dimension_semantics<arbitrary>, #tpu.dimension_semantics<arbitrary>], iteration_bounds = array<i64: 8, 8>, scalar_prefetch = 2 : i64, scratch_operands = 0 : i64, tpu.core_type = #tpu.core_type<tc>, window_params = [{pipeline_mode = #tpu.pipeline_mode<synchronous>, transform_indices = @transform_0, window_bounds = array<i64: 5120, 1024>}, {transform_indices = @transform_1, window_bounds = array<i64: 512, 1024>}, {transform_indices = @transform_2, window_bounds = array<i64: 1024, 512>}, {pipeline_mode = #tpu.pipeline_mode<synchronous>, transform_indices = @transform_3, window_bounds = array<i64: 5120, 1>}, {pipeline_mode = #tpu.pipeline_mode<synchronous>, transform_indices = @transform_4, window_bounds = array<i64: 5120, 1024>}]} {
    %get3A = arith.index_cast %arg0 : i32 to index
    %get3A_0 = memref.load %arg2[%get3A] : memref<8xi32, #tpu.memory_space<smem>>
    %get3A_1 = arith.index_cast %arg0 : i32 to index
    %get3A_2 = memref.load %arg3[%get3A_1] : memref<8xi32, #tpu.memory_space<smem>>
    %get3A_3 = arith.constant 0 : index
    %get3A_4 = arith.constant 0 : index
    %get3A_5 = vector.load %arg5[%get3A_3, %get3A_4] : memref<512x1024xf32, #tpu.memory_space<vmem>>, vector<512x1024xf32>
    %get3A_6 = arith.constant 0 : index
    %get3A_7 = arith.constant 0 : index
    %get3A_8 = vector.load %arg6[%get3A_6, %get3A_7] : memref<1024x512xf32, #tpu.memory_space<vmem>>, vector<1024x512xf32>
    %jit3A = arith.constant 4 : i32
    %div3A = arith.divsi %get3A_2, %jit3A : i32
    %sign3A = arith.constant 0 : i32
    %sign3A_9 = arith.cmpi sgt, %get3A_2, %sign3A : i32
    %sign3A_10 = arith.extui %sign3A_9 : i1 to i32
    %sign3A_11 = arith.constant 0 : i32
    %sign3A_12 = arith.cmpi slt, %get3A_2, %sign3A_11 : i32
    %sign3A_13 = arith.extui %sign3A_12 : i1 to i32
    %sign3A_14 = arith.subi %sign3A_10, %sign3A_13 : i32
    %sign3A_15 = arith.constant 0 : i32
    %sign3A_16 = arith.cmpi sgt, %jit3A, %sign3A_15 : i32
    %sign3A_17 = arith.extui %sign3A_16 : i1 to i32
    %sign3A_18 = arith.constant 0 : i32
    %sign3A_19 = arith.cmpi slt, %jit3A, %sign3A_18 : i32
    %sign3A_20 = arith.extui %sign3A_19 : i1 to i32
    %sign3A_21 = arith.subi %sign3A_17, %sign3A_20 : i32
    %ne3A = arith.cmpi ne, %sign3A_14, %sign3A_21 : i32
    %rem3A = arith.remsi %get3A_2, %jit3A : i32
    %ne3A_22 = arith.constant 0 : i32
    %ne3A_23 = arith.cmpi ne, %rem3A, %ne3A_22 : i32
    %and3A = arith.andi %ne3A, %ne3A_23 : i1
    %sub3A = arith.constant 1 : i32
    %sub3A_24 = arith.subi %div3A, %sub3A : i32
    %select_n3A = arith.select %and3A, %sub3A_24, %div3A : i32
    %while3A = arith.constant 0 : i32
    %while3A_25 = arith.constant 0 : i32
    %while3A_26 = arith.subi %select_n3A, %while3A : i32
    %while3A_27 = arith.addi %while3A, %while3A_26 : i32
    %while3A_28 = arith.constant 1 : i32
    %while3A_29 = arith.divsi %while3A_26, %while3A_28 : i32
    %while3A_30 = arith.muli %while3A_29, %while3A_28 : i32
    %while3A_31 = arith.addi %while3A, %while3A_30 : i32
    %while3A_32 = arith.constant 1 : i32
    %while3A_33 = scf.for %while3A_75 = %while3A to %while3A_31 step %while3A_32 iter_args(%while3A_76 = %while3A_25) -> (i32)  : i32 {
      %mul3A_77 = arith.constant 4 : i32
      %mul3A_78 = arith.muli %while3A_75, %mul3A_77 : i32
      %mul3A_79 = arith.constant 128 : i32
      %mul3A_80 = arith.muli %mul3A_78, %mul3A_79 : i32
      %add3A_81 = arith.addi %get3A_0, %mul3A_80 : i32
      %multiple_of3A_82 = tpu.assume_multiple %add3A_81, 128 : i32
      %add3A_83 = arith.constant 0 : i32
      %add3A_84 = arith.addi %multiple_of3A_82, %add3A_83 : i32
      %multiple_of3A_85 = tpu.assume_multiple %add3A_84, 128 : i32
      %add3A_86 = arith.constant 128 : i32
      %add3A_87 = arith.addi %multiple_of3A_82, %add3A_86 : i32
      %multiple_of3A_88 = tpu.assume_multiple %add3A_87, 128 : i32
      %add3A_89 = arith.constant 256 : i32
      %add3A_90 = arith.addi %multiple_of3A_82, %add3A_89 : i32
      %multiple_of3A_91 = tpu.assume_multiple %add3A_90, 128 : i32
      %add3A_92 = arith.constant 384 : i32
      %add3A_93 = arith.addi %multiple_of3A_82, %add3A_92 : i32
      %multiple_of3A_94 = tpu.assume_multiple %add3A_93, 128 : i32
      %get3A_95 = arith.index_cast %multiple_of3A_85 : i32 to index
      %get3A_96 = arith.constant 0 : index
      %get3A_97 = vector.load %arg4[%get3A_95, %get3A_96] : memref<5120x1024xf32, #tpu.memory_space<vmem>>, vector<128x1024xf32>
      %dot_general3A = arith.constant dense<0.000000e+00> : vector<128x512xf32>
      %dot_general3A_98 = tpu.matmul %get3A_97, %get3A_5, %dot_general3A {dimension_numbers = #tpu.dot_dimension_numbers<[1], [1], [0], [0], [0, 0, 1, 0], [], []>, transpose_lhs_hint = false} : vector<128x1024xf32>, vector<512x1024xf32>, vector<128x512xf32> -> vector<128x512xf32>
      %get3A_99 = arith.index_cast %multiple_of3A_88 : i32 to index
      %get3A_100 = arith.constant 0 : index
      %get3A_101 = vector.load %arg4[%get3A_99, %get3A_100] : memref<5120x1024xf32, #tpu.memory_space<vmem>>, vector<128x1024xf32>
      %dot_general3A_102 = arith.constant dense<0.000000e+00> : vector<128x512xf32>
      %dot_general3A_103 = tpu.matmul %get3A_101, %get3A_5, %dot_general3A_102 {dimension_numbers = #tpu.dot_dimension_numbers<[1], [1], [0], [0], [0, 0, 1, 0], [], []>, transpose_lhs_hint = false} : vector<128x1024xf32>, vector<512x1024xf32>, vector<128x512xf32> -> vector<128x512xf32>
      %get3A_104 = arith.index_cast %multiple_of3A_91 : i32 to index
      %get3A_105 = arith.constant 0 : index
      %get3A_106 = vector.load %arg4[%get3A_104, %get3A_105] : memref<5120x1024xf32, #tpu.memory_space<vmem>>, vector<128x1024xf32>
      %dot_general3A_107 = arith.constant dense<0.000000e+00> : vector<128x512xf32>
      %dot_general3A_108 = tpu.matmul %get3A_106, %get3A_5, %dot_general3A_107 {dimension_numbers = #tpu.dot_dimension_numbers<[1], [1], [0], [0], [0, 0, 1, 0], [], []>, transpose_lhs_hint = false} : vector<128x1024xf32>, vector<512x1024xf32>, vector<128x512xf32> -> vector<128x512xf32>
      %get3A_109 = arith.index_cast %multiple_of3A_94 : i32 to index
      %get3A_110 = arith.constant 0 : index
      %get3A_111 = vector.load %arg4[%get3A_109, %get3A_110] : memref<5120x1024xf32, #tpu.memory_space<vmem>>, vector<128x1024xf32>
      %dot_general3A_112 = arith.constant dense<0.000000e+00> : vector<128x512xf32>
      %dot_general3A_113 = tpu.matmul %get3A_111, %get3A_5, %dot_general3A_112 {dimension_numbers = #tpu.dot_dimension_numbers<[1], [1], [0], [0], [0, 0, 1, 0], [], []>, transpose_lhs_hint = false} : vector<128x1024xf32>, vector<512x1024xf32>, vector<128x512xf32> -> vector<128x512xf32>
      %logistic3A = arith.negf %dot_general3A_98 : vector<128x512xf32>
      %logistic3A_114 = math.exp %logistic3A : vector<128x512xf32>
      %logistic3A_115 = arith.constant 1.000000e+00 : f32
      %logistic3A_116 = vector.broadcast %logistic3A_115 : f32 to vector<128x512xf32>
      %logistic3A_117 = arith.addf %logistic3A_116, %logistic3A_114 : vector<128x512xf32>
      %logistic3A_118 = arith.divf %logistic3A_116, %logistic3A_117 : vector<128x512xf32>
      %mul3A_119 = arith.mulf %dot_general3A_98, %logistic3A_118 : vector<128x512xf32>
      %dot_general3A_120 = arith.constant dense<0.000000e+00> : vector<128x1024xf32>
      %dot_general3A_121 = tpu.matmul %mul3A_119, %get3A_8, %dot_general3A_120 {dimension_numbers = #tpu.dot_dimension_numbers<[1], [1], [0], [0], [0, 0, 1, 0], [], []>, transpose_lhs_hint = false} : vector<128x512xf32>, vector<1024x512xf32>, vector<128x1024xf32> -> vector<128x1024xf32>
      %logistic3A_122 = arith.negf %dot_general3A_103 : vector<128x512xf32>
      %logistic3A_123 = math.exp %logistic3A_122 : vector<128x512xf32>
      %logistic3A_124 = arith.constant 1.000000e+00 : f32
      %logistic3A_125 = vector.broadcast %logistic3A_124 : f32 to vector<128x512xf32>
      %logistic3A_126 = arith.addf %logistic3A_125, %logistic3A_123 : vector<128x512xf32>
      %logistic3A_127 = arith.divf %logistic3A_125, %logistic3A_126 : vector<128x512xf32>
      %mul3A_128 = arith.mulf %dot_general3A_103, %logistic3A_127 : vector<128x512xf32>
      %dot_general3A_129 = arith.constant dense<0.000000e+00> : vector<128x1024xf32>
      %dot_general3A_130 = tpu.matmul %mul3A_128, %get3A_8, %dot_general3A_129 {dimension_numbers = #tpu.dot_dimension_numbers<[1], [1], [0], [0], [0, 0, 1, 0], [], []>, transpose_lhs_hint = false} : vector<128x512xf32>, vector<1024x512xf32>, vector<128x1024xf32> -> vector<128x1024xf32>
      %logistic3A_131 = arith.negf %dot_general3A_108 : vector<128x512xf32>
      %logistic3A_132 = math.exp %logistic3A_131 : vector<128x512xf32>
      %logistic3A_133 = arith.constant 1.000000e+00 : f32
      %logistic3A_134 = vector.broadcast %logistic3A_133 : f32 to vector<128x512xf32>
      %logistic3A_135 = arith.addf %logistic3A_134, %logistic3A_132 : vector<128x512xf32>
      %logistic3A_136 = arith.divf %logistic3A_134, %logistic3A_135 : vector<128x512xf32>
      %mul3A_137 = arith.mulf %dot_general3A_108, %logistic3A_136 : vector<128x512xf32>
      %dot_general3A_138 = arith.constant dense<0.000000e+00> : vector<128x1024xf32>
      %dot_general3A_139 = tpu.matmul %mul3A_137, %get3A_8, %dot_general3A_138 {dimension_numbers = #tpu.dot_dimension_numbers<[1], [1], [0], [0], [0, 0, 1, 0], [], []>, transpose_lhs_hint = false} : vector<128x512xf32>, vector<1024x512xf32>, vector<128x1024xf32> -> vector<128x1024xf32>
      %logistic3A_140 = arith.negf %dot_general3A_113 : vector<128x512xf32>
      %logistic3A_141 = math.exp %logistic3A_140 : vector<128x512xf32>
      %logistic3A_142 = arith.constant 1.000000e+00 : f32
      %logistic3A_143 = vector.broadcast %logistic3A_142 : f32 to vector<128x512xf32>
      %logistic3A_144 = arith.addf %logistic3A_143, %logistic3A_141 : vector<128x512xf32>
      %logistic3A_145 = arith.divf %logistic3A_143, %logistic3A_144 : vector<128x512xf32>
      %mul3A_146 = arith.mulf %dot_general3A_113, %logistic3A_145 : vector<128x512xf32>
      %dot_general3A_147 = arith.constant dense<0.000000e+00> : vector<128x1024xf32>
      %dot_general3A_148 = tpu.matmul %mul3A_146, %get3A_8, %dot_general3A_147 {dimension_numbers = #tpu.dot_dimension_numbers<[1], [1], [0], [0], [0, 0, 1, 0], [], []>, transpose_lhs_hint = false} : vector<128x512xf32>, vector<1024x512xf32>, vector<128x1024xf32> -> vector<128x1024xf32>
      %eq3A_149 = arith.constant 0 : i32
      %eq3A_150 = arith.cmpi eq, %arg1, %eq3A_149 : i32
      %convert_element_type3A_151 = arith.extui %eq3A_150 : i1 to i32
      %cond3A_152 = arith.constant 0 : i32
      %cond3A_153 = arith.cmpi ne, %convert_element_type3A_151, %cond3A_152 : i32
      scf.if %cond3A_153 {
        %swap3A = arith.index_cast %multiple_of3A_85 : i32 to index
        %swap3A_167 = arith.constant 0 : index
        %swap3A_168 = vector.load %arg8[%swap3A, %swap3A_167] : memref<5120x1024xf32, #tpu.memory_space<vmem>>, vector<128x1024xf32>
        tpu.vector_store %arg8[%swap3A, %swap3A_167], %dot_general3A_121 {strides = array<i32>} : memref<5120x1024xf32, #tpu.memory_space<vmem>>, vector<128x1024xf32>,
        %swap3A_169 = arith.index_cast %multiple_of3A_88 : i32 to index
        %swap3A_170 = arith.constant 0 : index
        %swap3A_171 = vector.load %arg8[%swap3A_169, %swap3A_170] : memref<5120x1024xf32, #tpu.memory_space<vmem>>, vector<128x1024xf32>
        tpu.vector_store %arg8[%swap3A_169, %swap3A_170], %dot_general3A_130 {strides = array<i32>} : memref<5120x1024xf32, #tpu.memory_space<vmem>>, vector<128x1024xf32>,
        %swap3A_172 = arith.index_cast %multiple_of3A_91 : i32 to index
        %swap3A_173 = arith.constant 0 : index
        %swap3A_174 = vector.load %arg8[%swap3A_172, %swap3A_173] : memref<5120x1024xf32, #tpu.memory_space<vmem>>, vector<128x1024xf32>
        tpu.vector_store %arg8[%swap3A_172, %swap3A_173], %dot_general3A_139 {strides = array<i32>} : memref<5120x1024xf32, #tpu.memory_space<vmem>>, vector<128x1024xf32>,
        %swap3A_175 = arith.index_cast %multiple_of3A_94 : i32 to index
        %swap3A_176 = arith.constant 0 : index
        %swap3A_177 = vector.load %arg8[%swap3A_175, %swap3A_176] : memref<5120x1024xf32, #tpu.memory_space<vmem>>, vector<128x1024xf32>
        tpu.vector_store %arg8[%swap3A_175, %swap3A_176], %dot_general3A_148 {strides = array<i32>} : memref<5120x1024xf32, #tpu.memory_space<vmem>>, vector<128x1024xf32>,
      } else {
      }
      %gt3A = arith.constant 0 : i32
      %gt3A_154 = arith.cmpi sgt, %arg1, %gt3A : i32
      %lt3A_155 = arith.constant 7 : i32
      %lt3A_156 = arith.cmpi slt, %arg1, %lt3A_155 : i32
      %and3A_157 = arith.andi %gt3A_154, %lt3A_156 : i1
      %convert_element_type3A_158 = arith.extui %and3A_157 : i1 to i32
      %cond3A_159 = arith.constant 0 : i32
      %cond3A_160 = arith.cmpi ne, %convert_element_type3A_158, %cond3A_159 : i32
      scf.if %cond3A_160 {
        %get3A_167 = arith.index_cast %multiple_of3A_85 : i32 to index
        %get3A_168 = arith.constant 0 : index
        %get3A_169 = vector.load %arg8[%get3A_167, %get3A_168] : memref<5120x1024xf32, #tpu.memory_space<vmem>>, vector<128x1024xf32>
        %add3A_170 = arith.addf %get3A_169, %dot_general3A_121 : vector<128x1024xf32>
        %swap3A = arith.index_cast %multiple_of3A_85 : i32 to index
        %swap3A_171 = arith.constant 0 : index
        %swap3A_172 = vector.load %arg8[%swap3A, %swap3A_171] : memref<5120x1024xf32, #tpu.memory_space<vmem>>, vector<128x1024xf32>
        tpu.vector_store %arg8[%swap3A, %swap3A_171], %add3A_170 {strides = array<i32>} : memref<5120x1024xf32, #tpu.memory_space<vmem>>, vector<128x1024xf32>,
        %get3A_173 = arith.index_cast %multiple_of3A_88 : i32 to index
        %get3A_174 = arith.constant 0 : index
        %get3A_175 = vector.load %arg8[%get3A_173, %get3A_174] : memref<5120x1024xf32, #tpu.memory_space<vmem>>, vector<128x1024xf32>
        %add3A_176 = arith.addf %get3A_175, %dot_general3A_130 : vector<128x1024xf32>
        %swap3A_177 = arith.index_cast %multiple_of3A_88 : i32 to index
        %swap3A_178 = arith.constant 0 : index
        %swap3A_179 = vector.load %arg8[%swap3A_177, %swap3A_178] : memref<5120x1024xf32, #tpu.memory_space<vmem>>, vector<128x1024xf32>
        tpu.vector_store %arg8[%swap3A_177, %swap3A_178], %add3A_176 {strides = array<i32>} : memref<5120x1024xf32, #tpu.memory_space<vmem>>, vector<128x1024xf32>,
        %get3A_180 = arith.index_cast %multiple_of3A_91 : i32 to index
        %get3A_181 = arith.constant 0 : index
        %get3A_182 = vector.load %arg8[%get3A_180, %get3A_181] : memref<5120x1024xf32, #tpu.memory_space<vmem>>, vector<128x1024xf32>
        %add3A_183 = arith.addf %get3A_182, %dot_general3A_139 : vector<128x1024xf32>
        %swap3A_184 = arith.index_cast %multiple_of3A_91 : i32 to index
        %swap3A_185 = arith.constant 0 : index
        %swap3A_186 = vector.load %arg8[%swap3A_184, %swap3A_185] : memref<5120x1024xf32, #tpu.memory_space<vmem>>, vector<128x1024xf32>
        tpu.vector_store %arg8[%swap3A_184, %swap3A_185], %add3A_183 {strides = array<i32>} : memref<5120x1024xf32, #tpu.memory_space<vmem>>, vector<128x1024xf32>,
        %get3A_187 = arith.index_cast %multiple_of3A_94 : i32 to index
        %get3A_188 = arith.constant 0 : index
        %get3A_189 = vector.load %arg8[%get3A_187, %get3A_188] : memref<5120x1024xf32, #tpu.memory_space<vmem>>, vector<128x1024xf32>
        %add3A_190 = arith.addf %get3A_189, %dot_general3A_148 : vector<128x1024xf32>
        %swap3A_191 = arith.index_cast %multiple_of3A_94 : i32 to index
        %swap3A_192 = arith.constant 0 : index
        %swap3A_193 = vector.load %arg8[%swap3A_191, %swap3A_192] : memref<5120x1024xf32, #tpu.memory_space<vmem>>, vector<128x1024xf32>
        tpu.vector_store %arg8[%swap3A_191, %swap3A_192], %add3A_190 {strides = array<i32>} : memref<5120x1024xf32, #tpu.memory_space<vmem>>, vector<128x1024xf32>,
      } else {
      }
      %eq3A_161 = arith.constant 7 : i32
      %eq3A_162 = arith.cmpi eq, %arg1, %eq3A_161 : i32
      %convert_element_type3A_163 = arith.extui %eq3A_162 : i1 to i32
      %cond3A_164 = arith.constant 0 : i32
      %cond3A_165 = arith.cmpi ne, %convert_element_type3A_163, %cond3A_164 : i32
      scf.if %cond3A_165 {
        %get3A_167 = arith.index_cast %multiple_of3A_85 : i32 to index
        %get3A_168 = arith.constant 0 : index
        %get3A_169 = vector.load %arg8[%get3A_167, %get3A_168] : memref<5120x1024xf32, #tpu.memory_space<vmem>>, vector<128x1024xf32>
        %add3A_170 = arith.addf %get3A_169, %dot_general3A_121 : vector<128x1024xf32>
        %get3A_171 = arith.index_cast %multiple_of3A_85 : i32 to index
        %get3A_172 = arith.constant 0 : index
        %get3A_173 = vector.load %arg7[%get3A_171, %get3A_172] : memref<5120x1xf32, #tpu.memory_space<vmem>>, vector<128x1xf32>
        %mul3A_174 = vector.broadcast %get3A_173 : vector<128x1xf32> to vector<128x1024xf32>
        %mul3A_175 = arith.mulf %add3A_170, %mul3A_174 : vector<128x1024xf32>
        %swap3A = arith.index_cast %multiple_of3A_85 : i32 to index
        %swap3A_176 = arith.constant 0 : index
        %swap3A_177 = vector.load %arg8[%swap3A, %swap3A_176] : memref<5120x1024xf32, #tpu.memory_space<vmem>>, vector<128x1024xf32>
        tpu.vector_store %arg8[%swap3A, %swap3A_176], %mul3A_175 {strides = array<i32>} : memref<5120x1024xf32, #tpu.memory_space<vmem>>, vector<128x1024xf32>,
        %get3A_178 = arith.index_cast %multiple_of3A_88 : i32 to index
        %get3A_179 = arith.constant 0 : index
        %get3A_180 = vector.load %arg8[%get3A_178, %get3A_179] : memref<5120x1024xf32, #tpu.memory_space<vmem>>, vector<128x1024xf32>
        %add3A_181 = arith.addf %get3A_180, %dot_general3A_130 : vector<128x1024xf32>
        %get3A_182 = arith.index_cast %multiple_of3A_88 : i32 to index
        %get3A_183 = arith.constant 0 : index
        %get3A_184 = vector.load %arg7[%get3A_182, %get3A_183] : memref<5120x1xf32, #tpu.memory_space<vmem>>, vector<128x1xf32>
        %mul3A_185 = vector.broadcast %get3A_184 : vector<128x1xf32> to vector<128x1024xf32>
        %mul3A_186 = arith.mulf %add3A_181, %mul3A_185 : vector<128x1024xf32>
        %swap3A_187 = arith.index_cast %multiple_of3A_88 : i32 to index
        %swap3A_188 = arith.constant 0 : index
        %swap3A_189 = vector.load %arg8[%swap3A_187, %swap3A_188] : memref<5120x1024xf32, #tpu.memory_space<vmem>>, vector<128x1024xf32>
        tpu.vector_store %arg8[%swap3A_187, %swap3A_188], %mul3A_186 {strides = array<i32>} : memref<5120x1024xf32, #tpu.memory_space<vmem>>, vector<128x1024xf32>,
        %get3A_190 = arith.index_cast %multiple_of3A_91 : i32 to index
        %get3A_191 = arith.constant 0 : index
        %get3A_192 = vector.load %arg8[%get3A_190, %get3A_191] : memref<5120x1024xf32, #tpu.memory_space<vmem>>, vector<128x1024xf32>
        %add3A_193 = arith.addf %get3A_192, %dot_general3A_139 : vector<128x1024xf32>
        %get3A_194 = arith.index_cast %multiple_of3A_91 : i32 to index
        %get3A_195 = arith.constant 0 : index
        %get3A_196 = vector.load %arg7[%get3A_194, %get3A_195] : memref<5120x1xf32, #tpu.memory_space<vmem>>, vector<128x1xf32>
        %mul3A_197 = vector.broadcast %get3A_196 : vector<128x1xf32> to vector<128x1024xf32>
        %mul3A_198 = arith.mulf %add3A_193, %mul3A_197 : vector<128x1024xf32>
        %swap3A_199 = arith.index_cast %multiple_of3A_91 : i32 to index
        %swap3A_200 = arith.constant 0 : index
        %swap3A_201 = vector.load %arg8[%swap3A_199, %swap3A_200] : memref<5120x1024xf32, #tpu.memory_space<vmem>>, vector<128x1024xf32>
        tpu.vector_store %arg8[%swap3A_199, %swap3A_200], %mul3A_198 {strides = array<i32>} : memref<5120x1024xf32, #tpu.memory_space<vmem>>, vector<128x1024xf32>,
        %get3A_202 = arith.index_cast %multiple_of3A_94 : i32 to index
        %get3A_203 = arith.constant 0 : index
        %get3A_204 = vector.load %arg8[%get3A_202, %get3A_203] : memref<5120x1024xf32, #tpu.memory_space<vmem>>, vector<128x1024xf32>
        %add3A_205 = arith.addf %get3A_204, %dot_general3A_148 : vector<128x1024xf32>
        %get3A_206 = arith.index_cast %multiple_of3A_94 : i32 to index
        %get3A_207 = arith.constant 0 : index
        %get3A_208 = vector.load %arg7[%get3A_206, %get3A_207] : memref<5120x1xf32, #tpu.memory_space<vmem>>, vector<128x1xf32>
        %mul3A_209 = vector.broadcast %get3A_208 : vector<128x1xf32> to vector<128x1024xf32>
        %mul3A_210 = arith.mulf %add3A_205, %mul3A_209 : vector<128x1024xf32>
        %swap3A_211 = arith.index_cast %multiple_of3A_94 : i32 to index
        %swap3A_212 = arith.constant 0 : index
        %swap3A_213 = vector.load %arg8[%swap3A_211, %swap3A_212] : memref<5120x1024xf32, #tpu.memory_space<vmem>>, vector<128x1024xf32>
        tpu.vector_store %arg8[%swap3A_211, %swap3A_212], %mul3A_210 {strides = array<i32>} : memref<5120x1024xf32, #tpu.memory_space<vmem>>, vector<128x1024xf32>,
      } else {
      }
      %while3A_166 = arith.constant 0 : i32
      scf.yield %while3A_166 : i32
    }
    %while3A_34 = arith.constant 1 : i32
    %while3A_35 = scf.for %while3A_75 = %while3A_31 to %while3A_27 step %while3A_34 iter_args(%while3A_76 = %while3A_33) -> (i32)  : i32 {
      %mul3A_77 = arith.constant 4 : i32
      %mul3A_78 = arith.muli %while3A_75, %mul3A_77 : i32
      %mul3A_79 = arith.constant 128 : i32
      %mul3A_80 = arith.muli %mul3A_78, %mul3A_79 : i32
      %add3A_81 = arith.addi %get3A_0, %mul3A_80 : i32
      %multiple_of3A_82 = tpu.assume_multiple %add3A_81, 128 : i32
      %add3A_83 = arith.constant 0 : i32
      %add3A_84 = arith.addi %multiple_of3A_82, %add3A_83 : i32
      %multiple_of3A_85 = tpu.assume_multiple %add3A_84, 128 : i32
      %add3A_86 = arith.constant 128 : i32
      %add3A_87 = arith.addi %multiple_of3A_82, %add3A_86 : i32
      %multiple_of3A_88 = tpu.assume_multiple %add3A_87, 128 : i32
      %add3A_89 = arith.constant 256 : i32
      %add3A_90 = arith.addi %multiple_of3A_82, %add3A_89 : i32
      %multiple_of3A_91 = tpu.assume_multiple %add3A_90, 128 : i32
      %add3A_92 = arith.constant 384 : i32
      %add3A_93 = arith.addi %multiple_of3A_82, %add3A_92 : i32
      %multiple_of3A_94 = tpu.assume_multiple %add3A_93, 128 : i32
      %get3A_95 = arith.index_cast %multiple_of3A_85 : i32 to index
      %get3A_96 = arith.constant 0 : index
      %get3A_97 = vector.load %arg4[%get3A_95, %get3A_96] : memref<5120x1024xf32, #tpu.memory_space<vmem>>, vector<128x1024xf32>
      %dot_general3A = arith.constant dense<0.000000e+00> : vector<128x512xf32>
      %dot_general3A_98 = tpu.matmul %get3A_97, %get3A_5, %dot_general3A {dimension_numbers = #tpu.dot_dimension_numbers<[1], [1], [0], [0], [0, 0, 1, 0], [], []>, transpose_lhs_hint = false} : vector<128x1024xf32>, vector<512x1024xf32>, vector<128x512xf32> -> vector<128x512xf32>
      %get3A_99 = arith.index_cast %multiple_of3A_88 : i32 to index
      %get3A_100 = arith.constant 0 : index
      %get3A_101 = vector.load %arg4[%get3A_99, %get3A_100] : memref<5120x1024xf32, #tpu.memory_space<vmem>>, vector<128x1024xf32>
      %dot_general3A_102 = arith.constant dense<0.000000e+00> : vector<128x512xf32>
      %dot_general3A_103 = tpu.matmul %get3A_101, %get3A_5, %dot_general3A_102 {dimension_numbers = #tpu.dot_dimension_numbers<[1], [1], [0], [0], [0, 0, 1, 0], [], []>, transpose_lhs_hint = false} : vector<128x1024xf32>, vector<512x1024xf32>, vector<128x512xf32> -> vector<128x512xf32>
      %get3A_104 = arith.index_cast %multiple_of3A_91 : i32 to index
      %get3A_105 = arith.constant 0 : index
      %get3A_106 = vector.load %arg4[%get3A_104, %get3A_105] : memref<5120x1024xf32, #tpu.memory_space<vmem>>, vector<128x1024xf32>
      %dot_general3A_107 = arith.constant dense<0.000000e+00> : vector<128x512xf32>
      %dot_general3A_108 = tpu.matmul %get3A_106, %get3A_5, %dot_general3A_107 {dimension_numbers = #tpu.dot_dimension_numbers<[1], [1], [0], [0], [0, 0, 1, 0], [], []>, transpose_lhs_hint = false} : vector<128x1024xf32>, vector<512x1024xf32>, vector<128x512xf32> -> vector<128x512xf32>
      %get3A_109 = arith.index_cast %multiple_of3A_94 : i32 to index
      %get3A_110 = arith.constant 0 : index
      %get3A_111 = vector.load %arg4[%get3A_109, %get3A_110] : memref<5120x1024xf32, #tpu.memory_space<vmem>>, vector<128x1024xf32>
      %dot_general3A_112 = arith.constant dense<0.000000e+00> : vector<128x512xf32>
      %dot_general3A_113 = tpu.matmul %get3A_111, %get3A_5, %dot_general3A_112 {dimension_numbers = #tpu.dot_dimension_numbers<[1], [1], [0], [0], [0, 0, 1, 0], [], []>, transpose_lhs_hint = false} : vector<128x1024xf32>, vector<512x1024xf32>, vector<128x512xf32> -> vector<128x512xf32>
      %logistic3A = arith.negf %dot_general3A_98 : vector<128x512xf32>
      %logistic3A_114 = math.exp %logistic3A : vector<128x512xf32>
      %logistic3A_115 = arith.constant 1.000000e+00 : f32
      %logistic3A_116 = vector.broadcast %logistic3A_115 : f32 to vector<128x512xf32>
      %logistic3A_117 = arith.addf %logistic3A_116, %logistic3A_114 : vector<128x512xf32>
      %logistic3A_118 = arith.divf %logistic3A_116, %logistic3A_117 : vector<128x512xf32>
      %mul3A_119 = arith.mulf %dot_general3A_98, %logistic3A_118 : vector<128x512xf32>
      %dot_general3A_120 = arith.constant dense<0.000000e+00> : vector<128x1024xf32>
      %dot_general3A_121 = tpu.matmul %mul3A_119, %get3A_8, %dot_general3A_120 {dimension_numbers = #tpu.dot_dimension_numbers<[1], [1], [0], [0], [0, 0, 1, 0], [], []>, transpose_lhs_hint = false} : vector<128x512xf32>, vector<1024x512xf32>, vector<128x1024xf32> -> vector<128x1024xf32>
      %logistic3A_122 = arith.negf %dot_general3A_103 : vector<128x512xf32>
      %logistic3A_123 = math.exp %logistic3A_122 : vector<128x512xf32>
      %logistic3A_124 = arith.constant 1.000000e+00 : f32
      %logistic3A_125 = vector.broadcast %logistic3A_124 : f32 to vector<128x512xf32>
      %logistic3A_126 = arith.addf %logistic3A_125, %logistic3A_123 : vector<128x512xf32>
      %logistic3A_127 = arith.divf %logistic3A_125, %logistic3A_126 : vector<128x512xf32>
      %mul3A_128 = arith.mulf %dot_general3A_103, %logistic3A_127 : vector<128x512xf32>
      %dot_general3A_129 = arith.constant dense<0.000000e+00> : vector<128x1024xf32>
      %dot_general3A_130 = tpu.matmul %mul3A_128, %get3A_8, %dot_general3A_129 {dimension_numbers = #tpu.dot_dimension_numbers<[1], [1], [0], [0], [0, 0, 1, 0], [], []>, transpose_lhs_hint = false} : vector<128x512xf32>, vector<1024x512xf32>, vector<128x1024xf32> -> vector<128x1024xf32>
      %logistic3A_131 = arith.negf %dot_general3A_108 : vector<128x512xf32>
      %logistic3A_132 = math.exp %logistic3A_131 : vector<128x512xf32>
      %logistic3A_133 = arith.constant 1.000000e+00 : f32
      %logistic3A_134 = vector.broadcast %logistic3A_133 : f32 to vector<128x512xf32>
      %logistic3A_135 = arith.addf %logistic3A_134, %logistic3A_132 : vector<128x512xf32>
      %logistic3A_136 = arith.divf %logistic3A_134, %logistic3A_135 : vector<128x512xf32>
      %mul3A_137 = arith.mulf %dot_general3A_108, %logistic3A_136 : vector<128x512xf32>
      %dot_general3A_138 = arith.constant dense<0.000000e+00> : vector<128x1024xf32>
      %dot_general3A_139 = tpu.matmul %mul3A_137, %get3A_8, %dot_general3A_138 {dimension_numbers = #tpu.dot_dimension_numbers<[1], [1], [0], [0], [0, 0, 1, 0], [], []>, transpose_lhs_hint = false} : vector<128x512xf32>, vector<1024x512xf32>, vector<128x1024xf32> -> vector<128x1024xf32>
      %logistic3A_140 = arith.negf %dot_general3A_113 : vector<128x512xf32>
      %logistic3A_141 = math.exp %logistic3A_140 : vector<128x512xf32>
      %logistic3A_142 = arith.constant 1.000000e+00 : f32
      %logistic3A_143 = vector.broadcast %logistic3A_142 : f32 to vector<128x512xf32>
      %logistic3A_144 = arith.addf %logistic3A_143, %logistic3A_141 : vector<128x512xf32>
      %logistic3A_145 = arith.divf %logistic3A_143, %logistic3A_144 : vector<128x512xf32>
      %mul3A_146 = arith.mulf %dot_general3A_113, %logistic3A_145 : vector<128x512xf32>
      %dot_general3A_147 = arith.constant dense<0.000000e+00> : vector<128x1024xf32>
      %dot_general3A_148 = tpu.matmul %mul3A_146, %get3A_8, %dot_general3A_147 {dimension_numbers = #tpu.dot_dimension_numbers<[1], [1], [0], [0], [0, 0, 1, 0], [], []>, transpose_lhs_hint = false} : vector<128x512xf32>, vector<1024x512xf32>, vector<128x1024xf32> -> vector<128x1024xf32>
      %eq3A_149 = arith.constant 0 : i32
      %eq3A_150 = arith.cmpi eq, %arg1, %eq3A_149 : i32
      %convert_element_type3A_151 = arith.extui %eq3A_150 : i1 to i32
      %cond3A_152 = arith.constant 0 : i32
      %cond3A_153 = arith.cmpi ne, %convert_element_type3A_151, %cond3A_152 : i32
      scf.if %cond3A_153 {
        %swap3A = arith.index_cast %multiple_of3A_85 : i32 to index
        %swap3A_167 = arith.constant 0 : index
        %swap3A_168 = vector.load %arg8[%swap3A, %swap3A_167] : memref<5120x1024xf32, #tpu.memory_space<vmem>>, vector<128x1024xf32>
        tpu.vector_store %arg8[%swap3A, %swap3A_167], %dot_general3A_121 {strides = array<i32>} : memref<5120x1024xf32, #tpu.memory_space<vmem>>, vector<128x1024xf32>,
        %swap3A_169 = arith.index_cast %multiple_of3A_88 : i32 to index
        %swap3A_170 = arith.constant 0 : index
        %swap3A_171 = vector.load %arg8[%swap3A_169, %swap3A_170] : memref<5120x1024xf32, #tpu.memory_space<vmem>>, vector<128x1024xf32>
        tpu.vector_store %arg8[%swap3A_169, %swap3A_170], %dot_general3A_130 {strides = array<i32>} : memref<5120x1024xf32, #tpu.memory_space<vmem>>, vector<128x1024xf32>,
        %swap3A_172 = arith.index_cast %multiple_of3A_91 : i32 to index
        %swap3A_173 = arith.constant 0 : index
        %swap3A_174 = vector.load %arg8[%swap3A_172, %swap3A_173] : memref<5120x1024xf32, #tpu.memory_space<vmem>>, vector<128x1024xf32>
        tpu.vector_store %arg8[%swap3A_172, %swap3A_173], %dot_general3A_139 {strides = array<i32>} : memref<5120x1024xf32, #tpu.memory_space<vmem>>, vector<128x1024xf32>,
        %swap3A_175 = arith.index_cast %multiple_of3A_94 : i32 to index
        %swap3A_176 = arith.constant 0 : index
        %swap3A_177 = vector.load %arg8[%swap3A_175, %swap3A_176] : memref<5120x1024xf32, #tpu.memory_space<vmem>>, vector<128x1024xf32>
        tpu.vector_store %arg8[%swap3A_175, %swap3A_176], %dot_general3A_148 {strides = array<i32>} : memref<5120x1024xf32, #tpu.memory_space<vmem>>, vector<128x1024xf32>,
      } else {
      }
      %gt3A = arith.constant 0 : i32
      %gt3A_154 = arith.cmpi sgt, %arg1, %gt3A : i32
      %lt3A_155 = arith.constant 7 : i32
      %lt3A_156 = arith.cmpi slt, %arg1, %lt3A_155 : i32
      %and3A_157 = arith.andi %gt3A_154, %lt3A_156 : i1
      %convert_element_type3A_158 = arith.extui %and3A_157 : i1 to i32
      %cond3A_159 = arith.constant 0 : i32
      %cond3A_160 = arith.cmpi ne, %convert_element_type3A_158, %cond3A_159 : i32
      scf.if %cond3A_160 {
        %get3A_167 = arith.index_cast %multiple_of3A_85 : i32 to index
        %get3A_168 = arith.constant 0 : index
        %get3A_169 = vector.load %arg8[%get3A_167, %get3A_168] : memref<5120x1024xf32, #tpu.memory_space<vmem>>, vector<128x1024xf32>
        %add3A_170 = arith.addf %get3A_169, %dot_general3A_121 : vector<128x1024xf32>
        %swap3A = arith.index_cast %multiple_of3A_85 : i32 to index
        %swap3A_171 = arith.constant 0 : index
        %swap3A_172 = vector.load %arg8[%swap3A, %swap3A_171] : memref<5120x1024xf32, #tpu.memory_space<vmem>>, vector<128x1024xf32>
        tpu.vector_store %arg8[%swap3A, %swap3A_171], %add3A_170 {strides = array<i32>} : memref<5120x1024xf32, #tpu.memory_space<vmem>>, vector<128x1024xf32>,
        %get3A_173 = arith.index_cast %multiple_of3A_88 : i32 to index
        %get3A_174 = arith.constant 0 : index
        %get3A_175 = vector.load %arg8[%get3A_173, %get3A_174] : memref<5120x1024xf32, #tpu.memory_space<vmem>>, vector<128x1024xf32>
        %add3A_176 = arith.addf %get3A_175, %dot_general3A_130 : vector<128x1024xf32>
        %swap3A_177 = arith.index_cast %multiple_of3A_88 : i32 to index
        %swap3A_178 = arith.constant 0 : index
        %swap3A_179 = vector.load %arg8[%swap3A_177, %swap3A_178] : memref<5120x1024xf32, #tpu.memory_space<vmem>>, vector<128x1024xf32>
        tpu.vector_store %arg8[%swap3A_177, %swap3A_178], %add3A_176 {strides = array<i32>} : memref<5120x1024xf32, #tpu.memory_space<vmem>>, vector<128x1024xf32>,
        %get3A_180 = arith.index_cast %multiple_of3A_91 : i32 to index
        %get3A_181 = arith.constant 0 : index
        %get3A_182 = vector.load %arg8[%get3A_180, %get3A_181] : memref<5120x1024xf32, #tpu.memory_space<vmem>>, vector<128x1024xf32>
        %add3A_183 = arith.addf %get3A_182, %dot_general3A_139 : vector<128x1024xf32>
        %swap3A_184 = arith.index_cast %multiple_of3A_91 : i32 to index
        %swap3A_185 = arith.constant 0 : index
        %swap3A_186 = vector.load %arg8[%swap3A_184, %swap3A_185] : memref<5120x1024xf32, #tpu.memory_space<vmem>>, vector<128x1024xf32>
        tpu.vector_store %arg8[%swap3A_184, %swap3A_185], %add3A_183 {strides = array<i32>} : memref<5120x1024xf32, #tpu.memory_space<vmem>>, vector<128x1024xf32>,
        %get3A_187 = arith.index_cast %multiple_of3A_94 : i32 to index
        %get3A_188 = arith.constant 0 : index
        %get3A_189 = vector.load %arg8[%get3A_187, %get3A_188] : memref<5120x1024xf32, #tpu.memory_space<vmem>>, vector<128x1024xf32>
        %add3A_190 = arith.addf %get3A_189, %dot_general3A_148 : vector<128x1024xf32>
        %swap3A_191 = arith.index_cast %multiple_of3A_94 : i32 to index
        %swap3A_192 = arith.constant 0 : index
        %swap3A_193 = vector.load %arg8[%swap3A_191, %swap3A_192] : memref<5120x1024xf32, #tpu.memory_space<vmem>>, vector<128x1024xf32>
        tpu.vector_store %arg8[%swap3A_191, %swap3A_192], %add3A_190 {strides = array<i32>} : memref<5120x1024xf32, #tpu.memory_space<vmem>>, vector<128x1024xf32>,
      } else {
      }
      %eq3A_161 = arith.constant 7 : i32
      %eq3A_162 = arith.cmpi eq, %arg1, %eq3A_161 : i32
      %convert_element_type3A_163 = arith.extui %eq3A_162 : i1 to i32
      %cond3A_164 = arith.constant 0 : i32
      %cond3A_165 = arith.cmpi ne, %convert_element_type3A_163, %cond3A_164 : i32
      scf.if %cond3A_165 {
        %get3A_167 = arith.index_cast %multiple_of3A_85 : i32 to index
        %get3A_168 = arith.constant 0 : index
        %get3A_169 = vector.load %arg8[%get3A_167, %get3A_168] : memref<5120x1024xf32, #tpu.memory_space<vmem>>, vector<128x1024xf32>
        %add3A_170 = arith.addf %get3A_169, %dot_general3A_121 : vector<128x1024xf32>
        %get3A_171 = arith.index_cast %multiple_of3A_85 : i32 to index
        %get3A_172 = arith.constant 0 : index
        %get3A_173 = vector.load %arg7[%get3A_171, %get3A_172] : memref<5120x1xf32, #tpu.memory_space<vmem>>, vector<128x1xf32>
        %mul3A_174 = vector.broadcast %get3A_173 : vector<128x1xf32> to vector<128x1024xf32>
        %mul3A_175 = arith.mulf %add3A_170, %mul3A_174 : vector<128x1024xf32>
        %swap3A = arith.index_cast %multiple_of3A_85 : i32 to index
        %swap3A_176 = arith.constant 0 : index
        %swap3A_177 = vector.load %arg8[%swap3A, %swap3A_176] : memref<5120x1024xf32, #tpu.memory_space<vmem>>, vector<128x1024xf32>
        tpu.vector_store %arg8[%swap3A, %swap3A_176], %mul3A_175 {strides = array<i32>} : memref<5120x1024xf32, #tpu.memory_space<vmem>>, vector<128x1024xf32>,
        %get3A_178 = arith.index_cast %multiple_of3A_88 : i32 to index
        %get3A_179 = arith.constant 0 : index
        %get3A_180 = vector.load %arg8[%get3A_178, %get3A_179] : memref<5120x1024xf32, #tpu.memory_space<vmem>>, vector<128x1024xf32>
        %add3A_181 = arith.addf %get3A_180, %dot_general3A_130 : vector<128x1024xf32>
        %get3A_182 = arith.index_cast %multiple_of3A_88 : i32 to index
        %get3A_183 = arith.constant 0 : index
        %get3A_184 = vector.load %arg7[%get3A_182, %get3A_183] : memref<5120x1xf32, #tpu.memory_space<vmem>>, vector<128x1xf32>
        %mul3A_185 = vector.broadcast %get3A_184 : vector<128x1xf32> to vector<128x1024xf32>
        %mul3A_186 = arith.mulf %add3A_181, %mul3A_185 : vector<128x1024xf32>
        %swap3A_187 = arith.index_cast %multiple_of3A_88 : i32 to index
        %swap3A_188 = arith.constant 0 : index
        %swap3A_189 = vector.load %arg8[%swap3A_187, %swap3A_188] : memref<5120x1024xf32, #tpu.memory_space<vmem>>, vector<128x1024xf32>
        tpu.vector_store %arg8[%swap3A_187, %swap3A_188], %mul3A_186 {strides = array<i32>} : memref<5120x1024xf32, #tpu.memory_space<vmem>>, vector<128x1024xf32>,
        %get3A_190 = arith.index_cast %multiple_of3A_91 : i32 to index
        %get3A_191 = arith.constant 0 : index
        %get3A_192 = vector.load %arg8[%get3A_190, %get3A_191] : memref<5120x1024xf32, #tpu.memory_space<vmem>>, vector<128x1024xf32>
        %add3A_193 = arith.addf %get3A_192, %dot_general3A_139 : vector<128x1024xf32>
        %get3A_194 = arith.index_cast %multiple_of3A_91 : i32 to index
        %get3A_195 = arith.constant 0 : index
        %get3A_196 = vector.load %arg7[%get3A_194, %get3A_195] : memref<5120x1xf32, #tpu.memory_space<vmem>>, vector<128x1xf32>
        %mul3A_197 = vector.broadcast %get3A_196 : vector<128x1xf32> to vector<128x1024xf32>
        %mul3A_198 = arith.mulf %add3A_193, %mul3A_197 : vector<128x1024xf32>
        %swap3A_199 = arith.index_cast %multiple_of3A_91 : i32 to index
        %swap3A_200 = arith.constant 0 : index
        %swap3A_201 = vector.load %arg8[%swap3A_199, %swap3A_200] : memref<5120x1024xf32, #tpu.memory_space<vmem>>, vector<128x1024xf32>
        tpu.vector_store %arg8[%swap3A_199, %swap3A_200], %mul3A_198 {strides = array<i32>} : memref<5120x1024xf32, #tpu.memory_space<vmem>>, vector<128x1024xf32>,
        %get3A_202 = arith.index_cast %multiple_of3A_94 : i32 to index
        %get3A_203 = arith.constant 0 : index
        %get3A_204 = vector.load %arg8[%get3A_202, %get3A_203] : memref<5120x1024xf32, #tpu.memory_space<vmem>>, vector<128x1024xf32>
        %add3A_205 = arith.addf %get3A_204, %dot_general3A_148 : vector<128x1024xf32>
        %get3A_206 = arith.index_cast %multiple_of3A_94 : i32 to index
        %get3A_207 = arith.constant 0 : index
        %get3A_208 = vector.load %arg7[%get3A_206, %get3A_207] : memref<5120x1xf32, #tpu.memory_space<vmem>>, vector<128x1xf32>
        %mul3A_209 = vector.broadcast %get3A_208 : vector<128x1xf32> to vector<128x1024xf32>
        %mul3A_210 = arith.mulf %add3A_205, %mul3A_209 : vector<128x1024xf32>
        %swap3A_211 = arith.index_cast %multiple_of3A_94 : i32 to index
        %swap3A_212 = arith.constant 0 : index
        %swap3A_213 = vector.load %arg8[%swap3A_211, %swap3A_212] : memref<5120x1024xf32, #tpu.memory_space<vmem>>, vector<128x1024xf32>
        tpu.vector_store %arg8[%swap3A_211, %swap3A_212], %mul3A_210 {strides = array<i32>} : memref<5120x1024xf32, #tpu.memory_space<vmem>>, vector<128x1024xf32>,
      } else {
      }
      %while3A_166 = arith.constant 0 : i32
      scf.yield %while3A_166 : i32
    }
    %jit3A_36 = arith.constant 4 : i32
    %eq3A = arith.constant 0 : i32
    %eq3A_37 = arith.cmpi eq, %jit3A_36, %eq3A : i32
    %jit3A_38 = arith.constant 1 : i32
    %select_n3A_39 = arith.select %eq3A_37, %jit3A_38, %jit3A_36 : i32
    %rem3A_40 = arith.remsi %get3A_2, %select_n3A_39 : i32
    %ne3A_41 = arith.constant 0 : i32
    %ne3A_42 = arith.cmpi ne, %rem3A_40, %ne3A_41 : i32
    %lt3A = arith.constant 0 : i32
    %lt3A_43 = arith.cmpi slt, %rem3A_40, %lt3A : i32
    %lt3A_44 = arith.constant 0 : i32
    %lt3A_45 = arith.cmpi slt, %select_n3A_39, %lt3A_44 : i32
    %ne3A_46 = arith.xori %lt3A_43, %lt3A_45 : i1
    %and3A_47 = arith.andi %ne3A_46, %ne3A_42 : i1
    %add3A = arith.addi %rem3A_40, %select_n3A_39 : i32
    %select_n3A_48 = arith.select %and3A_47, %add3A, %rem3A_40 : i32
    %sub3A_49 = arith.subi %get3A_2, %select_n3A_48 : i32
    %mul3A = arith.constant 128 : i32
    %mul3A_50 = arith.muli %sub3A_49, %mul3A : i32
    %add3A_51 = arith.addi %get3A_0, %mul3A_50 : i32
    %multiple_of3A = tpu.assume_multiple %add3A_51, 128 : i32
    %ge3A = arith.constant 2 : i32
    %ge3A_52 = arith.cmpi sge, %select_n3A_48, %ge3A : i32
    %convert_element_type3A = arith.extui %ge3A_52 : i1 to i32
    %cond3A = arith.constant 0 : i32
    %cond3A_53 = arith.cmpi ne, %convert_element_type3A, %cond3A : i32
    scf.if %cond3A_53 {
      %add3A_75 = arith.constant 128 : i32
      %add3A_76 = arith.addi %multiple_of3A, %add3A_75 : i32
      %multiple_of3A_77 = tpu.assume_multiple %add3A_76, 128 : i32
      %get3A_78 = arith.index_cast %multiple_of3A : i32 to index
      %get3A_79 = arith.constant 0 : index
      %get3A_80 = vector.load %arg4[%get3A_78, %get3A_79] : memref<5120x1024xf32, #tpu.memory_space<vmem>>, vector<128x1024xf32>
      %dot_general3A = arith.constant dense<0.000000e+00> : vector<128x512xf32>
      %dot_general3A_81 = tpu.matmul %get3A_80, %get3A_5, %dot_general3A {dimension_numbers = #tpu.dot_dimension_numbers<[1], [1], [0], [0], [0, 0, 1, 0], [], []>, transpose_lhs_hint = false} : vector<128x1024xf32>, vector<512x1024xf32>, vector<128x512xf32> -> vector<128x512xf32>
      %get3A_82 = arith.index_cast %multiple_of3A_77 : i32 to index
      %get3A_83 = arith.constant 0 : index
      %get3A_84 = vector.load %arg4[%get3A_82, %get3A_83] : memref<5120x1024xf32, #tpu.memory_space<vmem>>, vector<128x1024xf32>
      %dot_general3A_85 = arith.constant dense<0.000000e+00> : vector<128x512xf32>
      %dot_general3A_86 = tpu.matmul %get3A_84, %get3A_5, %dot_general3A_85 {dimension_numbers = #tpu.dot_dimension_numbers<[1], [1], [0], [0], [0, 0, 1, 0], [], []>, transpose_lhs_hint = false} : vector<128x1024xf32>, vector<512x1024xf32>, vector<128x512xf32> -> vector<128x512xf32>
      %logistic3A = arith.negf %dot_general3A_81 : vector<128x512xf32>
      %logistic3A_87 = math.exp %logistic3A : vector<128x512xf32>
      %logistic3A_88 = arith.constant 1.000000e+00 : f32
      %logistic3A_89 = vector.broadcast %logistic3A_88 : f32 to vector<128x512xf32>
      %logistic3A_90 = arith.addf %logistic3A_89, %logistic3A_87 : vector<128x512xf32>
      %logistic3A_91 = arith.divf %logistic3A_89, %logistic3A_90 : vector<128x512xf32>
      %mul3A_92 = arith.mulf %dot_general3A_81, %logistic3A_91 : vector<128x512xf32>
      %dot_general3A_93 = arith.constant dense<0.000000e+00> : vector<128x1024xf32>
      %dot_general3A_94 = tpu.matmul %mul3A_92, %get3A_8, %dot_general3A_93 {dimension_numbers = #tpu.dot_dimension_numbers<[1], [1], [0], [0], [0, 0, 1, 0], [], []>, transpose_lhs_hint = false} : vector<128x512xf32>, vector<1024x512xf32>, vector<128x1024xf32> -> vector<128x1024xf32>
      %logistic3A_95 = arith.negf %dot_general3A_86 : vector<128x512xf32>
      %logistic3A_96 = math.exp %logistic3A_95 : vector<128x512xf32>
      %logistic3A_97 = arith.constant 1.000000e+00 : f32
      %logistic3A_98 = vector.broadcast %logistic3A_97 : f32 to vector<128x512xf32>
      %logistic3A_99 = arith.addf %logistic3A_98, %logistic3A_96 : vector<128x512xf32>
      %logistic3A_100 = arith.divf %logistic3A_98, %logistic3A_99 : vector<128x512xf32>
      %mul3A_101 = arith.mulf %dot_general3A_86, %logistic3A_100 : vector<128x512xf32>
      %dot_general3A_102 = arith.constant dense<0.000000e+00> : vector<128x1024xf32>
      %dot_general3A_103 = tpu.matmul %mul3A_101, %get3A_8, %dot_general3A_102 {dimension_numbers = #tpu.dot_dimension_numbers<[1], [1], [0], [0], [0, 0, 1, 0], [], []>, transpose_lhs_hint = false} : vector<128x512xf32>, vector<1024x512xf32>, vector<128x1024xf32> -> vector<128x1024xf32>
      %eq3A_104 = arith.constant 0 : i32
      %eq3A_105 = arith.cmpi eq, %arg1, %eq3A_104 : i32
      %convert_element_type3A_106 = arith.extui %eq3A_105 : i1 to i32
      %cond3A_107 = arith.constant 0 : i32
      %cond3A_108 = arith.cmpi ne, %convert_element_type3A_106, %cond3A_107 : i32
      scf.if %cond3A_108 {
        %swap3A = arith.index_cast %multiple_of3A : i32 to index
        %swap3A_121 = arith.constant 0 : index
        %swap3A_122 = vector.load %arg8[%swap3A, %swap3A_121] : memref<5120x1024xf32, #tpu.memory_space<vmem>>, vector<128x1024xf32>
        tpu.vector_store %arg8[%swap3A, %swap3A_121], %dot_general3A_94 {strides = array<i32>} : memref<5120x1024xf32, #tpu.memory_space<vmem>>, vector<128x1024xf32>,
        %swap3A_123 = arith.index_cast %multiple_of3A_77 : i32 to index
        %swap3A_124 = arith.constant 0 : index
        %swap3A_125 = vector.load %arg8[%swap3A_123, %swap3A_124] : memref<5120x1024xf32, #tpu.memory_space<vmem>>, vector<128x1024xf32>
        tpu.vector_store %arg8[%swap3A_123, %swap3A_124], %dot_general3A_103 {strides = array<i32>} : memref<5120x1024xf32, #tpu.memory_space<vmem>>, vector<128x1024xf32>,
      } else {
      }
      %gt3A = arith.constant 0 : i32
      %gt3A_109 = arith.cmpi sgt, %arg1, %gt3A : i32
      %lt3A_110 = arith.constant 7 : i32
      %lt3A_111 = arith.cmpi slt, %arg1, %lt3A_110 : i32
      %and3A_112 = arith.andi %gt3A_109, %lt3A_111 : i1
      %convert_element_type3A_113 = arith.extui %and3A_112 : i1 to i32
      %cond3A_114 = arith.constant 0 : i32
      %cond3A_115 = arith.cmpi ne, %convert_element_type3A_113, %cond3A_114 : i32
      scf.if %cond3A_115 {
        %get3A_121 = arith.index_cast %multiple_of3A : i32 to index
        %get3A_122 = arith.constant 0 : index
        %get3A_123 = vector.load %arg8[%get3A_121, %get3A_122] : memref<5120x1024xf32, #tpu.memory_space<vmem>>, vector<128x1024xf32>
        %add3A_124 = arith.addf %get3A_123, %dot_general3A_94 : vector<128x1024xf32>
        %swap3A = arith.index_cast %multiple_of3A : i32 to index
        %swap3A_125 = arith.constant 0 : index
        %swap3A_126 = vector.load %arg8[%swap3A, %swap3A_125] : memref<5120x1024xf32, #tpu.memory_space<vmem>>, vector<128x1024xf32>
        tpu.vector_store %arg8[%swap3A, %swap3A_125], %add3A_124 {strides = array<i32>} : memref<5120x1024xf32, #tpu.memory_space<vmem>>, vector<128x1024xf32>,
        %get3A_127 = arith.index_cast %multiple_of3A_77 : i32 to index
        %get3A_128 = arith.constant 0 : index
        %get3A_129 = vector.load %arg8[%get3A_127, %get3A_128] : memref<5120x1024xf32, #tpu.memory_space<vmem>>, vector<128x1024xf32>
        %add3A_130 = arith.addf %get3A_129, %dot_general3A_103 : vector<128x1024xf32>
        %swap3A_131 = arith.index_cast %multiple_of3A_77 : i32 to index
        %swap3A_132 = arith.constant 0 : index
        %swap3A_133 = vector.load %arg8[%swap3A_131, %swap3A_132] : memref<5120x1024xf32, #tpu.memory_space<vmem>>, vector<128x1024xf32>
        tpu.vector_store %arg8[%swap3A_131, %swap3A_132], %add3A_130 {strides = array<i32>} : memref<5120x1024xf32, #tpu.memory_space<vmem>>, vector<128x1024xf32>,
      } else {
      }
      %eq3A_116 = arith.constant 7 : i32
      %eq3A_117 = arith.cmpi eq, %arg1, %eq3A_116 : i32
      %convert_element_type3A_118 = arith.extui %eq3A_117 : i1 to i32
      %cond3A_119 = arith.constant 0 : i32
      %cond3A_120 = arith.cmpi ne, %convert_element_type3A_118, %cond3A_119 : i32
      scf.if %cond3A_120 {
        %get3A_121 = arith.index_cast %multiple_of3A : i32 to index
        %get3A_122 = arith.constant 0 : index
        %get3A_123 = vector.load %arg8[%get3A_121, %get3A_122] : memref<5120x1024xf32, #tpu.memory_space<vmem>>, vector<128x1024xf32>
        %add3A_124 = arith.addf %get3A_123, %dot_general3A_94 : vector<128x1024xf32>
        %get3A_125 = arith.index_cast %multiple_of3A : i32 to index
        %get3A_126 = arith.constant 0 : index
        %get3A_127 = vector.load %arg7[%get3A_125, %get3A_126] : memref<5120x1xf32, #tpu.memory_space<vmem>>, vector<128x1xf32>
        %mul3A_128 = vector.broadcast %get3A_127 : vector<128x1xf32> to vector<128x1024xf32>
        %mul3A_129 = arith.mulf %add3A_124, %mul3A_128 : vector<128x1024xf32>
        %swap3A = arith.index_cast %multiple_of3A : i32 to index
        %swap3A_130 = arith.constant 0 : index
        %swap3A_131 = vector.load %arg8[%swap3A, %swap3A_130] : memref<5120x1024xf32, #tpu.memory_space<vmem>>, vector<128x1024xf32>
        tpu.vector_store %arg8[%swap3A, %swap3A_130], %mul3A_129 {strides = array<i32>} : memref<5120x1024xf32, #tpu.memory_space<vmem>>, vector<128x1024xf32>,
        %get3A_132 = arith.index_cast %multiple_of3A_77 : i32 to index
        %get3A_133 = arith.constant 0 : index
        %get3A_134 = vector.load %arg8[%get3A_132, %get3A_133] : memref<5120x1024xf32, #tpu.memory_space<vmem>>, vector<128x1024xf32>
        %add3A_135 = arith.addf %get3A_134, %dot_general3A_103 : vector<128x1024xf32>
        %get3A_136 = arith.index_cast %multiple_of3A_77 : i32 to index
        %get3A_137 = arith.constant 0 : index
        %get3A_138 = vector.load %arg7[%get3A_136, %get3A_137] : memref<5120x1xf32, #tpu.memory_space<vmem>>, vector<128x1xf32>
        %mul3A_139 = vector.broadcast %get3A_138 : vector<128x1xf32> to vector<128x1024xf32>
        %mul3A_140 = arith.mulf %add3A_135, %mul3A_139 : vector<128x1024xf32>
        %swap3A_141 = arith.index_cast %multiple_of3A_77 : i32 to index
        %swap3A_142 = arith.constant 0 : index
        %swap3A_143 = vector.load %arg8[%swap3A_141, %swap3A_142] : memref<5120x1024xf32, #tpu.memory_space<vmem>>, vector<128x1024xf32>
        tpu.vector_store %arg8[%swap3A_141, %swap3A_142], %mul3A_140 {strides = array<i32>} : memref<5120x1024xf32, #tpu.memory_space<vmem>>, vector<128x1024xf32>,
      } else {
      }
    } else {
    }
    %jit3A_54 = arith.constant 2 : i32
    %eq3A_55 = arith.constant 0 : i32
    %eq3A_56 = arith.cmpi eq, %jit3A_54, %eq3A_55 : i32
    %jit3A_57 = arith.constant 1 : i32
    %select_n3A_58 = arith.select %eq3A_56, %jit3A_57, %jit3A_54 : i32
    %rem3A_59 = arith.remsi %select_n3A_48, %select_n3A_58 : i32
    %ne3A_60 = arith.constant 0 : i32
    %ne3A_61 = arith.cmpi ne, %rem3A_59, %ne3A_60 : i32
    %lt3A_62 = arith.constant 0 : i32
    %lt3A_63 = arith.cmpi slt, %rem3A_59, %lt3A_62 : i32
    %lt3A_64 = arith.constant 0 : i32
    %lt3A_65 = arith.cmpi slt, %select_n3A_58, %lt3A_64 : i32
    %ne3A_66 = arith.xori %lt3A_63, %lt3A_65 : i1
    %and3A_67 = arith.andi %ne3A_66, %ne3A_61 : i1
    %add3A_68 = arith.addi %rem3A_59, %select_n3A_58 : i32
    %select_n3A_69 = arith.select %and3A_67, %add3A_68, %rem3A_59 : i32
    %eq3A_70 = arith.constant 1 : i32
    %eq3A_71 = arith.cmpi eq, %select_n3A_69, %eq3A_70 : i32
    %convert_element_type3A_72 = arith.extui %eq3A_71 : i1 to i32
    %cond3A_73 = arith.constant 0 : i32
    %cond3A_74 = arith.cmpi ne, %convert_element_type3A_72, %cond3A_73 : i32
    scf.if %cond3A_74 {
      %sub3A_75 = arith.constant 1 : i32
      %sub3A_76 = arith.subi %get3A_2, %sub3A_75 : i32
      %mul3A_77 = arith.constant 128 : i32
      %mul3A_78 = arith.muli %sub3A_76, %mul3A_77 : i32
      %add3A_79 = arith.addi %get3A_0, %mul3A_78 : i32
      %multiple_of3A_80 = tpu.assume_multiple %add3A_79, 128 : i32
      %get3A_81 = arith.index_cast %multiple_of3A_80 : i32 to index
      %get3A_82 = arith.constant 0 : index
      %get3A_83 = vector.load %arg4[%get3A_81, %get3A_82] : memref<5120x1024xf32, #tpu.memory_space<vmem>>, vector<128x1024xf32>
      %dot_general3A = arith.constant dense<0.000000e+00> : vector<128x512xf32>
      %dot_general3A_84 = tpu.matmul %get3A_83, %get3A_5, %dot_general3A {dimension_numbers = #tpu.dot_dimension_numbers<[1], [1], [0], [0], [0, 0, 1, 0], [], []>, transpose_lhs_hint = false} : vector<128x1024xf32>, vector<512x1024xf32>, vector<128x512xf32> -> vector<128x512xf32>
      %logistic3A = arith.negf %dot_general3A_84 : vector<128x512xf32>
      %logistic3A_85 = math.exp %logistic3A : vector<128x512xf32>
      %logistic3A_86 = arith.constant 1.000000e+00 : f32
      %logistic3A_87 = vector.broadcast %logistic3A_86 : f32 to vector<128x512xf32>
      %logistic3A_88 = arith.addf %logistic3A_87, %logistic3A_85 : vector<128x512xf32>
      %logistic3A_89 = arith.divf %logistic3A_87, %logistic3A_88 : vector<128x512xf32>
      %mul3A_90 = arith.mulf %dot_general3A_84, %logistic3A_89 : vector<128x512xf32>
      %dot_general3A_91 = arith.constant dense<0.000000e+00> : vector<128x1024xf32>
      %dot_general3A_92 = tpu.matmul %mul3A_90, %get3A_8, %dot_general3A_91 {dimension_numbers = #tpu.dot_dimension_numbers<[1], [1], [0], [0], [0, 0, 1, 0], [], []>, transpose_lhs_hint = false} : vector<128x512xf32>, vector<1024x512xf32>, vector<128x1024xf32> -> vector<128x1024xf32>
      %eq3A_93 = arith.constant 0 : i32
      %eq3A_94 = arith.cmpi eq, %arg1, %eq3A_93 : i32
      %convert_element_type3A_95 = arith.extui %eq3A_94 : i1 to i32
      %cond3A_96 = arith.constant 0 : i32
      %cond3A_97 = arith.cmpi ne, %convert_element_type3A_95, %cond3A_96 : i32
      scf.if %cond3A_97 {
        %swap3A = arith.index_cast %multiple_of3A_80 : i32 to index
        %swap3A_110 = arith.constant 0 : index
        %swap3A_111 = vector.load %arg8[%swap3A, %swap3A_110] : memref<5120x1024xf32, #tpu.memory_space<vmem>>, vector<128x1024xf32>
        tpu.vector_store %arg8[%swap3A, %swap3A_110], %dot_general3A_92 {strides = array<i32>} : memref<5120x1024xf32, #tpu.memory_space<vmem>>, vector<128x1024xf32>,
      } else {
      }
      %gt3A = arith.constant 0 : i32
      %gt3A_98 = arith.cmpi sgt, %arg1, %gt3A : i32
      %lt3A_99 = arith.constant 7 : i32
      %lt3A_100 = arith.cmpi slt, %arg1, %lt3A_99 : i32
      %and3A_101 = arith.andi %gt3A_98, %lt3A_100 : i1
      %convert_element_type3A_102 = arith.extui %and3A_101 : i1 to i32
      %cond3A_103 = arith.constant 0 : i32
      %cond3A_104 = arith.cmpi ne, %convert_element_type3A_102, %cond3A_103 : i32
      scf.if %cond3A_104 {
        %get3A_110 = arith.index_cast %multiple_of3A_80 : i32 to index
        %get3A_111 = arith.constant 0 : index
        %get3A_112 = vector.load %arg8[%get3A_110, %get3A_111] : memref<5120x1024xf32, #tpu.memory_space<vmem>>, vector<128x1024xf32>
        %add3A_113 = arith.addf %get3A_112, %dot_general3A_92 : vector<128x1024xf32>
        %swap3A = arith.index_cast %multiple_of3A_80 : i32 to index
        %swap3A_114 = arith.constant 0 : index
        %swap3A_115 = vector.load %arg8[%swap3A, %swap3A_114] : memref<5120x1024xf32, #tpu.memory_space<vmem>>, vector<128x1024xf32>
        tpu.vector_store %arg8[%swap3A, %swap3A_114], %add3A_113 {strides = array<i32>} : memref<5120x1024xf32, #tpu.memory_space<vmem>>, vector<128x1024xf32>,
      } else {
      }
      %eq3A_105 = arith.constant 7 : i32
      %eq3A_106 = arith.cmpi eq, %arg1, %eq3A_105 : i32
      %convert_element_type3A_107 = arith.extui %eq3A_106 : i1 to i32
      %cond3A_108 = arith.constant 0 : i32
      %cond3A_109 = arith.cmpi ne, %convert_element_type3A_107, %cond3A_108 : i32
      scf.if %cond3A_109 {
        %get3A_110 = arith.index_cast %multiple_of3A_80 : i32 to index
        %get3A_111 = arith.constant 0 : index
        %get3A_112 = vector.load %arg8[%get3A_110, %get3A_111] : memref<5120x1024xf32, #tpu.memory_space<vmem>>, vector<128x1024xf32>
        %add3A_113 = arith.addf %get3A_112, %dot_general3A_92 : vector<128x1024xf32>
        %get3A_114 = arith.index_cast %multiple_of3A_80 : i32 to index
        %get3A_115 = arith.constant 0 : index
        %get3A_116 = vector.load %arg7[%get3A_114, %get3A_115] : memref<5120x1xf32, #tpu.memory_space<vmem>>, vector<128x1xf32>
        %mul3A_117 = vector.broadcast %get3A_116 : vector<128x1xf32> to vector<128x1024xf32>
        %mul3A_118 = arith.mulf %add3A_113, %mul3A_117 : vector<128x1024xf32>
        %swap3A = arith.index_cast %multiple_of3A_80 : i32 to index
        %swap3A_119 = arith.constant 0 : index
        %swap3A_120 = vector.load %arg8[%swap3A, %swap3A_119] : memref<5120x1024xf32, #tpu.memory_space<vmem>>, vector<128x1024xf32>
        tpu.vector_store %arg8[%swap3A, %swap3A_119], %mul3A_118 {strides = array<i32>} : memref<5120x1024xf32, #tpu.memory_space<vmem>>, vector<128x1024xf32>,
      } else {
      }
    } else {
    }
    return
  }
  func.func @transform_0(%arg0: i32, %arg1: i32, %arg2: memref<8xi32, #tpu.memory_space<smem>>, %arg3: memref<8xi32, #tpu.memory_space<smem>>) -> (i32, i32) {
    %c0_i32 = arith.constant 0 : i32
    %c0_i32_0 = arith.constant 0 : i32
    %c0_i32_1 = arith.constant 0 : i32
    return %c0_i32, %c0_i32_0 : i32, i32
  }
  func.func @transform_1(%arg0: i32, %arg1: i32, %arg2: memref<8xi32, #tpu.memory_space<smem>>, %arg3: memref<8xi32, #tpu.memory_space<smem>>) -> (i32, i32) {
    %mul3A = arith.constant 8 : i32
    %mul3A_0 = arith.muli %arg0, %mul3A : i32
    %add3A = arith.addi %mul3A_0, %arg1 : i32
    %c0_i32 = arith.constant 0 : i32
    %c0_i32_1 = arith.constant 0 : i32
    return %add3A, %c0_i32 : i32, i32
  }
  func.func @transform_2(%arg0: i32, %arg1: i32, %arg2: memref<8xi32, #tpu.memory_space<smem>>, %arg3: memref<8xi32, #tpu.memory_space<smem>>) -> (i32, i32) {
    %c0_i32 = arith.constant 0 : i32
    return %arg0, %arg1 : i32, i32
  }
  func.func @transform_3(%arg0: i32, %arg1: i32, %arg2: memref<8xi32, #tpu.memory_space<smem>>, %arg3: memref<8xi32, #tpu.memory_space<smem>>) -> (i32, i32) {
    %c0_i32 = arith.constant 0 : i32
    %c0_i32_0 = arith.constant 0 : i32
    %c0_i32_1 = arith.constant 0 : i32
    return %c0_i32, %c0_i32_0 : i32, i32
  }
  func.func @transform_4(%arg0: i32, %arg1: i32, %arg2: memref<8xi32, #tpu.memory_space<smem>>, %arg3: memref<8xi32, #tpu.memory_space<smem>>) -> (i32, i32) {
    %c0_i32 = arith.constant 0 : i32
    %c0_i32_0 = arith.constant 0 : i32
    %c0_i32_1 = arith.constant 0 : i32
    return %c0_i32, %c0_i32_0 : i32, i32
  }
}

</mosaic_0001>

<sc_bundles>
// kernel: kernel.6.cloned.1.call-start
scs
__scs_entry_jumppad:
0x0: {  	(pc) =	sbr.rel $0x88, $3  }
0x1: {  	(tag) =	ssettag $0x0;
	lr =	simm.s32 $0x1  }
0x2: {  	[smem:$0x3F9D] =	sst lr;
	_ =	strace $0xD0000000  }
0x3: {  	_ = 	snop  }
0x4: {  	_ = 	snop  }
0x5: {  	_ = 	snop  }
0x6: {  	_ = 	snop  }
0x7: {  	_ = 	snop  }
__scs_overlays_trampoline_lowered:
0x8: {  	[smem:$0x3FAC] =	sst s0  }
0x9: {  	[smem:$0x3FAD] =	sst s1  }
0xa: {  	[smem:$0x3FAE] =	sst s2  }
0xb: {  	[smem:$0x3FAF] =	sst s3  }
0xc: {  	[smem:$0x3FB0] =	sst s4  }
0xd: {  	[smem:$0x3FB1] =	sst s5  }
0xe: {  	[smem:$0x3FB2] =	sst s6  }
0xf: {  	[smem:$0x3FB3] =	sst s7  }
0x10: {  	[smem:$0x3FB4] =	sst s8  }
0x11: {  	[smem:$0x3FB5] =	sst s9;
	s0 =	simm.s32 @!p0 $0x0  }
0x12: {  	s1 =	sld [smem:$0x3F9B];
	s0 =	simm.s32 @p0 $0x1  }
0x13: {  	[smem:$0x3FB6] =	sst s0;
	s0 =	simm.s32 @!p1 $0x0  }
0x14: {  	s2 =	sld [smem:$0x3F9A];
	s0 =	simm.s32 @p1 $0x1  }
0x15: {  	[smem:$0x3FB7] =	sst s0;
	s0 =	simm.s32 @!p2 $0x0  }
0x16: {  	s3 =	sld [smem:$0x3FDB];
	s0 =	simm.s32 @p2 $0x1  }
0x17: {  	s4 =	simm.s32 $0x1BF5;
	[smem:$0x3FB9] =	sst s0  }
0x18: {  	s0 =	sld [smem:$0x3F9C];
	_ =	swait.ge [sflag:s4], $0x0  }
0x19: {  	s7 =	sld [smem:$0x3F9D]  }
0x1a: {  	s8 =	sadd.s32 $0xFFFFE003, lr  }
0x1b: {  	s9 =	sadd.s32 $0xFFFFFEF7, lr;
	s5 =	simm.s32 $0xFFFFFFFF;
	p2 =	slt.u32 s8, $0xFFFFF086  }
0x1c: {  	p1 =	slt.u32 s9, $0xF7A;
	s5 =	simm.s32 @!p2 $0x0  }
0x1d: {  	s5 =	simm.s32 @p1 $0x1;
	p0 =	seq.s32 s7, s2  }
0x1e: {  	s7 =	smul.u32 @!p0 $0xF7A, s2;
	p2 =	seq.s32 @!p0 s5, $0x0  }
0x1f: {  	s9 =	smul.u32 $0xF7A, s1;
	s8 =	simm.s32 @!p0 $0x1BF5;
	p2 =	por !p2, p0  }
0x20: {  	[sflag:s8] =	ssyncset.s32 @!p0 $0xFFFFF086;
	s6 =	sadd.s32 @!p0 s3, s7;
	s7 =	simm.s32 @!p0 $0x108  }
0x21: {  	s3 =	sadd.s32 s3, s9;
	s6 =	sadd.s32 @!p0 $0x88, s6;
	s7 =	simm.s32 @p2 $0x1082  }
0x22: {  	[simem:s7], [sflag:s8] =	dma.local @!p0 [hbm:s6], $0xF7A  }
0x23: {  	s9 =	sor.u32 $0xD0000000, s2;
	s6 =	simm.s32 $0x108;
	_ =	swait.ge @!p0 [sflag:s8], $0x0  }
0x24: {  	s3 =	sadd.s32 $0x88, s3;
	s6 =	simm.s32 @!p1 $0x1082;
	[sflag:s4] =	ssyncset.s32 $0xFFFFF086  }
0x25: {  	[simem:s6], [sflag:s4] =	dma.local [hbm:s3], $0xF7A  }
0x26: {  	[smem:$0x3F9D] =	sst s1;
	(tag) =	ssettag s2;
	_ =	strace s9  }
0x27: {  	s1 =	sld [smem:$0x3FAD]  }
0x28: {  	s2 =	sld [smem:$0x3FAE]  }
0x29: {  	s4 =	sld [smem:$0x3FB0]  }
0x2a: {  	p0 =	seq.s32 s5, $0x0;
	s5 =	sld [smem:$0x3FB1]  }
0x2b: {  	s6 =	sld [smem:$0x3FB2]  }
0x2c: {  	s7 =	sld [smem:$0x3FB3]  }
0x2d: {  	s3 =	simm.s32 $0x108;
	s8 =	sld [smem:$0x3FB4]  }
0x2e: {  	s3 =	simm.s32 @!p0 $0x1082;
	s9 =	sld [smem:$0x3FB5]  }
0x2f: {  	lr =	sadd.s32 s0, s3;
	s0 =	sld [smem:$0x3FAC]  }
0x30: {  	s3 =	sld [smem:$0x3FAF]  }
0x31: {  	[smem:$0x3FB8] =	sst s10  }
0x32: {  	s10 =	sld [smem:$0x3FB6];
	_ =	sdelay $0x3  }
0x33: {  	p0 =	seq.s32 s10, $0x1;
	s10 =	sld [smem:$0x3FB8];
	_ =	sdelay $0x3  }
0x34: {  	[smem:$0x3FB8] =	sst s10  }
0x35: {  	s10 =	sld [smem:$0x3FB7];
	_ =	sdelay $0x3  }
0x36: {  	p1 =	seq.s32 s10, $0x1;
	s10 =	sld [smem:$0x3FB8];
	_ =	sdelay $0x3  }
0x37: {  	[smem:$0x3FB8] =	sst s10  }
0x38: {  	s10 =	sld [smem:$0x3FB9]  }
0x39: {  	_ = 	snop;
	(pc) =	sbr.ind lr, $3  }
0x3a: {  	_ = 	snop  }
0x3b: {  	_ = 	snop  }
0x3c: {  	p2 =	seq.s32 s10, $0x1;
	s10 =	sld [smem:$0x3FB8]  }
0x3d: {  	_ =	shalt  }
0x3e: {  	_ =	shalt  }
0x3f: {  	_ =	shalt  }
0x40: {  	_ =	shalt  }
0x41: {  	_ =	shalt  }
0x42: {  	_ =	shalt  }
0x43: {  	_ =	shalt  }
0x44: {  	_ =	shalt  }
0x45: {  	_ =	shalt  }
0x46: {  	_ =	shalt  }
0x47: {  	_ =	shalt  }
0x48: {  	_ =	shalt  }
0x49: {  	_ =	shalt  }
0x4a: {  	_ =	shalt  }
0x4b: {  	_ =	shalt  }
0x4c: {  	_ =	shalt  }
0x4d: {  	_ =	shalt  }
0x4e: {  	_ =	shalt  }
0x4f: {  	_ =	shalt  }
0x50: {  	_ =	shalt  }
0x51: {  	_ =	shalt  }
0x52: {  	_ =	shalt  }
0x53: {  	_ =	shalt  }
0x54: {  	_ =	shalt  }
0x55: {  	_ =	shalt  }
0x56: {  	_ =	shalt  }
0x57: {  	_ =	shalt  }
0x58: {  	_ =	shalt  }
0x59: {  	_ =	shalt  }
0x5a: {  	_ =	shalt  }
0x5b: {  	_ =	shalt  }
0x5c: {  	_ =	shalt  }
0x5d: {  	_ =	shalt  }
0x5e: {  	_ =	shalt  }
0x5f: {  	_ =	shalt  }
0x60: {  	_ =	shalt  }
0x61: {  	_ =	shalt  }
0x62: {  	_ =	shalt  }
0x63: {  	_ =	shalt  }
0x64: {  	_ =	shalt  }
0x65: {  	_ =	shalt  }
0x66: {  	_ =	shalt  }
0x67: {  	_ =	shalt  }
0x68: {  	_ =	shalt  }
0x69: {  	_ =	shalt  }
0x6a: {  	_ =	shalt  }
0x6b: {  	_ =	shalt  }
0x6c: {  	_ =	shalt  }
0x6d: {  	_ =	shalt  }
0x6e: {  	_ =	shalt  }
0x6f: {  	_ =	shalt  }
0x70: {  	_ =	shalt  }
0x71: {  	_ =	shalt  }
0x72: {  	_ =	shalt  }
0x73: {  	_ =	shalt  }
0x74: {  	_ =	shalt  }
0x75: {  	_ =	shalt  }
0x76: {  	_ =	shalt  }
0x77: {  	_ =	shalt  }
0x78: {  	_ =	shalt  }
0x79: {  	_ =	shalt  }
0x7a: {  	_ =	shalt  }
0x7b: {  	_ =	shalt  }
0x7c: {  	_ =	shalt  }
0x7d: {  	_ =	shalt  }
0x7e: {  	_ =	shalt  }
0x7f: {  	_ =	shalt  }
0x80: {  	_ =	shalt  }
0x81: {  	_ =	shalt  }
0x82: {  	_ =	shalt  }
0x83: {  	_ =	shalt  }
0x84: {  	_ =	shalt  }
0x85: {  	_ =	shalt  }
0x86: {  	_ =	shalt  }
0x87: {  	_ =	shalt  }
.Lfunc_end0:
.L_simem_size_0:
called_computation_lowered:
.L_overlay_start_0:
0x88: {  	s2 =	sld [smem:$0x3FD9]  }
0x89: {  	s3 =	sld [smem:$0x3FFE];
	_ =	sdelay $0x1  }
0x8a: {  	s1 =	srdreg.scid  }
0x8b: {  	s0 =	sand.u32 $0x1, s1  }
0x8c: {  	s17 =	sshll.u32 s0, $0xA;
	s2 =	sadd.s32 s3, s2  }
0x8d: {  	s2 =	sadd.s32 s2, s17  }
0x8e: {  	[smem:$0x3FC4] =	sst s2  }
0x8f: {  	_ = 	snop  }
0x90: {  	s2 =	sld [smem:$0x3FC9];
	(tm) =	ssettm $0x1  }
0x91: {  	s18 =	sld [smem:$0x3FFB];
	_ =	sdelay $0x3  }
0x92: {  	_ =	strace s18  }
0x93: {  	s3 =	sld [smem:$0x3FFC];
	_ =	sdelay $0x3  }
0x94: {  	_ =	strace s3  }
0x95: {  	s3 =	sld [smem:$0x3FFD];
	_ =	sdelay $0x3  }
0x96: {  	_ =	strace s3  }
0x97: {  	_ =	strace $0x8FFFFFFF  }
0x98: {  	s19 =	sld [smem:$0x3FDB];
	_ =	sdelay $0x1  }
0x99: {  	s4 =	simm.s32 $_scs_section_size  }
0x9a: {  	s5 =	simm.s32 $_size__tile_overlayer_lowered;
	s6 =	simm.s32 $_tile_overlayer_lowered  }
0x9b: {  	s22 =	simm.s32 $0x1BFF;
	s21 =	sshll.u32 s6, $0x1;
	s3 =	sadd.s32 s4, s19  }
0x9c: {  	s7 =	simm.s32 $0x0;
	s20 =	sshll.u32 s5, $0x1;
	s5 =	sadd.s32 s21, s3  }
0x9d: {  	[timem:s7], [sflag:s22] =	dma.local [hbm:s5], s20  }
0x9e: {  	_ =	swait.ge [sflag:s22], s20  }
0x9f: {  	s4 =	ssub.s32 $0x0, s20;
	[sflag:s22] =	ssyncset.done $0x0  }
0xa0: {  	[sflag:s22] =	ssyncadd.s32 s4;
	_ =	sdelay $0x1  }
0xa1: {  	s23 =	simm.s32 $0x1B8B  }
0xa2: {  	_ =	swait.ge [sflag:s23], $0x1  }
0xa3: {  	[sflag:s23] =	ssyncset.done $0x0  }
0xa4: {  	s25 =	simm.s32 $0x1B8E;
	s24 =	sld [smem:$0x3FFE];
	[sflag:s23] =	ssyncadd.s32 $0xFFFFFFFF  }
0xa5: {  	s26 =	simm.s32 $execute0_lowered;
	[smem:$0x3FD2] =	sst s25  }
0xa6: {  	s5 =	sshll.u32 s26, $0x1;
	_ =	strace $0x80000046;
	[dreg:$0x1] =	wrdreg $0xFFFFFFFF  }
0xa7: {  	s28 =	simm.s32 $_size_execute0_lowered;
	s3 =	sadd.s32 s3, s5;
	[dreg:$0x0] =	wrdreg $0x0  }
0xa8: {  	s5 =	sshll.u32 s28, $0x1;
	[dreg:$0x2] =	wrdreg s3  }
0xa9: {  	[dreg:$0x3] =	wrdreg s5  }
0xaa: {  	[dreg:$0x4] =	wrdreg $0xC0  }
0xab: {  	_ =	task [dreg:s7], $0x5FFFF  }
0xac: {  	[dreg:$0x1] =	wrdreg $0xFFFFFFFF  }
0xad: {  	[dreg:$0x0] =	wrdreg $0x60  }
0xae: {  	[dreg:$0x2] =	wrdreg s2  }
0xaf: {  	[dreg:$0x3] =	wrdreg s24  }
0xb0: {  	[dreg:$0x4] =	wrdreg $0x9  }
0xb1: {  	_ =	task.clear_ibuf [dreg:s7], $0x5FFFF;
	_ =	strace $0x90000046  }
0xb2: {  	s29 =	simm.s32 $0x9;
	_ =	strace $0x80000048  }
0xb3: {  	_ =	swait.ge [sflag:s29], $0x1  }
0xb4: {  	[sflag:s29] =	ssyncadd.s32 $0xFFFFFFFF  }
0xb5: {  	_ =	strace $0x90000048  }
0xb6: {  	_ =	sfence  }
0xb7: {  	s30 =	sld [smem:$0x0];
	_ =	sdelay $0x2  }
0xb8: {  	s31 =	sshll.u32 s1, $0xD;
	s1 =	sshrl.u32 s1, $0x2  }
0xb9: {  	s3 =	sand.u32 $0x4000, s31;
	s1 =	sadd.s32 s1, s30  }
0xba: {  	s0 =	sor.u32 s3, s0;
	s1 =	sshll.u32 s1, $0x11  }
0xbb: {  	s0 =	sor.u32 s1, s0  }
0xbc: {  	s0 =	sadd.s32 $0x8F2B, s0  }
0xbd: {  	[sflag:s0] =	ssyncadd.remote.s32 $0x1  }
0xbe: {  	_ =	sfence.sel $0xFFFF  }
0xbf: {  	[dreg:$0x0] =	wrdreg $0xFFFFFFFF;
	(pc) =	sbr.abs _section_cstart, $3  }
0xc0: {  	[dreg:$0x1] =	wrdreg $0xFFFFFFFF  }
0xc1: {  	_ =	task.clear_ibuf [dreg:s7], $0x2FFFF;
	_ =	strace $0x9FFFFFFF  }
0xc2: {  	(tm) =	ssettm $0x7FFFFFFF  }
0xc3: {  	_ =	shalt  }
tec
execute0_lowered:
.L_overlay_start_1:
0x0: {  	(tag) =	ssettag $0x1  }
0x1: {  	s0 =	rddreg [dreg:$0x0]  }
0x2: {  	s1 =	rddreg [dreg:$0x1]  }
0x3: {  	s2 =	srdreg.scid;
	s5 =	stileid.u32  }
0x4: {  	s26 =	simm.s32 $0x80;
	s9 =	simm.s32 $0x3;
	s23 =	simm.s32 $0x1900  }
0x5: {  	s24 =	simm.s32 $0x2100;
	s28 =	simm.s32 $0x3900;
	s29 =	simm.s32 $0x4100  }
0x6: {  	s30 =	simm.s32 $0x4900;
	s31 =	simm.s32 $0x5100;
	s11 =	simm.s32 $0x7100  }
0x7: {  	s12 =	simm.s32 $0x7900;
	s13 =	simm.s32 $0x8100;
	s14 =	simm.s32 $0x8900  }
0x8: {  	s15 =	simm.s32 $0x9100;
	s16 =	simm.s32 $0x9900;
	s17 =	simm.s32 $0xA100  }
0x9: {  	s18 =	simm.s32 $0xA900;
	s10 =	simm.s32 $0xB100;
	s20 =	simm.s32 $0xB900  }
0xa: {  	s4 =	sand.u32 $0x1, s2;
	s2 =	simm.s32 $0x0;
	s5 =	sshll.u32 s5, $0x6  }
0xb: {  	s3 =	sshll.u32 s4, $0xA;
	[smem:$0x7FF] =	sst s2;
	s4 =	ssub.s32 $0x2, s4  }
0xc: {  	s5 =	sor.u32 s5, s3;
	_ =	strace $0x80000047;
	s3 =	sadd.s32 $0x200, s1  }
0xd: {  	s25 =	sshrl.u32 s4, $0x1;
	[dreg:$0x5] =	wrdreg s26;
	s26 =	simm.s32 $0x3100  }
0xe: {  	s6 =	sshrl.u32 s5, $0x3;
	s5 =	sshll.u32 s5, $0x7;
	s4 =	ssub.s32 s4, s25  }
0xf: {  	s25 =	simm.s32 $0x2900;
	s7 =	sadd.s32 s1, s6;
	s0 =	sadd.s32 s0, s5  }
0x10: {  	v2 =	vlaneseq.u32;
	s5 =	sadd.s32 $0x300, s1;
	s6 =	sadd.s32 $0x400, s1;
	[dreg:$0x6] =	wrdreg s7  }
0x11: {  	vm0 =	vmmov $0xffff;
	v1 =	vshrl.u32 v2, $0x3;
	s8 =	smax.u32 s4, $0x1;
	s7 =	sadd.s32 $0x100, s7;
	[dreg:$0x4] =	wrdreg s0  }
0x12: {  	v0 =	vand.u32 $0x7, v2;
	v2 =	vor.u32 $0x8, v2;
	v1 =	vmul.u32 $0x8, v1;
	s4 =	simm.s32 $0x6900;
	[dreg:$0x3] =	wrdreg s7;
	s7 =	sadd.s32 $0x500, s1  }
.LBB2_1:
0x13: {  	s21 =	rddreg [dreg:$0x6]  }
0x14: {  	[tilespmem:s2], [sflag:$0x3] =	stream.linear.gather [hbm4b:s21+s2], $0x40, $0x38;
	[tilespmem:$0x10100] =	vst v63  }
0x15: {  	_ =	swait.ge [sflag:s9], $0x40  }
0x16: {  	s0 =	rddreg [dreg:$0x3];
	[sflag:s9] =	ssyncset.done $0x0  }
0x17: {  	s22 =	rddreg [dreg:$0x5];
	[sflag:s9] =	ssyncadd.s32 $0xFFFFFFC0  }
0x18: {  	[tilespmem:s22], [sflag:$0x3] =	stream.linear.gather [hbm4b:s0+s2], $0x40, $0x38;
	[tilespmem:$0x10100] =	vst v63  }
0x19: {  	_ =	swait.ge [sflag:s9], $0x40  }
0x1a: {  	[sflag:s9] =	ssyncset.done $0x0  }
0x1b: {  	s19 =	simm.s32 $0x100;
	s1 =	rddreg [dreg:$0x4];
	[sflag:s9] =	ssyncadd.s32 $0xFFFFFFC0  }
0x1c: {  	[tilespmem:s19], [sflag:$0x3] =	stream.linear.gather [hbm4b:s1+s2], $0x10000, $0x38;
	[tilespmem:$0x10100] =	vst v63  }
0x1d: {  	_ =	swait.ge [sflag:s9], $0x10000  }
0x1e: {  	[sflag:s9] =	ssyncset.done $0x0  }
0x1f: {  	[sflag:s9] =	ssyncadd.s32 $0xFFFF0000  }
0x20: {  	v3 =	vld [tilespmem:$0x0];
	_ =	sdelay $0x4  }
0x21: {  	v4 =	vshll.u32 v3, $0x3  }
0x22: {  	v3 =	vand.u32 $0x7, v3;
	v4 =	vand.u32 $0xFFFFFFC0, v4  }
0x23: {  	v3 =	vor.u32 v3, v4  }
0x24: {  	v4 =	vperm.xlane v3, v0;
	_ =	sdelay $0x1  }
0x25: {  	v4 =	vadd.s32 v1, v4;
	_ =	sdelay $0x4  }
0x26: {  	[hbm4b:s3+s2] =	stream.indirect_vreg.scatter [tilespmem:s19], [sflag:$0x1], $0x80, v4, vm0, $0xb8;
	[tilespmem:$0x10100] =	vst v63  }
0x27: {  	s21 =	simm.s32 $0x900;
	v3 =	vperm.xlane v3, v2  }
0x28: {  	[hbm4b:s5+s2] =	stream.indirect_vreg.scatter [tilespmem:s21], [sflag:$0x1], $0x80, v4, vm0, $0xb8;
	[tilespmem:$0x10100] =	vst v63  }
0x29: {  	s22 =	simm.s32 $0x1100;
	v3 =	vadd.s32 v1, v3  }
0x2a: {  	[hbm4b:s6+s2] =	stream.indirect_vreg.scatter [tilespmem:s22], [sflag:$0x1], $0x80, v4, vm0, $0xb8;
	[tilespmem:$0x10100] =	vst v63  }
0x2b: {  	_ = 	snop  }
0x2c: {  	[hbm4b:s7+s2] =	stream.indirect_vreg.scatter [tilespmem:s23], [sflag:$0x1], $0x80, v4, vm0, $0xb8;
	[tilespmem:$0x10100] =	vst v63  }
0x2d: {  	_ = 	snop  }
0x2e: {  	[hbm4b:s3+s2] =	stream.indirect_vreg.scatter [tilespmem:s24], [sflag:$0x1], $0x80, v3, vm0, $0xb8;
	[tilespmem:$0x10100] =	vst v63  }
0x2f: {  	_ = 	snop  }
0x30: {  	[hbm4b:s5+s2] =	stream.indirect_vreg.scatter [tilespmem:s25], [sflag:$0x1], $0x80, v3, vm0, $0xb8;
	[tilespmem:$0x10100] =	vst v63  }
0x31: {  	_ = 	snop  }
0x32: {  	[hbm4b:s6+s2] =	stream.indirect_vreg.scatter [tilespmem:s26], [sflag:$0x1], $0x80, v3, vm0, $0xb8;
	[tilespmem:$0x10100] =	vst v63  }
0x33: {  	_ = 	snop  }
0x34: {  	[hbm4b:s7+s2] =	stream.indirect_vreg.scatter [tilespmem:s28], [sflag:$0x1], $0x80, v3, vm0, $0xb8;
	[tilespmem:$0x10100] =	vst v63  }
0x35: {  	v3 =	vld [tilespmem:$0x10];
	_ =	sdelay $0x4  }
0x36: {  	v57 =	vshll.u32 v3, $0x3  }
0x37: {  	v3 =	vand.u32 $0x7, v3;
	v4 =	vand.u32 $0xFFFFFFC0, v57  }
0x38: {  	v3 =	vor.u32 v3, v4  }
0x39: {  	v4 =	vperm.xlane v3, v0;
	_ =	sdelay $0x1  }
0x3a: {  	v4 =	vadd.s32 v1, v4;
	_ =	sdelay $0x4  }
0x3b: {  	[hbm4b:s3+s2] =	stream.indirect_vreg.scatter [tilespmem:s29], [sflag:$0x1], $0x80, v4, vm0, $0xb8;
	[tilespmem:$0x10100] =	vst v63  }
0x3c: {  	v3 =	vperm.xlane v3, v2  }
0x3d: {  	[hbm4b:s5+s2] =	stream.indirect_vreg.scatter [tilespmem:s30], [sflag:$0x1], $0x80, v4, vm0, $0xb8;
	[tilespmem:$0x10100] =	vst v63  }
0x3e: {  	v3 =	vadd.s32 v1, v3  }
0x3f: {  	[hbm4b:s6+s2] =	stream.indirect_vreg.scatter [tilespmem:s31], [sflag:$0x1], $0x80, v4, vm0, $0xb8;
	[tilespmem:$0x10100] =	vst v63  }
0x40: {  	s0 =	simm.s32 $0x5900  }
0x41: {  	[hbm4b:s7+s2] =	stream.indirect_vreg.scatter [tilespmem:s0], [sflag:$0x1], $0x80, v4, vm0, $0xb8;
	[tilespmem:$0x10100] =	vst v63  }
0x42: {  	s1 =	simm.s32 $0x6100  }
0x43: {  	[hbm4b:s3+s2] =	stream.indirect_vreg.scatter [tilespmem:s1], [sflag:$0x1], $0x80, v3, vm0, $0xb8;
	[tilespmem:$0x10100] =	vst v63  }
0x44: {  	_ = 	snop  }
0x45: {  	[hbm4b:s5+s2] =	stream.indirect_vreg.scatter [tilespmem:s4], [sflag:$0x1], $0x80, v3, vm0, $0xb8;
	[tilespmem:$0x10100] =	vst v63  }
0x46: {  	_ = 	snop  }
0x47: {  	[hbm4b:s6+s2] =	stream.indirect_vreg.scatter [tilespmem:s11], [sflag:$0x1], $0x80, v3, vm0, $0xb8;
	[tilespmem:$0x10100] =	vst v63  }
0x48: {  	_ = 	snop  }
0x49: {  	[hbm4b:s7+s2] =	stream.indirect_vreg.scatter [tilespmem:s12], [sflag:$0x1], $0x80, v3, vm0, $0xb8;
	[tilespmem:$0x10100] =	vst v63  }
0x4a: {  	v3 =	vld [tilespmem:$0x20];
	_ =	sdelay $0x4  }
0x4b: {  	v58 =	vshll.u32 v3, $0x3  }
0x4c: {  	v3 =	vand.u32 $0x7, v3;
	v4 =	vand.u32 $0xFFFFFFC0, v58  }
0x4d: {  	v3 =	vor.u32 v3, v4  }
0x4e: {  	v4 =	vperm.xlane v3, v0;
	_ =	sdelay $0x1  }
0x4f: {  	v4 =	vadd.s32 v1, v4;
	_ =	sdelay $0x4  }
0x50: {  	[hbm4b:s3+s2] =	stream.indirect_vreg.scatter [tilespmem:s13], [sflag:$0x1], $0x80, v4, vm0, $0xb8;
	[tilespmem:$0x10100] =	vst v63  }
0x51: {  	v3 =	vperm.xlane v3, v2  }
0x52: {  	[hbm4b:s5+s2] =	stream.indirect_vreg.scatter [tilespmem:s14], [sflag:$0x1], $0x80, v4, vm0, $0xb8;
	[tilespmem:$0x10100] =	vst v63  }
0x53: {  	v3 =	vadd.s32 v1, v3  }
0x54: {  	[hbm4b:s6+s2] =	stream.indirect_vreg.scatter [tilespmem:s15], [sflag:$0x1], $0x80, v4, vm0, $0xb8;
	[tilespmem:$0x10100] =	vst v63  }
0x55: {  	_ = 	snop  }
0x56: {  	[hbm4b:s7+s2] =	stream.indirect_vreg.scatter [tilespmem:s16], [sflag:$0x1], $0x80, v4, vm0, $0xb8;
	[tilespmem:$0x10100] =	vst v63  }
0x57: {  	_ = 	snop  }
0x58: {  	[hbm4b:s3+s2] =	stream.indirect_vreg.scatter [tilespmem:s17], [sflag:$0x1], $0x80, v3, vm0, $0xb8;
	[tilespmem:$0x10100] =	vst v63  }
0x59: {  	_ = 	snop  }
0x5a: {  	[hbm4b:s5+s2] =	stream.indirect_vreg.scatter [tilespmem:s18], [sflag:$0x1], $0x80, v3, vm0, $0xb8;
	[tilespmem:$0x10100] =	vst v63  }
0x5b: {  	_ = 	snop  }
0x5c: {  	[hbm4b:s6+s2] =	stream.indirect_vreg.scatter [tilespmem:s10], [sflag:$0x1], $0x80, v3, vm0, $0xb8;
	[tilespmem:$0x10100] =	vst v63  }
0x5d: {  	_ = 	snop  }
0x5e: {  	[hbm4b:s7+s2] =	stream.indirect_vreg.scatter [tilespmem:s20], [sflag:$0x1], $0x80, v3, vm0, $0xb8;
	[tilespmem:$0x10100] =	vst v63  }
0x5f: {  	v3 =	vld [tilespmem:$0x30];
	_ =	sdelay $0x4  }
0x60: {  	v59 =	vshll.u32 v3, $0x3  }
0x61: {  	v3 =	vand.u32 $0x7, v3;
	v4 =	vand.u32 $0xFFFFFFC0, v59  }
0x62: {  	v3 =	vor.u32 v3, v4  }
0x63: {  	v4 =	vperm.xlane v3, v0;
	_ =	sdelay $0x1  }
0x64: {  	v4 =	vadd.s32 v1, v4;
	_ =	sdelay $0x3  }
0x65: {  	s0 =	simm.s32 $0xC100  }
0x66: {  	[hbm4b:s3+s2] =	stream.indirect_vreg.scatter [tilespmem:s0], [sflag:$0x1], $0x80, v4, vm0, $0xb8;
	[tilespmem:$0x10100] =	vst v63  }
0x67: {  	v3 =	vperm.xlane v3, v2;
	s0 =	simm.s32 $0xC900  }
0x68: {  	[hbm4b:s5+s2] =	stream.indirect_vreg.scatter [tilespmem:s0], [sflag:$0x1], $0x80, v4, vm0, $0xb8;
	[tilespmem:$0x10100] =	vst v63  }
0x69: {  	v3 =	vadd.s32 v1, v3;
	s0 =	simm.s32 $0xD100  }
0x6a: {  	[hbm4b:s6+s2] =	stream.indirect_vreg.scatter [tilespmem:s0], [sflag:$0x1], $0x80, v4, vm0, $0xb8;
	[tilespmem:$0x10100] =	vst v63  }
0x6b: {  	s0 =	simm.s32 $0xD900  }
0x6c: {  	[hbm4b:s7+s2] =	stream.indirect_vreg.scatter [tilespmem:s0], [sflag:$0x1], $0x80, v4, vm0, $0xb8;
	[tilespmem:$0x10100] =	vst v63  }
0x6d: {  	s0 =	simm.s32 $0xE100  }
0x6e: {  	[hbm4b:s3+s2] =	stream.indirect_vreg.scatter [tilespmem:s0], [sflag:$0x1], $0x80, v3, vm0, $0xb8;
	[tilespmem:$0x10100] =	vst v63  }
0x6f: {  	s0 =	simm.s32 $0xE900  }
0x70: {  	[hbm4b:s5+s2] =	stream.indirect_vreg.scatter [tilespmem:s0], [sflag:$0x1], $0x80, v3, vm0, $0xb8;
	[tilespmem:$0x10100] =	vst v63  }
0x71: {  	s0 =	simm.s32 $0xF100  }
0x72: {  	[hbm4b:s6+s2] =	stream.indirect_vreg.scatter [tilespmem:s0], [sflag:$0x1], $0x80, v3, vm0, $0xb8;
	[tilespmem:$0x10100] =	vst v63  }
0x73: {  	s0 =	simm.s32 $0xF900  }
0x74: {  	[hbm4b:s7+s2] =	stream.indirect_vreg.scatter [tilespmem:s0], [sflag:$0x1], $0x80, v3, vm0, $0xb8;
	[tilespmem:$0x10100] =	vst v63  }
0x75: {  	v3 =	vld [tilespmem:$0x80];
	_ =	sdelay $0x4  }
0x76: {  	v60 =	vshll.u32 v3, $0x3  }
0x77: {  	v3 =	vand.u32 $0x7, v3;
	v4 =	vand.u32 $0xFFFFFFC0, v60  }
0x78: {  	v3 =	vor.u32 v3, v4  }
0x79: {  	v4 =	vperm.xlane v3, v0;
	_ =	sdelay $0x1  }
0x7a: {  	v4 =	vadd.s32 v1, v4;
	_ =	sdelay $0x4  }
0x7b: {  	[hbm4b:s3+s2] =	stream.indirect_vreg.scatter [tilespmem:s19], [sflag:$0x2], $0x80, v4, vm0, $0xb8;
	[tilespmem:$0x10100] =	vst v63  }
0x7c: {  	v3 =	vperm.xlane v3, v2  }
0x7d: {  	[hbm4b:s5+s2] =	stream.indirect_vreg.scatter [tilespmem:s21], [sflag:$0x2], $0x80, v4, vm0, $0xb8;
	[tilespmem:$0x10100] =	vst v63  }
0x7e: {  	v3 =	vadd.s32 v1, v3  }
0x7f: {  	[hbm4b:s6+s2] =	stream.indirect_vreg.scatter [tilespmem:s22], [sflag:$0x2], $0x80, v4, vm0, $0xb8;
	[tilespmem:$0x10100] =	vst v63  }
0x80: {  	_ = 	snop  }
0x81: {  	[hbm4b:s7+s2] =	stream.indirect_vreg.scatter [tilespmem:s23], [sflag:$0x2], $0x80, v4, vm0, $0xb8;
	[tilespmem:$0x10100] =	vst v63  }
0x82: {  	_ = 	snop  }
0x83: {  	[hbm4b:s3+s2] =	stream.indirect_vreg.scatter [tilespmem:s24], [sflag:$0x2], $0x80, v3, vm0, $0xb8;
	[tilespmem:$0x10100] =	vst v63  }
0x84: {  	_ = 	snop  }
0x85: {  	[hbm4b:s5+s2] =	stream.indirect_vreg.scatter [tilespmem:s25], [sflag:$0x2], $0x80, v3, vm0, $0xb8;
	[tilespmem:$0x10100] =	vst v63  }
0x86: {  	_ = 	snop  }
0x87: {  	[hbm4b:s6+s2] =	stream.indirect_vreg.scatter [tilespmem:s26], [sflag:$0x2], $0x80, v3, vm0, $0xb8;
	[tilespmem:$0x10100] =	vst v63  }
0x88: {  	_ = 	snop  }
0x89: {  	[hbm4b:s7+s2] =	stream.indirect_vreg.scatter [tilespmem:s28], [sflag:$0x2], $0x80, v3, vm0, $0xb8;
	[tilespmem:$0x10100] =	vst v63  }
0x8a: {  	v3 =	vld [tilespmem:$0x90];
	_ =	sdelay $0x4  }
0x8b: {  	v61 =	vshll.u32 v3, $0x3  }
0x8c: {  	v3 =	vand.u32 $0x7, v3;
	v4 =	vand.u32 $0xFFFFFFC0, v61  }
0x8d: {  	v3 =	vor.u32 v3, v4  }
0x8e: {  	v4 =	vperm.xlane v3, v0;
	_ =	sdelay $0x1  }
0x8f: {  	v4 =	vadd.s32 v1, v4;
	_ =	sdelay $0x4  }
0x90: {  	[hbm4b:s3+s2] =	stream.indirect_vreg.scatter [tilespmem:s29], [sflag:$0x2], $0x80, v4, vm0, $0xb8;
	[tilespmem:$0x10100] =	vst v63  }
0x91: {  	v3 =	vperm.xlane v3, v2  }
0x92: {  	[hbm4b:s5+s2] =	stream.indirect_vreg.scatter [tilespmem:s30], [sflag:$0x2], $0x80, v4, vm0, $0xb8;
	[tilespmem:$0x10100] =	vst v63  }
0x93: {  	v3 =	vadd.s32 v1, v3  }
0x94: {  	[hbm4b:s6+s2] =	stream.indirect_vreg.scatter [tilespmem:s31], [sflag:$0x2], $0x80, v4, vm0, $0xb8;
	[tilespmem:$0x10100] =	vst v63  }
0x95: {  	s22 =	simm.s32 $0x5900  }
0x96: {  	[hbm4b:s7+s2] =	stream.indirect_vreg.scatter [tilespmem:s22], [sflag:$0x2], $0x80, v4, vm0, $0xb8;
	[tilespmem:$0x10100] =	vst v63  }
0x97: {  	_ = 	snop  }
0x98: {  	[hbm4b:s3+s2] =	stream.indirect_vreg.scatter [tilespmem:s1], [sflag:$0x2], $0x80, v3, vm0, $0xb8;
	[tilespmem:$0x10100] =	vst v63  }
0x99: {  	_ = 	snop  }
0x9a: {  	[hbm4b:s5+s2] =	stream.indirect_vreg.scatter [tilespmem:s4], [sflag:$0x2], $0x80, v3, vm0, $0xb8;
	[tilespmem:$0x10100] =	vst v63  }
0x9b: {  	_ = 	snop  }
0x9c: {  	[hbm4b:s6+s2] =	stream.indirect_vreg.scatter [tilespmem:s11], [sflag:$0x2], $0x80, v3, vm0, $0xb8;
	[tilespmem:$0x10100] =	vst v63  }
0x9d: {  	_ = 	snop  }
0x9e: {  	[hbm4b:s7+s2] =	stream.indirect_vreg.scatter [tilespmem:s12], [sflag:$0x2], $0x80, v3, vm0, $0xb8;
	[tilespmem:$0x10100] =	vst v63  }
0x9f: {  	v3 =	vld [tilespmem:$0xA0];
	_ =	sdelay $0x4  }
0xa0: {  	v62 =	vshll.u32 v3, $0x3  }
0xa1: {  	v3 =	vand.u32 $0x7, v3;
	v4 =	vand.u32 $0xFFFFFFC0, v62  }
0xa2: {  	v3 =	vor.u32 v3, v4  }
0xa3: {  	v4 =	vperm.xlane v3, v0;
	_ =	sdelay $0x1  }
0xa4: {  	v4 =	vadd.s32 v1, v4;
	_ =	sdelay $0x4  }
0xa5: {  	[hbm4b:s3+s2] =	stream.indirect_vreg.scatter [tilespmem:s13], [sflag:$0x2], $0x80, v4, vm0, $0xb8;
	[tilespmem:$0x10100] =	vst v63  }
0xa6: {  	v3 =	vperm.xlane v3, v2  }
0xa7: {  	[hbm4b:s5+s2] =	stream.indirect_vreg.scatter [tilespmem:s14], [sflag:$0x2], $0x80, v4, vm0, $0xb8;
	[tilespmem:$0x10100] =	vst v63  }
0xa8: {  	v3 =	vadd.s32 v1, v3  }
0xa9: {  	[hbm4b:s6+s2] =	stream.indirect_vreg.scatter [tilespmem:s15], [sflag:$0x2], $0x80, v4, vm0, $0xb8;
	[tilespmem:$0x10100] =	vst v63  }
0xaa: {  	_ = 	snop  }
0xab: {  	[hbm4b:s7+s2] =	stream.indirect_vreg.scatter [tilespmem:s16], [sflag:$0x2], $0x80, v4, vm0, $0xb8;
	[tilespmem:$0x10100] =	vst v63  }
0xac: {  	_ = 	snop  }
0xad: {  	[hbm4b:s3+s2] =	stream.indirect_vreg.scatter [tilespmem:s17], [sflag:$0x2], $0x80, v3, vm0, $0xb8;
	[tilespmem:$0x10100] =	vst v63  }
0xae: {  	_ = 	snop  }
0xaf: {  	[hbm4b:s5+s2] =	stream.indirect_vreg.scatter [tilespmem:s18], [sflag:$0x2], $0x80, v3, vm0, $0xb8;
	[tilespmem:$0x10100] =	vst v63  }
0xb0: {  	_ = 	snop  }
0xb1: {  	[hbm4b:s6+s2] =	stream.indirect_vreg.scatter [tilespmem:s10], [sflag:$0x2], $0x80, v3, vm0, $0xb8;
	[tilespmem:$0x10100] =	vst v63  }
0xb2: {  	_ = 	snop  }
0xb3: {  	[hbm4b:s7+s2] =	stream.indirect_vreg.scatter [tilespmem:s20], [sflag:$0x2], $0x80, v3, vm0, $0xb8;
	[tilespmem:$0x10100] =	vst v63  }
0xb4: {  	v3 =	vld [tilespmem:$0xB0];
	_ =	sdelay $0x4  }
0xb5: {  	v63 =	vshll.u32 v3, $0x3  }
0xb6: {  	v3 =	vand.u32 $0x7, v3;
	v4 =	vand.u32 $0xFFFFFFC0, v63  }
0xb7: {  	v3 =	vor.u32 v3, v4  }
0xb8: {  	v4 =	vperm.xlane v3, v0;
	_ =	sdelay $0x1  }
0xb9: {  	v4 =	vadd.s32 v1, v4;
	_ =	sdelay $0x3  }
0xba: {  	s19 =	simm.s32 $0xC100  }
0xbb: {  	[hbm4b:s3+s2] =	stream.indirect_vreg.scatter [tilespmem:s19], [sflag:$0x2], $0x80, v4, vm0, $0xb8;
	[tilespmem:$0x10100] =	vst v63  }
0xbc: {  	s21 =	simm.s32 $0xC900;
	v3 =	vperm.xlane v3, v2  }
0xbd: {  	[hbm4b:s5+s2] =	stream.indirect_vreg.scatter [tilespmem:s21], [sflag:$0x2], $0x80, v4, vm0, $0xb8;
	[tilespmem:$0x10100] =	vst v63  }
0xbe: {  	s22 =	simm.s32 $0xD100;
	v3 =	vadd.s32 v1, v3  }
0xbf: {  	[hbm4b:s6+s2] =	stream.indirect_vreg.scatter [tilespmem:s22], [sflag:$0x2], $0x80, v4, vm0, $0xb8;
	[tilespmem:$0x10100] =	vst v63  }
0xc0: {  	s19 =	simm.s32 $0xD900  }
0xc1: {  	[hbm4b:s7+s2] =	stream.indirect_vreg.scatter [tilespmem:s19], [sflag:$0x2], $0x80, v4, vm0, $0xb8;
	[tilespmem:$0x10100] =	vst v63  }
0xc2: {  	s21 =	simm.s32 $0xE100  }
0xc3: {  	[hbm4b:s3+s2] =	stream.indirect_vreg.scatter [tilespmem:s21], [sflag:$0x2], $0x80, v3, vm0, $0xb8;
	[tilespmem:$0x10100] =	vst v63  }
0xc4: {  	s22 =	simm.s32 $0xE900  }
0xc5: {  	[hbm4b:s5+s2] =	stream.indirect_vreg.scatter [tilespmem:s22], [sflag:$0x2], $0x80, v3, vm0, $0xb8;
	[tilespmem:$0x10100] =	vst v63  }
0xc6: {  	s19 =	simm.s32 $0xF100  }
0xc7: {  	[hbm4b:s6+s2] =	stream.indirect_vreg.scatter [tilespmem:s19], [sflag:$0x2], $0x80, v3, vm0, $0xb8;
	[tilespmem:$0x10100] =	vst v63  }
0xc8: {  	s21 =	simm.s32 $0x1  }
0xc9: {  	[hbm4b:s7+s2] =	stream.indirect_vreg.scatter [tilespmem:s0], [sflag:$0x2], $0x80, v3, vm0, $0xb8;
	[tilespmem:$0x10100] =	vst v63  }
0xca: {  	p0 =	sne.s32 s8, $0x1;
	_ =	swait.ge [sflag:s21], $0x10000  }
.Ltmp0:
0xcb: {  	[sflag:s21] =	ssyncset.done $0x0;
	(pc) =	sbr.rel @p0 .LBB2_1-.Ltmp0, $4  }
0xcc: {  	s22 =	simm.s32 $0x2;
	[sflag:s21] =	ssyncadd.s32 $0xFFFF0000  }
0xcd: {  	_ =	swait.ge [sflag:s22], $0x10000  }
0xce: {  	[sflag:s22] =	ssyncset.done $0x0  }
0xcf: {  	s8 =	sadd.s32 $0xFFFFFFFF, s8;
	[sflag:s22] =	ssyncadd.s32 $0xFFFF0000  }
0xd0: {  	_ =	sfence.sel $0x180000  }
0xd1: {  	[bflag:$0x0] =	sbarrier.arrive $0xFFFF  }
0xd2: {  	_ =	strace $0x90000047  }
0xd3: {  	s0 =	stileid.u32;
	[bflag:$0x2] =	sbarrier.arrive $0xFFFF  }
0xd4: {  	p0 =	sne.s32 s0, $0x0;
	s0 =	rddreg [dreg:$0x2]  }
0xd5: {  	s0 =	sadd.s32 @!p0 $0x100000, s0  }
0xd6: {  	[sflag:s0] =	ssyncadd.tile.s32 @!p0 $0x1;
	_ =	shalt  }
.Lfunc_end2:
_tile_overlayer_lowered:
.L_overlay_start_2:
0xd7: {  	(tag) =	ssettag $0x2  }
0xd8: {  	s0 =	rddreg [dreg:$0x0];
	s2 =	stileid.u32  }
0xd9: {  	s1 =	rddreg [dreg:$0x1];
	p0 =	sne.s32 s2, $0x0  }
0xda: {  	s3 =	rddreg [dreg:$0x2];
	[bflag:$0x3] =	sbarrier.arrive $0xFFFF;
	s2 =	simm.s32 @!p0 $0x1C03  }
0xdb: {  	[timem:s3], [sflag:s2] =	dma.local @!p0 [hbm:s0], s1  }
0xdc: {  	s0 =	simm.s32 @!p0 $0x3  }
0xdd: {  	_ =	swait.ge @!p0 [sflag:s0], s1  }
0xde: {  	s1 =	ssub.s32 @!p0 $0x0, s1;
	[sflag:s0] =	ssyncset.done @!p0 $0x0  }
0xdf: {  	[sflag:s0] =	ssyncadd.s32 @!p0 s1  }
0xe0: {  	[bflag:$0x3] =	sbarrier.arrive $0xFFFF  }
0xe1: {  	_ =	shalt  }

// kernel: kernel.9.cloned.1.call-start
scs
__scs_entry_jumppad:
0x0: {  	(pc) =	sbr.rel $0x88, $3  }
0x1: {  	(tag) =	ssettag $0x0;
	lr =	simm.s32 $0x1  }
0x2: {  	[smem:$0x3F9D] =	sst lr;
	_ =	strace $0xD0000000  }
0x3: {  	_ = 	snop  }
0x4: {  	_ = 	snop  }
0x5: {  	_ = 	snop  }
0x6: {  	_ = 	snop  }
0x7: {  	_ = 	snop  }
__scs_overlays_trampoline_lowered:
0x8: {  	[smem:$0x3FAC] =	sst s0  }
0x9: {  	[smem:$0x3FAD] =	sst s1  }
0xa: {  	[smem:$0x3FAE] =	sst s2  }
0xb: {  	[smem:$0x3FAF] =	sst s3  }
0xc: {  	[smem:$0x3FB0] =	sst s4  }
0xd: {  	[smem:$0x3FB1] =	sst s5  }
0xe: {  	[smem:$0x3FB2] =	sst s6  }
0xf: {  	[smem:$0x3FB3] =	sst s7  }
0x10: {  	[smem:$0x3FB4] =	sst s8  }
0x11: {  	[smem:$0x3FB5] =	sst s9;
	s0 =	simm.s32 @!p0 $0x0  }
0x12: {  	s1 =	sld [smem:$0x3F9B];
	s0 =	simm.s32 @p0 $0x1  }
0x13: {  	[smem:$0x3FB6] =	sst s0;
	s0 =	simm.s32 @!p1 $0x0  }
0x14: {  	s2 =	sld [smem:$0x3F9A];
	s0 =	simm.s32 @p1 $0x1  }
0x15: {  	[smem:$0x3FB7] =	sst s0;
	s0 =	simm.s32 @!p2 $0x0  }
0x16: {  	s3 =	sld [smem:$0x3FDB];
	s0 =	simm.s32 @p2 $0x1  }
0x17: {  	s4 =	simm.s32 $0x1BF5;
	[smem:$0x3FB9] =	sst s0  }
0x18: {  	s0 =	sld [smem:$0x3F9C];
	_ =	swait.ge [sflag:s4], $0x0  }
0x19: {  	s7 =	sld [smem:$0x3F9D]  }
0x1a: {  	s8 =	sadd.s32 $0xFFFFE003, lr  }
0x1b: {  	s9 =	sadd.s32 $0xFFFFFEF7, lr;
	s5 =	simm.s32 $0xFFFFFFFF;
	p2 =	slt.u32 s8, $0xFFFFF086  }
0x1c: {  	p1 =	slt.u32 s9, $0xF7A;
	s5 =	simm.s32 @!p2 $0x0  }
0x1d: {  	s5 =	simm.s32 @p1 $0x1;
	p0 =	seq.s32 s7, s2  }
0x1e: {  	s7 =	smul.u32 @!p0 $0xF7A, s2;
	p2 =	seq.s32 @!p0 s5, $0x0  }
0x1f: {  	s9 =	smul.u32 $0xF7A, s1;
	s8 =	simm.s32 @!p0 $0x1BF5;
	p2 =	por !p2, p0  }
0x20: {  	[sflag:s8] =	ssyncset.s32 @!p0 $0xFFFFF086;
	s6 =	sadd.s32 @!p0 s3, s7;
	s7 =	simm.s32 @!p0 $0x108  }
0x21: {  	s3 =	sadd.s32 s3, s9;
	s6 =	sadd.s32 @!p0 $0x88, s6;
	s7 =	simm.s32 @p2 $0x1082  }
0x22: {  	[simem:s7], [sflag:s8] =	dma.local @!p0 [hbm:s6], $0xF7A  }
0x23: {  	s9 =	sor.u32 $0xD0000000, s2;
	s6 =	simm.s32 $0x108;
	_ =	swait.ge @!p0 [sflag:s8], $0x0  }
0x24: {  	s3 =	sadd.s32 $0x88, s3;
	s6 =	simm.s32 @!p1 $0x1082;
	[sflag:s4] =	ssyncset.s32 $0xFFFFF086  }
0x25: {  	[simem:s6], [sflag:s4] =	dma.local [hbm:s3], $0xF7A  }
0x26: {  	[smem:$0x3F9D] =	sst s1;
	(tag) =	ssettag s2;
	_ =	strace s9  }
0x27: {  	s1 =	sld [smem:$0x3FAD]  }
0x28: {  	s2 =	sld [smem:$0x3FAE]  }
0x29: {  	s4 =	sld [smem:$0x3FB0]  }
0x2a: {  	p0 =	seq.s32 s5, $0x0;
	s5 =	sld [smem:$0x3FB1]  }
0x2b: {  	s6 =	sld [smem:$0x3FB2]  }
0x2c: {  	s7 =	sld [smem:$0x3FB3]  }
0x2d: {  	s3 =	simm.s32 $0x108;
	s8 =	sld [smem:$0x3FB4]  }
0x2e: {  	s3 =	simm.s32 @!p0 $0x1082;
	s9 =	sld [smem:$0x3FB5]  }
0x2f: {  	lr =	sadd.s32 s0, s3;
	s0 =	sld [smem:$0x3FAC]  }
0x30: {  	s3 =	sld [smem:$0x3FAF]  }
0x31: {  	[smem:$0x3FB8] =	sst s10  }
0x32: {  	s10 =	sld [smem:$0x3FB6];
	_ =	sdelay $0x3  }
0x33: {  	p0 =	seq.s32 s10, $0x1;
	s10 =	sld [smem:$0x3FB8];
	_ =	sdelay $0x3  }
0x34: {  	[smem:$0x3FB8] =	sst s10  }
0x35: {  	s10 =	sld [smem:$0x3FB7];
	_ =	sdelay $0x3  }
0x36: {  	p1 =	seq.s32 s10, $0x1;
	s10 =	sld [smem:$0x3FB8];
	_ =	sdelay $0x3  }
0x37: {  	[smem:$0x3FB8] =	sst s10  }
0x38: {  	s10 =	sld [smem:$0x3FB9]  }
0x39: {  	_ = 	snop;
	(pc) =	sbr.ind lr, $3  }
0x3a: {  	_ = 	snop  }
0x3b: {  	_ = 	snop  }
0x3c: {  	p2 =	seq.s32 s10, $0x1;
	s10 =	sld [smem:$0x3FB8]  }
0x3d: {  	_ =	shalt  }
0x3e: {  	_ =	shalt  }
0x3f: {  	_ =	shalt  }
0x40: {  	_ =	shalt  }
0x41: {  	_ =	shalt  }
0x42: {  	_ =	shalt  }
0x43: {  	_ =	shalt  }
0x44: {  	_ =	shalt  }
0x45: {  	_ =	shalt  }
0x46: {  	_ =	shalt  }
0x47: {  	_ =	shalt  }
0x48: {  	_ =	shalt  }
0x49: {  	_ =	shalt  }
0x4a: {  	_ =	shalt  }
0x4b: {  	_ =	shalt  }
0x4c: {  	_ =	shalt  }
0x4d: {  	_ =	shalt  }
0x4e: {  	_ =	shalt  }
0x4f: {  	_ =	shalt  }
0x50: {  	_ =	shalt  }
0x51: {  	_ =	shalt  }
0x52: {  	_ =	shalt  }
0x53: {  	_ =	shalt  }
0x54: {  	_ =	shalt  }
0x55: {  	_ =	shalt  }
0x56: {  	_ =	shalt  }
0x57: {  	_ =	shalt  }
0x58: {  	_ =	shalt  }
0x59: {  	_ =	shalt  }
0x5a: {  	_ =	shalt  }
0x5b: {  	_ =	shalt  }
0x5c: {  	_ =	shalt  }
0x5d: {  	_ =	shalt  }
0x5e: {  	_ =	shalt  }
0x5f: {  	_ =	shalt  }
0x60: {  	_ =	shalt  }
0x61: {  	_ =	shalt  }
0x62: {  	_ =	shalt  }
0x63: {  	_ =	shalt  }
0x64: {  	_ =	shalt  }
0x65: {  	_ =	shalt  }
0x66: {  	_ =	shalt  }
0x67: {  	_ =	shalt  }
0x68: {  	_ =	shalt  }
0x69: {  	_ =	shalt  }
0x6a: {  	_ =	shalt  }
0x6b: {  	_ =	shalt  }
0x6c: {  	_ =	shalt  }
0x6d: {  	_ =	shalt  }
0x6e: {  	_ =	shalt  }
0x6f: {  	_ =	shalt  }
0x70: {  	_ =	shalt  }
0x71: {  	_ =	shalt  }
0x72: {  	_ =	shalt  }
0x73: {  	_ =	shalt  }
0x74: {  	_ =	shalt  }
0x75: {  	_ =	shalt  }
0x76: {  	_ =	shalt  }
0x77: {  	_ =	shalt  }
0x78: {  	_ =	shalt  }
0x79: {  	_ =	shalt  }
0x7a: {  	_ =	shalt  }
0x7b: {  	_ =	shalt  }
0x7c: {  	_ =	shalt  }
0x7d: {  	_ =	shalt  }
0x7e: {  	_ =	shalt  }
0x7f: {  	_ =	shalt  }
0x80: {  	_ =	shalt  }
0x81: {  	_ =	shalt  }
0x82: {  	_ =	shalt  }
0x83: {  	_ =	shalt  }
0x84: {  	_ =	shalt  }
0x85: {  	_ =	shalt  }
0x86: {  	_ =	shalt  }
0x87: {  	_ =	shalt  }
.Lfunc_end0:
.L_simem_size_0:
called_computation.1_lowered:
.L_overlay_start_0:
0x88: {  	s2 =	sld [smem:$0x3FD9]  }
0x89: {  	s3 =	sld [smem:$0x3FFE];
	_ =	sdelay $0x1  }
0x8a: {  	s1 =	srdreg.scid  }
0x8b: {  	s0 =	sand.u32 $0x1, s1  }
0x8c: {  	s17 =	sshll.u32 s0, $0xA;
	s2 =	sadd.s32 s3, s2  }
0x8d: {  	s2 =	sadd.s32 s2, s17  }
0x8e: {  	[smem:$0x3FC4] =	sst s2  }
0x8f: {  	_ = 	snop  }
0x90: {  	s2 =	sld [smem:$0x3FD0];
	(tm) =	ssettm $0x1  }
0x91: {  	s18 =	sld [smem:$0x3FFB];
	_ =	sdelay $0x3  }
0x92: {  	_ =	strace s18  }
0x93: {  	s3 =	sld [smem:$0x3FFC];
	_ =	sdelay $0x3  }
0x94: {  	_ =	strace s3  }
0x95: {  	s3 =	sld [smem:$0x3FFD];
	_ =	sdelay $0x3  }
0x96: {  	_ =	strace s3  }
0x97: {  	_ =	strace $0x8FFFFFFF  }
0x98: {  	s19 =	sld [smem:$0x3FDB];
	_ =	sdelay $0x1  }
0x99: {  	s4 =	simm.s32 $_scs_section_size  }
0x9a: {  	s5 =	simm.s32 $_size__tile_overlayer_lowered;
	s6 =	simm.s32 $_tile_overlayer_lowered  }
0x9b: {  	s22 =	simm.s32 $0x1BFF;
	s21 =	sshll.u32 s6, $0x1;
	s3 =	sadd.s32 s4, s19  }
0x9c: {  	s7 =	simm.s32 $0x0;
	s20 =	sshll.u32 s5, $0x1;
	s5 =	sadd.s32 s21, s3  }
0x9d: {  	[timem:s7], [sflag:s22] =	dma.local [hbm:s5], s20  }
0x9e: {  	_ =	swait.ge [sflag:s22], s20  }
0x9f: {  	s4 =	ssub.s32 $0x0, s20;
	[sflag:s22] =	ssyncset.done $0x0  }
0xa0: {  	[sflag:s22] =	ssyncadd.s32 s4;
	_ =	sdelay $0x1  }
0xa1: {  	s23 =	simm.s32 $0x1B8B  }
0xa2: {  	_ =	swait.ge [sflag:s23], $0x1  }
0xa3: {  	[sflag:s23] =	ssyncset.done $0x0  }
0xa4: {  	s25 =	simm.s32 $0x1B8E;
	s24 =	sld [smem:$0x3FFE];
	[sflag:s23] =	ssyncadd.s32 $0xFFFFFFFF  }
0xa5: {  	s26 =	simm.s32 $execute0_lowered;
	[smem:$0x3FD2] =	sst s25  }
0xa6: {  	s5 =	sshll.u32 s26, $0x1;
	_ =	strace $0x80000049;
	[dreg:$0x1] =	wrdreg $0xFFFFFFFF  }
0xa7: {  	s28 =	simm.s32 $_size_execute0_lowered;
	s3 =	sadd.s32 s3, s5;
	[dreg:$0x0] =	wrdreg $0x0  }
0xa8: {  	s5 =	sshll.u32 s28, $0x1;
	[dreg:$0x2] =	wrdreg s3  }
0xa9: {  	[dreg:$0x3] =	wrdreg s5  }
0xaa: {  	[dreg:$0x4] =	wrdreg $0xC0  }
0xab: {  	_ =	task [dreg:s7], $0x5FFFF  }
0xac: {  	[dreg:$0x1] =	wrdreg $0xFFFFFFFF  }
0xad: {  	[dreg:$0x0] =	wrdreg $0x60  }
0xae: {  	[dreg:$0x2] =	wrdreg s24  }
0xaf: {  	[dreg:$0x3] =	wrdreg s2  }
0xb0: {  	[dreg:$0x4] =	wrdreg $0x9  }
0xb1: {  	_ =	task.clear_ibuf [dreg:s7], $0x5FFFF;
	_ =	strace $0x90000049  }
0xb2: {  	s29 =	simm.s32 $0x9;
	_ =	strace $0x8000004B  }
0xb3: {  	_ =	swait.ge [sflag:s29], $0x1  }
0xb4: {  	[sflag:s29] =	ssyncadd.s32 $0xFFFFFFFF  }
0xb5: {  	_ =	strace $0x9000004B  }
0xb6: {  	_ =	sfence  }
0xb7: {  	s30 =	sld [smem:$0x0];
	_ =	sdelay $0x2  }
0xb8: {  	s31 =	sshll.u32 s1, $0xD;
	s1 =	sshrl.u32 s1, $0x2  }
0xb9: {  	s3 =	sand.u32 $0x4000, s31;
	s1 =	sadd.s32 s1, s30  }
0xba: {  	s0 =	sor.u32 s3, s0;
	s1 =	sshll.u32 s1, $0x11  }
0xbb: {  	s0 =	sor.u32 s1, s0  }
0xbc: {  	s0 =	sadd.s32 $0x8F2B, s0  }
0xbd: {  	[sflag:s0] =	ssyncadd.remote.s32 $0x1  }
0xbe: {  	_ =	sfence.sel $0xFFFF  }
0xbf: {  	[dreg:$0x0] =	wrdreg $0xFFFFFFFF;
	(pc) =	sbr.abs _section_cstart, $3  }
0xc0: {  	[dreg:$0x1] =	wrdreg $0xFFFFFFFF  }
0xc1: {  	_ =	task.clear_ibuf [dreg:s7], $0x2FFFF;
	_ =	strace $0x9FFFFFFF  }
0xc2: {  	(tm) =	ssettm $0x7FFFFFFF  }
0xc3: {  	_ =	shalt  }
tec
execute0_lowered:
.L_overlay_start_1:
0x0: {  	(tag) =	ssettag $0x1  }
0x1: {  	s0 =	srdreg.scid  }
0x2: {  	s1 =	rddreg [dreg:$0x0];
	s2 =	stileid.u32  }
0x3: {  	s5 =	rddreg [dreg:$0x1];
	s14 =	simm.s32 $0x2;
	s16 =	simm.s32 $0x100  }
0x4: {  	s15 =	simm.s32 $0x9100;
	s17 =	simm.s32 $0x9900;
	s18 =	simm.s32 $0xA100  }
0x5: {  	s19 =	simm.s32 $0xA900;
	s20 =	simm.s32 $0xB100;
	s21 =	simm.s32 $0xC100  }
0x6: {  	s22 =	simm.s32 $0xD100;
	s23 =	simm.s32 $0xD900;
	s24 =	simm.s32 $0xE900  }
0x7: {  	s12 =	simm.s32 $0xF100;
	s25 =	simm.s32 $0xF900;
	s13 =	simm.s32 $0x1  }
0x8: {  	s26 =	simm.s32 $0x0;
	s0 =	sand.u32 $0x1, s0;
	s4 =	sshll.u32 s2, $0x6  }
0x9: {  	s2 =	simm.s32 $0x0;
	s7 =	sadd.s32 $0xA0800, s1;
	s8 =	sadd.s32 $0xA0900, s1  }
0xa: {  	s3 =	sshll.u32 s0, $0xA;
	[smem:$0x7FF] =	sst s2;
	s0 =	ssub.s32 $0x2, s0  }
0xb: {  	s9 =	sor.u32 s4, s3;
	_ =	strace $0x8000004A;
	s6 =	sshrl.u32 s0, $0x1  }
0xc: {  	s3 =	sshrl.u32 s9, $0x3;
	s10 =	sor.u32 $0x20, s9;
	s9 =	sshll.u32 s9, $0x7  }
0xd: {  	s4 =	sadd.s32 $0xA0600, s1;
	s0 =	ssub.s32 s0, s6;
	s9 =	sadd.s32 s5, s9  }
0xe: {  	s3 =	sadd.s32 s1, s3;
	s0 =	smax.u32 s0, $0x1;
	[dreg:$0x4] =	wrdreg s9  }
0xf: {  	s11 =	sshrl.u32 s10, $0x3;
	s29 =	sadd.s32 $0x100, s3;
	[dreg:$0x8] =	wrdreg s0  }
0x10: {  	s6 =	sadd.s32 $0xA0700, s1;
	s1 =	sadd.s32 s1, s11;
	[dreg:$0x3] =	wrdreg s29  }
0x11: {  	v2 =	vlaneseq.u32;
	s30 =	sshll.u32 s10, $0x7;
	s31 =	sadd.s32 $0x104, s3;
	[dreg:$0x5] =	wrdreg s1  }
0x12: {  	vm0 =	vmmov $0xffff;
	v1 =	vshrl.u32 v2, $0x3;
	s10 =	simm.s32 $0xC900;
	[dreg:$0x6] =	wrdreg s31;
	s1 =	sadd.s32 s5, s30  }
0x13: {  	v0 =	vand.u32 $0x7, v2;
	v2 =	vor.u32 $0x8, v2;
	v1 =	vmul.u32 $0x8, v1;
	s9 =	simm.s32 $0xB900;
	s11 =	simm.s32 $0xE100;
	[dreg:$0x7] =	wrdreg s1  }
.LBB2_1:
0x14: {  	[tilespmem:s2], [sflag:$0x2] =	stream.linear.gather [hbm4b:s3+s2], $0x20, $0x38;
	[tilespmem:$0x10100] =	vst v63  }
0x15: {  	_ =	swait.ge [sflag:s14], $0x20  }
0x16: {  	[sflag:s14] =	ssyncset.done $0x0  }
0x17: {  	s1 =	simm.s32 $0x80;
	s0 =	rddreg [dreg:$0x3];
	[sflag:s14] =	ssyncadd.s32 $0xFFFFFFE0  }
0x18: {  	[tilespmem:s1], [sflag:$0x2] =	stream.linear.gather [hbm4b:s0+s2], $0x20, $0x38;
	[tilespmem:$0x10100] =	vst v63  }
0x19: {  	_ =	swait.ge [sflag:s14], $0x20  }
0x1a: {  	[sflag:s14] =	ssyncset.done $0x0  }
0x1b: {  	[sflag:s14] =	ssyncadd.s32 $0xFFFFFFE0  }
0x1c: {  	v3 =	vld [tilespmem:$0x0];
	_ =	sdelay $0x4  }
0x1d: {  	v4 =	vshll.u32 v3, $0x3  }
0x1e: {  	v3 =	vand.u32 $0x7, v3;
	v4 =	vand.u32 $0xFFFFFFC0, v4  }
0x1f: {  	v3 =	vor.u32 v3, v4  }
0x20: {  	v4 =	vperm.xlane v3, v0;
	_ =	sdelay $0x1  }
0x21: {  	v4 =	vadd.s32 v1, v4;
	_ =	sdelay $0x4  }
0x22: {  	[tilespmem:s16], [sflag:$0x1] =	stream.indirect_vreg.gather [hbm4b:s4+s2], $0x80, v4, vm0, $0xb8;
	[tilespmem:$0x10100] =	vst v63  }
0x23: {  	s5 =	simm.s32 $0x900;
	v3 =	vperm.xlane v3, v2  }
0x24: {  	[tilespmem:s5], [sflag:$0x1] =	stream.indirect_vreg.gather [hbm4b:s6+s2], $0x80, v4, vm0, $0xb8;
	[tilespmem:$0x10100] =	vst v63  }
0x25: {  	s1 =	simm.s32 $0x1100;
	v3 =	vadd.s32 v1, v3  }
0x26: {  	[tilespmem:s1], [sflag:$0x1] =	stream.indirect_vreg.gather [hbm4b:s7+s2], $0x80, v4, vm0, $0xb8;
	[tilespmem:$0x10100] =	vst v63  }
0x27: {  	s5 =	simm.s32 $0x1900  }
0x28: {  	[tilespmem:s5], [sflag:$0x1] =	stream.indirect_vreg.gather [hbm4b:s8+s2], $0x80, v4, vm0, $0xb8;
	[tilespmem:$0x10100] =	vst v63  }
0x29: {  	s1 =	simm.s32 $0x2100  }
0x2a: {  	[tilespmem:s1], [sflag:$0x1] =	stream.indirect_vreg.gather [hbm4b:s4+s2], $0x80, v3, vm0, $0xb8;
	[tilespmem:$0x10100] =	vst v63  }
0x2b: {  	s5 =	simm.s32 $0x2900  }
0x2c: {  	[tilespmem:s5], [sflag:$0x1] =	stream.indirect_vreg.gather [hbm4b:s6+s2], $0x80, v3, vm0, $0xb8;
	[tilespmem:$0x10100] =	vst v63  }
0x2d: {  	s1 =	simm.s32 $0x3100  }
0x2e: {  	[tilespmem:s1], [sflag:$0x1] =	stream.indirect_vreg.gather [hbm4b:s7+s2], $0x80, v3, vm0, $0xb8;
	[tilespmem:$0x10100] =	vst v63  }
0x2f: {  	s5 =	simm.s32 $0x3900  }
0x30: {  	[tilespmem:s5], [sflag:$0x1] =	stream.indirect_vreg.gather [hbm4b:s8+s2], $0x80, v3, vm0, $0xb8;
	[tilespmem:$0x10100] =	vst v63  }
0x31: {  	v3 =	vld [tilespmem:$0x10];
	_ =	sdelay $0x4  }
0x32: {  	v61 =	vshll.u32 v3, $0x3  }
0x33: {  	v3 =	vand.u32 $0x7, v3;
	v4 =	vand.u32 $0xFFFFFFC0, v61  }
0x34: {  	v3 =	vor.u32 v3, v4  }
0x35: {  	v4 =	vperm.xlane v3, v0;
	_ =	sdelay $0x1  }
0x36: {  	v4 =	vadd.s32 v1, v4;
	_ =	sdelay $0x3  }
0x37: {  	s1 =	simm.s32 $0x4100  }
0x38: {  	[tilespmem:s1], [sflag:$0x1] =	stream.indirect_vreg.gather [hbm4b:s4+s2], $0x80, v4, vm0, $0xb8;
	[tilespmem:$0x10100] =	vst v63  }
0x39: {  	s5 =	simm.s32 $0x4900;
	v3 =	vperm.xlane v3, v2  }
0x3a: {  	[tilespmem:s5], [sflag:$0x1] =	stream.indirect_vreg.gather [hbm4b:s6+s2], $0x80, v4, vm0, $0xb8;
	[tilespmem:$0x10100] =	vst v63  }
0x3b: {  	v3 =	vadd.s32 v1, v3;
	s1 =	simm.s32 $0x5100  }
0x3c: {  	[tilespmem:s1], [sflag:$0x1] =	stream.indirect_vreg.gather [hbm4b:s7+s2], $0x80, v4, vm0, $0xb8;
	[tilespmem:$0x10100] =	vst v63  }
0x3d: {  	s5 =	simm.s32 $0x5900  }
0x3e: {  	[tilespmem:s5], [sflag:$0x1] =	stream.indirect_vreg.gather [hbm4b:s8+s2], $0x80, v4, vm0, $0xb8;
	[tilespmem:$0x10100] =	vst v63  }
0x3f: {  	s1 =	simm.s32 $0x6100  }
0x40: {  	[tilespmem:s1], [sflag:$0x1] =	stream.indirect_vreg.gather [hbm4b:s4+s2], $0x80, v3, vm0, $0xb8;
	[tilespmem:$0x10100] =	vst v63  }
0x41: {  	s5 =	simm.s32 $0x6900  }
0x42: {  	[tilespmem:s5], [sflag:$0x1] =	stream.indirect_vreg.gather [hbm4b:s6+s2], $0x80, v3, vm0, $0xb8;
	[tilespmem:$0x10100] =	vst v63  }
0x43: {  	s1 =	simm.s32 $0x7100  }
0x44: {  	[tilespmem:s1], [sflag:$0x1] =	stream.indirect_vreg.gather [hbm4b:s7+s2], $0x80, v3, vm0, $0xb8;
	[tilespmem:$0x10100] =	vst v63  }
0x45: {  	s5 =	simm.s32 $0x7900  }
0x46: {  	[tilespmem:s5], [sflag:$0x1] =	stream.indirect_vreg.gather [hbm4b:s8+s2], $0x80, v3, vm0, $0xb8;
	[tilespmem:$0x10100] =	vst v63  }
0x47: {  	v3 =	vld [tilespmem:$0x80];
	_ =	sdelay $0x4  }
0x48: {  	v62 =	vshll.u32 v3, $0x3  }
0x49: {  	v3 =	vand.u32 $0x7, v3;
	v4 =	vand.u32 $0xFFFFFFC0, v62  }
0x4a: {  	v3 =	vor.u32 v3, v4  }
0x4b: {  	v4 =	vperm.xlane v3, v0;
	_ =	sdelay $0x1  }
0x4c: {  	v4 =	vadd.s32 v1, v4;
	_ =	sdelay $0x3  }
0x4d: {  	s1 =	simm.s32 $0x8100  }
0x4e: {  	[tilespmem:s1], [sflag:$0x1] =	stream.indirect_vreg.gather [hbm4b:s4+s2], $0x80, v4, vm0, $0xb8;
	[tilespmem:$0x10100] =	vst v63  }
0x4f: {  	s5 =	simm.s32 $0x8900;
	v3 =	vperm.xlane v3, v2  }
0x50: {  	[tilespmem:s5], [sflag:$0x1] =	stream.indirect_vreg.gather [hbm4b:s6+s2], $0x80, v4, vm0, $0xb8;
	[tilespmem:$0x10100] =	vst v63  }
0x51: {  	v3 =	vadd.s32 v1, v3  }
0x52: {  	[tilespmem:s15], [sflag:$0x1] =	stream.indirect_vreg.gather [hbm4b:s7+s2], $0x80, v4, vm0, $0xb8;
	[tilespmem:$0x10100] =	vst v63  }
0x53: {  	_ = 	snop  }
0x54: {  	[tilespmem:s17], [sflag:$0x1] =	stream.indirect_vreg.gather [hbm4b:s8+s2], $0x80, v4, vm0, $0xb8;
	[tilespmem:$0x10100] =	vst v63  }
0x55: {  	_ = 	snop  }
0x56: {  	[tilespmem:s18], [sflag:$0x1] =	stream.indirect_vreg.gather [hbm4b:s4+s2], $0x80, v3, vm0, $0xb8;
	[tilespmem:$0x10100] =	vst v63  }
0x57: {  	_ = 	snop  }
0x58: {  	[tilespmem:s19], [sflag:$0x1] =	stream.indirect_vreg.gather [hbm4b:s6+s2], $0x80, v3, vm0, $0xb8;
	[tilespmem:$0x10100] =	vst v63  }
0x59: {  	_ = 	snop  }
0x5a: {  	[tilespmem:s20], [sflag:$0x1] =	stream.indirect_vreg.gather [hbm4b:s7+s2], $0x80, v3, vm0, $0xb8;
	[tilespmem:$0x10100] =	vst v63  }
0x5b: {  	_ = 	snop  }
0x5c: {  	[tilespmem:s9], [sflag:$0x1] =	stream.indirect_vreg.gather [hbm4b:s8+s2], $0x80, v3, vm0, $0xb8;
	[tilespmem:$0x10100] =	vst v63  }
0x5d: {  	v3 =	vld [tilespmem:$0x90];
	_ =	sdelay $0x4  }
0x5e: {  	v63 =	vshll.u32 v3, $0x3  }
0x5f: {  	v3 =	vand.u32 $0x7, v3;
	v4 =	vand.u32 $0xFFFFFFC0, v63  }
0x60: {  	v3 =	vor.u32 v3, v4  }
0x61: {  	v4 =	vperm.xlane v3, v0;
	_ =	sdelay $0x1  }
0x62: {  	v4 =	vadd.s32 v1, v4;
	_ =	sdelay $0x4  }
0x63: {  	[tilespmem:s21], [sflag:$0x1] =	stream.indirect_vreg.gather [hbm4b:s4+s2], $0x80, v4, vm0, $0xb8;
	[tilespmem:$0x10100] =	vst v63  }
0x64: {  	v3 =	vperm.xlane v3, v2  }
0x65: {  	[tilespmem:s10], [sflag:$0x1] =	stream.indirect_vreg.gather [hbm4b:s6+s2], $0x80, v4, vm0, $0xb8;
	[tilespmem:$0x10100] =	vst v63  }
0x66: {  	v3 =	vadd.s32 v1, v3  }
0x67: {  	[tilespmem:s22], [sflag:$0x1] =	stream.indirect_vreg.gather [hbm4b:s7+s2], $0x80, v4, vm0, $0xb8;
	[tilespmem:$0x10100] =	vst v63  }
0x68: {  	_ = 	snop  }
0x69: {  	[tilespmem:s23], [sflag:$0x1] =	stream.indirect_vreg.gather [hbm4b:s8+s2], $0x80, v4, vm0, $0xb8;
	[tilespmem:$0x10100] =	vst v63  }
0x6a: {  	_ = 	snop  }
0x6b: {  	[tilespmem:s11], [sflag:$0x1] =	stream.indirect_vreg.gather [hbm4b:s4+s2], $0x80, v3, vm0, $0xb8;
	[tilespmem:$0x10100] =	vst v63  }
0x6c: {  	_ = 	snop  }
0x6d: {  	[tilespmem:s24], [sflag:$0x1] =	stream.indirect_vreg.gather [hbm4b:s6+s2], $0x80, v3, vm0, $0xb8;
	[tilespmem:$0x10100] =	vst v63  }
0x6e: {  	_ = 	snop  }
0x6f: {  	[tilespmem:s12], [sflag:$0x1] =	stream.indirect_vreg.gather [hbm4b:s7+s2], $0x80, v3, vm0, $0xb8;
	[tilespmem:$0x10100] =	vst v63  }
0x70: {  	_ = 	snop  }
0x71: {  	[tilespmem:s25], [sflag:$0x1] =	stream.indirect_vreg.gather [hbm4b:s8+s2], $0x80, v3, vm0, $0xb8;
	[tilespmem:$0x10100] =	vst v63  }
0x72: {  	_ =	swait.ge [sflag:s13], $0x8000  }
0x73: {  	[sflag:s13] =	ssyncset.done $0x0  }
0x74: {  	[sflag:s13] =	ssyncadd.s32 $0xFFFF8000  }
0x75: {  	_ =	swait.ge [sflag:s13], $0x8000  }
0x76: {  	s28 =	simm.s32 $0xFFFF8000;
	s29 =	simm.s32 $0x0;
	[sflag:s13] =	ssyncset.done $0x0  }
0x77: {  	s30 =	simm.s32 $0x0;
	s31 =	simm.s32 $0x0;
	[sflag:s13] =	ssyncadd.s32 $0xFFFF8000  }
.LBB2_2:
0x78: {  	s1 =	sadd.s32 $0x8000, s28  }
0x79: {  	s0 =	sand.u32 $0x380, s31;
	s1 =	sand.u32 $0x6000, s1  }
0x7a: {  	s1 =	sor.u32 s0, s1  }
0x7b: {  	v3 =	vld [tilespmem:s1+$0x100]  }
0x7c: {  	v4 =	vld [tilespmem:s1+$0x8100]  }
0x7d: {  	v5 =	vld [tilespmem:s1+$0x110]  }
0x7e: {  	v6 =	vld [tilespmem:s1+$0x8110]  }
0x7f: {  	v7 =	vld [tilespmem:s1+$0x120]  }
0x80: {  	v8 =	vld [tilespmem:s1+$0x8120]  }
0x81: {  	v9 =	vld [tilespmem:s1+$0x130]  }
0x82: {  	v10 =	vld [tilespmem:s1+$0x8130]  }
0x83: {  	v11 =	vld [tilespmem:s1+$0x140]  }
0x84: {  	v12 =	vld [tilespmem:s1+$0x8140]  }
0x85: {  	v13 =	vld [tilespmem:s1+$0x150]  }
0x86: {  	v14 =	vld [tilespmem:s1+$0x8150]  }
0x87: {  	v15 =	vld [tilespmem:s1+$0x160]  }
0x88: {  	v16 =	vld [tilespmem:s1+$0x8160]  }
0x89: {  	v17 =	vld [tilespmem:s1+$0x170]  }
0x8a: {  	v18 =	vld [tilespmem:s1+$0x8170]  }
0x8b: {  	v19 =	vld [tilespmem:s1+$0x500]  }
0x8c: {  	v20 =	vld [tilespmem:s1+$0x8500]  }
0x8d: {  	v21 =	vld [tilespmem:s1+$0x510]  }
0x8e: {  	v22 =	vld [tilespmem:s1+$0x8510]  }
0x8f: {  	v23 =	vld [tilespmem:s1+$0x520]  }
0x90: {  	v24 =	vld [tilespmem:s1+$0x8520]  }
0x91: {  	v25 =	vld [tilespmem:s1+$0x530]  }
0x92: {  	v26 =	vld [tilespmem:s1+$0x8530]  }
0x93: {  	v27 =	vld [tilespmem:s1+$0x540]  }
0x94: {  	v28 =	vld [tilespmem:s1+$0x8540]  }
0x95: {  	v29 =	vld [tilespmem:s1+$0x550]  }
0x96: {  	v30 =	vld [tilespmem:s1+$0x8550]  }
0x97: {  	v31 =	vld [tilespmem:s1+$0x560]  }
0x98: {  	v32 =	vld [tilespmem:s1+$0x8560]  }
0x99: {  	v33 =	vld [tilespmem:s1+$0x570]  }
0x9a: {  	v34 =	vld [tilespmem:s1+$0x8570]  }
0x9b: {  	v35 =	vld [tilespmem:s1+$0x900]  }
0x9c: {  	v36 =	vld [tilespmem:s1+$0x8900]  }
0x9d: {  	v37 =	vld [tilespmem:s1+$0x910]  }
0x9e: {  	v38 =	vld [tilespmem:s1+$0x8910]  }
0x9f: {  	v39 =	vld [tilespmem:s1+$0x920]  }
0xa0: {  	v40 =	vld [tilespmem:s1+$0x8920]  }
0xa1: {  	v41 =	vld [tilespmem:s1+$0x930]  }
0xa2: {  	v42 =	vld [tilespmem:s1+$0x8930]  }
0xa3: {  	v43 =	vld [tilespmem:s1+$0x940]  }
0xa4: {  	v44 =	vld [tilespmem:s1+$0x8940]  }
0xa5: {  	v45 =	vld [tilespmem:s1+$0x950]  }
0xa6: {  	v46 =	vld [tilespmem:s1+$0x8950]  }
0xa7: {  	v47 =	vld [tilespmem:s1+$0x960]  }
0xa8: {  	v48 =	vld [tilespmem:s1+$0x8960]  }
0xa9: {  	v49 =	vld [tilespmem:s1+$0x970]  }
0xaa: {  	v50 =	vld [tilespmem:s1+$0x8970]  }
0xab: {  	v51 =	vld [tilespmem:s1+$0xD00]  }
0xac: {  	v52 =	vld [tilespmem:s1+$0x8D00]  }
0xad: {  	v53 =	vld [tilespmem:s1+$0xD10]  }
0xae: {  	v54 =	vld [tilespmem:s1+$0x8D10]  }
0xaf: {  	v55 =	vld [tilespmem:s1+$0xD20]  }
0xb0: {  	v56 =	vld [tilespmem:s1+$0x8D20]  }
0xb1: {  	v57 =	vld [tilespmem:s1+$0xD30]  }
0xb2: {  	v58 =	vld [tilespmem:s1+$0x8D30]  }
0xb3: {  	v59 =	vld [tilespmem:s1+$0xD40]  }
0xb4: {  	v60 =	vld [tilespmem:s1+$0x8D40]  }
0xb5: {  	v61 =	vld [tilespmem:s1+$0xD50]  }
0xb6: {  	v62 =	vld [tilespmem:s1+$0x8D50]  }
0xb7: {  	v63 =	vld [tilespmem:s1+$0xD60]  }
0xb8: {  	v3 =	vadd.f32 v4, v3;
	v4 =	vld [tilespmem:s1+$0x8D60]  }
0xb9: {  	v5 =	vadd.f32 v6, v5;
	v6 =	vld [tilespmem:s1+$0xD70]  }
0xba: {  	v14 =	vadd.f32 v14, v13;
	v13 =	vld [tilespmem:s1+$0x9120];
	[tilespmem:s1+$0x100] =	vst v3;
	v3 =	vadd.f32 v8, v7  }
0xbb: {  	v18 =	vadd.f32 v18, v17;
	v17 =	vld [tilespmem:s1+$0x9140];
	[tilespmem:s1+$0x110] =	vst v5  }
0xbc: {  	v22 =	vadd.f32 v22, v21;
	v21 =	vld [tilespmem:s1+$0x9160];
	[tilespmem:s1+$0x120] =	vst v3;
	v3 =	vadd.f32 v12, v11  }
0xbd: {  	v7 =	vld [tilespmem:s1+$0x8D70];
	[tilespmem:s1+$0x150] =	vst v14  }
0xbe: {  	v8 =	vld [tilespmem:s1+$0x1100];
	[tilespmem:s1+$0x140] =	vst v3;
	v3 =	vadd.f32 v16, v15  }
0xbf: {  	v5 =	vadd.f32 v10, v9;
	v9 =	vld [tilespmem:s1+$0x9100];
	[tilespmem:s1+$0x170] =	vst v18  }
0xc0: {  	v10 =	vld [tilespmem:s1+$0x1110];
	[tilespmem:s1+$0x160] =	vst v3;
	v3 =	vadd.f32 v20, v19  }
0xc1: {  	v26 =	vadd.f32 v26, v25;
	v14 =	vld [tilespmem:s1+$0x1130];
	[tilespmem:s1+$0x510] =	vst v22  }
0xc2: {  	v18 =	vld [tilespmem:s1+$0x1150];
	[tilespmem:s1+$0x500] =	vst v3;
	v3 =	vadd.f32 v24, v23  }
0xc3: {  	v30 =	vadd.f32 v30, v29;
	[tilespmem:s1+$0x530] =	vst v26;
	v22 =	vld [tilespmem:s1+$0x1170]  }
0xc4: {  	v19 =	vld [tilespmem:s1+$0x9150];
	[tilespmem:s1+$0x520] =	vst v3;
	v3 =	vadd.f32 v28, v27  }
0xc5: {  	v34 =	vadd.f32 v34, v33;
	[tilespmem:s1+$0x550] =	vst v30;
	v11 =	vld [tilespmem:s1+$0x9110]  }
0xc6: {  	v12 =	vld [tilespmem:s1+$0x1120];
	[tilespmem:s1+$0x540] =	vst v3;
	v3 =	vadd.f32 v32, v31  }
0xc7: {  	[tilespmem:s1+$0x570] =	vst v34;
	v15 =	vld [tilespmem:s1+$0x9130]  }
0xc8: {  	v16 =	vld [tilespmem:s1+$0x1140];
	[tilespmem:s1+$0x560] =	vst v3;
	v3 =	vadd.f32 v36, v35  }
0xc9: {  	[tilespmem:s1+$0x130] =	vst v5;
	v20 =	vld [tilespmem:s1+$0x1160];
	v19 =	vadd.f32 v19, v18  }
0xca: {  	v24 =	vld [tilespmem:s1+$0x1500];
	[tilespmem:s1+$0x900] =	vst v3;
	v3 =	vadd.f32 v40, v39  }
0xcb: {  	[tilespmem:s1+$0x1150] =	vst v19;
	v36 =	vadd.f32 v38, v37;
	v37 =	vld [tilespmem:s1+$0x9170]  }
0xcc: {  	v38 =	vadd.f32 v42, v41;
	v41 =	vld [tilespmem:s1+$0x1510];
	[tilespmem:s1+$0x920] =	vst v3;
	v3 =	vadd.f32 v44, v43  }
0xcd: {  	v42 =	vld [tilespmem:s1+$0x9510];
	[tilespmem:s1+$0x910] =	vst v36  }
0xce: {  	v35 =	vld [tilespmem:s1+$0x1910];
	[tilespmem:s1+$0x940] =	vst v3;
	v3 =	vadd.f32 v48, v47  }
0xcf: {  	v39 =	vld [tilespmem:s1+$0x9500];
	[tilespmem:s1+$0x930] =	vst v38;
	v40 =	vadd.f32 v46, v45  }
0xd0: {  	v45 =	vld [tilespmem:s1+$0x9520];
	[tilespmem:s1+$0x960] =	vst v3;
	v3 =	vadd.f32 v52, v51  }
0xd1: {  	v46 =	vadd.f32 v54, v53;
	v53 =	vld [tilespmem:s1+$0x1550];
	[tilespmem:s1+$0x950] =	vst v40  }
0xd2: {  	v54 =	vld [tilespmem:s1+$0x9550];
	[tilespmem:s1+$0xD00] =	vst v3;
	v3 =	vadd.f32 v56, v55  }
0xd3: {  	v36 =	vld [tilespmem:s1+$0x9910];
	v43 =	vadd.f32 v50, v49;
	[tilespmem:s1+$0xD10] =	vst v46  }
0xd4: {  	v38 =	vld [tilespmem:s1+$0x1920];
	[tilespmem:s1+$0xD20] =	vst v3;
	v3 =	vadd.f32 v60, v59  }
0xd5: {  	v44 =	vld [tilespmem:s1+$0x1520];
	v49 =	vadd.f32 v58, v57;
	[tilespmem:s1+$0x970] =	vst v43  }
0xd6: {  	v50 =	vld [tilespmem:s1+$0x1540];
	[tilespmem:s1+$0xD40] =	vst v3;
	v3 =	vadd.f32 v4, v63  }
0xd7: {  	v57 =	vld [tilespmem:s1+$0x9560];
	v58 =	vadd.f32 v11, v10;
	[tilespmem:s1+$0xD30] =	vst v49  }
0xd8: {  	v46 =	vld [tilespmem:s1+$0x9950];
	[tilespmem:s1+$0xD60] =	vst v3;
	v3 =	vadd.f32 v9, v8  }
0xd9: {  	v37 =	vadd.f32 v37, v22;
	v40 =	vadd.f32 v42, v41;
	v41 =	vld [tilespmem:s1+$0x1930];
	[tilespmem:s1+$0x1110] =	vst v58  }
0xda: {  	v42 =	vld [tilespmem:s1+$0x9930];
	[tilespmem:s1+$0x1100] =	vst v3;
	v3 =	vadd.f32 v13, v12  }
0xdb: {  	v47 =	vld [tilespmem:s1+$0x1530];
	[tilespmem:s1+$0x1170] =	vst v37  }
0xdc: {  	v48 =	vld [tilespmem:s1+$0x9530];
	[tilespmem:s1+$0x1120] =	vst v3;
	v3 =	vadd.f32 v17, v16  }
0xdd: {  	v49 =	vld [tilespmem:s1+$0x9960];
	[tilespmem:s1+$0x1510] =	vst v40;
	v52 =	vadd.f32 v62, v61  }
0xde: {  	v51 =	vld [tilespmem:s1+$0x9540];
	[tilespmem:s1+$0x1140] =	vst v3;
	v3 =	vadd.f32 v21, v20  }
0xdf: {  	v61 =	vadd.f32 v15, v14;
	v62 =	vld [tilespmem:s1+$0x1900];
	[tilespmem:s1+$0xD50] =	vst v52  }
0xe0: {  	v56 =	vld [tilespmem:s1+$0x1560];
	[tilespmem:s1+$0x1160] =	vst v3;
	v3 =	vadd.f32 v39, v24  }
0xe1: {  	v55 =	vadd.f32 v7, v6;
	[tilespmem:s1+$0x1130] =	vst v61;
	v52 =	vld [tilespmem:s1+$0x9970]  }
0xe2: {  	v43 =	vadd.f32 v48, v47;
	v47 =	vld [tilespmem:s1+$0x1960];
	[tilespmem:s1+$0x1500] =	vst v3;
	v3 =	vadd.f32 v45, v44  }
0xe3: {  	[tilespmem:s1+$0xD70] =	vst v55;
	v63 =	vld [tilespmem:s1+$0x9900]  }
0xe4: {  	v59 =	vld [tilespmem:s1+$0x1570];
	[tilespmem:s1+$0x1520] =	vst v3;
	v3 =	vadd.f32 v51, v50  }
0xe5: {  	[tilespmem:s1+$0x1530] =	vst v43;
	v4 =	vadd.f32 v54, v53;
	v39 =	vld [tilespmem:s1+$0x9920]  }
0xe6: {  	v60 =	vld [tilespmem:s1+$0x9570];
	[tilespmem:s1+$0x1540] =	vst v3;
	v3 =	vadd.f32 v57, v56  }
0xe7: {  	v54 =	vadd.f32 v42, v41;
	[tilespmem:s1+$0x1550] =	vst v4;
	v45 =	vld [tilespmem:s1+$0x1950]  }
0xe8: {  	v53 =	vld [tilespmem:s1+$0x9940];
	[tilespmem:s1+$0x1560] =	vst v3;
	v3 =	vadd.f32 v63, v62  }
0xe9: {  	[tilespmem:s1+$0x1930] =	vst v54;
	v55 =	vadd.f32 v49, v47;
	v50 =	vld [tilespmem:s1+$0x1970]  }
0xea: {  	v44 =	vld [tilespmem:s1+$0x1940];
	[tilespmem:s1+$0x1900] =	vst v3;
	v3 =	vadd.f32 v39, v38  }
0xeb: {  	v48 =	vadd.f32 v60, v59;
	[tilespmem:s1+$0x1960] =	vst v55  }
0xec: {  	[tilespmem:s1+$0x1920] =	vst v3;
	v3 =	vadd.f32 v46, v45  }
0xed: {  	s5 =	sand.u32 $0x7, s29;
	[tilespmem:s1+$0x1570] =	vst v48;
	v51 =	vadd.f32 v36, v35  }
0xee: {  	s0 =	sshll.u32 s5, $0x7;
	[tilespmem:s1+$0x1950] =	vst v3;
	v3 =	vadd.f32 v52, v50  }
0xef: {  	s0 =	sadd.s32 s0, s30;
	[tilespmem:s1+$0x1910] =	vst v51;
	v56 =	vadd.f32 v53, v44  }
0xf0: {  	s5 =	sor.u32 $0x1C00, s0;
	[tilespmem:s1+$0x1970] =	vst v3  }
0xf1: {  	[tilespmem:s1+$0x1940] =	vst v56;
	v3 =	vld [tilespmem:s5+$0x100]  }
0xf2: {  	v4 =	vld [tilespmem:s5+$0x8100];
	_ =	sdelay $0x4  }
0xf3: {  	v3 =	vadd.f32 v4, v3;
	_ =	sdelay $0x1  }
0xf4: {  	[tilespmem:s5+$0x100] =	vst v3;
	s5 =	sor.u32 $0x1C10, s0  }
0xf5: {  	v3 =	vld [tilespmem:s5+$0x100]  }
0xf6: {  	v57 =	vld [tilespmem:s5+$0x8100];
	_ =	sdelay $0x4  }
0xf7: {  	v3 =	vadd.f32 v57, v3;
	_ =	sdelay $0x1  }
0xf8: {  	[tilespmem:s5+$0x100] =	vst v3;
	s5 =	sor.u32 $0x1C20, s0  }
0xf9: {  	v3 =	vld [tilespmem:s5+$0x100]  }
0xfa: {  	v58 =	vld [tilespmem:s5+$0x8100];
	_ =	sdelay $0x4  }
0xfb: {  	v3 =	vadd.f32 v58, v3;
	_ =	sdelay $0x1  }
0xfc: {  	[tilespmem:s5+$0x100] =	vst v3;
	s5 =	sor.u32 $0x1C30, s0  }
0xfd: {  	v3 =	vld [tilespmem:s5+$0x100]  }
0xfe: {  	v59 =	vld [tilespmem:s5+$0x8100];
	_ =	sdelay $0x4  }
0xff: {  	v3 =	vadd.f32 v59, v3;
	_ =	sdelay $0x1  }
0x100: {  	[tilespmem:s5+$0x100] =	vst v3;
	s5 =	sor.u32 $0x1C40, s0  }
0x101: {  	v3 =	vld [tilespmem:s5+$0x100]  }
0x102: {  	v60 =	vld [tilespmem:s5+$0x8100];
	_ =	sdelay $0x4  }
0x103: {  	v3 =	vadd.f32 v60, v3;
	_ =	sdelay $0x1  }
0x104: {  	[tilespmem:s5+$0x100] =	vst v3;
	s5 =	sor.u32 $0x1C50, s0  }
0x105: {  	v3 =	vld [tilespmem:s5+$0x100]  }
0x106: {  	v61 =	vld [tilespmem:s5+$0x8100];
	_ =	sdelay $0x4  }
0x107: {  	v3 =	vadd.f32 v61, v3;
	_ =	sdelay $0x1  }
0x108: {  	[tilespmem:s5+$0x100] =	vst v3;
	s5 =	sor.u32 $0x1C60, s0  }
0x109: {  	v3 =	vld [tilespmem:s5+$0x100]  }
0x10a: {  	v62 =	vld [tilespmem:s5+$0x8100];
	_ =	sdelay $0x4  }
0x10b: {  	v3 =	vadd.f32 v62, v3;
	_ =	sdelay $0x1  }
0x10c: {  	s0 =	sor.u32 $0x1C70, s0;
	[tilespmem:s5+$0x100] =	vst v3  }
0x10d: {  	v3 =	vld [tilespmem:s0+$0x100]  }
0x10e: {  	v63 =	vld [tilespmem:s0+$0x8100];
	_ =	sdelay $0x1  }
0x10f: {  	p0 =	sne.s32 s31, $0xF80  }
.Ltmp0:
0x110: {  	_ = 	snop;
	(pc) =	sbr.rel @p0 .LBB2_2-.Ltmp0, $4  }
0x111: {  	_ = 	snop  }
0x112: {  	v3 =	vadd.f32 v63, v3  }
0x113: {  	s29 =	sadd.s32 $0x1, s29  }
0x114: {  	s28 =	sadd.s32 $0x400, s28;
	s31 =	sadd.s32 $0x80, s31;
	s30 =	sadd.s32 $0x400, s30;
	[tilespmem:s0+$0x100] =	vst v3  }
0x115: {  	s28 =	simm.s32 $0x0;
	s0 =	rddreg [dreg:$0x4]  }
0x116: {  	[hbm4b:s0+s28] =	stream.linear.scatter [tilespmem:s16], [sflag:$0x2], $0x8000, $0x38;
	[tilespmem:$0x10100] =	vst v63  }
0x117: {  	_ =	swait.ge [sflag:s14], $0x8000  }
0x118: {  	[sflag:s14] =	ssyncset.done $0x0  }
0x119: {  	s1 =	rddreg [dreg:$0x5];
	[sflag:s14] =	ssyncadd.s32 $0xFFFF8000  }
0x11a: {  	[tilespmem:s28], [sflag:$0x2] =	stream.linear.gather [hbm4b:s1+s28], $0x20, $0x38;
	[tilespmem:$0x10100] =	vst v63  }
0x11b: {  	_ =	swait.ge [sflag:s14], $0x20  }
0x11c: {  	[sflag:s14] =	ssyncset.done $0x0  }
0x11d: {  	s1 =	simm.s32 $0x80;
	s5 =	rddreg [dreg:$0x6];
	[sflag:s14] =	ssyncadd.s32 $0xFFFFFFE0  }
0x11e: {  	[tilespmem:s1], [sflag:$0x2] =	stream.linear.gather [hbm4b:s5+s28], $0x20, $0x38;
	[tilespmem:$0x10100] =	vst v63  }
0x11f: {  	_ =	swait.ge [sflag:s14], $0x20  }
0x120: {  	[sflag:s14] =	ssyncset.done $0x0  }
0x121: {  	[sflag:s14] =	ssyncadd.s32 $0xFFFFFFE0  }
0x122: {  	v3 =	vld [tilespmem:$0x0];
	_ =	sdelay $0x4  }
0x123: {  	v4 =	vshll.u32 v3, $0x3  }
0x124: {  	v3 =	vand.u32 $0x7, v3;
	v4 =	vand.u32 $0xFFFFFFC0, v4  }
0x125: {  	v3 =	vor.u32 v3, v4  }
0x126: {  	v4 =	vperm.xlane v3, v0;
	_ =	sdelay $0x1  }
0x127: {  	v4 =	vadd.s32 v1, v4;
	_ =	sdelay $0x4  }
0x128: {  	[tilespmem:s16], [sflag:$0x1] =	stream.indirect_vreg.gather [hbm4b:s4+s28], $0x80, v4, vm0, $0xb8;
	[tilespmem:$0x10100] =	vst v63  }
0x129: {  	s5 =	simm.s32 $0x900;
	v3 =	vperm.xlane v3, v2  }
0x12a: {  	[tilespmem:s5], [sflag:$0x1] =	stream.indirect_vreg.gather [hbm4b:s6+s28], $0x80, v4, vm0, $0xb8;
	[tilespmem:$0x10100] =	vst v63  }
0x12b: {  	s1 =	simm.s32 $0x1100;
	v3 =	vadd.s32 v1, v3  }
0x12c: {  	[tilespmem:s1], [sflag:$0x1] =	stream.indirect_vreg.gather [hbm4b:s7+s28], $0x80, v4, vm0, $0xb8;
	[tilespmem:$0x10100] =	vst v63  }
0x12d: {  	s5 =	simm.s32 $0x1900  }
0x12e: {  	[tilespmem:s5], [sflag:$0x1] =	stream.indirect_vreg.gather [hbm4b:s8+s28], $0x80, v4, vm0, $0xb8;
	[tilespmem:$0x10100] =	vst v63  }
0x12f: {  	s1 =	simm.s32 $0x2100  }
0x130: {  	[tilespmem:s1], [sflag:$0x1] =	stream.indirect_vreg.gather [hbm4b:s4+s28], $0x80, v3, vm0, $0xb8;
	[tilespmem:$0x10100] =	vst v63  }
0x131: {  	s5 =	simm.s32 $0x2900  }
0x132: {  	[tilespmem:s5], [sflag:$0x1] =	stream.indirect_vreg.gather [hbm4b:s6+s28], $0x80, v3, vm0, $0xb8;
	[tilespmem:$0x10100] =	vst v63  }
0x133: {  	s1 =	simm.s32 $0x3100  }
0x134: {  	[tilespmem:s1], [sflag:$0x1] =	stream.indirect_vreg.gather [hbm4b:s7+s28], $0x80, v3, vm0, $0xb8;
	[tilespmem:$0x10100] =	vst v63  }
0x135: {  	s5 =	simm.s32 $0x3900  }
0x136: {  	[tilespmem:s5], [sflag:$0x1] =	stream.indirect_vreg.gather [hbm4b:s8+s28], $0x80, v3, vm0, $0xb8;
	[tilespmem:$0x10100] =	vst v63  }
0x137: {  	v3 =	vld [tilespmem:$0x10];
	_ =	sdelay $0x4  }
0x138: {  	v61 =	vshll.u32 v3, $0x3  }
0x139: {  	v3 =	vand.u32 $0x7, v3;
	v4 =	vand.u32 $0xFFFFFFC0, v61  }
0x13a: {  	v3 =	vor.u32 v3, v4  }
0x13b: {  	v4 =	vperm.xlane v3, v0;
	_ =	sdelay $0x1  }
0x13c: {  	v4 =	vadd.s32 v1, v4;
	_ =	sdelay $0x3  }
0x13d: {  	s1 =	simm.s32 $0x4100  }
0x13e: {  	[tilespmem:s1], [sflag:$0x1] =	stream.indirect_vreg.gather [hbm4b:s4+s28], $0x80, v4, vm0, $0xb8;
	[tilespmem:$0x10100] =	vst v63  }
0x13f: {  	s5 =	simm.s32 $0x4900;
	v3 =	vperm.xlane v3, v2  }
0x140: {  	[tilespmem:s5], [sflag:$0x1] =	stream.indirect_vreg.gather [hbm4b:s6+s28], $0x80, v4, vm0, $0xb8;
	[tilespmem:$0x10100] =	vst v63  }
0x141: {  	v3 =	vadd.s32 v1, v3;
	s1 =	simm.s32 $0x5100  }
0x142: {  	[tilespmem:s1], [sflag:$0x1] =	stream.indirect_vreg.gather [hbm4b:s7+s28], $0x80, v4, vm0, $0xb8;
	[tilespmem:$0x10100] =	vst v63  }
0x143: {  	s5 =	simm.s32 $0x5900  }
0x144: {  	[tilespmem:s5], [sflag:$0x1] =	stream.indirect_vreg.gather [hbm4b:s8+s28], $0x80, v4, vm0, $0xb8;
	[tilespmem:$0x10100] =	vst v63  }
0x145: {  	s1 =	simm.s32 $0x6100  }
0x146: {  	[tilespmem:s1], [sflag:$0x1] =	stream.indirect_vreg.gather [hbm4b:s4+s28], $0x80, v3, vm0, $0xb8;
	[tilespmem:$0x10100] =	vst v63  }
0x147: {  	s5 =	simm.s32 $0x6900  }
0x148: {  	[tilespmem:s5], [sflag:$0x1] =	stream.indirect_vreg.gather [hbm4b:s6+s28], $0x80, v3, vm0, $0xb8;
	[tilespmem:$0x10100] =	vst v63  }
0x149: {  	s1 =	simm.s32 $0x7100  }
0x14a: {  	[tilespmem:s1], [sflag:$0x1] =	stream.indirect_vreg.gather [hbm4b:s7+s28], $0x80, v3, vm0, $0xb8;
	[tilespmem:$0x10100] =	vst v63  }
0x14b: {  	s5 =	simm.s32 $0x7900  }
0x14c: {  	[tilespmem:s5], [sflag:$0x1] =	stream.indirect_vreg.gather [hbm4b:s8+s28], $0x80, v3, vm0, $0xb8;
	[tilespmem:$0x10100] =	vst v63  }
0x14d: {  	v3 =	vld [tilespmem:$0x80];
	_ =	sdelay $0x4  }
0x14e: {  	v62 =	vshll.u32 v3, $0x3  }
0x14f: {  	v3 =	vand.u32 $0x7, v3;
	v4 =	vand.u32 $0xFFFFFFC0, v62  }
0x150: {  	v3 =	vor.u32 v3, v4  }
0x151: {  	v4 =	vperm.xlane v3, v0;
	_ =	sdelay $0x1  }
0x152: {  	v4 =	vadd.s32 v1, v4;
	_ =	sdelay $0x3  }
0x153: {  	s1 =	simm.s32 $0x8100  }
0x154: {  	[tilespmem:s1], [sflag:$0x1] =	stream.indirect_vreg.gather [hbm4b:s4+s28], $0x80, v4, vm0, $0xb8;
	[tilespmem:$0x10100] =	vst v63  }
0x155: {  	s5 =	simm.s32 $0x8900;
	v3 =	vperm.xlane v3, v2  }
0x156: {  	[tilespmem:s5], [sflag:$0x1] =	stream.indirect_vreg.gather [hbm4b:s6+s28], $0x80, v4, vm0, $0xb8;
	[tilespmem:$0x10100] =	vst v63  }
0x157: {  	v3 =	vadd.s32 v1, v3  }
0x158: {  	[tilespmem:s15], [sflag:$0x1] =	stream.indirect_vreg.gather [hbm4b:s7+s28], $0x80, v4, vm0, $0xb8;
	[tilespmem:$0x10100] =	vst v63  }
0x159: {  	_ = 	snop  }
0x15a: {  	[tilespmem:s17], [sflag:$0x1] =	stream.indirect_vreg.gather [hbm4b:s8+s28], $0x80, v4, vm0, $0xb8;
	[tilespmem:$0x10100] =	vst v63  }
0x15b: {  	_ = 	snop  }
0x15c: {  	[tilespmem:s18], [sflag:$0x1] =	stream.indirect_vreg.gather [hbm4b:s4+s28], $0x80, v3, vm0, $0xb8;
	[tilespmem:$0x10100] =	vst v63  }
0x15d: {  	_ = 	snop  }
0x15e: {  	[tilespmem:s19], [sflag:$0x1] =	stream.indirect_vreg.gather [hbm4b:s6+s28], $0x80, v3, vm0, $0xb8;
	[tilespmem:$0x10100] =	vst v63  }
0x15f: {  	_ = 	snop  }
0x160: {  	[tilespmem:s20], [sflag:$0x1] =	stream.indirect_vreg.gather [hbm4b:s7+s28], $0x80, v3, vm0, $0xb8;
	[tilespmem:$0x10100] =	vst v63  }
0x161: {  	_ = 	snop  }
0x162: {  	[tilespmem:s9], [sflag:$0x1] =	stream.indirect_vreg.gather [hbm4b:s8+s28], $0x80, v3, vm0, $0xb8;
	[tilespmem:$0x10100] =	vst v63  }
0x163: {  	v3 =	vld [tilespmem:$0x90];
	_ =	sdelay $0x4  }
0x164: {  	v63 =	vshll.u32 v3, $0x3  }
0x165: {  	v3 =	vand.u32 $0x7, v3;
	v4 =	vand.u32 $0xFFFFFFC0, v63  }
0x166: {  	v3 =	vor.u32 v3, v4  }
0x167: {  	v4 =	vperm.xlane v3, v0;
	_ =	sdelay $0x1  }
0x168: {  	v4 =	vadd.s32 v1, v4;
	_ =	sdelay $0x4  }
0x169: {  	[tilespmem:s21], [sflag:$0x1] =	stream.indirect_vreg.gather [hbm4b:s4+s28], $0x80, v4, vm0, $0xb8;
	[tilespmem:$0x10100] =	vst v63  }
0x16a: {  	v3 =	vperm.xlane v3, v2  }
0x16b: {  	[tilespmem:s10], [sflag:$0x1] =	stream.indirect_vreg.gather [hbm4b:s6+s28], $0x80, v4, vm0, $0xb8;
	[tilespmem:$0x10100] =	vst v63  }
0x16c: {  	v3 =	vadd.s32 v1, v3  }
0x16d: {  	[tilespmem:s22], [sflag:$0x1] =	stream.indirect_vreg.gather [hbm4b:s7+s28], $0x80, v4, vm0, $0xb8;
	[tilespmem:$0x10100] =	vst v63  }
0x16e: {  	_ = 	snop  }
0x16f: {  	[tilespmem:s23], [sflag:$0x1] =	stream.indirect_vreg.gather [hbm4b:s8+s28], $0x80, v4, vm0, $0xb8;
	[tilespmem:$0x10100] =	vst v63  }
0x170: {  	_ = 	snop  }
0x171: {  	[tilespmem:s11], [sflag:$0x1] =	stream.indirect_vreg.gather [hbm4b:s4+s28], $0x80, v3, vm0, $0xb8;
	[tilespmem:$0x10100] =	vst v63  }
0x172: {  	_ = 	snop  }
0x173: {  	[tilespmem:s24], [sflag:$0x1] =	stream.indirect_vreg.gather [hbm4b:s6+s28], $0x80, v3, vm0, $0xb8;
	[tilespmem:$0x10100] =	vst v63  }
0x174: {  	_ = 	snop  }
0x175: {  	[tilespmem:s12], [sflag:$0x1] =	stream.indirect_vreg.gather [hbm4b:s7+s28], $0x80, v3, vm0, $0xb8;
	[tilespmem:$0x10100] =	vst v63  }
0x176: {  	_ = 	snop  }
0x177: {  	[tilespmem:s25], [sflag:$0x1] =	stream.indirect_vreg.gather [hbm4b:s8+s28], $0x80, v3, vm0, $0xb8;
	[tilespmem:$0x10100] =	vst v63  }
0x178: {  	_ =	swait.ge [sflag:s13], $0x8000  }
0x179: {  	[sflag:s13] =	ssyncset.done $0x0  }
0x17a: {  	[sflag:s13] =	ssyncadd.s32 $0xFFFF8000  }
0x17b: {  	_ =	swait.ge [sflag:s13], $0x8000  }
0x17c: {  	s29 =	simm.s32 $0xFFFF8000;
	[sflag:s13] =	ssyncset.done $0x0  }
0x17d: {  	s30 =	simm.s32 $0x0;
	s31 =	simm.s32 $0x0;
	[sflag:s13] =	ssyncadd.s32 $0xFFFF8000  }
.LBB2_4:
0x17e: {  	s0 =	sadd.s32 $0x8000, s29  }
0x17f: {  	s1 =	sand.u32 $0x380, s31;
	s0 =	sand.u32 $0x6000, s0  }
0x180: {  	s1 =	sor.u32 s1, s0  }
0x181: {  	v3 =	vld [tilespmem:s1+$0x100]  }
0x182: {  	v4 =	vld [tilespmem:s1+$0x8100]  }
0x183: {  	v5 =	vld [tilespmem:s1+$0x110]  }
0x184: {  	v6 =	vld [tilespmem:s1+$0x8110]  }
0x185: {  	v7 =	vld [tilespmem:s1+$0x120]  }
0x186: {  	v8 =	vld [tilespmem:s1+$0x8120]  }
0x187: {  	v9 =	vld [tilespmem:s1+$0x130]  }
0x188: {  	v10 =	vld [tilespmem:s1+$0x8130]  }
0x189: {  	v11 =	vld [tilespmem:s1+$0x140]  }
0x18a: {  	v12 =	vld [tilespmem:s1+$0x8140]  }
0x18b: {  	v13 =	vld [tilespmem:s1+$0x150]  }
0x18c: {  	v14 =	vld [tilespmem:s1+$0x8150]  }
0x18d: {  	v15 =	vld [tilespmem:s1+$0x160]  }
0x18e: {  	v16 =	vld [tilespmem:s1+$0x8160]  }
0x18f: {  	v17 =	vld [tilespmem:s1+$0x170]  }
0x190: {  	v18 =	vld [tilespmem:s1+$0x8170]  }
0x191: {  	v19 =	vld [tilespmem:s1+$0x500]  }
0x192: {  	v20 =	vld [tilespmem:s1+$0x8500]  }
0x193: {  	v21 =	vld [tilespmem:s1+$0x510]  }
0x194: {  	v22 =	vld [tilespmem:s1+$0x8510]  }
0x195: {  	v23 =	vld [tilespmem:s1+$0x520]  }
0x196: {  	v24 =	vld [tilespmem:s1+$0x8520]  }
0x197: {  	v25 =	vld [tilespmem:s1+$0x530]  }
0x198: {  	v26 =	vld [tilespmem:s1+$0x8530]  }
0x199: {  	v27 =	vld [tilespmem:s1+$0x540]  }
0x19a: {  	v28 =	vld [tilespmem:s1+$0x8540]  }
0x19b: {  	v29 =	vld [tilespmem:s1+$0x550]  }
0x19c: {  	v30 =	vld [tilespmem:s1+$0x8550]  }
0x19d: {  	v31 =	vld [tilespmem:s1+$0x560]  }
0x19e: {  	v32 =	vld [tilespmem:s1+$0x8560]  }
0x19f: {  	v33 =	vld [tilespmem:s1+$0x570]  }
0x1a0: {  	v34 =	vld [tilespmem:s1+$0x8570]  }
0x1a1: {  	v35 =	vld [tilespmem:s1+$0x900]  }
0x1a2: {  	v36 =	vld [tilespmem:s1+$0x8900]  }
0x1a3: {  	v37 =	vld [tilespmem:s1+$0x910]  }
0x1a4: {  	v38 =	vld [tilespmem:s1+$0x8910]  }
0x1a5: {  	v39 =	vld [tilespmem:s1+$0x920]  }
0x1a6: {  	v40 =	vld [tilespmem:s1+$0x8920]  }
0x1a7: {  	v41 =	vld [tilespmem:s1+$0x930]  }
0x1a8: {  	v42 =	vld [tilespmem:s1+$0x8930]  }
0x1a9: {  	v43 =	vld [tilespmem:s1+$0x940]  }
0x1aa: {  	v44 =	vld [tilespmem:s1+$0x8940]  }
0x1ab: {  	v45 =	vld [tilespmem:s1+$0x950]  }
0x1ac: {  	v46 =	vld [tilespmem:s1+$0x8950]  }
0x1ad: {  	v47 =	vld [tilespmem:s1+$0x960]  }
0x1ae: {  	v48 =	vld [tilespmem:s1+$0x8960]  }
0x1af: {  	v49 =	vld [tilespmem:s1+$0x970]  }
0x1b0: {  	v50 =	vld [tilespmem:s1+$0x8970]  }
0x1b1: {  	v51 =	vld [tilespmem:s1+$0xD00]  }
0x1b2: {  	v52 =	vld [tilespmem:s1+$0x8D00]  }
0x1b3: {  	v53 =	vld [tilespmem:s1+$0xD10]  }
0x1b4: {  	v54 =	vld [tilespmem:s1+$0x8D10]  }
0x1b5: {  	v55 =	vld [tilespmem:s1+$0xD20]  }
0x1b6: {  	v56 =	vld [tilespmem:s1+$0x8D20]  }
0x1b7: {  	v57 =	vld [tilespmem:s1+$0xD30]  }
0x1b8: {  	v58 =	vld [tilespmem:s1+$0x8D30]  }
0x1b9: {  	v59 =	vld [tilespmem:s1+$0xD40]  }
0x1ba: {  	v60 =	vld [tilespmem:s1+$0x8D40]  }
0x1bb: {  	v61 =	vld [tilespmem:s1+$0xD50]  }
0x1bc: {  	v62 =	vld [tilespmem:s1+$0x8D50]  }
0x1bd: {  	v63 =	vld [tilespmem:s1+$0xD60]  }
0x1be: {  	v3 =	vadd.f32 v4, v3;
	v4 =	vld [tilespmem:s1+$0x8D60]  }
0x1bf: {  	v5 =	vadd.f32 v6, v5;
	v6 =	vld [tilespmem:s1+$0xD70]  }
0x1c0: {  	v14 =	vadd.f32 v14, v13;
	v13 =	vld [tilespmem:s1+$0x9120];
	[tilespmem:s1+$0x100] =	vst v3;
	v3 =	vadd.f32 v8, v7  }
0x1c1: {  	v18 =	vadd.f32 v18, v17;
	v17 =	vld [tilespmem:s1+$0x9140];
	[tilespmem:s1+$0x110] =	vst v5  }
0x1c2: {  	v22 =	vadd.f32 v22, v21;
	v21 =	vld [tilespmem:s1+$0x9160];
	[tilespmem:s1+$0x120] =	vst v3;
	v3 =	vadd.f32 v12, v11  }
0x1c3: {  	v7 =	vld [tilespmem:s1+$0x8D70];
	[tilespmem:s1+$0x150] =	vst v14  }
0x1c4: {  	v8 =	vld [tilespmem:s1+$0x1100];
	[tilespmem:s1+$0x140] =	vst v3;
	v3 =	vadd.f32 v16, v15  }
0x1c5: {  	v5 =	vadd.f32 v10, v9;
	v9 =	vld [tilespmem:s1+$0x9100];
	[tilespmem:s1+$0x170] =	vst v18  }
0x1c6: {  	v10 =	vld [tilespmem:s1+$0x1110];
	[tilespmem:s1+$0x160] =	vst v3;
	v3 =	vadd.f32 v20, v19  }
0x1c7: {  	v26 =	vadd.f32 v26, v25;
	v14 =	vld [tilespmem:s1+$0x1130];
	[tilespmem:s1+$0x510] =	vst v22  }
0x1c8: {  	v18 =	vld [tilespmem:s1+$0x1150];
	[tilespmem:s1+$0x500] =	vst v3;
	v3 =	vadd.f32 v24, v23  }
0x1c9: {  	v30 =	vadd.f32 v30, v29;
	[tilespmem:s1+$0x530] =	vst v26;
	v22 =	vld [tilespmem:s1+$0x1170]  }
0x1ca: {  	v19 =	vld [tilespmem:s1+$0x9150];
	[tilespmem:s1+$0x520] =	vst v3;
	v3 =	vadd.f32 v28, v27  }
0x1cb: {  	v34 =	vadd.f32 v34, v33;
	[tilespmem:s1+$0x550] =	vst v30;
	v11 =	vld [tilespmem:s1+$0x9110]  }
0x1cc: {  	v12 =	vld [tilespmem:s1+$0x1120];
	[tilespmem:s1+$0x540] =	vst v3;
	v3 =	vadd.f32 v32, v31  }
0x1cd: {  	[tilespmem:s1+$0x570] =	vst v34;
	v15 =	vld [tilespmem:s1+$0x9130]  }
0x1ce: {  	v16 =	vld [tilespmem:s1+$0x1140];
	[tilespmem:s1+$0x560] =	vst v3;
	v3 =	vadd.f32 v36, v35  }
0x1cf: {  	[tilespmem:s1+$0x130] =	vst v5;
	v20 =	vld [tilespmem:s1+$0x1160];
	v19 =	vadd.f32 v19, v18  }
0x1d0: {  	v24 =	vld [tilespmem:s1+$0x1500];
	[tilespmem:s1+$0x900] =	vst v3;
	v3 =	vadd.f32 v40, v39  }
0x1d1: {  	[tilespmem:s1+$0x1150] =	vst v19;
	v36 =	vadd.f32 v38, v37;
	v37 =	vld [tilespmem:s1+$0x9170]  }
0x1d2: {  	v38 =	vadd.f32 v42, v41;
	v41 =	vld [tilespmem:s1+$0x1510];
	[tilespmem:s1+$0x920] =	vst v3;
	v3 =	vadd.f32 v44, v43  }
0x1d3: {  	v42 =	vld [tilespmem:s1+$0x9510];
	[tilespmem:s1+$0x910] =	vst v36  }
0x1d4: {  	v35 =	vld [tilespmem:s1+$0x1910];
	[tilespmem:s1+$0x940] =	vst v3;
	v3 =	vadd.f32 v48, v47  }
0x1d5: {  	v39 =	vld [tilespmem:s1+$0x9500];
	[tilespmem:s1+$0x930] =	vst v38;
	v40 =	vadd.f32 v46, v45  }
0x1d6: {  	v45 =	vld [tilespmem:s1+$0x9520];
	[tilespmem:s1+$0x960] =	vst v3;
	v3 =	vadd.f32 v52, v51  }
0x1d7: {  	v46 =	vadd.f32 v54, v53;
	v53 =	vld [tilespmem:s1+$0x1550];
	[tilespmem:s1+$0x950] =	vst v40  }
0x1d8: {  	v54 =	vld [tilespmem:s1+$0x9550];
	[tilespmem:s1+$0xD00] =	vst v3;
	v3 =	vadd.f32 v56, v55  }
0x1d9: {  	v36 =	vld [tilespmem:s1+$0x9910];
	v43 =	vadd.f32 v50, v49;
	[tilespmem:s1+$0xD10] =	vst v46  }
0x1da: {  	v38 =	vld [tilespmem:s1+$0x1920];
	[tilespmem:s1+$0xD20] =	vst v3;
	v3 =	vadd.f32 v60, v59  }
0x1db: {  	v44 =	vld [tilespmem:s1+$0x1520];
	v49 =	vadd.f32 v58, v57;
	[tilespmem:s1+$0x970] =	vst v43  }
0x1dc: {  	v50 =	vld [tilespmem:s1+$0x1540];
	[tilespmem:s1+$0xD40] =	vst v3;
	v3 =	vadd.f32 v4, v63  }
0x1dd: {  	v57 =	vld [tilespmem:s1+$0x9560];
	v58 =	vadd.f32 v11, v10;
	[tilespmem:s1+$0xD30] =	vst v49  }
0x1de: {  	v46 =	vld [tilespmem:s1+$0x9950];
	[tilespmem:s1+$0xD60] =	vst v3;
	v3 =	vadd.f32 v9, v8  }
0x1df: {  	v37 =	vadd.f32 v37, v22;
	v40 =	vadd.f32 v42, v41;
	v41 =	vld [tilespmem:s1+$0x1930];
	[tilespmem:s1+$0x1110] =	vst v58  }
0x1e0: {  	v42 =	vld [tilespmem:s1+$0x9930];
	[tilespmem:s1+$0x1100] =	vst v3;
	v3 =	vadd.f32 v13, v12  }
0x1e1: {  	v47 =	vld [tilespmem:s1+$0x1530];
	[tilespmem:s1+$0x1170] =	vst v37  }
0x1e2: {  	v48 =	vld [tilespmem:s1+$0x9530];
	[tilespmem:s1+$0x1120] =	vst v3;
	v3 =	vadd.f32 v17, v16  }
0x1e3: {  	v49 =	vld [tilespmem:s1+$0x9960];
	[tilespmem:s1+$0x1510] =	vst v40;
	v52 =	vadd.f32 v62, v61  }
0x1e4: {  	v51 =	vld [tilespmem:s1+$0x9540];
	[tilespmem:s1+$0x1140] =	vst v3;
	v3 =	vadd.f32 v21, v20  }
0x1e5: {  	v61 =	vadd.f32 v15, v14;
	v62 =	vld [tilespmem:s1+$0x1900];
	[tilespmem:s1+$0xD50] =	vst v52  }
0x1e6: {  	v56 =	vld [tilespmem:s1+$0x1560];
	[tilespmem:s1+$0x1160] =	vst v3;
	v3 =	vadd.f32 v39, v24  }
0x1e7: {  	v55 =	vadd.f32 v7, v6;
	[tilespmem:s1+$0x1130] =	vst v61;
	v52 =	vld [tilespmem:s1+$0x9970]  }
0x1e8: {  	v43 =	vadd.f32 v48, v47;
	v47 =	vld [tilespmem:s1+$0x1960];
	[tilespmem:s1+$0x1500] =	vst v3;
	v3 =	vadd.f32 v45, v44  }
0x1e9: {  	[tilespmem:s1+$0xD70] =	vst v55;
	v63 =	vld [tilespmem:s1+$0x9900]  }
0x1ea: {  	v59 =	vld [tilespmem:s1+$0x1570];
	[tilespmem:s1+$0x1520] =	vst v3;
	v3 =	vadd.f32 v51, v50  }
0x1eb: {  	[tilespmem:s1+$0x1530] =	vst v43;
	v4 =	vadd.f32 v54, v53;
	v39 =	vld [tilespmem:s1+$0x9920]  }
0x1ec: {  	v60 =	vld [tilespmem:s1+$0x9570];
	[tilespmem:s1+$0x1540] =	vst v3;
	v3 =	vadd.f32 v57, v56  }
0x1ed: {  	v54 =	vadd.f32 v42, v41;
	[tilespmem:s1+$0x1550] =	vst v4;
	v45 =	vld [tilespmem:s1+$0x1950]  }
0x1ee: {  	v53 =	vld [tilespmem:s1+$0x9940];
	[tilespmem:s1+$0x1560] =	vst v3;
	v3 =	vadd.f32 v63, v62  }
0x1ef: {  	[tilespmem:s1+$0x1930] =	vst v54;
	v55 =	vadd.f32 v49, v47;
	v50 =	vld [tilespmem:s1+$0x1970]  }
0x1f0: {  	v44 =	vld [tilespmem:s1+$0x1940];
	[tilespmem:s1+$0x1900] =	vst v3;
	v3 =	vadd.f32 v39, v38  }
0x1f1: {  	v48 =	vadd.f32 v60, v59;
	[tilespmem:s1+$0x1960] =	vst v55  }
0x1f2: {  	[tilespmem:s1+$0x1920] =	vst v3;
	v3 =	vadd.f32 v46, v45  }
0x1f3: {  	s5 =	sand.u32 $0x7, s28;
	[tilespmem:s1+$0x1570] =	vst v48;
	v51 =	vadd.f32 v36, v35  }
0x1f4: {  	s0 =	sshll.u32 s5, $0x7;
	[tilespmem:s1+$0x1950] =	vst v3;
	v3 =	vadd.f32 v52, v50  }
0x1f5: {  	s0 =	sadd.s32 s0, s30;
	[tilespmem:s1+$0x1910] =	vst v51;
	v56 =	vadd.f32 v53, v44  }
0x1f6: {  	s5 =	sor.u32 $0x1C00, s0;
	[tilespmem:s1+$0x1970] =	vst v3  }
0x1f7: {  	[tilespmem:s1+$0x1940] =	vst v56;
	v3 =	vld [tilespmem:s5+$0x100]  }
0x1f8: {  	v4 =	vld [tilespmem:s5+$0x8100];
	_ =	sdelay $0x4  }
0x1f9: {  	v3 =	vadd.f32 v4, v3;
	_ =	sdelay $0x1  }
0x1fa: {  	[tilespmem:s5+$0x100] =	vst v3;
	s5 =	sor.u32 $0x1C10, s0  }
0x1fb: {  	v3 =	vld [tilespmem:s5+$0x100]  }
0x1fc: {  	v57 =	vld [tilespmem:s5+$0x8100];
	_ =	sdelay $0x4  }
0x1fd: {  	v3 =	vadd.f32 v57, v3;
	_ =	sdelay $0x1  }
0x1fe: {  	[tilespmem:s5+$0x100] =	vst v3;
	s5 =	sor.u32 $0x1C20, s0  }
0x1ff: {  	v3 =	vld [tilespmem:s5+$0x100]  }
0x200: {  	v58 =	vld [tilespmem:s5+$0x8100];
	_ =	sdelay $0x4  }
0x201: {  	v3 =	vadd.f32 v58, v3;
	_ =	sdelay $0x1  }
0x202: {  	[tilespmem:s5+$0x100] =	vst v3;
	s5 =	sor.u32 $0x1C30, s0  }
0x203: {  	v3 =	vld [tilespmem:s5+$0x100]  }
0x204: {  	v59 =	vld [tilespmem:s5+$0x8100];
	_ =	sdelay $0x4  }
0x205: {  	v3 =	vadd.f32 v59, v3;
	_ =	sdelay $0x1  }
0x206: {  	[tilespmem:s5+$0x100] =	vst v3;
	s5 =	sor.u32 $0x1C40, s0  }
0x207: {  	v3 =	vld [tilespmem:s5+$0x100]  }
0x208: {  	v60 =	vld [tilespmem:s5+$0x8100];
	_ =	sdelay $0x4  }
0x209: {  	v3 =	vadd.f32 v60, v3;
	_ =	sdelay $0x1  }
0x20a: {  	[tilespmem:s5+$0x100] =	vst v3;
	s5 =	sor.u32 $0x1C50, s0  }
0x20b: {  	v3 =	vld [tilespmem:s5+$0x100]  }
0x20c: {  	v61 =	vld [tilespmem:s5+$0x8100];
	_ =	sdelay $0x4  }
0x20d: {  	v3 =	vadd.f32 v61, v3;
	_ =	sdelay $0x1  }
0x20e: {  	[tilespmem:s5+$0x100] =	vst v3;
	s5 =	sor.u32 $0x1C60, s0  }
0x20f: {  	v3 =	vld [tilespmem:s5+$0x100]  }
0x210: {  	v62 =	vld [tilespmem:s5+$0x8100];
	_ =	sdelay $0x4  }
0x211: {  	v3 =	vadd.f32 v62, v3;
	_ =	sdelay $0x1  }
0x212: {  	s0 =	sor.u32 $0x1C70, s0;
	[tilespmem:s5+$0x100] =	vst v3  }
0x213: {  	v3 =	vld [tilespmem:s0+$0x100]  }
0x214: {  	v63 =	vld [tilespmem:s0+$0x8100];
	_ =	sdelay $0x1  }
0x215: {  	p0 =	sne.s32 s31, $0xF80  }
.Ltmp1:
0x216: {  	_ = 	snop;
	(pc) =	sbr.rel @p0 .LBB2_4-.Ltmp1, $4  }
0x217: {  	_ = 	snop  }
0x218: {  	v3 =	vadd.f32 v63, v3  }
0x219: {  	s28 =	sadd.s32 $0x1, s28  }
0x21a: {  	s29 =	sadd.s32 $0x400, s29;
	s31 =	sadd.s32 $0x80, s31;
	s30 =	sadd.s32 $0x400, s30;
	[tilespmem:s0+$0x100] =	vst v3  }
0x21b: {  	s0 =	rddreg [dreg:$0x7]  }
0x21c: {  	[hbm4b:s0+s2] =	stream.linear.scatter [tilespmem:s16], [sflag:$0x2], $0x8000, $0x38;
	[tilespmem:$0x10100] =	vst v63  }
0x21d: {  	_ =	swait.ge [sflag:s14], $0x8000  }
0x21e: {  	s26 =	sadd.s32 $0x1, s26;
	s31 =	rddreg [dreg:$0x8]  }
0x21f: {  	p0 =	sne.s32 s26, s31  }
.Ltmp2:
0x220: {  	_ = 	snop;
	(pc) =	sbr.rel @p0 .LBB2_1-.Ltmp2, $3  }
0x221: {  	_ =	sdelay $0x1  }
0x222: {  	[sflag:s14] =	ssyncset.done $0x0  }
0x223: {  	[sflag:s14] =	ssyncadd.s32 $0xFFFF8000  }
0x224: {  	_ =	sfence.sel $0x180000  }
0x225: {  	[bflag:$0x0] =	sbarrier.arrive $0xFFFF  }
0x226: {  	_ =	strace $0x9000004A  }
0x227: {  	s0 =	stileid.u32;
	[bflag:$0x2] =	sbarrier.arrive $0xFFFF  }
0x228: {  	p0 =	sne.s32 s0, $0x0;
	s0 =	rddreg [dreg:$0x2]  }
0x229: {  	s0 =	sadd.s32 @!p0 $0x100000, s0  }
0x22a: {  	[sflag:s0] =	ssyncadd.tile.s32 @!p0 $0x1;
	_ =	shalt  }
.Lfunc_end2:
_tile_overlayer_lowered:
.L_overlay_start_2:
0x22b: {  	(tag) =	ssettag $0x2  }
0x22c: {  	s0 =	rddreg [dreg:$0x0];
	s2 =	stileid.u32  }
0x22d: {  	s1 =	rddreg [dreg:$0x1];
	p0 =	sne.s32 s2, $0x0  }
0x22e: {  	s3 =	rddreg [dreg:$0x2];
	[bflag:$0x3] =	sbarrier.arrive $0xFFFF;
	s2 =	simm.s32 @!p0 $0x1C02  }
0x22f: {  	[timem:s3], [sflag:s2] =	dma.local @!p0 [hbm:s0], s1  }
0x230: {  	s0 =	simm.s32 @!p0 $0x2  }
0x231: {  	_ =	swait.ge @!p0 [sflag:s0], s1  }
0x232: {  	s1 =	ssub.s32 @!p0 $0x0, s1;
	[sflag:s0] =	ssyncset.done @!p0 $0x0  }
0x233: {  	[sflag:s0] =	ssyncadd.s32 @!p0 s1  }
0x234: {  	[bflag:$0x3] =	sbarrier.arrive $0xFFFF  }
0x235: {  	_ =	shalt  }

</sc_bundles>
